<compile_context>
chip_gen: v7x
topology: tpu7x:2x2x1
jax: 0.10.2.dev20260603
libtpu: 0.0.44.dev20260713+nightly
codegen_flags: <defaults>
</compile_context>

<pallas_src>
import functools

import jax
import jax.numpy as jnp
from jax import lax
from jax.experimental import pallas as pl
from jax.experimental.pallas import tpu as pltpu
from jax.experimental.pallas import tpu_sc as plsc

B_TOTAL = 16384
N_STICKERS = 54
EMBED_D = 64
OBS_W = N_STICKERS * EMBED_D
STEP_W = 32
OUT_W = OBS_W + STEP_W
TIME_LIMIT = 200.0

NC = 2
NS = 16
NW = NC * NS
BPW = B_TOTAL // NW
NG = BPW // 16


def _lane_bcast(vec, lane):
    return vec[jnp.full((16,), lane, jnp.int32)]


def _sc_body(cube_hbm, step_hbm, table_hbm, w_hbm, b_hbm, out_hbm,
             cube_v, step_v, table_v, w_v, b_v, buf, sbuf,
             sem0, sem1, sem_s):
    sems = (sem0, sem1)
    wid = lax.axis_index("s") * NC + lax.axis_index("c")
    bcol = wid * BPW

    pltpu.sync_copy(cube_hbm.at[:, pl.ds(bcol, BPW)], cube_v)
    pltpu.sync_copy(step_hbm.at[pl.ds(bcol, BPW)], step_v)
    pltpu.sync_copy(table_hbm, table_v)
    pltpu.sync_copy(w_hbm, w_v)
    pltpu.sync_copy(b_hbm, b_v)

    def build(bb, s):
        iota = lax.iota(jnp.int32, 16)

        def per_group(g, _):
            K = 3
            base = cube_v[s, pl.ds(g * 16, 16)] * (EMBED_D * 16) + iota
            pend = []
            for d in range(EMBED_D):
                val = plsc.load_gather(table_v, [base + d * 16])
                pend.append((d, val))
                if len(pend) > K:
                    dd, vv = pend.pop(0)
                    buf[bb, dd, pl.ds(g * 16, 16)] = vv
            for dd, vv in pend:
                buf[bb, dd, pl.ds(g * 16, 16)] = vv
            return 0

        lax.fori_loop(0, NG, per_group, 0)

    def start_out(bb, s):
        pltpu.async_copy(
            buf.at[bb],
            out_hbm.at[pl.ds(s * EMBED_D, EMBED_D), pl.ds(bcol, BPW)],
            sems[bb])

    def wait_out(bb):
        pltpu.make_async_copy(
            buf.at[bb],
            out_hbm.at[pl.ds(0, EMBED_D), pl.ds(bcol, BPW)],
            sems[bb]).wait()

    for bb in range(2):
        build(bb, bb)
        start_out(bb, bb)

    def pair(i, _):
        s0 = 2 + i * 2
        for bb in range(2):
            wait_out(bb)
            build(bb, s0 + bb)
            start_out(bb, s0 + bb)
        return 0

    lax.fori_loop(0, (N_STICKERS - 2) // 2, pair, 0)

    wv0 = w_v[pl.ds(0, 16)]
    wv1 = w_v[pl.ds(16, 16)]
    bv0 = b_v[pl.ds(0, 16)]
    bv1 = b_v[pl.ds(16, 16)]
    ws = [_lane_bcast(wv0, k) for k in range(16)] + \
         [_lane_bcast(wv1, k) for k in range(16)]
    bs = [_lane_bcast(bv0, k) for k in range(16)] + \
         [_lane_bcast(bv1, k) for k in range(16)]

    def step_group(g, _):
        sv = step_v[pl.ds(g * 16, 16)].astype(jnp.float32) / TIME_LIMIT
        for k in range(STEP_W):
            sbuf[k, pl.ds(g * 16, 16)] = sv * ws[k] + bs[k]
        return 0

    lax.fori_loop(0, NG, step_group, 0)
    pltpu.async_copy(
        sbuf,
        out_hbm.at[pl.ds(OBS_W, STEP_W), pl.ds(bcol, BPW)],
        sem_s)

    for bb in range(2):
        wait_out(bb)
    pltpu.make_async_copy(
        sbuf,
        out_hbm.at[pl.ds(OBS_W, STEP_W), pl.ds(bcol, BPW)],
        sem_s).wait()


def kernel(cube, step_count, embed_table, W, b):
    assert cube.shape == (B_TOTAL, 6, 3, 3)
    cube_t = cube.reshape(B_TOTAL, N_STICKERS).T
    table_flat = jnp.tile(embed_table.reshape(-1)[:, None], (1, 16)).reshape(-1)
    w_row = W.reshape(-1)

    mesh = plsc.VectorSubcoreMesh(core_axis_name="c", subcore_axis_name="s")
    run = functools.partial(
        pl.kernel,
        out_type=jax.ShapeDtypeStruct((OUT_W, B_TOTAL), jnp.float32),
        mesh=mesh,
        compiler_params=pltpu.CompilerParams(needs_layout_passes=False),
        scratch_types=[
            pltpu.VMEM((N_STICKERS, BPW), jnp.int32),
            pltpu.VMEM((BPW,), jnp.int32),
            pltpu.VMEM((6 * EMBED_D * 16,), jnp.float32),
            pltpu.VMEM((STEP_W,), jnp.float32),
            pltpu.VMEM((STEP_W,), jnp.float32),
            pltpu.VMEM((2, EMBED_D, BPW), jnp.float32),
            pltpu.VMEM((STEP_W, BPW), jnp.float32),
            pltpu.SemaphoreType.DMA,
            pltpu.SemaphoreType.DMA,
            pltpu.SemaphoreType.DMA,
        ],
    )(_sc_body)
    out_t = run(cube_t, step_count, table_flat, w_row, b)
    return out_t.T

# --- scband reference (transcript-rebuilt; emitter-appended) ---
"""Pipeline reference for scband-torso-20693152432130 (READ-ONLY COPY).

The authoritative reference and input builder live on the scoring server;
editing this copy changes nothing except your own understanding.
"""

import jax, jax.numpy as jnp
import numpy as np

B = 16384
FACE_LEN = 6
CUBE_EMBED_DIM = 64
STEP_EMBED_DIM = 32
TIME_LIMIT = 200

def setup_inputs(seed: int = 0) -> dict:
    key = jax.random.key(seed)
    k1, k2, k3, k4, k5 = jax.random.split(key, 5)
    cube = jax.random.randint(k1, (B, 6, 3, 3), 0, FACE_LEN, dtype=jnp.int32)
    step_count = jax.random.randint(k2, (B,), 0, TIME_LIMIT, dtype=jnp.int32)
    embed_table = jax.random.normal(k3, (FACE_LEN, CUBE_EMBED_DIM), dtype=jnp.float32) * 0.02
    W = jax.random.normal(k4, (1, STEP_EMBED_DIM), dtype=jnp.float32) * (1.0 / np.sqrt(1.0))
    b = jnp.zeros((STEP_EMBED_DIM,), dtype=jnp.float32)
    return {"cube": cube, "step_count": step_count, "embed_table": embed_table, "W": W, "b": b}

def reference(cube, step_count, embed_table, W, b):
    # obs_embedder: embedding gather over cube stickers, then flatten all but batch dim
    embedded_obs = jnp.take(embed_table, cube, axis=0)            # [B, 6, 3, 3, D]
    embedded_obs = embedded_obs.reshape(cube.shape[0], -1)        # [B, 6*3*3*D]
    # step_embedder: Dense on normalized step count
    step = (step_count[:, None] / TIME_LIMIT).astype(jnp.float32)  # [B, 1]
    embedded_step = step @ W + b                                   # [B, STEP_EMBED_DIM]
    return jnp.concatenate([embedded_obs, embedded_step], axis=-1)

if __name__ == "__main__":
    import jax
    _d = setup_inputs()
    print(jax.jit(kernel)(*tuple(_d.values())))

</pallas_src>

<mosaic_0001>
#map = affine_map<(d0, d1) -> (0, 0)>
#map1 = affine_map<(d0, d1) -> (0)>
module attributes {stable_mosaic.version = 14 : i64} {
  func.func @_sc_body(%arg0: i32, %arg1: i32, %arg2: memref<54x16384xi32, #tpu.memory_space<hbm>>, %arg3: memref<16384xi32, #tpu.memory_space<hbm>>, %arg4: memref<6144xf32, #tpu.memory_space<hbm>>, %arg5: memref<32xf32, #tpu.memory_space<hbm>>, %arg6: memref<32xf32, #tpu.memory_space<hbm>>, %arg7: memref<3488x16384xf32, #tpu.memory_space<hbm>>, %arg8: memref<54x512xi32, #tpu.memory_space<vmem>>, %arg9: memref<512xi32, #tpu.memory_space<vmem>>, %arg10: memref<6144xf32, #tpu.memory_space<vmem>>, %arg11: memref<32xf32, #tpu.memory_space<vmem>>, %arg12: memref<32xf32, #tpu.memory_space<vmem>>, %arg13: memref<2x64x512xf32, #tpu.memory_space<vmem>>, %arg14: memref<32x512xf32, #tpu.memory_space<vmem>>, %arg15: memref<!tpu.dma_semaphore, #tpu.memory_space<semaphore_mem>>, %arg16: memref<!tpu.dma_semaphore, #tpu.memory_space<semaphore_mem>>, %arg17: memref<!tpu.dma_semaphore, #tpu.memory_space<semaphore_mem>>) attributes {dimension_semantics = [#tpu.dimension_semantics<core_parallel>, #tpu.dimension_semantics<subcore_parallel>], iteration_bounds = array<i64: 2, 16>, scalar_prefetch = 0 : i64, scratch_operands = 10 : i64, tpu.core_type = #tpu.core_type<sc_vector_subcore>, window_params = [{transform_indices = #map}, {transform_indices = #map1}, {transform_indices = #map1}, {transform_indices = #map1}, {transform_indices = #map1}, {transform_indices = #map}]} {
    %mul3A = arith.constant 2 : i32
    %mul3A_0 = arith.muli %arg1, %mul3A : i32
    %add3A = arith.addi %mul3A_0, %arg0 : i32
    %mul3A_1 = arith.constant 512 : i32
    %mul3A_2 = arith.muli %add3A, %mul3A_1 : i32
    "tpu.region"() ({
      %run_scoped3A = tpu.sem_alloc : memref<!tpu.dma_semaphore, #tpu.memory_space<semaphore_mem>>
      %dma_start3A_860 = arith.constant 0 : i32
      %dma_start3A_861 = tpu.memref_slice %arg2[%dma_start3A_860, %mul3A_2] : memref<54x16384xi32, #tpu.memory_space<hbm>> -> memref<54x512xi32, #tpu.memory_space<hbm>>
      %dma_start3A_862 = arith.constant 0 : i32
      %dma_start3A_863 = tpu.memref_slice %arg2[%dma_start3A_862, %mul3A_2] : memref<54x16384xi32, #tpu.memory_space<hbm>> -> memref<54x512xi32, #tpu.memory_space<hbm>>
      tpu.enqueue_dma source(%dma_start3A_863 : memref<54x512xi32, #tpu.memory_space<hbm>>) target(%arg8 : memref<54x512xi32, #tpu.memory_space<vmem>>) target_semaphore(%run_scoped3A : memref<!tpu.dma_semaphore, #tpu.memory_space<semaphore_mem>>)
      %dma_wait3A_864 = arith.constant 0 : i32
      %dma_wait3A_865 = tpu.memref_slice %arg2[%dma_wait3A_864, %mul3A_2] : memref<54x16384xi32, #tpu.memory_space<hbm>> -> memref<54x512xi32, #tpu.memory_space<hbm>>
      %dma_wait3A_866 = arith.constant 0 : i32
      %dma_wait3A_867 = tpu.memref_slice %arg2[%dma_wait3A_866, %mul3A_2] : memref<54x16384xi32, #tpu.memory_space<hbm>> -> memref<54x512xi32, #tpu.memory_space<hbm>>
      tpu.wait_dma2 semaphore(%run_scoped3A : memref<!tpu.dma_semaphore, #tpu.memory_space<semaphore_mem>>) src(%dma_wait3A_867 : memref<54x512xi32, #tpu.memory_space<hbm>>) dst(%arg8 : memref<54x512xi32, #tpu.memory_space<vmem>>)
      tpu.yield
    }) : () -> ()
    "tpu.region"() ({
      %run_scoped3A = tpu.sem_alloc : memref<!tpu.dma_semaphore, #tpu.memory_space<semaphore_mem>>
      %dma_start3A_860 = tpu.memref_slice %arg3[%mul3A_2] : memref<16384xi32, #tpu.memory_space<hbm>> -> memref<512xi32, #tpu.memory_space<hbm>>
      %dma_start3A_861 = tpu.memref_slice %arg3[%mul3A_2] : memref<16384xi32, #tpu.memory_space<hbm>> -> memref<512xi32, #tpu.memory_space<hbm>>
      tpu.enqueue_dma source(%dma_start3A_861 : memref<512xi32, #tpu.memory_space<hbm>>) target(%arg9 : memref<512xi32, #tpu.memory_space<vmem>>) target_semaphore(%run_scoped3A : memref<!tpu.dma_semaphore, #tpu.memory_space<semaphore_mem>>)
      %dma_wait3A_862 = tpu.memref_slice %arg3[%mul3A_2] : memref<16384xi32, #tpu.memory_space<hbm>> -> memref<512xi32, #tpu.memory_space<hbm>>
      %dma_wait3A_863 = tpu.memref_slice %arg3[%mul3A_2] : memref<16384xi32, #tpu.memory_space<hbm>> -> memref<512xi32, #tpu.memory_space<hbm>>
      tpu.wait_dma2 semaphore(%run_scoped3A : memref<!tpu.dma_semaphore, #tpu.memory_space<semaphore_mem>>) src(%dma_wait3A_863 : memref<512xi32, #tpu.memory_space<hbm>>) dst(%arg9 : memref<512xi32, #tpu.memory_space<vmem>>)
      tpu.yield
    }) : () -> ()
    "tpu.region"() ({
      %run_scoped3A = tpu.sem_alloc : memref<!tpu.dma_semaphore, #tpu.memory_space<semaphore_mem>>
      tpu.enqueue_dma source(%arg4 : memref<6144xf32, #tpu.memory_space<hbm>>) target(%arg10 : memref<6144xf32, #tpu.memory_space<vmem>>) target_semaphore(%run_scoped3A : memref<!tpu.dma_semaphore, #tpu.memory_space<semaphore_mem>>)
      tpu.wait_dma2 semaphore(%run_scoped3A : memref<!tpu.dma_semaphore, #tpu.memory_space<semaphore_mem>>) src(%arg4 : memref<6144xf32, #tpu.memory_space<hbm>>) dst(%arg10 : memref<6144xf32, #tpu.memory_space<vmem>>)
      tpu.yield
    }) : () -> ()
    "tpu.region"() ({
      %run_scoped3A = tpu.sem_alloc : memref<!tpu.dma_semaphore, #tpu.memory_space<semaphore_mem>>
      tpu.enqueue_dma source(%arg5 : memref<32xf32, #tpu.memory_space<hbm>>) target(%arg11 : memref<32xf32, #tpu.memory_space<vmem>>) target_semaphore(%run_scoped3A : memref<!tpu.dma_semaphore, #tpu.memory_space<semaphore_mem>>)
      tpu.wait_dma2 semaphore(%run_scoped3A : memref<!tpu.dma_semaphore, #tpu.memory_space<semaphore_mem>>) src(%arg5 : memref<32xf32, #tpu.memory_space<hbm>>) dst(%arg11 : memref<32xf32, #tpu.memory_space<vmem>>)
      tpu.yield
    }) : () -> ()
    "tpu.region"() ({
      %run_scoped3A = tpu.sem_alloc : memref<!tpu.dma_semaphore, #tpu.memory_space<semaphore_mem>>
      tpu.enqueue_dma source(%arg6 : memref<32xf32, #tpu.memory_space<hbm>>) target(%arg12 : memref<32xf32, #tpu.memory_space<vmem>>) target_semaphore(%run_scoped3A : memref<!tpu.dma_semaphore, #tpu.memory_space<semaphore_mem>>)
      tpu.wait_dma2 semaphore(%run_scoped3A : memref<!tpu.dma_semaphore, #tpu.memory_space<semaphore_mem>>) src(%arg6 : memref<32xf32, #tpu.memory_space<hbm>>) dst(%arg12 : memref<32xf32, #tpu.memory_space<vmem>>)
      tpu.yield
    }) : () -> ()
    %iota3A = tpu.iota {dimensions = array<i32: 0>} : vector<16xi32>
    %scan3A = arith.constant 0 : i32
    %scan3A_3 = arith.constant 0 : i32
    %scan3A_4 = arith.constant 32 : i32
    %scan3A_5 = arith.addi %scan3A_3, %scan3A_4 : i32
    %scan3A_6 = arith.constant 1 : i32
    %scan3A_7 = scf.for %scan3A_860 = %scan3A_3 to %scan3A_5 step %scan3A_6 iter_args(%scan3A_861 = %scan3A) -> (i32)  : i32 {
      %mul3A_862 = arith.constant 16 : i32
      %mul3A_863 = arith.muli %scan3A_860, %mul3A_862 : i32
      %get3A_864 = arith.constant 0 : i32
      %get3A_865 = arith.index_cast %get3A_864 : i32 to index
      %get3A_866 = arith.index_cast %mul3A_863 : i32 to index
      %get3A_867 = tpu.vector_load %arg8[%get3A_865, %get3A_866] {strides = array<i32>} : memref<54x512xi32, #tpu.memory_space<vmem>>, vector<16xi32>,
      %mul3A_868 = arith.constant 1024 : i32
      %mul3A_869 = vector.broadcast %mul3A_868 : i32 to vector<16xi32>
      %mul3A_870 = arith.muli %get3A_867, %mul3A_869 : vector<16xi32>
      %add3A_871 = arith.addi %mul3A_870, %iota3A : vector<16xi32>
      %add3A_872 = arith.constant 0 : i32
      %add3A_873 = vector.broadcast %add3A_872 : i32 to vector<16xi32>
      %add3A_874 = arith.addi %add3A_871, %add3A_873 : vector<16xi32>
      %gather3A_875 = tpu.vector_load_idx %arg10[%add3A_874] : memref<6144xf32, #tpu.memory_space<vmem>>[vector<16xi32>], vector<16xf32>,
      %add3A_876 = arith.constant 16 : i32
      %add3A_877 = vector.broadcast %add3A_876 : i32 to vector<16xi32>
      %add3A_878 = arith.addi %add3A_871, %add3A_877 : vector<16xi32>
      %gather3A_879 = tpu.vector_load_idx %arg10[%add3A_878] : memref<6144xf32, #tpu.memory_space<vmem>>[vector<16xi32>], vector<16xf32>,
      %add3A_880 = arith.constant 32 : i32
      %add3A_881 = vector.broadcast %add3A_880 : i32 to vector<16xi32>
      %add3A_882 = arith.addi %add3A_871, %add3A_881 : vector<16xi32>
      %gather3A_883 = tpu.vector_load_idx %arg10[%add3A_882] : memref<6144xf32, #tpu.memory_space<vmem>>[vector<16xi32>], vector<16xf32>,
      %add3A_884 = arith.constant 48 : i32
      %add3A_885 = vector.broadcast %add3A_884 : i32 to vector<16xi32>
      %add3A_886 = arith.addi %add3A_871, %add3A_885 : vector<16xi32>
      %gather3A_887 = tpu.vector_load_idx %arg10[%add3A_886] : memref<6144xf32, #tpu.memory_space<vmem>>[vector<16xi32>], vector<16xf32>,
      %mul3A_888 = arith.constant 16 : i32
      %mul3A_889 = arith.muli %scan3A_860, %mul3A_888 : i32
      %swap3A = arith.constant 0 : i32
      %swap3A_890 = arith.constant 0 : i32
      %swap3A_891 = arith.index_cast %swap3A : i32 to index
      %swap3A_892 = arith.index_cast %swap3A_890 : i32 to index
      %swap3A_893 = arith.index_cast %mul3A_889 : i32 to index
      %swap3A_894 = tpu.vector_load %arg13[%swap3A_891, %swap3A_892, %swap3A_893] {strides = array<i32>} : memref<2x64x512xf32, #tpu.memory_space<vmem>>, vector<16xf32>,
      tpu.vector_store %arg13[%swap3A_891, %swap3A_892, %swap3A_893], %gather3A_875 {strides = array<i32>} : memref<2x64x512xf32, #tpu.memory_space<vmem>>, vector<16xf32>,
      %add3A_895 = arith.constant 64 : i32
      %add3A_896 = vector.broadcast %add3A_895 : i32 to vector<16xi32>
      %add3A_897 = arith.addi %add3A_871, %add3A_896 : vector<16xi32>
      %gather3A_898 = tpu.vector_load_idx %arg10[%add3A_897] : memref<6144xf32, #tpu.memory_space<vmem>>[vector<16xi32>], vector<16xf32>,
      %mul3A_899 = arith.constant 16 : i32
      %mul3A_900 = arith.muli %scan3A_860, %mul3A_899 : i32
      %swap3A_901 = arith.constant 0 : i32
      %swap3A_902 = arith.constant 1 : i32
      %swap3A_903 = arith.index_cast %swap3A_901 : i32 to index
      %swap3A_904 = arith.index_cast %swap3A_902 : i32 to index
      %swap3A_905 = arith.index_cast %mul3A_900 : i32 to index
      %swap3A_906 = tpu.vector_load %arg13[%swap3A_903, %swap3A_904, %swap3A_905] {strides = array<i32>} : memref<2x64x512xf32, #tpu.memory_space<vmem>>, vector<16xf32>,
      tpu.vector_store %arg13[%swap3A_903, %swap3A_904, %swap3A_905], %gather3A_879 {strides = array<i32>} : memref<2x64x512xf32, #tpu.memory_space<vmem>>, vector<16xf32>,
      %add3A_907 = arith.constant 80 : i32
      %add3A_908 = vector.broadcast %add3A_907 : i32 to vector<16xi32>
      %add3A_909 = arith.addi %add3A_871, %add3A_908 : vector<16xi32>
      %gather3A_910 = tpu.vector_load_idx %arg10[%add3A_909] : memref<6144xf32, #tpu.memory_space<vmem>>[vector<16xi32>], vector<16xf32>,
      %mul3A_911 = arith.constant 16 : i32
      %mul3A_912 = arith.muli %scan3A_860, %mul3A_911 : i32
      %swap3A_913 = arith.constant 0 : i32
      %swap3A_914 = arith.constant 2 : i32
      %swap3A_915 = arith.index_cast %swap3A_913 : i32 to index
      %swap3A_916 = arith.index_cast %swap3A_914 : i32 to index
      %swap3A_917 = arith.index_cast %mul3A_912 : i32 to index
      %swap3A_918 = tpu.vector_load %arg13[%swap3A_915, %swap3A_916, %swap3A_917] {strides = array<i32>} : memref<2x64x512xf32, #tpu.memory_space<vmem>>, vector<16xf32>,
      tpu.vector_store %arg13[%swap3A_915, %swap3A_916, %swap3A_917], %gather3A_883 {strides = array<i32>} : memref<2x64x512xf32, #tpu.memory_space<vmem>>, vector<16xf32>,
      %add3A_919 = arith.constant 96 : i32
      %add3A_920 = vector.broadcast %add3A_919 : i32 to vector<16xi32>
      %add3A_921 = arith.addi %add3A_871, %add3A_920 : vector<16xi32>
      %gather3A_922 = tpu.vector_load_idx %arg10[%add3A_921] : memref<6144xf32, #tpu.memory_space<vmem>>[vector<16xi32>], vector<16xf32>,
      %mul3A_923 = arith.constant 16 : i32
      %mul3A_924 = arith.muli %scan3A_860, %mul3A_923 : i32
      %swap3A_925 = arith.constant 0 : i32
      %swap3A_926 = arith.constant 3 : i32
      %swap3A_927 = arith.index_cast %swap3A_925 : i32 to index
      %swap3A_928 = arith.index_cast %swap3A_926 : i32 to index
      %swap3A_929 = arith.index_cast %mul3A_924 : i32 to index
      %swap3A_930 = tpu.vector_load %arg13[%swap3A_927, %swap3A_928, %swap3A_929] {strides = array<i32>} : memref<2x64x512xf32, #tpu.memory_space<vmem>>, vector<16xf32>,
      tpu.vector_store %arg13[%swap3A_927, %swap3A_928, %swap3A_929], %gather3A_887 {strides = array<i32>} : memref<2x64x512xf32, #tpu.memory_space<vmem>>, vector<16xf32>,
      %add3A_931 = arith.constant 112 : i32
      %add3A_932 = vector.broadcast %add3A_931 : i32 to vector<16xi32>
      %add3A_933 = arith.addi %add3A_871, %add3A_932 : vector<16xi32>
      %gather3A_934 = tpu.vector_load_idx %arg10[%add3A_933] : memref<6144xf32, #tpu.memory_space<vmem>>[vector<16xi32>], vector<16xf32>,
      %mul3A_935 = arith.constant 16 : i32
      %mul3A_936 = arith.muli %scan3A_860, %mul3A_935 : i32
      %swap3A_937 = arith.constant 0 : i32
      %swap3A_938 = arith.constant 4 : i32
      %swap3A_939 = arith.index_cast %swap3A_937 : i32 to index
      %swap3A_940 = arith.index_cast %swap3A_938 : i32 to index
      %swap3A_941 = arith.index_cast %mul3A_936 : i32 to index
      %swap3A_942 = tpu.vector_load %arg13[%swap3A_939, %swap3A_940, %swap3A_941] {strides = array<i32>} : memref<2x64x512xf32, #tpu.memory_space<vmem>>, vector<16xf32>,
      tpu.vector_store %arg13[%swap3A_939, %swap3A_940, %swap3A_941], %gather3A_898 {strides = array<i32>} : memref<2x64x512xf32, #tpu.memory_space<vmem>>, vector<16xf32>,
      %add3A_943 = arith.constant 128 : i32
      %add3A_944 = vector.broadcast %add3A_943 : i32 to vector<16xi32>
      %add3A_945 = arith.addi %add3A_871, %add3A_944 : vector<16xi32>
      %gather3A_946 = tpu.vector_load_idx %arg10[%add3A_945] : memref<6144xf32, #tpu.memory_space<vmem>>[vector<16xi32>], vector<16xf32>,
      %mul3A_947 = arith.constant 16 : i32
      %mul3A_948 = arith.muli %scan3A_860, %mul3A_947 : i32
      %swap3A_949 = arith.constant 0 : i32
      %swap3A_950 = arith.constant 5 : i32
      %swap3A_951 = arith.index_cast %swap3A_949 : i32 to index
      %swap3A_952 = arith.index_cast %swap3A_950 : i32 to index
      %swap3A_953 = arith.index_cast %mul3A_948 : i32 to index
      %swap3A_954 = tpu.vector_load %arg13[%swap3A_951, %swap3A_952, %swap3A_953] {strides = array<i32>} : memref<2x64x512xf32, #tpu.memory_space<vmem>>, vector<16xf32>,
      tpu.vector_store %arg13[%swap3A_951, %swap3A_952, %swap3A_953], %gather3A_910 {strides = array<i32>} : memref<2x64x512xf32, #tpu.memory_space<vmem>>, vector<16xf32>,
      %add3A_955 = arith.constant 144 : i32
      %add3A_956 = vector.broadcast %add3A_955 : i32 to vector<16xi32>
      %add3A_957 = arith.addi %add3A_871, %add3A_956 : vector<16xi32>
      %gather3A_958 = tpu.vector_load_idx %arg10[%add3A_957] : memref<6144xf32, #tpu.memory_space<vmem>>[vector<16xi32>], vector<16xf32>,
      %mul3A_959 = arith.constant 16 : i32
      %mul3A_960 = arith.muli %scan3A_860, %mul3A_959 : i32
      %swap3A_961 = arith.constant 0 : i32
      %swap3A_962 = arith.constant 6 : i32
      %swap3A_963 = arith.index_cast %swap3A_961 : i32 to index
      %swap3A_964 = arith.index_cast %swap3A_962 : i32 to index
      %swap3A_965 = arith.index_cast %mul3A_960 : i32 to index
      %swap3A_966 = tpu.vector_load %arg13[%swap3A_963, %swap3A_964, %swap3A_965] {strides = array<i32>} : memref<2x64x512xf32, #tpu.memory_space<vmem>>, vector<16xf32>,
      tpu.vector_store %arg13[%swap3A_963, %swap3A_964, %swap3A_965], %gather3A_922 {strides = array<i32>} : memref<2x64x512xf32, #tpu.memory_space<vmem>>, vector<16xf32>,
      %add3A_967 = arith.constant 160 : i32
      %add3A_968 = vector.broadcast %add3A_967 : i32 to vector<16xi32>
      %add3A_969 = arith.addi %add3A_871, %add3A_968 : vector<16xi32>
      %gather3A_970 = tpu.vector_load_idx %arg10[%add3A_969] : memref<6144xf32, #tpu.memory_space<vmem>>[vector<16xi32>], vector<16xf32>,
      %mul3A_971 = arith.constant 16 : i32
      %mul3A_972 = arith.muli %scan3A_860, %mul3A_971 : i32
      %swap3A_973 = arith.constant 0 : i32
      %swap3A_974 = arith.constant 7 : i32
      %swap3A_975 = arith.index_cast %swap3A_973 : i32 to index
      %swap3A_976 = arith.index_cast %swap3A_974 : i32 to index
      %swap3A_977 = arith.index_cast %mul3A_972 : i32 to index
      %swap3A_978 = tpu.vector_load %arg13[%swap3A_975, %swap3A_976, %swap3A_977] {strides = array<i32>} : memref<2x64x512xf32, #tpu.memory_space<vmem>>, vector<16xf32>,
      tpu.vector_store %arg13[%swap3A_975, %swap3A_976, %swap3A_977], %gather3A_934 {strides = array<i32>} : memref<2x64x512xf32, #tpu.memory_space<vmem>>, vector<16xf32>,
      %add3A_979 = arith.constant 176 : i32
      %add3A_980 = vector.broadcast %add3A_979 : i32 to vector<16xi32>
      %add3A_981 = arith.addi %add3A_871, %add3A_980 : vector<16xi32>
      %gather3A_982 = tpu.vector_load_idx %arg10[%add3A_981] : memref<6144xf32, #tpu.memory_space<vmem>>[vector<16xi32>], vector<16xf32>,
      %mul3A_983 = arith.constant 16 : i32
      %mul3A_984 = arith.muli %scan3A_860, %mul3A_983 : i32
      %swap3A_985 = arith.constant 0 : i32
      %swap3A_986 = arith.constant 8 : i32
      %swap3A_987 = arith.index_cast %swap3A_985 : i32 to index
      %swap3A_988 = arith.index_cast %swap3A_986 : i32 to index
      %swap3A_989 = arith.index_cast %mul3A_984 : i32 to index
      %swap3A_990 = tpu.vector_load %arg13[%swap3A_987, %swap3A_988, %swap3A_989] {strides = array<i32>} : memref<2x64x512xf32, #tpu.memory_space<vmem>>, vector<16xf32>,
      tpu.vector_store %arg13[%swap3A_987, %swap3A_988, %swap3A_989], %gather3A_946 {strides = array<i32>} : memref<2x64x512xf32, #tpu.memory_space<vmem>>, vector<16xf32>,
      %add3A_991 = arith.constant 192 : i32
      %add3A_992 = vector.broadcast %add3A_991 : i32 to vector<16xi32>
      %add3A_993 = arith.addi %add3A_871, %add3A_992 : vector<16xi32>
      %gather3A_994 = tpu.vector_load_idx %arg10[%add3A_993] : memref<6144xf32, #tpu.memory_space<vmem>>[vector<16xi32>], vector<16xf32>,
      %mul3A_995 = arith.constant 16 : i32
      %mul3A_996 = arith.muli %scan3A_860, %mul3A_995 : i32
      %swap3A_997 = arith.constant 0 : i32
      %swap3A_998 = arith.constant 9 : i32
      %swap3A_999 = arith.index_cast %swap3A_997 : i32 to index
      %swap3A_1000 = arith.index_cast %swap3A_998 : i32 to index
      %swap3A_1001 = arith.index_cast %mul3A_996 : i32 to index
      %swap3A_1002 = tpu.vector_load %arg13[%swap3A_999, %swap3A_1000, %swap3A_1001] {strides = array<i32>} : memref<2x64x512xf32, #tpu.memory_space<vmem>>, vector<16xf32>,
      tpu.vector_store %arg13[%swap3A_999, %swap3A_1000, %swap3A_1001], %gather3A_958 {strides = array<i32>} : memref<2x64x512xf32, #tpu.memory_space<vmem>>, vector<16xf32>,
      %add3A_1003 = arith.constant 208 : i32
      %add3A_1004 = vector.broadcast %add3A_1003 : i32 to vector<16xi32>
      %add3A_1005 = arith.addi %add3A_871, %add3A_1004 : vector<16xi32>
      %gather3A_1006 = tpu.vector_load_idx %arg10[%add3A_1005] : memref<6144xf32, #tpu.memory_space<vmem>>[vector<16xi32>], vector<16xf32>,
      %mul3A_1007 = arith.constant 16 : i32
      %mul3A_1008 = arith.muli %scan3A_860, %mul3A_1007 : i32
      %swap3A_1009 = arith.constant 0 : i32
      %swap3A_1010 = arith.constant 10 : i32
      %swap3A_1011 = arith.index_cast %swap3A_1009 : i32 to index
      %swap3A_1012 = arith.index_cast %swap3A_1010 : i32 to index
      %swap3A_1013 = arith.index_cast %mul3A_1008 : i32 to index
      %swap3A_1014 = tpu.vector_load %arg13[%swap3A_1011, %swap3A_1012, %swap3A_1013] {strides = array<i32>} : memref<2x64x512xf32, #tpu.memory_space<vmem>>, vector<16xf32>,
      tpu.vector_store %arg13[%swap3A_1011, %swap3A_1012, %swap3A_1013], %gather3A_970 {strides = array<i32>} : memref<2x64x512xf32, #tpu.memory_space<vmem>>, vector<16xf32>,
      %add3A_1015 = arith.constant 224 : i32
      %add3A_1016 = vector.broadcast %add3A_1015 : i32 to vector<16xi32>
      %add3A_1017 = arith.addi %add3A_871, %add3A_1016 : vector<16xi32>
      %gather3A_1018 = tpu.vector_load_idx %arg10[%add3A_1017] : memref<6144xf32, #tpu.memory_space<vmem>>[vector<16xi32>], vector<16xf32>,
      %mul3A_1019 = arith.constant 16 : i32
      %mul3A_1020 = arith.muli %scan3A_860, %mul3A_1019 : i32
      %swap3A_1021 = arith.constant 0 : i32
      %swap3A_1022 = arith.constant 11 : i32
      %swap3A_1023 = arith.index_cast %swap3A_1021 : i32 to index
      %swap3A_1024 = arith.index_cast %swap3A_1022 : i32 to index
      %swap3A_1025 = arith.index_cast %mul3A_1020 : i32 to index
      %swap3A_1026 = tpu.vector_load %arg13[%swap3A_1023, %swap3A_1024, %swap3A_1025] {strides = array<i32>} : memref<2x64x512xf32, #tpu.memory_space<vmem>>, vector<16xf32>,
      tpu.vector_store %arg13[%swap3A_1023, %swap3A_1024, %swap3A_1025], %gather3A_982 {strides = array<i32>} : memref<2x64x512xf32, #tpu.memory_space<vmem>>, vector<16xf32>,
      %add3A_1027 = arith.constant 240 : i32
      %add3A_1028 = vector.broadcast %add3A_1027 : i32 to vector<16xi32>
      %add3A_1029 = arith.addi %add3A_871, %add3A_1028 : vector<16xi32>
      %gather3A_1030 = tpu.vector_load_idx %arg10[%add3A_1029] : memref<6144xf32, #tpu.memory_space<vmem>>[vector<16xi32>], vector<16xf32>,
      %mul3A_1031 = arith.constant 16 : i32
      %mul3A_1032 = arith.muli %scan3A_860, %mul3A_1031 : i32
      %swap3A_1033 = arith.constant 0 : i32
      %swap3A_1034 = arith.constant 12 : i32
      %swap3A_1035 = arith.index_cast %swap3A_1033 : i32 to index
      %swap3A_1036 = arith.index_cast %swap3A_1034 : i32 to index
      %swap3A_1037 = arith.index_cast %mul3A_1032 : i32 to index
      %swap3A_1038 = tpu.vector_load %arg13[%swap3A_1035, %swap3A_1036, %swap3A_1037] {strides = array<i32>} : memref<2x64x512xf32, #tpu.memory_space<vmem>>, vector<16xf32>,
      tpu.vector_store %arg13[%swap3A_1035, %swap3A_1036, %swap3A_1037], %gather3A_994 {strides = array<i32>} : memref<2x64x512xf32, #tpu.memory_space<vmem>>, vector<16xf32>,
      %add3A_1039 = arith.constant 256 : i32
      %add3A_1040 = vector.broadcast %add3A_1039 : i32 to vector<16xi32>
      %add3A_1041 = arith.addi %add3A_871, %add3A_1040 : vector<16xi32>
      %gather3A_1042 = tpu.vector_load_idx %arg10[%add3A_1041] : memref<6144xf32, #tpu.memory_space<vmem>>[vector<16xi32>], vector<16xf32>,
      %mul3A_1043 = arith.constant 16 : i32
      %mul3A_1044 = arith.muli %scan3A_860, %mul3A_1043 : i32
      %swap3A_1045 = arith.constant 0 : i32
      %swap3A_1046 = arith.constant 13 : i32
      %swap3A_1047 = arith.index_cast %swap3A_1045 : i32 to index
      %swap3A_1048 = arith.index_cast %swap3A_1046 : i32 to index
      %swap3A_1049 = arith.index_cast %mul3A_1044 : i32 to index
      %swap3A_1050 = tpu.vector_load %arg13[%swap3A_1047, %swap3A_1048, %swap3A_1049] {strides = array<i32>} : memref<2x64x512xf32, #tpu.memory_space<vmem>>, vector<16xf32>,
      tpu.vector_store %arg13[%swap3A_1047, %swap3A_1048, %swap3A_1049], %gather3A_1006 {strides = array<i32>} : memref<2x64x512xf32, #tpu.memory_space<vmem>>, vector<16xf32>,
      %add3A_1051 = arith.constant 272 : i32
      %add3A_1052 = vector.broadcast %add3A_1051 : i32 to vector<16xi32>
      %add3A_1053 = arith.addi %add3A_871, %add3A_1052 : vector<16xi32>
      %gather3A_1054 = tpu.vector_load_idx %arg10[%add3A_1053] : memref<6144xf32, #tpu.memory_space<vmem>>[vector<16xi32>], vector<16xf32>,
      %mul3A_1055 = arith.constant 16 : i32
      %mul3A_1056 = arith.muli %scan3A_860, %mul3A_1055 : i32
      %swap3A_1057 = arith.constant 0 : i32
      %swap3A_1058 = arith.constant 14 : i32
      %swap3A_1059 = arith.index_cast %swap3A_1057 : i32 to index
      %swap3A_1060 = arith.index_cast %swap3A_1058 : i32 to index
      %swap3A_1061 = arith.index_cast %mul3A_1056 : i32 to index
      %swap3A_1062 = tpu.vector_load %arg13[%swap3A_1059, %swap3A_1060, %swap3A_1061] {strides = array<i32>} : memref<2x64x512xf32, #tpu.memory_space<vmem>>, vector<16xf32>,
      tpu.vector_store %arg13[%swap3A_1059, %swap3A_1060, %swap3A_1061], %gather3A_1018 {strides = array<i32>} : memref<2x64x512xf32, #tpu.memory_space<vmem>>, vector<16xf32>,
      %add3A_1063 = arith.constant 288 : i32
      %add3A_1064 = vector.broadcast %add3A_1063 : i32 to vector<16xi32>
      %add3A_1065 = arith.addi %add3A_871, %add3A_1064 : vector<16xi32>
      %gather3A_1066 = tpu.vector_load_idx %arg10[%add3A_1065] : memref<6144xf32, #tpu.memory_space<vmem>>[vector<16xi32>], vector<16xf32>,
      %mul3A_1067 = arith.constant 16 : i32
      %mul3A_1068 = arith.muli %scan3A_860, %mul3A_1067 : i32
      %swap3A_1069 = arith.constant 0 : i32
      %swap3A_1070 = arith.constant 15 : i32
      %swap3A_1071 = arith.index_cast %swap3A_1069 : i32 to index
      %swap3A_1072 = arith.index_cast %swap3A_1070 : i32 to index
      %swap3A_1073 = arith.index_cast %mul3A_1068 : i32 to index
      %swap3A_1074 = tpu.vector_load %arg13[%swap3A_1071, %swap3A_1072, %swap3A_1073] {strides = array<i32>} : memref<2x64x512xf32, #tpu.memory_space<vmem>>, vector<16xf32>,
      tpu.vector_store %arg13[%swap3A_1071, %swap3A_1072, %swap3A_1073], %gather3A_1030 {strides = array<i32>} : memref<2x64x512xf32, #tpu.memory_space<vmem>>, vector<16xf32>,
      %add3A_1075 = arith.constant 304 : i32
      %add3A_1076 = vector.broadcast %add3A_1075 : i32 to vector<16xi32>
      %add3A_1077 = arith.addi %add3A_871, %add3A_1076 : vector<16xi32>
      %gather3A_1078 = tpu.vector_load_idx %arg10[%add3A_1077] : memref<6144xf32, #tpu.memory_space<vmem>>[vector<16xi32>], vector<16xf32>,
      %mul3A_1079 = arith.constant 16 : i32
      %mul3A_1080 = arith.muli %scan3A_860, %mul3A_1079 : i32
      %swap3A_1081 = arith.constant 0 : i32
      %swap3A_1082 = arith.constant 16 : i32
      %swap3A_1083 = arith.index_cast %swap3A_1081 : i32 to index
      %swap3A_1084 = arith.index_cast %swap3A_1082 : i32 to index
      %swap3A_1085 = arith.index_cast %mul3A_1080 : i32 to index
      %swap3A_1086 = tpu.vector_load %arg13[%swap3A_1083, %swap3A_1084, %swap3A_1085] {strides = array<i32>} : memref<2x64x512xf32, #tpu.memory_space<vmem>>, vector<16xf32>,
      tpu.vector_store %arg13[%swap3A_1083, %swap3A_1084, %swap3A_1085], %gather3A_1042 {strides = array<i32>} : memref<2x64x512xf32, #tpu.memory_space<vmem>>, vector<16xf32>,
      %add3A_1087 = arith.constant 320 : i32
      %add3A_1088 = vector.broadcast %add3A_1087 : i32 to vector<16xi32>
      %add3A_1089 = arith.addi %add3A_871, %add3A_1088 : vector<16xi32>
      %gather3A_1090 = tpu.vector_load_idx %arg10[%add3A_1089] : memref<6144xf32, #tpu.memory_space<vmem>>[vector<16xi32>], vector<16xf32>,
      %mul3A_1091 = arith.constant 16 : i32
      %mul3A_1092 = arith.muli %scan3A_860, %mul3A_1091 : i32
      %swap3A_1093 = arith.constant 0 : i32
      %swap3A_1094 = arith.constant 17 : i32
      %swap3A_1095 = arith.index_cast %swap3A_1093 : i32 to index
      %swap3A_1096 = arith.index_cast %swap3A_1094 : i32 to index
      %swap3A_1097 = arith.index_cast %mul3A_1092 : i32 to index
      %swap3A_1098 = tpu.vector_load %arg13[%swap3A_1095, %swap3A_1096, %swap3A_1097] {strides = array<i32>} : memref<2x64x512xf32, #tpu.memory_space<vmem>>, vector<16xf32>,
      tpu.vector_store %arg13[%swap3A_1095, %swap3A_1096, %swap3A_1097], %gather3A_1054 {strides = array<i32>} : memref<2x64x512xf32, #tpu.memory_space<vmem>>, vector<16xf32>,
      %add3A_1099 = arith.constant 336 : i32
      %add3A_1100 = vector.broadcast %add3A_1099 : i32 to vector<16xi32>
      %add3A_1101 = arith.addi %add3A_871, %add3A_1100 : vector<16xi32>
      %gather3A_1102 = tpu.vector_load_idx %arg10[%add3A_1101] : memref<6144xf32, #tpu.memory_space<vmem>>[vector<16xi32>], vector<16xf32>,
      %mul3A_1103 = arith.constant 16 : i32
      %mul3A_1104 = arith.muli %scan3A_860, %mul3A_1103 : i32
      %swap3A_1105 = arith.constant 0 : i32
      %swap3A_1106 = arith.constant 18 : i32
      %swap3A_1107 = arith.index_cast %swap3A_1105 : i32 to index
      %swap3A_1108 = arith.index_cast %swap3A_1106 : i32 to index
      %swap3A_1109 = arith.index_cast %mul3A_1104 : i32 to index
      %swap3A_1110 = tpu.vector_load %arg13[%swap3A_1107, %swap3A_1108, %swap3A_1109] {strides = array<i32>} : memref<2x64x512xf32, #tpu.memory_space<vmem>>, vector<16xf32>,
      tpu.vector_store %arg13[%swap3A_1107, %swap3A_1108, %swap3A_1109], %gather3A_1066 {strides = array<i32>} : memref<2x64x512xf32, #tpu.memory_space<vmem>>, vector<16xf32>,
      %add3A_1111 = arith.constant 352 : i32
      %add3A_1112 = vector.broadcast %add3A_1111 : i32 to vector<16xi32>
      %add3A_1113 = arith.addi %add3A_871, %add3A_1112 : vector<16xi32>
      %gather3A_1114 = tpu.vector_load_idx %arg10[%add3A_1113] : memref<6144xf32, #tpu.memory_space<vmem>>[vector<16xi32>], vector<16xf32>,
      %mul3A_1115 = arith.constant 16 : i32
      %mul3A_1116 = arith.muli %scan3A_860, %mul3A_1115 : i32
      %swap3A_1117 = arith.constant 0 : i32
      %swap3A_1118 = arith.constant 19 : i32
      %swap3A_1119 = arith.index_cast %swap3A_1117 : i32 to index
      %swap3A_1120 = arith.index_cast %swap3A_1118 : i32 to index
      %swap3A_1121 = arith.index_cast %mul3A_1116 : i32 to index
      %swap3A_1122 = tpu.vector_load %arg13[%swap3A_1119, %swap3A_1120, %swap3A_1121] {strides = array<i32>} : memref<2x64x512xf32, #tpu.memory_space<vmem>>, vector<16xf32>,
      tpu.vector_store %arg13[%swap3A_1119, %swap3A_1120, %swap3A_1121], %gather3A_1078 {strides = array<i32>} : memref<2x64x512xf32, #tpu.memory_space<vmem>>, vector<16xf32>,
      %add3A_1123 = arith.constant 368 : i32
      %add3A_1124 = vector.broadcast %add3A_1123 : i32 to vector<16xi32>
      %add3A_1125 = arith.addi %add3A_871, %add3A_1124 : vector<16xi32>
      %gather3A_1126 = tpu.vector_load_idx %arg10[%add3A_1125] : memref<6144xf32, #tpu.memory_space<vmem>>[vector<16xi32>], vector<16xf32>,
      %mul3A_1127 = arith.constant 16 : i32
      %mul3A_1128 = arith.muli %scan3A_860, %mul3A_1127 : i32
      %swap3A_1129 = arith.constant 0 : i32
      %swap3A_1130 = arith.constant 20 : i32
      %swap3A_1131 = arith.index_cast %swap3A_1129 : i32 to index
      %swap3A_1132 = arith.index_cast %swap3A_1130 : i32 to index
      %swap3A_1133 = arith.index_cast %mul3A_1128 : i32 to index
      %swap3A_1134 = tpu.vector_load %arg13[%swap3A_1131, %swap3A_1132, %swap3A_1133] {strides = array<i32>} : memref<2x64x512xf32, #tpu.memory_space<vmem>>, vector<16xf32>,
      tpu.vector_store %arg13[%swap3A_1131, %swap3A_1132, %swap3A_1133], %gather3A_1090 {strides = array<i32>} : memref<2x64x512xf32, #tpu.memory_space<vmem>>, vector<16xf32>,
      %add3A_1135 = arith.constant 384 : i32
      %add3A_1136 = vector.broadcast %add3A_1135 : i32 to vector<16xi32>
      %add3A_1137 = arith.addi %add3A_871, %add3A_1136 : vector<16xi32>
      %gather3A_1138 = tpu.vector_load_idx %arg10[%add3A_1137] : memref<6144xf32, #tpu.memory_space<vmem>>[vector<16xi32>], vector<16xf32>,
      %mul3A_1139 = arith.constant 16 : i32
      %mul3A_1140 = arith.muli %scan3A_860, %mul3A_1139 : i32
      %swap3A_1141 = arith.constant 0 : i32
      %swap3A_1142 = arith.constant 21 : i32
      %swap3A_1143 = arith.index_cast %swap3A_1141 : i32 to index
      %swap3A_1144 = arith.index_cast %swap3A_1142 : i32 to index
      %swap3A_1145 = arith.index_cast %mul3A_1140 : i32 to index
      %swap3A_1146 = tpu.vector_load %arg13[%swap3A_1143, %swap3A_1144, %swap3A_1145] {strides = array<i32>} : memref<2x64x512xf32, #tpu.memory_space<vmem>>, vector<16xf32>,
      tpu.vector_store %arg13[%swap3A_1143, %swap3A_1144, %swap3A_1145], %gather3A_1102 {strides = array<i32>} : memref<2x64x512xf32, #tpu.memory_space<vmem>>, vector<16xf32>,
      %add3A_1147 = arith.constant 400 : i32
      %add3A_1148 = vector.broadcast %add3A_1147 : i32 to vector<16xi32>
      %add3A_1149 = arith.addi %add3A_871, %add3A_1148 : vector<16xi32>
      %gather3A_1150 = tpu.vector_load_idx %arg10[%add3A_1149] : memref<6144xf32, #tpu.memory_space<vmem>>[vector<16xi32>], vector<16xf32>,
      %mul3A_1151 = arith.constant 16 : i32
      %mul3A_1152 = arith.muli %scan3A_860, %mul3A_1151 : i32
      %swap3A_1153 = arith.constant 0 : i32
      %swap3A_1154 = arith.constant 22 : i32
      %swap3A_1155 = arith.index_cast %swap3A_1153 : i32 to index
      %swap3A_1156 = arith.index_cast %swap3A_1154 : i32 to index
      %swap3A_1157 = arith.index_cast %mul3A_1152 : i32 to index
      %swap3A_1158 = tpu.vector_load %arg13[%swap3A_1155, %swap3A_1156, %swap3A_1157] {strides = array<i32>} : memref<2x64x512xf32, #tpu.memory_space<vmem>>, vector<16xf32>,
      tpu.vector_store %arg13[%swap3A_1155, %swap3A_1156, %swap3A_1157], %gather3A_1114 {strides = array<i32>} : memref<2x64x512xf32, #tpu.memory_space<vmem>>, vector<16xf32>,
      %add3A_1159 = arith.constant 416 : i32
      %add3A_1160 = vector.broadcast %add3A_1159 : i32 to vector<16xi32>
      %add3A_1161 = arith.addi %add3A_871, %add3A_1160 : vector<16xi32>
      %gather3A_1162 = tpu.vector_load_idx %arg10[%add3A_1161] : memref<6144xf32, #tpu.memory_space<vmem>>[vector<16xi32>], vector<16xf32>,
      %mul3A_1163 = arith.constant 16 : i32
      %mul3A_1164 = arith.muli %scan3A_860, %mul3A_1163 : i32
      %swap3A_1165 = arith.constant 0 : i32
      %swap3A_1166 = arith.constant 23 : i32
      %swap3A_1167 = arith.index_cast %swap3A_1165 : i32 to index
      %swap3A_1168 = arith.index_cast %swap3A_1166 : i32 to index
      %swap3A_1169 = arith.index_cast %mul3A_1164 : i32 to index
      %swap3A_1170 = tpu.vector_load %arg13[%swap3A_1167, %swap3A_1168, %swap3A_1169] {strides = array<i32>} : memref<2x64x512xf32, #tpu.memory_space<vmem>>, vector<16xf32>,
      tpu.vector_store %arg13[%swap3A_1167, %swap3A_1168, %swap3A_1169], %gather3A_1126 {strides = array<i32>} : memref<2x64x512xf32, #tpu.memory_space<vmem>>, vector<16xf32>,
      %add3A_1171 = arith.constant 432 : i32
      %add3A_1172 = vector.broadcast %add3A_1171 : i32 to vector<16xi32>
      %add3A_1173 = arith.addi %add3A_871, %add3A_1172 : vector<16xi32>
      %gather3A_1174 = tpu.vector_load_idx %arg10[%add3A_1173] : memref<6144xf32, #tpu.memory_space<vmem>>[vector<16xi32>], vector<16xf32>,
      %mul3A_1175 = arith.constant 16 : i32
      %mul3A_1176 = arith.muli %scan3A_860, %mul3A_1175 : i32
      %swap3A_1177 = arith.constant 0 : i32
      %swap3A_1178 = arith.constant 24 : i32
      %swap3A_1179 = arith.index_cast %swap3A_1177 : i32 to index
      %swap3A_1180 = arith.index_cast %swap3A_1178 : i32 to index
      %swap3A_1181 = arith.index_cast %mul3A_1176 : i32 to index
      %swap3A_1182 = tpu.vector_load %arg13[%swap3A_1179, %swap3A_1180, %swap3A_1181] {strides = array<i32>} : memref<2x64x512xf32, #tpu.memory_space<vmem>>, vector<16xf32>,
      tpu.vector_store %arg13[%swap3A_1179, %swap3A_1180, %swap3A_1181], %gather3A_1138 {strides = array<i32>} : memref<2x64x512xf32, #tpu.memory_space<vmem>>, vector<16xf32>,
      %add3A_1183 = arith.constant 448 : i32
      %add3A_1184 = vector.broadcast %add3A_1183 : i32 to vector<16xi32>
      %add3A_1185 = arith.addi %add3A_871, %add3A_1184 : vector<16xi32>
      %gather3A_1186 = tpu.vector_load_idx %arg10[%add3A_1185] : memref<6144xf32, #tpu.memory_space<vmem>>[vector<16xi32>], vector<16xf32>,
      %mul3A_1187 = arith.constant 16 : i32
      %mul3A_1188 = arith.muli %scan3A_860, %mul3A_1187 : i32
      %swap3A_1189 = arith.constant 0 : i32
      %swap3A_1190 = arith.constant 25 : i32
      %swap3A_1191 = arith.index_cast %swap3A_1189 : i32 to index
      %swap3A_1192 = arith.index_cast %swap3A_1190 : i32 to index
      %swap3A_1193 = arith.index_cast %mul3A_1188 : i32 to index
      %swap3A_1194 = tpu.vector_load %arg13[%swap3A_1191, %swap3A_1192, %swap3A_1193] {strides = array<i32>} : memref<2x64x512xf32, #tpu.memory_space<vmem>>, vector<16xf32>,
      tpu.vector_store %arg13[%swap3A_1191, %swap3A_1192, %swap3A_1193], %gather3A_1150 {strides = array<i32>} : memref<2x64x512xf32, #tpu.memory_space<vmem>>, vector<16xf32>,
      %add3A_1195 = arith.constant 464 : i32
      %add3A_1196 = vector.broadcast %add3A_1195 : i32 to vector<16xi32>
      %add3A_1197 = arith.addi %add3A_871, %add3A_1196 : vector<16xi32>
      %gather3A_1198 = tpu.vector_load_idx %arg10[%add3A_1197] : memref<6144xf32, #tpu.memory_space<vmem>>[vector<16xi32>], vector<16xf32>,
      %mul3A_1199 = arith.constant 16 : i32
      %mul3A_1200 = arith.muli %scan3A_860, %mul3A_1199 : i32
      %swap3A_1201 = arith.constant 0 : i32
      %swap3A_1202 = arith.constant 26 : i32
      %swap3A_1203 = arith.index_cast %swap3A_1201 : i32 to index
      %swap3A_1204 = arith.index_cast %swap3A_1202 : i32 to index
      %swap3A_1205 = arith.index_cast %mul3A_1200 : i32 to index
      %swap3A_1206 = tpu.vector_load %arg13[%swap3A_1203, %swap3A_1204, %swap3A_1205] {strides = array<i32>} : memref<2x64x512xf32, #tpu.memory_space<vmem>>, vector<16xf32>,
      tpu.vector_store %arg13[%swap3A_1203, %swap3A_1204, %swap3A_1205], %gather3A_1162 {strides = array<i32>} : memref<2x64x512xf32, #tpu.memory_space<vmem>>, vector<16xf32>,
      %add3A_1207 = arith.constant 480 : i32
      %add3A_1208 = vector.broadcast %add3A_1207 : i32 to vector<16xi32>
      %add3A_1209 = arith.addi %add3A_871, %add3A_1208 : vector<16xi32>
      %gather3A_1210 = tpu.vector_load_idx %arg10[%add3A_1209] : memref<6144xf32, #tpu.memory_space<vmem>>[vector<16xi32>], vector<16xf32>,
      %mul3A_1211 = arith.constant 16 : i32
      %mul3A_1212 = arith.muli %scan3A_860, %mul3A_1211 : i32
      %swap3A_1213 = arith.constant 0 : i32
      %swap3A_1214 = arith.constant 27 : i32
      %swap3A_1215 = arith.index_cast %swap3A_1213 : i32 to index
      %swap3A_1216 = arith.index_cast %swap3A_1214 : i32 to index
      %swap3A_1217 = arith.index_cast %mul3A_1212 : i32 to index
      %swap3A_1218 = tpu.vector_load %arg13[%swap3A_1215, %swap3A_1216, %swap3A_1217] {strides = array<i32>} : memref<2x64x512xf32, #tpu.memory_space<vmem>>, vector<16xf32>,
      tpu.vector_store %arg13[%swap3A_1215, %swap3A_1216, %swap3A_1217], %gather3A_1174 {strides = array<i32>} : memref<2x64x512xf32, #tpu.memory_space<vmem>>, vector<16xf32>,
      %add3A_1219 = arith.constant 496 : i32
      %add3A_1220 = vector.broadcast %add3A_1219 : i32 to vector<16xi32>
      %add3A_1221 = arith.addi %add3A_871, %add3A_1220 : vector<16xi32>
      %gather3A_1222 = tpu.vector_load_idx %arg10[%add3A_1221] : memref<6144xf32, #tpu.memory_space<vmem>>[vector<16xi32>], vector<16xf32>,
      %mul3A_1223 = arith.constant 16 : i32
      %mul3A_1224 = arith.muli %scan3A_860, %mul3A_1223 : i32
      %swap3A_1225 = arith.constant 0 : i32
      %swap3A_1226 = arith.constant 28 : i32
      %swap3A_1227 = arith.index_cast %swap3A_1225 : i32 to index
      %swap3A_1228 = arith.index_cast %swap3A_1226 : i32 to index
      %swap3A_1229 = arith.index_cast %mul3A_1224 : i32 to index
      %swap3A_1230 = tpu.vector_load %arg13[%swap3A_1227, %swap3A_1228, %swap3A_1229] {strides = array<i32>} : memref<2x64x512xf32, #tpu.memory_space<vmem>>, vector<16xf32>,
      tpu.vector_store %arg13[%swap3A_1227, %swap3A_1228, %swap3A_1229], %gather3A_1186 {strides = array<i32>} : memref<2x64x512xf32, #tpu.memory_space<vmem>>, vector<16xf32>,
      %add3A_1231 = arith.constant 512 : i32
      %add3A_1232 = vector.broadcast %add3A_1231 : i32 to vector<16xi32>
      %add3A_1233 = arith.addi %add3A_871, %add3A_1232 : vector<16xi32>
      %gather3A_1234 = tpu.vector_load_idx %arg10[%add3A_1233] : memref<6144xf32, #tpu.memory_space<vmem>>[vector<16xi32>], vector<16xf32>,
      %mul3A_1235 = arith.constant 16 : i32
      %mul3A_1236 = arith.muli %scan3A_860, %mul3A_1235 : i32
      %swap3A_1237 = arith.constant 0 : i32
      %swap3A_1238 = arith.constant 29 : i32
      %swap3A_1239 = arith.index_cast %swap3A_1237 : i32 to index
      %swap3A_1240 = arith.index_cast %swap3A_1238 : i32 to index
      %swap3A_1241 = arith.index_cast %mul3A_1236 : i32 to index
      %swap3A_1242 = tpu.vector_load %arg13[%swap3A_1239, %swap3A_1240, %swap3A_1241] {strides = array<i32>} : memref<2x64x512xf32, #tpu.memory_space<vmem>>, vector<16xf32>,
      tpu.vector_store %arg13[%swap3A_1239, %swap3A_1240, %swap3A_1241], %gather3A_1198 {strides = array<i32>} : memref<2x64x512xf32, #tpu.memory_space<vmem>>, vector<16xf32>,
      %add3A_1243 = arith.constant 528 : i32
      %add3A_1244 = vector.broadcast %add3A_1243 : i32 to vector<16xi32>
      %add3A_1245 = arith.addi %add3A_871, %add3A_1244 : vector<16xi32>
      %gather3A_1246 = tpu.vector_load_idx %arg10[%add3A_1245] : memref<6144xf32, #tpu.memory_space<vmem>>[vector<16xi32>], vector<16xf32>,
      %mul3A_1247 = arith.constant 16 : i32
      %mul3A_1248 = arith.muli %scan3A_860, %mul3A_1247 : i32
      %swap3A_1249 = arith.constant 0 : i32
      %swap3A_1250 = arith.constant 30 : i32
      %swap3A_1251 = arith.index_cast %swap3A_1249 : i32 to index
      %swap3A_1252 = arith.index_cast %swap3A_1250 : i32 to index
      %swap3A_1253 = arith.index_cast %mul3A_1248 : i32 to index
      %swap3A_1254 = tpu.vector_load %arg13[%swap3A_1251, %swap3A_1252, %swap3A_1253] {strides = array<i32>} : memref<2x64x512xf32, #tpu.memory_space<vmem>>, vector<16xf32>,
      tpu.vector_store %arg13[%swap3A_1251, %swap3A_1252, %swap3A_1253], %gather3A_1210 {strides = array<i32>} : memref<2x64x512xf32, #tpu.memory_space<vmem>>, vector<16xf32>,
      %add3A_1255 = arith.constant 544 : i32
      %add3A_1256 = vector.broadcast %add3A_1255 : i32 to vector<16xi32>
      %add3A_1257 = arith.addi %add3A_871, %add3A_1256 : vector<16xi32>
      %gather3A_1258 = tpu.vector_load_idx %arg10[%add3A_1257] : memref<6144xf32, #tpu.memory_space<vmem>>[vector<16xi32>], vector<16xf32>,
      %mul3A_1259 = arith.constant 16 : i32
      %mul3A_1260 = arith.muli %scan3A_860, %mul3A_1259 : i32
      %swap3A_1261 = arith.constant 0 : i32
      %swap3A_1262 = arith.constant 31 : i32
      %swap3A_1263 = arith.index_cast %swap3A_1261 : i32 to index
      %swap3A_1264 = arith.index_cast %swap3A_1262 : i32 to index
      %swap3A_1265 = arith.index_cast %mul3A_1260 : i32 to index
      %swap3A_1266 = tpu.vector_load %arg13[%swap3A_1263, %swap3A_1264, %swap3A_1265] {strides = array<i32>} : memref<2x64x512xf32, #tpu.memory_space<vmem>>, vector<16xf32>,
      tpu.vector_store %arg13[%swap3A_1263, %swap3A_1264, %swap3A_1265], %gather3A_1222 {strides = array<i32>} : memref<2x64x512xf32, #tpu.memory_space<vmem>>, vector<16xf32>,
      %add3A_1267 = arith.constant 560 : i32
      %add3A_1268 = vector.broadcast %add3A_1267 : i32 to vector<16xi32>
      %add3A_1269 = arith.addi %add3A_871, %add3A_1268 : vector<16xi32>
      %gather3A_1270 = tpu.vector_load_idx %arg10[%add3A_1269] : memref<6144xf32, #tpu.memory_space<vmem>>[vector<16xi32>], vector<16xf32>,
      %mul3A_1271 = arith.constant 16 : i32
      %mul3A_1272 = arith.muli %scan3A_860, %mul3A_1271 : i32
      %swap3A_1273 = arith.constant 0 : i32
      %swap3A_1274 = arith.constant 32 : i32
      %swap3A_1275 = arith.index_cast %swap3A_1273 : i32 to index
      %swap3A_1276 = arith.index_cast %swap3A_1274 : i32 to index
      %swap3A_1277 = arith.index_cast %mul3A_1272 : i32 to index
      %swap3A_1278 = tpu.vector_load %arg13[%swap3A_1275, %swap3A_1276, %swap3A_1277] {strides = array<i32>} : memref<2x64x512xf32, #tpu.memory_space<vmem>>, vector<16xf32>,
      tpu.vector_store %arg13[%swap3A_1275, %swap3A_1276, %swap3A_1277], %gather3A_1234 {strides = array<i32>} : memref<2x64x512xf32, #tpu.memory_space<vmem>>, vector<16xf32>,
      %add3A_1279 = arith.constant 576 : i32
      %add3A_1280 = vector.broadcast %add3A_1279 : i32 to vector<16xi32>
      %add3A_1281 = arith.addi %add3A_871, %add3A_1280 : vector<16xi32>
      %gather3A_1282 = tpu.vector_load_idx %arg10[%add3A_1281] : memref<6144xf32, #tpu.memory_space<vmem>>[vector<16xi32>], vector<16xf32>,
      %mul3A_1283 = arith.constant 16 : i32
      %mul3A_1284 = arith.muli %scan3A_860, %mul3A_1283 : i32
      %swap3A_1285 = arith.constant 0 : i32
      %swap3A_1286 = arith.constant 33 : i32
      %swap3A_1287 = arith.index_cast %swap3A_1285 : i32 to index
      %swap3A_1288 = arith.index_cast %swap3A_1286 : i32 to index
      %swap3A_1289 = arith.index_cast %mul3A_1284 : i32 to index
      %swap3A_1290 = tpu.vector_load %arg13[%swap3A_1287, %swap3A_1288, %swap3A_1289] {strides = array<i32>} : memref<2x64x512xf32, #tpu.memory_space<vmem>>, vector<16xf32>,
      tpu.vector_store %arg13[%swap3A_1287, %swap3A_1288, %swap3A_1289], %gather3A_1246 {strides = array<i32>} : memref<2x64x512xf32, #tpu.memory_space<vmem>>, vector<16xf32>,
      %add3A_1291 = arith.constant 592 : i32
      %add3A_1292 = vector.broadcast %add3A_1291 : i32 to vector<16xi32>
      %add3A_1293 = arith.addi %add3A_871, %add3A_1292 : vector<16xi32>
      %gather3A_1294 = tpu.vector_load_idx %arg10[%add3A_1293] : memref<6144xf32, #tpu.memory_space<vmem>>[vector<16xi32>], vector<16xf32>,
      %mul3A_1295 = arith.constant 16 : i32
      %mul3A_1296 = arith.muli %scan3A_860, %mul3A_1295 : i32
      %swap3A_1297 = arith.constant 0 : i32
      %swap3A_1298 = arith.constant 34 : i32
      %swap3A_1299 = arith.index_cast %swap3A_1297 : i32 to index
      %swap3A_1300 = arith.index_cast %swap3A_1298 : i32 to index
      %swap3A_1301 = arith.index_cast %mul3A_1296 : i32 to index
      %swap3A_1302 = tpu.vector_load %arg13[%swap3A_1299, %swap3A_1300, %swap3A_1301] {strides = array<i32>} : memref<2x64x512xf32, #tpu.memory_space<vmem>>, vector<16xf32>,
      tpu.vector_store %arg13[%swap3A_1299, %swap3A_1300, %swap3A_1301], %gather3A_1258 {strides = array<i32>} : memref<2x64x512xf32, #tpu.memory_space<vmem>>, vector<16xf32>,
      %add3A_1303 = arith.constant 608 : i32
      %add3A_1304 = vector.broadcast %add3A_1303 : i32 to vector<16xi32>
      %add3A_1305 = arith.addi %add3A_871, %add3A_1304 : vector<16xi32>
      %gather3A_1306 = tpu.vector_load_idx %arg10[%add3A_1305] : memref<6144xf32, #tpu.memory_space<vmem>>[vector<16xi32>], vector<16xf32>,
      %mul3A_1307 = arith.constant 16 : i32
      %mul3A_1308 = arith.muli %scan3A_860, %mul3A_1307 : i32
      %swap3A_1309 = arith.constant 0 : i32
      %swap3A_1310 = arith.constant 35 : i32
      %swap3A_1311 = arith.index_cast %swap3A_1309 : i32 to index
      %swap3A_1312 = arith.index_cast %swap3A_1310 : i32 to index
      %swap3A_1313 = arith.index_cast %mul3A_1308 : i32 to index
      %swap3A_1314 = tpu.vector_load %arg13[%swap3A_1311, %swap3A_1312, %swap3A_1313] {strides = array<i32>} : memref<2x64x512xf32, #tpu.memory_space<vmem>>, vector<16xf32>,
      tpu.vector_store %arg13[%swap3A_1311, %swap3A_1312, %swap3A_1313], %gather3A_1270 {strides = array<i32>} : memref<2x64x512xf32, #tpu.memory_space<vmem>>, vector<16xf32>,
      %add3A_1315 = arith.constant 624 : i32
      %add3A_1316 = vector.broadcast %add3A_1315 : i32 to vector<16xi32>
      %add3A_1317 = arith.addi %add3A_871, %add3A_1316 : vector<16xi32>
      %gather3A_1318 = tpu.vector_load_idx %arg10[%add3A_1317] : memref<6144xf32, #tpu.memory_space<vmem>>[vector<16xi32>], vector<16xf32>,
      %mul3A_1319 = arith.constant 16 : i32
      %mul3A_1320 = arith.muli %scan3A_860, %mul3A_1319 : i32
      %swap3A_1321 = arith.constant 0 : i32
      %swap3A_1322 = arith.constant 36 : i32
      %swap3A_1323 = arith.index_cast %swap3A_1321 : i32 to index
      %swap3A_1324 = arith.index_cast %swap3A_1322 : i32 to index
      %swap3A_1325 = arith.index_cast %mul3A_1320 : i32 to index
      %swap3A_1326 = tpu.vector_load %arg13[%swap3A_1323, %swap3A_1324, %swap3A_1325] {strides = array<i32>} : memref<2x64x512xf32, #tpu.memory_space<vmem>>, vector<16xf32>,
      tpu.vector_store %arg13[%swap3A_1323, %swap3A_1324, %swap3A_1325], %gather3A_1282 {strides = array<i32>} : memref<2x64x512xf32, #tpu.memory_space<vmem>>, vector<16xf32>,
      %add3A_1327 = arith.constant 640 : i32
      %add3A_1328 = vector.broadcast %add3A_1327 : i32 to vector<16xi32>
      %add3A_1329 = arith.addi %add3A_871, %add3A_1328 : vector<16xi32>
      %gather3A_1330 = tpu.vector_load_idx %arg10[%add3A_1329] : memref<6144xf32, #tpu.memory_space<vmem>>[vector<16xi32>], vector<16xf32>,
      %mul3A_1331 = arith.constant 16 : i32
      %mul3A_1332 = arith.muli %scan3A_860, %mul3A_1331 : i32
      %swap3A_1333 = arith.constant 0 : i32
      %swap3A_1334 = arith.constant 37 : i32
      %swap3A_1335 = arith.index_cast %swap3A_1333 : i32 to index
      %swap3A_1336 = arith.index_cast %swap3A_1334 : i32 to index
      %swap3A_1337 = arith.index_cast %mul3A_1332 : i32 to index
      %swap3A_1338 = tpu.vector_load %arg13[%swap3A_1335, %swap3A_1336, %swap3A_1337] {strides = array<i32>} : memref<2x64x512xf32, #tpu.memory_space<vmem>>, vector<16xf32>,
      tpu.vector_store %arg13[%swap3A_1335, %swap3A_1336, %swap3A_1337], %gather3A_1294 {strides = array<i32>} : memref<2x64x512xf32, #tpu.memory_space<vmem>>, vector<16xf32>,
      %add3A_1339 = arith.constant 656 : i32
      %add3A_1340 = vector.broadcast %add3A_1339 : i32 to vector<16xi32>
      %add3A_1341 = arith.addi %add3A_871, %add3A_1340 : vector<16xi32>
      %gather3A_1342 = tpu.vector_load_idx %arg10[%add3A_1341] : memref<6144xf32, #tpu.memory_space<vmem>>[vector<16xi32>], vector<16xf32>,
      %mul3A_1343 = arith.constant 16 : i32
      %mul3A_1344 = arith.muli %scan3A_860, %mul3A_1343 : i32
      %swap3A_1345 = arith.constant 0 : i32
      %swap3A_1346 = arith.constant 38 : i32
      %swap3A_1347 = arith.index_cast %swap3A_1345 : i32 to index
      %swap3A_1348 = arith.index_cast %swap3A_1346 : i32 to index
      %swap3A_1349 = arith.index_cast %mul3A_1344 : i32 to index
      %swap3A_1350 = tpu.vector_load %arg13[%swap3A_1347, %swap3A_1348, %swap3A_1349] {strides = array<i32>} : memref<2x64x512xf32, #tpu.memory_space<vmem>>, vector<16xf32>,
      tpu.vector_store %arg13[%swap3A_1347, %swap3A_1348, %swap3A_1349], %gather3A_1306 {strides = array<i32>} : memref<2x64x512xf32, #tpu.memory_space<vmem>>, vector<16xf32>,
      %add3A_1351 = arith.constant 672 : i32
      %add3A_1352 = vector.broadcast %add3A_1351 : i32 to vector<16xi32>
      %add3A_1353 = arith.addi %add3A_871, %add3A_1352 : vector<16xi32>
      %gather3A_1354 = tpu.vector_load_idx %arg10[%add3A_1353] : memref<6144xf32, #tpu.memory_space<vmem>>[vector<16xi32>], vector<16xf32>,
      %mul3A_1355 = arith.constant 16 : i32
      %mul3A_1356 = arith.muli %scan3A_860, %mul3A_1355 : i32
      %swap3A_1357 = arith.constant 0 : i32
      %swap3A_1358 = arith.constant 39 : i32
      %swap3A_1359 = arith.index_cast %swap3A_1357 : i32 to index
      %swap3A_1360 = arith.index_cast %swap3A_1358 : i32 to index
      %swap3A_1361 = arith.index_cast %mul3A_1356 : i32 to index
      %swap3A_1362 = tpu.vector_load %arg13[%swap3A_1359, %swap3A_1360, %swap3A_1361] {strides = array<i32>} : memref<2x64x512xf32, #tpu.memory_space<vmem>>, vector<16xf32>,
      tpu.vector_store %arg13[%swap3A_1359, %swap3A_1360, %swap3A_1361], %gather3A_1318 {strides = array<i32>} : memref<2x64x512xf32, #tpu.memory_space<vmem>>, vector<16xf32>,
      %add3A_1363 = arith.constant 688 : i32
      %add3A_1364 = vector.broadcast %add3A_1363 : i32 to vector<16xi32>
      %add3A_1365 = arith.addi %add3A_871, %add3A_1364 : vector<16xi32>
      %gather3A_1366 = tpu.vector_load_idx %arg10[%add3A_1365] : memref<6144xf32, #tpu.memory_space<vmem>>[vector<16xi32>], vector<16xf32>,
      %mul3A_1367 = arith.constant 16 : i32
      %mul3A_1368 = arith.muli %scan3A_860, %mul3A_1367 : i32
      %swap3A_1369 = arith.constant 0 : i32
      %swap3A_1370 = arith.constant 40 : i32
      %swap3A_1371 = arith.index_cast %swap3A_1369 : i32 to index
      %swap3A_1372 = arith.index_cast %swap3A_1370 : i32 to index
      %swap3A_1373 = arith.index_cast %mul3A_1368 : i32 to index
      %swap3A_1374 = tpu.vector_load %arg13[%swap3A_1371, %swap3A_1372, %swap3A_1373] {strides = array<i32>} : memref<2x64x512xf32, #tpu.memory_space<vmem>>, vector<16xf32>,
      tpu.vector_store %arg13[%swap3A_1371, %swap3A_1372, %swap3A_1373], %gather3A_1330 {strides = array<i32>} : memref<2x64x512xf32, #tpu.memory_space<vmem>>, vector<16xf32>,
      %add3A_1375 = arith.constant 704 : i32
      %add3A_1376 = vector.broadcast %add3A_1375 : i32 to vector<16xi32>
      %add3A_1377 = arith.addi %add3A_871, %add3A_1376 : vector<16xi32>
      %gather3A_1378 = tpu.vector_load_idx %arg10[%add3A_1377] : memref<6144xf32, #tpu.memory_space<vmem>>[vector<16xi32>], vector<16xf32>,
      %mul3A_1379 = arith.constant 16 : i32
      %mul3A_1380 = arith.muli %scan3A_860, %mul3A_1379 : i32
      %swap3A_1381 = arith.constant 0 : i32
      %swap3A_1382 = arith.constant 41 : i32
      %swap3A_1383 = arith.index_cast %swap3A_1381 : i32 to index
      %swap3A_1384 = arith.index_cast %swap3A_1382 : i32 to index
      %swap3A_1385 = arith.index_cast %mul3A_1380 : i32 to index
      %swap3A_1386 = tpu.vector_load %arg13[%swap3A_1383, %swap3A_1384, %swap3A_1385] {strides = array<i32>} : memref<2x64x512xf32, #tpu.memory_space<vmem>>, vector<16xf32>,
      tpu.vector_store %arg13[%swap3A_1383, %swap3A_1384, %swap3A_1385], %gather3A_1342 {strides = array<i32>} : memref<2x64x512xf32, #tpu.memory_space<vmem>>, vector<16xf32>,
      %add3A_1387 = arith.constant 720 : i32
      %add3A_1388 = vector.broadcast %add3A_1387 : i32 to vector<16xi32>
      %add3A_1389 = arith.addi %add3A_871, %add3A_1388 : vector<16xi32>
      %gather3A_1390 = tpu.vector_load_idx %arg10[%add3A_1389] : memref<6144xf32, #tpu.memory_space<vmem>>[vector<16xi32>], vector<16xf32>,
      %mul3A_1391 = arith.constant 16 : i32
      %mul3A_1392 = arith.muli %scan3A_860, %mul3A_1391 : i32
      %swap3A_1393 = arith.constant 0 : i32
      %swap3A_1394 = arith.constant 42 : i32
      %swap3A_1395 = arith.index_cast %swap3A_1393 : i32 to index
      %swap3A_1396 = arith.index_cast %swap3A_1394 : i32 to index
      %swap3A_1397 = arith.index_cast %mul3A_1392 : i32 to index
      %swap3A_1398 = tpu.vector_load %arg13[%swap3A_1395, %swap3A_1396, %swap3A_1397] {strides = array<i32>} : memref<2x64x512xf32, #tpu.memory_space<vmem>>, vector<16xf32>,
      tpu.vector_store %arg13[%swap3A_1395, %swap3A_1396, %swap3A_1397], %gather3A_1354 {strides = array<i32>} : memref<2x64x512xf32, #tpu.memory_space<vmem>>, vector<16xf32>,
      %add3A_1399 = arith.constant 736 : i32
      %add3A_1400 = vector.broadcast %add3A_1399 : i32 to vector<16xi32>
      %add3A_1401 = arith.addi %add3A_871, %add3A_1400 : vector<16xi32>
      %gather3A_1402 = tpu.vector_load_idx %arg10[%add3A_1401] : memref<6144xf32, #tpu.memory_space<vmem>>[vector<16xi32>], vector<16xf32>,
      %mul3A_1403 = arith.constant 16 : i32
      %mul3A_1404 = arith.muli %scan3A_860, %mul3A_1403 : i32
      %swap3A_1405 = arith.constant 0 : i32
      %swap3A_1406 = arith.constant 43 : i32
      %swap3A_1407 = arith.index_cast %swap3A_1405 : i32 to index
      %swap3A_1408 = arith.index_cast %swap3A_1406 : i32 to index
      %swap3A_1409 = arith.index_cast %mul3A_1404 : i32 to index
      %swap3A_1410 = tpu.vector_load %arg13[%swap3A_1407, %swap3A_1408, %swap3A_1409] {strides = array<i32>} : memref<2x64x512xf32, #tpu.memory_space<vmem>>, vector<16xf32>,
      tpu.vector_store %arg13[%swap3A_1407, %swap3A_1408, %swap3A_1409], %gather3A_1366 {strides = array<i32>} : memref<2x64x512xf32, #tpu.memory_space<vmem>>, vector<16xf32>,
      %add3A_1411 = arith.constant 752 : i32
      %add3A_1412 = vector.broadcast %add3A_1411 : i32 to vector<16xi32>
      %add3A_1413 = arith.addi %add3A_871, %add3A_1412 : vector<16xi32>
      %gather3A_1414 = tpu.vector_load_idx %arg10[%add3A_1413] : memref<6144xf32, #tpu.memory_space<vmem>>[vector<16xi32>], vector<16xf32>,
      %mul3A_1415 = arith.constant 16 : i32
      %mul3A_1416 = arith.muli %scan3A_860, %mul3A_1415 : i32
      %swap3A_1417 = arith.constant 0 : i32
      %swap3A_1418 = arith.constant 44 : i32
      %swap3A_1419 = arith.index_cast %swap3A_1417 : i32 to index
      %swap3A_1420 = arith.index_cast %swap3A_1418 : i32 to index
      %swap3A_1421 = arith.index_cast %mul3A_1416 : i32 to index
      %swap3A_1422 = tpu.vector_load %arg13[%swap3A_1419, %swap3A_1420, %swap3A_1421] {strides = array<i32>} : memref<2x64x512xf32, #tpu.memory_space<vmem>>, vector<16xf32>,
      tpu.vector_store %arg13[%swap3A_1419, %swap3A_1420, %swap3A_1421], %gather3A_1378 {strides = array<i32>} : memref<2x64x512xf32, #tpu.memory_space<vmem>>, vector<16xf32>,
      %add3A_1423 = arith.constant 768 : i32
      %add3A_1424 = vector.broadcast %add3A_1423 : i32 to vector<16xi32>
      %add3A_1425 = arith.addi %add3A_871, %add3A_1424 : vector<16xi32>
      %gather3A_1426 = tpu.vector_load_idx %arg10[%add3A_1425] : memref<6144xf32, #tpu.memory_space<vmem>>[vector<16xi32>], vector<16xf32>,
      %mul3A_1427 = arith.constant 16 : i32
      %mul3A_1428 = arith.muli %scan3A_860, %mul3A_1427 : i32
      %swap3A_1429 = arith.constant 0 : i32
      %swap3A_1430 = arith.constant 45 : i32
      %swap3A_1431 = arith.index_cast %swap3A_1429 : i32 to index
      %swap3A_1432 = arith.index_cast %swap3A_1430 : i32 to index
      %swap3A_1433 = arith.index_cast %mul3A_1428 : i32 to index
      %swap3A_1434 = tpu.vector_load %arg13[%swap3A_1431, %swap3A_1432, %swap3A_1433] {strides = array<i32>} : memref<2x64x512xf32, #tpu.memory_space<vmem>>, vector<16xf32>,
      tpu.vector_store %arg13[%swap3A_1431, %swap3A_1432, %swap3A_1433], %gather3A_1390 {strides = array<i32>} : memref<2x64x512xf32, #tpu.memory_space<vmem>>, vector<16xf32>,
      %add3A_1435 = arith.constant 784 : i32
      %add3A_1436 = vector.broadcast %add3A_1435 : i32 to vector<16xi32>
      %add3A_1437 = arith.addi %add3A_871, %add3A_1436 : vector<16xi32>
      %gather3A_1438 = tpu.vector_load_idx %arg10[%add3A_1437] : memref<6144xf32, #tpu.memory_space<vmem>>[vector<16xi32>], vector<16xf32>,
      %mul3A_1439 = arith.constant 16 : i32
      %mul3A_1440 = arith.muli %scan3A_860, %mul3A_1439 : i32
      %swap3A_1441 = arith.constant 0 : i32
      %swap3A_1442 = arith.constant 46 : i32
      %swap3A_1443 = arith.index_cast %swap3A_1441 : i32 to index
      %swap3A_1444 = arith.index_cast %swap3A_1442 : i32 to index
      %swap3A_1445 = arith.index_cast %mul3A_1440 : i32 to index
      %swap3A_1446 = tpu.vector_load %arg13[%swap3A_1443, %swap3A_1444, %swap3A_1445] {strides = array<i32>} : memref<2x64x512xf32, #tpu.memory_space<vmem>>, vector<16xf32>,
      tpu.vector_store %arg13[%swap3A_1443, %swap3A_1444, %swap3A_1445], %gather3A_1402 {strides = array<i32>} : memref<2x64x512xf32, #tpu.memory_space<vmem>>, vector<16xf32>,
      %add3A_1447 = arith.constant 800 : i32
      %add3A_1448 = vector.broadcast %add3A_1447 : i32 to vector<16xi32>
      %add3A_1449 = arith.addi %add3A_871, %add3A_1448 : vector<16xi32>
      %gather3A_1450 = tpu.vector_load_idx %arg10[%add3A_1449] : memref<6144xf32, #tpu.memory_space<vmem>>[vector<16xi32>], vector<16xf32>,
      %mul3A_1451 = arith.constant 16 : i32
      %mul3A_1452 = arith.muli %scan3A_860, %mul3A_1451 : i32
      %swap3A_1453 = arith.constant 0 : i32
      %swap3A_1454 = arith.constant 47 : i32
      %swap3A_1455 = arith.index_cast %swap3A_1453 : i32 to index
      %swap3A_1456 = arith.index_cast %swap3A_1454 : i32 to index
      %swap3A_1457 = arith.index_cast %mul3A_1452 : i32 to index
      %swap3A_1458 = tpu.vector_load %arg13[%swap3A_1455, %swap3A_1456, %swap3A_1457] {strides = array<i32>} : memref<2x64x512xf32, #tpu.memory_space<vmem>>, vector<16xf32>,
      tpu.vector_store %arg13[%swap3A_1455, %swap3A_1456, %swap3A_1457], %gather3A_1414 {strides = array<i32>} : memref<2x64x512xf32, #tpu.memory_space<vmem>>, vector<16xf32>,
      %add3A_1459 = arith.constant 816 : i32
      %add3A_1460 = vector.broadcast %add3A_1459 : i32 to vector<16xi32>
      %add3A_1461 = arith.addi %add3A_871, %add3A_1460 : vector<16xi32>
      %gather3A_1462 = tpu.vector_load_idx %arg10[%add3A_1461] : memref<6144xf32, #tpu.memory_space<vmem>>[vector<16xi32>], vector<16xf32>,
      %mul3A_1463 = arith.constant 16 : i32
      %mul3A_1464 = arith.muli %scan3A_860, %mul3A_1463 : i32
      %swap3A_1465 = arith.constant 0 : i32
      %swap3A_1466 = arith.constant 48 : i32
      %swap3A_1467 = arith.index_cast %swap3A_1465 : i32 to index
      %swap3A_1468 = arith.index_cast %swap3A_1466 : i32 to index
      %swap3A_1469 = arith.index_cast %mul3A_1464 : i32 to index
      %swap3A_1470 = tpu.vector_load %arg13[%swap3A_1467, %swap3A_1468, %swap3A_1469] {strides = array<i32>} : memref<2x64x512xf32, #tpu.memory_space<vmem>>, vector<16xf32>,
      tpu.vector_store %arg13[%swap3A_1467, %swap3A_1468, %swap3A_1469], %gather3A_1426 {strides = array<i32>} : memref<2x64x512xf32, #tpu.memory_space<vmem>>, vector<16xf32>,
      %add3A_1471 = arith.constant 832 : i32
      %add3A_1472 = vector.broadcast %add3A_1471 : i32 to vector<16xi32>
      %add3A_1473 = arith.addi %add3A_871, %add3A_1472 : vector<16xi32>
      %gather3A_1474 = tpu.vector_load_idx %arg10[%add3A_1473] : memref<6144xf32, #tpu.memory_space<vmem>>[vector<16xi32>], vector<16xf32>,
      %mul3A_1475 = arith.constant 16 : i32
      %mul3A_1476 = arith.muli %scan3A_860, %mul3A_1475 : i32
      %swap3A_1477 = arith.constant 0 : i32
      %swap3A_1478 = arith.constant 49 : i32
      %swap3A_1479 = arith.index_cast %swap3A_1477 : i32 to index
      %swap3A_1480 = arith.index_cast %swap3A_1478 : i32 to index
      %swap3A_1481 = arith.index_cast %mul3A_1476 : i32 to index
      %swap3A_1482 = tpu.vector_load %arg13[%swap3A_1479, %swap3A_1480, %swap3A_1481] {strides = array<i32>} : memref<2x64x512xf32, #tpu.memory_space<vmem>>, vector<16xf32>,
      tpu.vector_store %arg13[%swap3A_1479, %swap3A_1480, %swap3A_1481], %gather3A_1438 {strides = array<i32>} : memref<2x64x512xf32, #tpu.memory_space<vmem>>, vector<16xf32>,
      %add3A_1483 = arith.constant 848 : i32
      %add3A_1484 = vector.broadcast %add3A_1483 : i32 to vector<16xi32>
      %add3A_1485 = arith.addi %add3A_871, %add3A_1484 : vector<16xi32>
      %gather3A_1486 = tpu.vector_load_idx %arg10[%add3A_1485] : memref<6144xf32, #tpu.memory_space<vmem>>[vector<16xi32>], vector<16xf32>,
      %mul3A_1487 = arith.constant 16 : i32
      %mul3A_1488 = arith.muli %scan3A_860, %mul3A_1487 : i32
      %swap3A_1489 = arith.constant 0 : i32
      %swap3A_1490 = arith.constant 50 : i32
      %swap3A_1491 = arith.index_cast %swap3A_1489 : i32 to index
      %swap3A_1492 = arith.index_cast %swap3A_1490 : i32 to index
      %swap3A_1493 = arith.index_cast %mul3A_1488 : i32 to index
      %swap3A_1494 = tpu.vector_load %arg13[%swap3A_1491, %swap3A_1492, %swap3A_1493] {strides = array<i32>} : memref<2x64x512xf32, #tpu.memory_space<vmem>>, vector<16xf32>,
      tpu.vector_store %arg13[%swap3A_1491, %swap3A_1492, %swap3A_1493], %gather3A_1450 {strides = array<i32>} : memref<2x64x512xf32, #tpu.memory_space<vmem>>, vector<16xf32>,
      %add3A_1495 = arith.constant 864 : i32
      %add3A_1496 = vector.broadcast %add3A_1495 : i32 to vector<16xi32>
      %add3A_1497 = arith.addi %add3A_871, %add3A_1496 : vector<16xi32>
      %gather3A_1498 = tpu.vector_load_idx %arg10[%add3A_1497] : memref<6144xf32, #tpu.memory_space<vmem>>[vector<16xi32>], vector<16xf32>,
      %mul3A_1499 = arith.constant 16 : i32
      %mul3A_1500 = arith.muli %scan3A_860, %mul3A_1499 : i32
      %swap3A_1501 = arith.constant 0 : i32
      %swap3A_1502 = arith.constant 51 : i32
      %swap3A_1503 = arith.index_cast %swap3A_1501 : i32 to index
      %swap3A_1504 = arith.index_cast %swap3A_1502 : i32 to index
      %swap3A_1505 = arith.index_cast %mul3A_1500 : i32 to index
      %swap3A_1506 = tpu.vector_load %arg13[%swap3A_1503, %swap3A_1504, %swap3A_1505] {strides = array<i32>} : memref<2x64x512xf32, #tpu.memory_space<vmem>>, vector<16xf32>,
      tpu.vector_store %arg13[%swap3A_1503, %swap3A_1504, %swap3A_1505], %gather3A_1462 {strides = array<i32>} : memref<2x64x512xf32, #tpu.memory_space<vmem>>, vector<16xf32>,
      %add3A_1507 = arith.constant 880 : i32
      %add3A_1508 = vector.broadcast %add3A_1507 : i32 to vector<16xi32>
      %add3A_1509 = arith.addi %add3A_871, %add3A_1508 : vector<16xi32>
      %gather3A_1510 = tpu.vector_load_idx %arg10[%add3A_1509] : memref<6144xf32, #tpu.memory_space<vmem>>[vector<16xi32>], vector<16xf32>,
      %mul3A_1511 = arith.constant 16 : i32
      %mul3A_1512 = arith.muli %scan3A_860, %mul3A_1511 : i32
      %swap3A_1513 = arith.constant 0 : i32
      %swap3A_1514 = arith.constant 52 : i32
      %swap3A_1515 = arith.index_cast %swap3A_1513 : i32 to index
      %swap3A_1516 = arith.index_cast %swap3A_1514 : i32 to index
      %swap3A_1517 = arith.index_cast %mul3A_1512 : i32 to index
      %swap3A_1518 = tpu.vector_load %arg13[%swap3A_1515, %swap3A_1516, %swap3A_1517] {strides = array<i32>} : memref<2x64x512xf32, #tpu.memory_space<vmem>>, vector<16xf32>,
      tpu.vector_store %arg13[%swap3A_1515, %swap3A_1516, %swap3A_1517], %gather3A_1474 {strides = array<i32>} : memref<2x64x512xf32, #tpu.memory_space<vmem>>, vector<16xf32>,
      %add3A_1519 = arith.constant 896 : i32
      %add3A_1520 = vector.broadcast %add3A_1519 : i32 to vector<16xi32>
      %add3A_1521 = arith.addi %add3A_871, %add3A_1520 : vector<16xi32>
      %gather3A_1522 = tpu.vector_load_idx %arg10[%add3A_1521] : memref<6144xf32, #tpu.memory_space<vmem>>[vector<16xi32>], vector<16xf32>,
      %mul3A_1523 = arith.constant 16 : i32
      %mul3A_1524 = arith.muli %scan3A_860, %mul3A_1523 : i32
      %swap3A_1525 = arith.constant 0 : i32
      %swap3A_1526 = arith.constant 53 : i32
      %swap3A_1527 = arith.index_cast %swap3A_1525 : i32 to index
      %swap3A_1528 = arith.index_cast %swap3A_1526 : i32 to index
      %swap3A_1529 = arith.index_cast %mul3A_1524 : i32 to index
      %swap3A_1530 = tpu.vector_load %arg13[%swap3A_1527, %swap3A_1528, %swap3A_1529] {strides = array<i32>} : memref<2x64x512xf32, #tpu.memory_space<vmem>>, vector<16xf32>,
      tpu.vector_store %arg13[%swap3A_1527, %swap3A_1528, %swap3A_1529], %gather3A_1486 {strides = array<i32>} : memref<2x64x512xf32, #tpu.memory_space<vmem>>, vector<16xf32>,
      %add3A_1531 = arith.constant 912 : i32
      %add3A_1532 = vector.broadcast %add3A_1531 : i32 to vector<16xi32>
      %add3A_1533 = arith.addi %add3A_871, %add3A_1532 : vector<16xi32>
      %gather3A_1534 = tpu.vector_load_idx %arg10[%add3A_1533] : memref<6144xf32, #tpu.memory_space<vmem>>[vector<16xi32>], vector<16xf32>,
      %mul3A_1535 = arith.constant 16 : i32
      %mul3A_1536 = arith.muli %scan3A_860, %mul3A_1535 : i32
      %swap3A_1537 = arith.constant 0 : i32
      %swap3A_1538 = arith.constant 54 : i32
      %swap3A_1539 = arith.index_cast %swap3A_1537 : i32 to index
      %swap3A_1540 = arith.index_cast %swap3A_1538 : i32 to index
      %swap3A_1541 = arith.index_cast %mul3A_1536 : i32 to index
      %swap3A_1542 = tpu.vector_load %arg13[%swap3A_1539, %swap3A_1540, %swap3A_1541] {strides = array<i32>} : memref<2x64x512xf32, #tpu.memory_space<vmem>>, vector<16xf32>,
      tpu.vector_store %arg13[%swap3A_1539, %swap3A_1540, %swap3A_1541], %gather3A_1498 {strides = array<i32>} : memref<2x64x512xf32, #tpu.memory_space<vmem>>, vector<16xf32>,
      %add3A_1543 = arith.constant 928 : i32
      %add3A_1544 = vector.broadcast %add3A_1543 : i32 to vector<16xi32>
      %add3A_1545 = arith.addi %add3A_871, %add3A_1544 : vector<16xi32>
      %gather3A_1546 = tpu.vector_load_idx %arg10[%add3A_1545] : memref<6144xf32, #tpu.memory_space<vmem>>[vector<16xi32>], vector<16xf32>,
      %mul3A_1547 = arith.constant 16 : i32
      %mul3A_1548 = arith.muli %scan3A_860, %mul3A_1547 : i32
      %swap3A_1549 = arith.constant 0 : i32
      %swap3A_1550 = arith.constant 55 : i32
      %swap3A_1551 = arith.index_cast %swap3A_1549 : i32 to index
      %swap3A_1552 = arith.index_cast %swap3A_1550 : i32 to index
      %swap3A_1553 = arith.index_cast %mul3A_1548 : i32 to index
      %swap3A_1554 = tpu.vector_load %arg13[%swap3A_1551, %swap3A_1552, %swap3A_1553] {strides = array<i32>} : memref<2x64x512xf32, #tpu.memory_space<vmem>>, vector<16xf32>,
      tpu.vector_store %arg13[%swap3A_1551, %swap3A_1552, %swap3A_1553], %gather3A_1510 {strides = array<i32>} : memref<2x64x512xf32, #tpu.memory_space<vmem>>, vector<16xf32>,
      %add3A_1555 = arith.constant 944 : i32
      %add3A_1556 = vector.broadcast %add3A_1555 : i32 to vector<16xi32>
      %add3A_1557 = arith.addi %add3A_871, %add3A_1556 : vector<16xi32>
      %gather3A_1558 = tpu.vector_load_idx %arg10[%add3A_1557] : memref<6144xf32, #tpu.memory_space<vmem>>[vector<16xi32>], vector<16xf32>,
      %mul3A_1559 = arith.constant 16 : i32
      %mul3A_1560 = arith.muli %scan3A_860, %mul3A_1559 : i32
      %swap3A_1561 = arith.constant 0 : i32
      %swap3A_1562 = arith.constant 56 : i32
      %swap3A_1563 = arith.index_cast %swap3A_1561 : i32 to index
      %swap3A_1564 = arith.index_cast %swap3A_1562 : i32 to index
      %swap3A_1565 = arith.index_cast %mul3A_1560 : i32 to index
      %swap3A_1566 = tpu.vector_load %arg13[%swap3A_1563, %swap3A_1564, %swap3A_1565] {strides = array<i32>} : memref<2x64x512xf32, #tpu.memory_space<vmem>>, vector<16xf32>,
      tpu.vector_store %arg13[%swap3A_1563, %swap3A_1564, %swap3A_1565], %gather3A_1522 {strides = array<i32>} : memref<2x64x512xf32, #tpu.memory_space<vmem>>, vector<16xf32>,
      %add3A_1567 = arith.constant 960 : i32
      %add3A_1568 = vector.broadcast %add3A_1567 : i32 to vector<16xi32>
      %add3A_1569 = arith.addi %add3A_871, %add3A_1568 : vector<16xi32>
      %gather3A_1570 = tpu.vector_load_idx %arg10[%add3A_1569] : memref<6144xf32, #tpu.memory_space<vmem>>[vector<16xi32>], vector<16xf32>,
      %mul3A_1571 = arith.constant 16 : i32
      %mul3A_1572 = arith.muli %scan3A_860, %mul3A_1571 : i32
      %swap3A_1573 = arith.constant 0 : i32
      %swap3A_1574 = arith.constant 57 : i32
      %swap3A_1575 = arith.index_cast %swap3A_1573 : i32 to index
      %swap3A_1576 = arith.index_cast %swap3A_1574 : i32 to index
      %swap3A_1577 = arith.index_cast %mul3A_1572 : i32 to index
      %swap3A_1578 = tpu.vector_load %arg13[%swap3A_1575, %swap3A_1576, %swap3A_1577] {strides = array<i32>} : memref<2x64x512xf32, #tpu.memory_space<vmem>>, vector<16xf32>,
      tpu.vector_store %arg13[%swap3A_1575, %swap3A_1576, %swap3A_1577], %gather3A_1534 {strides = array<i32>} : memref<2x64x512xf32, #tpu.memory_space<vmem>>, vector<16xf32>,
      %add3A_1579 = arith.constant 976 : i32
      %add3A_1580 = vector.broadcast %add3A_1579 : i32 to vector<16xi32>
      %add3A_1581 = arith.addi %add3A_871, %add3A_1580 : vector<16xi32>
      %gather3A_1582 = tpu.vector_load_idx %arg10[%add3A_1581] : memref<6144xf32, #tpu.memory_space<vmem>>[vector<16xi32>], vector<16xf32>,
      %mul3A_1583 = arith.constant 16 : i32
      %mul3A_1584 = arith.muli %scan3A_860, %mul3A_1583 : i32
      %swap3A_1585 = arith.constant 0 : i32
      %swap3A_1586 = arith.constant 58 : i32
      %swap3A_1587 = arith.index_cast %swap3A_1585 : i32 to index
      %swap3A_1588 = arith.index_cast %swap3A_1586 : i32 to index
      %swap3A_1589 = arith.index_cast %mul3A_1584 : i32 to index
      %swap3A_1590 = tpu.vector_load %arg13[%swap3A_1587, %swap3A_1588, %swap3A_1589] {strides = array<i32>} : memref<2x64x512xf32, #tpu.memory_space<vmem>>, vector<16xf32>,
      tpu.vector_store %arg13[%swap3A_1587, %swap3A_1588, %swap3A_1589], %gather3A_1546 {strides = array<i32>} : memref<2x64x512xf32, #tpu.memory_space<vmem>>, vector<16xf32>,
      %add3A_1591 = arith.constant 992 : i32
      %add3A_1592 = vector.broadcast %add3A_1591 : i32 to vector<16xi32>
      %add3A_1593 = arith.addi %add3A_871, %add3A_1592 : vector<16xi32>
      %gather3A_1594 = tpu.vector_load_idx %arg10[%add3A_1593] : memref<6144xf32, #tpu.memory_space<vmem>>[vector<16xi32>], vector<16xf32>,
      %mul3A_1595 = arith.constant 16 : i32
      %mul3A_1596 = arith.muli %scan3A_860, %mul3A_1595 : i32
      %swap3A_1597 = arith.constant 0 : i32
      %swap3A_1598 = arith.constant 59 : i32
      %swap3A_1599 = arith.index_cast %swap3A_1597 : i32 to index
      %swap3A_1600 = arith.index_cast %swap3A_1598 : i32 to index
      %swap3A_1601 = arith.index_cast %mul3A_1596 : i32 to index
      %swap3A_1602 = tpu.vector_load %arg13[%swap3A_1599, %swap3A_1600, %swap3A_1601] {strides = array<i32>} : memref<2x64x512xf32, #tpu.memory_space<vmem>>, vector<16xf32>,
      tpu.vector_store %arg13[%swap3A_1599, %swap3A_1600, %swap3A_1601], %gather3A_1558 {strides = array<i32>} : memref<2x64x512xf32, #tpu.memory_space<vmem>>, vector<16xf32>,
      %add3A_1603 = arith.constant 1008 : i32
      %add3A_1604 = vector.broadcast %add3A_1603 : i32 to vector<16xi32>
      %add3A_1605 = arith.addi %add3A_871, %add3A_1604 : vector<16xi32>
      %gather3A_1606 = tpu.vector_load_idx %arg10[%add3A_1605] : memref<6144xf32, #tpu.memory_space<vmem>>[vector<16xi32>], vector<16xf32>,
      %mul3A_1607 = arith.constant 16 : i32
      %mul3A_1608 = arith.muli %scan3A_860, %mul3A_1607 : i32
      %swap3A_1609 = arith.constant 0 : i32
      %swap3A_1610 = arith.constant 60 : i32
      %swap3A_1611 = arith.index_cast %swap3A_1609 : i32 to index
      %swap3A_1612 = arith.index_cast %swap3A_1610 : i32 to index
      %swap3A_1613 = arith.index_cast %mul3A_1608 : i32 to index
      %swap3A_1614 = tpu.vector_load %arg13[%swap3A_1611, %swap3A_1612, %swap3A_1613] {strides = array<i32>} : memref<2x64x512xf32, #tpu.memory_space<vmem>>, vector<16xf32>,
      tpu.vector_store %arg13[%swap3A_1611, %swap3A_1612, %swap3A_1613], %gather3A_1570 {strides = array<i32>} : memref<2x64x512xf32, #tpu.memory_space<vmem>>, vector<16xf32>,
      %mul3A_1615 = arith.constant 16 : i32
      %mul3A_1616 = arith.muli %scan3A_860, %mul3A_1615 : i32
      %swap3A_1617 = arith.constant 0 : i32
      %swap3A_1618 = arith.constant 61 : i32
      %swap3A_1619 = arith.index_cast %swap3A_1617 : i32 to index
      %swap3A_1620 = arith.index_cast %swap3A_1618 : i32 to index
      %swap3A_1621 = arith.index_cast %mul3A_1616 : i32 to index
      %swap3A_1622 = tpu.vector_load %arg13[%swap3A_1619, %swap3A_1620, %swap3A_1621] {strides = array<i32>} : memref<2x64x512xf32, #tpu.memory_space<vmem>>, vector<16xf32>,
      tpu.vector_store %arg13[%swap3A_1619, %swap3A_1620, %swap3A_1621], %gather3A_1582 {strides = array<i32>} : memref<2x64x512xf32, #tpu.memory_space<vmem>>, vector<16xf32>,
      %mul3A_1623 = arith.constant 16 : i32
      %mul3A_1624 = arith.muli %scan3A_860, %mul3A_1623 : i32
      %swap3A_1625 = arith.constant 0 : i32
      %swap3A_1626 = arith.constant 62 : i32
      %swap3A_1627 = arith.index_cast %swap3A_1625 : i32 to index
      %swap3A_1628 = arith.index_cast %swap3A_1626 : i32 to index
      %swap3A_1629 = arith.index_cast %mul3A_1624 : i32 to index
      %swap3A_1630 = tpu.vector_load %arg13[%swap3A_1627, %swap3A_1628, %swap3A_1629] {strides = array<i32>} : memref<2x64x512xf32, #tpu.memory_space<vmem>>, vector<16xf32>,
      tpu.vector_store %arg13[%swap3A_1627, %swap3A_1628, %swap3A_1629], %gather3A_1594 {strides = array<i32>} : memref<2x64x512xf32, #tpu.memory_space<vmem>>, vector<16xf32>,
      %mul3A_1631 = arith.constant 16 : i32
      %mul3A_1632 = arith.muli %scan3A_860, %mul3A_1631 : i32
      %swap3A_1633 = arith.constant 0 : i32
      %swap3A_1634 = arith.constant 63 : i32
      %swap3A_1635 = arith.index_cast %swap3A_1633 : i32 to index
      %swap3A_1636 = arith.index_cast %swap3A_1634 : i32 to index
      %swap3A_1637 = arith.index_cast %mul3A_1632 : i32 to index
      %swap3A_1638 = tpu.vector_load %arg13[%swap3A_1635, %swap3A_1636, %swap3A_1637] {strides = array<i32>} : memref<2x64x512xf32, #tpu.memory_space<vmem>>, vector<16xf32>,
      tpu.vector_store %arg13[%swap3A_1635, %swap3A_1636, %swap3A_1637], %gather3A_1606 {strides = array<i32>} : memref<2x64x512xf32, #tpu.memory_space<vmem>>, vector<16xf32>,
      %scan3A_1639 = arith.constant 0 : i32
      scf.yield %scan3A_1639 : i32
    }
    %scan3A_8 = arith.constant 32 : i32
    %dma_start3A = arith.constant 0 : i32
    %dma_start3A_9 = arith.constant 0 : i32
    %dma_start3A_10 = arith.constant 0 : i32
    %dma_start3A_11 = tpu.memref_slice %arg13[%dma_start3A, %dma_start3A_9, %dma_start3A_10] : memref<2x64x512xf32, #tpu.memory_space<vmem>> -> memref<1x64x512xf32, #tpu.memory_space<vmem>>
    %dma_start3A_12 = tpu.memref_squeeze %dma_start3A_11 : memref<1x64x512xf32, #tpu.memory_space<vmem>> -> memref<64x512xf32, #tpu.memory_space<vmem>>
    %dma_start3A_13 = arith.constant 0 : i32
    %dma_start3A_14 = tpu.memref_slice %arg7[%dma_start3A_13, %mul3A_2] : memref<3488x16384xf32, #tpu.memory_space<hbm>> -> memref<64x512xf32, #tpu.memory_space<hbm>>
    %dma_start3A_15 = arith.constant 0 : i32
    %dma_start3A_16 = tpu.memref_slice %arg7[%dma_start3A_15, %mul3A_2] : memref<3488x16384xf32, #tpu.memory_space<hbm>> -> memref<64x512xf32, #tpu.memory_space<hbm>>
    %dma_start3A_17 = arith.constant 0 : i32
    %dma_start3A_18 = arith.constant 0 : i32
    %dma_start3A_19 = tpu.memref_slice %arg13[%dma_start3A, %dma_start3A_17, %dma_start3A_18] : memref<2x64x512xf32, #tpu.memory_space<vmem>> -> memref<1x64x512xf32, #tpu.memory_space<vmem>>
    %dma_start3A_20 = tpu.memref_squeeze %dma_start3A_19 : memref<1x64x512xf32, #tpu.memory_space<vmem>> -> memref<64x512xf32, #tpu.memory_space<vmem>>
    tpu.enqueue_dma source(%dma_start3A_20 : memref<64x512xf32, #tpu.memory_space<vmem>>) target(%dma_start3A_16 : memref<64x512xf32, #tpu.memory_space<hbm>>) target_semaphore(%arg15 : memref<!tpu.dma_semaphore, #tpu.memory_space<semaphore_mem>>)
    %iota3A_21 = tpu.iota {dimensions = array<i32: 0>} : vector<16xi32>
    %scan3A_22 = arith.constant 0 : i32
    %scan3A_23 = arith.constant 0 : i32
    %scan3A_24 = arith.constant 32 : i32
    %scan3A_25 = arith.addi %scan3A_23, %scan3A_24 : i32
    %scan3A_26 = arith.constant 1 : i32
    %scan3A_27 = scf.for %scan3A_860 = %scan3A_23 to %scan3A_25 step %scan3A_26 iter_args(%scan3A_861 = %scan3A_22) -> (i32)  : i32 {
      %mul3A_862 = arith.constant 16 : i32
      %mul3A_863 = arith.muli %scan3A_860, %mul3A_862 : i32
      %get3A_864 = arith.constant 1 : i32
      %get3A_865 = arith.index_cast %get3A_864 : i32 to index
      %get3A_866 = arith.index_cast %mul3A_863 : i32 to index
      %get3A_867 = tpu.vector_load %arg8[%get3A_865, %get3A_866] {strides = array<i32>} : memref<54x512xi32, #tpu.memory_space<vmem>>, vector<16xi32>,
      %mul3A_868 = arith.constant 1024 : i32
      %mul3A_869 = vector.broadcast %mul3A_868 : i32 to vector<16xi32>
      %mul3A_870 = arith.muli %get3A_867, %mul3A_869 : vector<16xi32>
      %add3A_871 = arith.addi %mul3A_870, %iota3A_21 : vector<16xi32>
      %add3A_872 = arith.constant 0 : i32
      %add3A_873 = vector.broadcast %add3A_872 : i32 to vector<16xi32>
      %add3A_874 = arith.addi %add3A_871, %add3A_873 : vector<16xi32>
      %gather3A_875 = tpu.vector_load_idx %arg10[%add3A_874] : memref<6144xf32, #tpu.memory_space<vmem>>[vector<16xi32>], vector<16xf32>,
      %add3A_876 = arith.constant 16 : i32
      %add3A_877 = vector.broadcast %add3A_876 : i32 to vector<16xi32>
      %add3A_878 = arith.addi %add3A_871, %add3A_877 : vector<16xi32>
      %gather3A_879 = tpu.vector_load_idx %arg10[%add3A_878] : memref<6144xf32, #tpu.memory_space<vmem>>[vector<16xi32>], vector<16xf32>,
      %add3A_880 = arith.constant 32 : i32
      %add3A_881 = vector.broadcast %add3A_880 : i32 to vector<16xi32>
      %add3A_882 = arith.addi %add3A_871, %add3A_881 : vector<16xi32>
      %gather3A_883 = tpu.vector_load_idx %arg10[%add3A_882] : memref<6144xf32, #tpu.memory_space<vmem>>[vector<16xi32>], vector<16xf32>,
      %add3A_884 = arith.constant 48 : i32
      %add3A_885 = vector.broadcast %add3A_884 : i32 to vector<16xi32>
      %add3A_886 = arith.addi %add3A_871, %add3A_885 : vector<16xi32>
      %gather3A_887 = tpu.vector_load_idx %arg10[%add3A_886] : memref<6144xf32, #tpu.memory_space<vmem>>[vector<16xi32>], vector<16xf32>,
      %mul3A_888 = arith.constant 16 : i32
      %mul3A_889 = arith.muli %scan3A_860, %mul3A_888 : i32
      %swap3A = arith.constant 1 : i32
      %swap3A_890 = arith.constant 0 : i32
      %swap3A_891 = arith.index_cast %swap3A : i32 to index
      %swap3A_892 = arith.index_cast %swap3A_890 : i32 to index
      %swap3A_893 = arith.index_cast %mul3A_889 : i32 to index
      %swap3A_894 = tpu.vector_load %arg13[%swap3A_891, %swap3A_892, %swap3A_893] {strides = array<i32>} : memref<2x64x512xf32, #tpu.memory_space<vmem>>, vector<16xf32>,
      tpu.vector_store %arg13[%swap3A_891, %swap3A_892, %swap3A_893], %gather3A_875 {strides = array<i32>} : memref<2x64x512xf32, #tpu.memory_space<vmem>>, vector<16xf32>,
      %add3A_895 = arith.constant 64 : i32
      %add3A_896 = vector.broadcast %add3A_895 : i32 to vector<16xi32>
      %add3A_897 = arith.addi %add3A_871, %add3A_896 : vector<16xi32>
      %gather3A_898 = tpu.vector_load_idx %arg10[%add3A_897] : memref<6144xf32, #tpu.memory_space<vmem>>[vector<16xi32>], vector<16xf32>,
      %mul3A_899 = arith.constant 16 : i32
      %mul3A_900 = arith.muli %scan3A_860, %mul3A_899 : i32
      %swap3A_901 = arith.constant 1 : i32
      %swap3A_902 = arith.constant 1 : i32
      %swap3A_903 = arith.index_cast %swap3A_901 : i32 to index
      %swap3A_904 = arith.index_cast %swap3A_902 : i32 to index
      %swap3A_905 = arith.index_cast %mul3A_900 : i32 to index
      %swap3A_906 = tpu.vector_load %arg13[%swap3A_903, %swap3A_904, %swap3A_905] {strides = array<i32>} : memref<2x64x512xf32, #tpu.memory_space<vmem>>, vector<16xf32>,
      tpu.vector_store %arg13[%swap3A_903, %swap3A_904, %swap3A_905], %gather3A_879 {strides = array<i32>} : memref<2x64x512xf32, #tpu.memory_space<vmem>>, vector<16xf32>,
      %add3A_907 = arith.constant 80 : i32
      %add3A_908 = vector.broadcast %add3A_907 : i32 to vector<16xi32>
      %add3A_909 = arith.addi %add3A_871, %add3A_908 : vector<16xi32>
      %gather3A_910 = tpu.vector_load_idx %arg10[%add3A_909] : memref<6144xf32, #tpu.memory_space<vmem>>[vector<16xi32>], vector<16xf32>,
      %mul3A_911 = arith.constant 16 : i32
      %mul3A_912 = arith.muli %scan3A_860, %mul3A_911 : i32
      %swap3A_913 = arith.constant 1 : i32
      %swap3A_914 = arith.constant 2 : i32
      %swap3A_915 = arith.index_cast %swap3A_913 : i32 to index
      %swap3A_916 = arith.index_cast %swap3A_914 : i32 to index
      %swap3A_917 = arith.index_cast %mul3A_912 : i32 to index
      %swap3A_918 = tpu.vector_load %arg13[%swap3A_915, %swap3A_916, %swap3A_917] {strides = array<i32>} : memref<2x64x512xf32, #tpu.memory_space<vmem>>, vector<16xf32>,
      tpu.vector_store %arg13[%swap3A_915, %swap3A_916, %swap3A_917], %gather3A_883 {strides = array<i32>} : memref<2x64x512xf32, #tpu.memory_space<vmem>>, vector<16xf32>,
      %add3A_919 = arith.constant 96 : i32
      %add3A_920 = vector.broadcast %add3A_919 : i32 to vector<16xi32>
      %add3A_921 = arith.addi %add3A_871, %add3A_920 : vector<16xi32>
      %gather3A_922 = tpu.vector_load_idx %arg10[%add3A_921] : memref<6144xf32, #tpu.memory_space<vmem>>[vector<16xi32>], vector<16xf32>,
      %mul3A_923 = arith.constant 16 : i32
      %mul3A_924 = arith.muli %scan3A_860, %mul3A_923 : i32
      %swap3A_925 = arith.constant 1 : i32
      %swap3A_926 = arith.constant 3 : i32
      %swap3A_927 = arith.index_cast %swap3A_925 : i32 to index
      %swap3A_928 = arith.index_cast %swap3A_926 : i32 to index
      %swap3A_929 = arith.index_cast %mul3A_924 : i32 to index
      %swap3A_930 = tpu.vector_load %arg13[%swap3A_927, %swap3A_928, %swap3A_929] {strides = array<i32>} : memref<2x64x512xf32, #tpu.memory_space<vmem>>, vector<16xf32>,
      tpu.vector_store %arg13[%swap3A_927, %swap3A_928, %swap3A_929], %gather3A_887 {strides = array<i32>} : memref<2x64x512xf32, #tpu.memory_space<vmem>>, vector<16xf32>,
      %add3A_931 = arith.constant 112 : i32
      %add3A_932 = vector.broadcast %add3A_931 : i32 to vector<16xi32>
      %add3A_933 = arith.addi %add3A_871, %add3A_932 : vector<16xi32>
      %gather3A_934 = tpu.vector_load_idx %arg10[%add3A_933] : memref<6144xf32, #tpu.memory_space<vmem>>[vector<16xi32>], vector<16xf32>,
      %mul3A_935 = arith.constant 16 : i32
      %mul3A_936 = arith.muli %scan3A_860, %mul3A_935 : i32
      %swap3A_937 = arith.constant 1 : i32
      %swap3A_938 = arith.constant 4 : i32
      %swap3A_939 = arith.index_cast %swap3A_937 : i32 to index
      %swap3A_940 = arith.index_cast %swap3A_938 : i32 to index
      %swap3A_941 = arith.index_cast %mul3A_936 : i32 to index
      %swap3A_942 = tpu.vector_load %arg13[%swap3A_939, %swap3A_940, %swap3A_941] {strides = array<i32>} : memref<2x64x512xf32, #tpu.memory_space<vmem>>, vector<16xf32>,
      tpu.vector_store %arg13[%swap3A_939, %swap3A_940, %swap3A_941], %gather3A_898 {strides = array<i32>} : memref<2x64x512xf32, #tpu.memory_space<vmem>>, vector<16xf32>,
      %add3A_943 = arith.constant 128 : i32
      %add3A_944 = vector.broadcast %add3A_943 : i32 to vector<16xi32>
      %add3A_945 = arith.addi %add3A_871, %add3A_944 : vector<16xi32>
      %gather3A_946 = tpu.vector_load_idx %arg10[%add3A_945] : memref<6144xf32, #tpu.memory_space<vmem>>[vector<16xi32>], vector<16xf32>,
      %mul3A_947 = arith.constant 16 : i32
      %mul3A_948 = arith.muli %scan3A_860, %mul3A_947 : i32
      %swap3A_949 = arith.constant 1 : i32
      %swap3A_950 = arith.constant 5 : i32
      %swap3A_951 = arith.index_cast %swap3A_949 : i32 to index
      %swap3A_952 = arith.index_cast %swap3A_950 : i32 to index
      %swap3A_953 = arith.index_cast %mul3A_948 : i32 to index
      %swap3A_954 = tpu.vector_load %arg13[%swap3A_951, %swap3A_952, %swap3A_953] {strides = array<i32>} : memref<2x64x512xf32, #tpu.memory_space<vmem>>, vector<16xf32>,
      tpu.vector_store %arg13[%swap3A_951, %swap3A_952, %swap3A_953], %gather3A_910 {strides = array<i32>} : memref<2x64x512xf32, #tpu.memory_space<vmem>>, vector<16xf32>,
      %add3A_955 = arith.constant 144 : i32
      %add3A_956 = vector.broadcast %add3A_955 : i32 to vector<16xi32>
      %add3A_957 = arith.addi %add3A_871, %add3A_956 : vector<16xi32>
      %gather3A_958 = tpu.vector_load_idx %arg10[%add3A_957] : memref<6144xf32, #tpu.memory_space<vmem>>[vector<16xi32>], vector<16xf32>,
      %mul3A_959 = arith.constant 16 : i32
      %mul3A_960 = arith.muli %scan3A_860, %mul3A_959 : i32
      %swap3A_961 = arith.constant 1 : i32
      %swap3A_962 = arith.constant 6 : i32
      %swap3A_963 = arith.index_cast %swap3A_961 : i32 to index
      %swap3A_964 = arith.index_cast %swap3A_962 : i32 to index
      %swap3A_965 = arith.index_cast %mul3A_960 : i32 to index
      %swap3A_966 = tpu.vector_load %arg13[%swap3A_963, %swap3A_964, %swap3A_965] {strides = array<i32>} : memref<2x64x512xf32, #tpu.memory_space<vmem>>, vector<16xf32>,
      tpu.vector_store %arg13[%swap3A_963, %swap3A_964, %swap3A_965], %gather3A_922 {strides = array<i32>} : memref<2x64x512xf32, #tpu.memory_space<vmem>>, vector<16xf32>,
      %add3A_967 = arith.constant 160 : i32
      %add3A_968 = vector.broadcast %add3A_967 : i32 to vector<16xi32>
      %add3A_969 = arith.addi %add3A_871, %add3A_968 : vector<16xi32>
      %gather3A_970 = tpu.vector_load_idx %arg10[%add3A_969] : memref<6144xf32, #tpu.memory_space<vmem>>[vector<16xi32>], vector<16xf32>,
      %mul3A_971 = arith.constant 16 : i32
      %mul3A_972 = arith.muli %scan3A_860, %mul3A_971 : i32
      %swap3A_973 = arith.constant 1 : i32
      %swap3A_974 = arith.constant 7 : i32
      %swap3A_975 = arith.index_cast %swap3A_973 : i32 to index
      %swap3A_976 = arith.index_cast %swap3A_974 : i32 to index
      %swap3A_977 = arith.index_cast %mul3A_972 : i32 to index
      %swap3A_978 = tpu.vector_load %arg13[%swap3A_975, %swap3A_976, %swap3A_977] {strides = array<i32>} : memref<2x64x512xf32, #tpu.memory_space<vmem>>, vector<16xf32>,
      tpu.vector_store %arg13[%swap3A_975, %swap3A_976, %swap3A_977], %gather3A_934 {strides = array<i32>} : memref<2x64x512xf32, #tpu.memory_space<vmem>>, vector<16xf32>,
      %add3A_979 = arith.constant 176 : i32
      %add3A_980 = vector.broadcast %add3A_979 : i32 to vector<16xi32>
      %add3A_981 = arith.addi %add3A_871, %add3A_980 : vector<16xi32>
      %gather3A_982 = tpu.vector_load_idx %arg10[%add3A_981] : memref<6144xf32, #tpu.memory_space<vmem>>[vector<16xi32>], vector<16xf32>,
      %mul3A_983 = arith.constant 16 : i32
      %mul3A_984 = arith.muli %scan3A_860, %mul3A_983 : i32
      %swap3A_985 = arith.constant 1 : i32
      %swap3A_986 = arith.constant 8 : i32
      %swap3A_987 = arith.index_cast %swap3A_985 : i32 to index
      %swap3A_988 = arith.index_cast %swap3A_986 : i32 to index
      %swap3A_989 = arith.index_cast %mul3A_984 : i32 to index
      %swap3A_990 = tpu.vector_load %arg13[%swap3A_987, %swap3A_988, %swap3A_989] {strides = array<i32>} : memref<2x64x512xf32, #tpu.memory_space<vmem>>, vector<16xf32>,
      tpu.vector_store %arg13[%swap3A_987, %swap3A_988, %swap3A_989], %gather3A_946 {strides = array<i32>} : memref<2x64x512xf32, #tpu.memory_space<vmem>>, vector<16xf32>,
      %add3A_991 = arith.constant 192 : i32
      %add3A_992 = vector.broadcast %add3A_991 : i32 to vector<16xi32>
      %add3A_993 = arith.addi %add3A_871, %add3A_992 : vector<16xi32>
      %gather3A_994 = tpu.vector_load_idx %arg10[%add3A_993] : memref<6144xf32, #tpu.memory_space<vmem>>[vector<16xi32>], vector<16xf32>,
      %mul3A_995 = arith.constant 16 : i32
      %mul3A_996 = arith.muli %scan3A_860, %mul3A_995 : i32
      %swap3A_997 = arith.constant 1 : i32
      %swap3A_998 = arith.constant 9 : i32
      %swap3A_999 = arith.index_cast %swap3A_997 : i32 to index
      %swap3A_1000 = arith.index_cast %swap3A_998 : i32 to index
      %swap3A_1001 = arith.index_cast %mul3A_996 : i32 to index
      %swap3A_1002 = tpu.vector_load %arg13[%swap3A_999, %swap3A_1000, %swap3A_1001] {strides = array<i32>} : memref<2x64x512xf32, #tpu.memory_space<vmem>>, vector<16xf32>,
      tpu.vector_store %arg13[%swap3A_999, %swap3A_1000, %swap3A_1001], %gather3A_958 {strides = array<i32>} : memref<2x64x512xf32, #tpu.memory_space<vmem>>, vector<16xf32>,
      %add3A_1003 = arith.constant 208 : i32
      %add3A_1004 = vector.broadcast %add3A_1003 : i32 to vector<16xi32>
      %add3A_1005 = arith.addi %add3A_871, %add3A_1004 : vector<16xi32>
      %gather3A_1006 = tpu.vector_load_idx %arg10[%add3A_1005] : memref<6144xf32, #tpu.memory_space<vmem>>[vector<16xi32>], vector<16xf32>,
      %mul3A_1007 = arith.constant 16 : i32
      %mul3A_1008 = arith.muli %scan3A_860, %mul3A_1007 : i32
      %swap3A_1009 = arith.constant 1 : i32
      %swap3A_1010 = arith.constant 10 : i32
      %swap3A_1011 = arith.index_cast %swap3A_1009 : i32 to index
      %swap3A_1012 = arith.index_cast %swap3A_1010 : i32 to index
      %swap3A_1013 = arith.index_cast %mul3A_1008 : i32 to index
      %swap3A_1014 = tpu.vector_load %arg13[%swap3A_1011, %swap3A_1012, %swap3A_1013] {strides = array<i32>} : memref<2x64x512xf32, #tpu.memory_space<vmem>>, vector<16xf32>,
      tpu.vector_store %arg13[%swap3A_1011, %swap3A_1012, %swap3A_1013], %gather3A_970 {strides = array<i32>} : memref<2x64x512xf32, #tpu.memory_space<vmem>>, vector<16xf32>,
      %add3A_1015 = arith.constant 224 : i32
      %add3A_1016 = vector.broadcast %add3A_1015 : i32 to vector<16xi32>
      %add3A_1017 = arith.addi %add3A_871, %add3A_1016 : vector<16xi32>
      %gather3A_1018 = tpu.vector_load_idx %arg10[%add3A_1017] : memref<6144xf32, #tpu.memory_space<vmem>>[vector<16xi32>], vector<16xf32>,
      %mul3A_1019 = arith.constant 16 : i32
      %mul3A_1020 = arith.muli %scan3A_860, %mul3A_1019 : i32
      %swap3A_1021 = arith.constant 1 : i32
      %swap3A_1022 = arith.constant 11 : i32
      %swap3A_1023 = arith.index_cast %swap3A_1021 : i32 to index
      %swap3A_1024 = arith.index_cast %swap3A_1022 : i32 to index
      %swap3A_1025 = arith.index_cast %mul3A_1020 : i32 to index
      %swap3A_1026 = tpu.vector_load %arg13[%swap3A_1023, %swap3A_1024, %swap3A_1025] {strides = array<i32>} : memref<2x64x512xf32, #tpu.memory_space<vmem>>, vector<16xf32>,
      tpu.vector_store %arg13[%swap3A_1023, %swap3A_1024, %swap3A_1025], %gather3A_982 {strides = array<i32>} : memref<2x64x512xf32, #tpu.memory_space<vmem>>, vector<16xf32>,
      %add3A_1027 = arith.constant 240 : i32
      %add3A_1028 = vector.broadcast %add3A_1027 : i32 to vector<16xi32>
      %add3A_1029 = arith.addi %add3A_871, %add3A_1028 : vector<16xi32>
      %gather3A_1030 = tpu.vector_load_idx %arg10[%add3A_1029] : memref<6144xf32, #tpu.memory_space<vmem>>[vector<16xi32>], vector<16xf32>,
      %mul3A_1031 = arith.constant 16 : i32
      %mul3A_1032 = arith.muli %scan3A_860, %mul3A_1031 : i32
      %swap3A_1033 = arith.constant 1 : i32
      %swap3A_1034 = arith.constant 12 : i32
      %swap3A_1035 = arith.index_cast %swap3A_1033 : i32 to index
      %swap3A_1036 = arith.index_cast %swap3A_1034 : i32 to index
      %swap3A_1037 = arith.index_cast %mul3A_1032 : i32 to index
      %swap3A_1038 = tpu.vector_load %arg13[%swap3A_1035, %swap3A_1036, %swap3A_1037] {strides = array<i32>} : memref<2x64x512xf32, #tpu.memory_space<vmem>>, vector<16xf32>,
      tpu.vector_store %arg13[%swap3A_1035, %swap3A_1036, %swap3A_1037], %gather3A_994 {strides = array<i32>} : memref<2x64x512xf32, #tpu.memory_space<vmem>>, vector<16xf32>,
      %add3A_1039 = arith.constant 256 : i32
      %add3A_1040 = vector.broadcast %add3A_1039 : i32 to vector<16xi32>
      %add3A_1041 = arith.addi %add3A_871, %add3A_1040 : vector<16xi32>
      %gather3A_1042 = tpu.vector_load_idx %arg10[%add3A_1041] : memref<6144xf32, #tpu.memory_space<vmem>>[vector<16xi32>], vector<16xf32>,
      %mul3A_1043 = arith.constant 16 : i32
      %mul3A_1044 = arith.muli %scan3A_860, %mul3A_1043 : i32
      %swap3A_1045 = arith.constant 1 : i32
      %swap3A_1046 = arith.constant 13 : i32
      %swap3A_1047 = arith.index_cast %swap3A_1045 : i32 to index
      %swap3A_1048 = arith.index_cast %swap3A_1046 : i32 to index
      %swap3A_1049 = arith.index_cast %mul3A_1044 : i32 to index
      %swap3A_1050 = tpu.vector_load %arg13[%swap3A_1047, %swap3A_1048, %swap3A_1049] {strides = array<i32>} : memref<2x64x512xf32, #tpu.memory_space<vmem>>, vector<16xf32>,
      tpu.vector_store %arg13[%swap3A_1047, %swap3A_1048, %swap3A_1049], %gather3A_1006 {strides = array<i32>} : memref<2x64x512xf32, #tpu.memory_space<vmem>>, vector<16xf32>,
      %add3A_1051 = arith.constant 272 : i32
      %add3A_1052 = vector.broadcast %add3A_1051 : i32 to vector<16xi32>
      %add3A_1053 = arith.addi %add3A_871, %add3A_1052 : vector<16xi32>
      %gather3A_1054 = tpu.vector_load_idx %arg10[%add3A_1053] : memref<6144xf32, #tpu.memory_space<vmem>>[vector<16xi32>], vector<16xf32>,
      %mul3A_1055 = arith.constant 16 : i32
      %mul3A_1056 = arith.muli %scan3A_860, %mul3A_1055 : i32
      %swap3A_1057 = arith.constant 1 : i32
      %swap3A_1058 = arith.constant 14 : i32
      %swap3A_1059 = arith.index_cast %swap3A_1057 : i32 to index
      %swap3A_1060 = arith.index_cast %swap3A_1058 : i32 to index
      %swap3A_1061 = arith.index_cast %mul3A_1056 : i32 to index
      %swap3A_1062 = tpu.vector_load %arg13[%swap3A_1059, %swap3A_1060, %swap3A_1061] {strides = array<i32>} : memref<2x64x512xf32, #tpu.memory_space<vmem>>, vector<16xf32>,
      tpu.vector_store %arg13[%swap3A_1059, %swap3A_1060, %swap3A_1061], %gather3A_1018 {strides = array<i32>} : memref<2x64x512xf32, #tpu.memory_space<vmem>>, vector<16xf32>,
      %add3A_1063 = arith.constant 288 : i32
      %add3A_1064 = vector.broadcast %add3A_1063 : i32 to vector<16xi32>
      %add3A_1065 = arith.addi %add3A_871, %add3A_1064 : vector<16xi32>
      %gather3A_1066 = tpu.vector_load_idx %arg10[%add3A_1065] : memref<6144xf32, #tpu.memory_space<vmem>>[vector<16xi32>], vector<16xf32>,
      %mul3A_1067 = arith.constant 16 : i32
      %mul3A_1068 = arith.muli %scan3A_860, %mul3A_1067 : i32
      %swap3A_1069 = arith.constant 1 : i32
      %swap3A_1070 = arith.constant 15 : i32
      %swap3A_1071 = arith.index_cast %swap3A_1069 : i32 to index
      %swap3A_1072 = arith.index_cast %swap3A_1070 : i32 to index
      %swap3A_1073 = arith.index_cast %mul3A_1068 : i32 to index
      %swap3A_1074 = tpu.vector_load %arg13[%swap3A_1071, %swap3A_1072, %swap3A_1073] {strides = array<i32>} : memref<2x64x512xf32, #tpu.memory_space<vmem>>, vector<16xf32>,
      tpu.vector_store %arg13[%swap3A_1071, %swap3A_1072, %swap3A_1073], %gather3A_1030 {strides = array<i32>} : memref<2x64x512xf32, #tpu.memory_space<vmem>>, vector<16xf32>,
      %add3A_1075 = arith.constant 304 : i32
      %add3A_1076 = vector.broadcast %add3A_1075 : i32 to vector<16xi32>
      %add3A_1077 = arith.addi %add3A_871, %add3A_1076 : vector<16xi32>
      %gather3A_1078 = tpu.vector_load_idx %arg10[%add3A_1077] : memref<6144xf32, #tpu.memory_space<vmem>>[vector<16xi32>], vector<16xf32>,
      %mul3A_1079 = arith.constant 16 : i32
      %mul3A_1080 = arith.muli %scan3A_860, %mul3A_1079 : i32
      %swap3A_1081 = arith.constant 1 : i32
      %swap3A_1082 = arith.constant 16 : i32
      %swap3A_1083 = arith.index_cast %swap3A_1081 : i32 to index
      %swap3A_1084 = arith.index_cast %swap3A_1082 : i32 to index
      %swap3A_1085 = arith.index_cast %mul3A_1080 : i32 to index
      %swap3A_1086 = tpu.vector_load %arg13[%swap3A_1083, %swap3A_1084, %swap3A_1085] {strides = array<i32>} : memref<2x64x512xf32, #tpu.memory_space<vmem>>, vector<16xf32>,
      tpu.vector_store %arg13[%swap3A_1083, %swap3A_1084, %swap3A_1085], %gather3A_1042 {strides = array<i32>} : memref<2x64x512xf32, #tpu.memory_space<vmem>>, vector<16xf32>,
      %add3A_1087 = arith.constant 320 : i32
      %add3A_1088 = vector.broadcast %add3A_1087 : i32 to vector<16xi32>
      %add3A_1089 = arith.addi %add3A_871, %add3A_1088 : vector<16xi32>
      %gather3A_1090 = tpu.vector_load_idx %arg10[%add3A_1089] : memref<6144xf32, #tpu.memory_space<vmem>>[vector<16xi32>], vector<16xf32>,
      %mul3A_1091 = arith.constant 16 : i32
      %mul3A_1092 = arith.muli %scan3A_860, %mul3A_1091 : i32
      %swap3A_1093 = arith.constant 1 : i32
      %swap3A_1094 = arith.constant 17 : i32
      %swap3A_1095 = arith.index_cast %swap3A_1093 : i32 to index
      %swap3A_1096 = arith.index_cast %swap3A_1094 : i32 to index
      %swap3A_1097 = arith.index_cast %mul3A_1092 : i32 to index
      %swap3A_1098 = tpu.vector_load %arg13[%swap3A_1095, %swap3A_1096, %swap3A_1097] {strides = array<i32>} : memref<2x64x512xf32, #tpu.memory_space<vmem>>, vector<16xf32>,
      tpu.vector_store %arg13[%swap3A_1095, %swap3A_1096, %swap3A_1097], %gather3A_1054 {strides = array<i32>} : memref<2x64x512xf32, #tpu.memory_space<vmem>>, vector<16xf32>,
      %add3A_1099 = arith.constant 336 : i32
      %add3A_1100 = vector.broadcast %add3A_1099 : i32 to vector<16xi32>
      %add3A_1101 = arith.addi %add3A_871, %add3A_1100 : vector<16xi32>
      %gather3A_1102 = tpu.vector_load_idx %arg10[%add3A_1101] : memref<6144xf32, #tpu.memory_space<vmem>>[vector<16xi32>], vector<16xf32>,
      %mul3A_1103 = arith.constant 16 : i32
      %mul3A_1104 = arith.muli %scan3A_860, %mul3A_1103 : i32
      %swap3A_1105 = arith.constant 1 : i32
      %swap3A_1106 = arith.constant 18 : i32
      %swap3A_1107 = arith.index_cast %swap3A_1105 : i32 to index
      %swap3A_1108 = arith.index_cast %swap3A_1106 : i32 to index
      %swap3A_1109 = arith.index_cast %mul3A_1104 : i32 to index
      %swap3A_1110 = tpu.vector_load %arg13[%swap3A_1107, %swap3A_1108, %swap3A_1109] {strides = array<i32>} : memref<2x64x512xf32, #tpu.memory_space<vmem>>, vector<16xf32>,
      tpu.vector_store %arg13[%swap3A_1107, %swap3A_1108, %swap3A_1109], %gather3A_1066 {strides = array<i32>} : memref<2x64x512xf32, #tpu.memory_space<vmem>>, vector<16xf32>,
      %add3A_1111 = arith.constant 352 : i32
      %add3A_1112 = vector.broadcast %add3A_1111 : i32 to vector<16xi32>
      %add3A_1113 = arith.addi %add3A_871, %add3A_1112 : vector<16xi32>
      %gather3A_1114 = tpu.vector_load_idx %arg10[%add3A_1113] : memref<6144xf32, #tpu.memory_space<vmem>>[vector<16xi32>], vector<16xf32>,
      %mul3A_1115 = arith.constant 16 : i32
      %mul3A_1116 = arith.muli %scan3A_860, %mul3A_1115 : i32
      %swap3A_1117 = arith.constant 1 : i32
      %swap3A_1118 = arith.constant 19 : i32
      %swap3A_1119 = arith.index_cast %swap3A_1117 : i32 to index
      %swap3A_1120 = arith.index_cast %swap3A_1118 : i32 to index
      %swap3A_1121 = arith.index_cast %mul3A_1116 : i32 to index
      %swap3A_1122 = tpu.vector_load %arg13[%swap3A_1119, %swap3A_1120, %swap3A_1121] {strides = array<i32>} : memref<2x64x512xf32, #tpu.memory_space<vmem>>, vector<16xf32>,
      tpu.vector_store %arg13[%swap3A_1119, %swap3A_1120, %swap3A_1121], %gather3A_1078 {strides = array<i32>} : memref<2x64x512xf32, #tpu.memory_space<vmem>>, vector<16xf32>,
      %add3A_1123 = arith.constant 368 : i32
      %add3A_1124 = vector.broadcast %add3A_1123 : i32 to vector<16xi32>
      %add3A_1125 = arith.addi %add3A_871, %add3A_1124 : vector<16xi32>
      %gather3A_1126 = tpu.vector_load_idx %arg10[%add3A_1125] : memref<6144xf32, #tpu.memory_space<vmem>>[vector<16xi32>], vector<16xf32>,
      %mul3A_1127 = arith.constant 16 : i32
      %mul3A_1128 = arith.muli %scan3A_860, %mul3A_1127 : i32
      %swap3A_1129 = arith.constant 1 : i32
      %swap3A_1130 = arith.constant 20 : i32
      %swap3A_1131 = arith.index_cast %swap3A_1129 : i32 to index
      %swap3A_1132 = arith.index_cast %swap3A_1130 : i32 to index
      %swap3A_1133 = arith.index_cast %mul3A_1128 : i32 to index
      %swap3A_1134 = tpu.vector_load %arg13[%swap3A_1131, %swap3A_1132, %swap3A_1133] {strides = array<i32>} : memref<2x64x512xf32, #tpu.memory_space<vmem>>, vector<16xf32>,
      tpu.vector_store %arg13[%swap3A_1131, %swap3A_1132, %swap3A_1133], %gather3A_1090 {strides = array<i32>} : memref<2x64x512xf32, #tpu.memory_space<vmem>>, vector<16xf32>,
      %add3A_1135 = arith.constant 384 : i32
      %add3A_1136 = vector.broadcast %add3A_1135 : i32 to vector<16xi32>
      %add3A_1137 = arith.addi %add3A_871, %add3A_1136 : vector<16xi32>
      %gather3A_1138 = tpu.vector_load_idx %arg10[%add3A_1137] : memref<6144xf32, #tpu.memory_space<vmem>>[vector<16xi32>], vector<16xf32>,
      %mul3A_1139 = arith.constant 16 : i32
      %mul3A_1140 = arith.muli %scan3A_860, %mul3A_1139 : i32
      %swap3A_1141 = arith.constant 1 : i32
      %swap3A_1142 = arith.constant 21 : i32
      %swap3A_1143 = arith.index_cast %swap3A_1141 : i32 to index
      %swap3A_1144 = arith.index_cast %swap3A_1142 : i32 to index
      %swap3A_1145 = arith.index_cast %mul3A_1140 : i32 to index
      %swap3A_1146 = tpu.vector_load %arg13[%swap3A_1143, %swap3A_1144, %swap3A_1145] {strides = array<i32>} : memref<2x64x512xf32, #tpu.memory_space<vmem>>, vector<16xf32>,
      tpu.vector_store %arg13[%swap3A_1143, %swap3A_1144, %swap3A_1145], %gather3A_1102 {strides = array<i32>} : memref<2x64x512xf32, #tpu.memory_space<vmem>>, vector<16xf32>,
      %add3A_1147 = arith.constant 400 : i32
      %add3A_1148 = vector.broadcast %add3A_1147 : i32 to vector<16xi32>
      %add3A_1149 = arith.addi %add3A_871, %add3A_1148 : vector<16xi32>
      %gather3A_1150 = tpu.vector_load_idx %arg10[%add3A_1149] : memref<6144xf32, #tpu.memory_space<vmem>>[vector<16xi32>], vector<16xf32>,
      %mul3A_1151 = arith.constant 16 : i32
      %mul3A_1152 = arith.muli %scan3A_860, %mul3A_1151 : i32
      %swap3A_1153 = arith.constant 1 : i32
      %swap3A_1154 = arith.constant 22 : i32
      %swap3A_1155 = arith.index_cast %swap3A_1153 : i32 to index
      %swap3A_1156 = arith.index_cast %swap3A_1154 : i32 to index
      %swap3A_1157 = arith.index_cast %mul3A_1152 : i32 to index
      %swap3A_1158 = tpu.vector_load %arg13[%swap3A_1155, %swap3A_1156, %swap3A_1157] {strides = array<i32>} : memref<2x64x512xf32, #tpu.memory_space<vmem>>, vector<16xf32>,
      tpu.vector_store %arg13[%swap3A_1155, %swap3A_1156, %swap3A_1157], %gather3A_1114 {strides = array<i32>} : memref<2x64x512xf32, #tpu.memory_space<vmem>>, vector<16xf32>,
      %add3A_1159 = arith.constant 416 : i32
      %add3A_1160 = vector.broadcast %add3A_1159 : i32 to vector<16xi32>
      %add3A_1161 = arith.addi %add3A_871, %add3A_1160 : vector<16xi32>
      %gather3A_1162 = tpu.vector_load_idx %arg10[%add3A_1161] : memref<6144xf32, #tpu.memory_space<vmem>>[vector<16xi32>], vector<16xf32>,
      %mul3A_1163 = arith.constant 16 : i32
      %mul3A_1164 = arith.muli %scan3A_860, %mul3A_1163 : i32
      %swap3A_1165 = arith.constant 1 : i32
      %swap3A_1166 = arith.constant 23 : i32
      %swap3A_1167 = arith.index_cast %swap3A_1165 : i32 to index
      %swap3A_1168 = arith.index_cast %swap3A_1166 : i32 to index
      %swap3A_1169 = arith.index_cast %mul3A_1164 : i32 to index
      %swap3A_1170 = tpu.vector_load %arg13[%swap3A_1167, %swap3A_1168, %swap3A_1169] {strides = array<i32>} : memref<2x64x512xf32, #tpu.memory_space<vmem>>, vector<16xf32>,
      tpu.vector_store %arg13[%swap3A_1167, %swap3A_1168, %swap3A_1169], %gather3A_1126 {strides = array<i32>} : memref<2x64x512xf32, #tpu.memory_space<vmem>>, vector<16xf32>,
      %add3A_1171 = arith.constant 432 : i32
      %add3A_1172 = vector.broadcast %add3A_1171 : i32 to vector<16xi32>
      %add3A_1173 = arith.addi %add3A_871, %add3A_1172 : vector<16xi32>
      %gather3A_1174 = tpu.vector_load_idx %arg10[%add3A_1173] : memref<6144xf32, #tpu.memory_space<vmem>>[vector<16xi32>], vector<16xf32>,
      %mul3A_1175 = arith.constant 16 : i32
      %mul3A_1176 = arith.muli %scan3A_860, %mul3A_1175 : i32
      %swap3A_1177 = arith.constant 1 : i32
      %swap3A_1178 = arith.constant 24 : i32
      %swap3A_1179 = arith.index_cast %swap3A_1177 : i32 to index
      %swap3A_1180 = arith.index_cast %swap3A_1178 : i32 to index
      %swap3A_1181 = arith.index_cast %mul3A_1176 : i32 to index
      %swap3A_1182 = tpu.vector_load %arg13[%swap3A_1179, %swap3A_1180, %swap3A_1181] {strides = array<i32>} : memref<2x64x512xf32, #tpu.memory_space<vmem>>, vector<16xf32>,
      tpu.vector_store %arg13[%swap3A_1179, %swap3A_1180, %swap3A_1181], %gather3A_1138 {strides = array<i32>} : memref<2x64x512xf32, #tpu.memory_space<vmem>>, vector<16xf32>,
      %add3A_1183 = arith.constant 448 : i32
      %add3A_1184 = vector.broadcast %add3A_1183 : i32 to vector<16xi32>
      %add3A_1185 = arith.addi %add3A_871, %add3A_1184 : vector<16xi32>
      %gather3A_1186 = tpu.vector_load_idx %arg10[%add3A_1185] : memref<6144xf32, #tpu.memory_space<vmem>>[vector<16xi32>], vector<16xf32>,
      %mul3A_1187 = arith.constant 16 : i32
      %mul3A_1188 = arith.muli %scan3A_860, %mul3A_1187 : i32
      %swap3A_1189 = arith.constant 1 : i32
      %swap3A_1190 = arith.constant 25 : i32
      %swap3A_1191 = arith.index_cast %swap3A_1189 : i32 to index
      %swap3A_1192 = arith.index_cast %swap3A_1190 : i32 to index
      %swap3A_1193 = arith.index_cast %mul3A_1188 : i32 to index
      %swap3A_1194 = tpu.vector_load %arg13[%swap3A_1191, %swap3A_1192, %swap3A_1193] {strides = array<i32>} : memref<2x64x512xf32, #tpu.memory_space<vmem>>, vector<16xf32>,
      tpu.vector_store %arg13[%swap3A_1191, %swap3A_1192, %swap3A_1193], %gather3A_1150 {strides = array<i32>} : memref<2x64x512xf32, #tpu.memory_space<vmem>>, vector<16xf32>,
      %add3A_1195 = arith.constant 464 : i32
      %add3A_1196 = vector.broadcast %add3A_1195 : i32 to vector<16xi32>
      %add3A_1197 = arith.addi %add3A_871, %add3A_1196 : vector<16xi32>
      %gather3A_1198 = tpu.vector_load_idx %arg10[%add3A_1197] : memref<6144xf32, #tpu.memory_space<vmem>>[vector<16xi32>], vector<16xf32>,
      %mul3A_1199 = arith.constant 16 : i32
      %mul3A_1200 = arith.muli %scan3A_860, %mul3A_1199 : i32
      %swap3A_1201 = arith.constant 1 : i32
      %swap3A_1202 = arith.constant 26 : i32
      %swap3A_1203 = arith.index_cast %swap3A_1201 : i32 to index
      %swap3A_1204 = arith.index_cast %swap3A_1202 : i32 to index
      %swap3A_1205 = arith.index_cast %mul3A_1200 : i32 to index
      %swap3A_1206 = tpu.vector_load %arg13[%swap3A_1203, %swap3A_1204, %swap3A_1205] {strides = array<i32>} : memref<2x64x512xf32, #tpu.memory_space<vmem>>, vector<16xf32>,
      tpu.vector_store %arg13[%swap3A_1203, %swap3A_1204, %swap3A_1205], %gather3A_1162 {strides = array<i32>} : memref<2x64x512xf32, #tpu.memory_space<vmem>>, vector<16xf32>,
      %add3A_1207 = arith.constant 480 : i32
      %add3A_1208 = vector.broadcast %add3A_1207 : i32 to vector<16xi32>
      %add3A_1209 = arith.addi %add3A_871, %add3A_1208 : vector<16xi32>
      %gather3A_1210 = tpu.vector_load_idx %arg10[%add3A_1209] : memref<6144xf32, #tpu.memory_space<vmem>>[vector<16xi32>], vector<16xf32>,
      %mul3A_1211 = arith.constant 16 : i32
      %mul3A_1212 = arith.muli %scan3A_860, %mul3A_1211 : i32
      %swap3A_1213 = arith.constant 1 : i32
      %swap3A_1214 = arith.constant 27 : i32
      %swap3A_1215 = arith.index_cast %swap3A_1213 : i32 to index
      %swap3A_1216 = arith.index_cast %swap3A_1214 : i32 to index
      %swap3A_1217 = arith.index_cast %mul3A_1212 : i32 to index
      %swap3A_1218 = tpu.vector_load %arg13[%swap3A_1215, %swap3A_1216, %swap3A_1217] {strides = array<i32>} : memref<2x64x512xf32, #tpu.memory_space<vmem>>, vector<16xf32>,
      tpu.vector_store %arg13[%swap3A_1215, %swap3A_1216, %swap3A_1217], %gather3A_1174 {strides = array<i32>} : memref<2x64x512xf32, #tpu.memory_space<vmem>>, vector<16xf32>,
      %add3A_1219 = arith.constant 496 : i32
      %add3A_1220 = vector.broadcast %add3A_1219 : i32 to vector<16xi32>
      %add3A_1221 = arith.addi %add3A_871, %add3A_1220 : vector<16xi32>
      %gather3A_1222 = tpu.vector_load_idx %arg10[%add3A_1221] : memref<6144xf32, #tpu.memory_space<vmem>>[vector<16xi32>], vector<16xf32>,
      %mul3A_1223 = arith.constant 16 : i32
      %mul3A_1224 = arith.muli %scan3A_860, %mul3A_1223 : i32
      %swap3A_1225 = arith.constant 1 : i32
      %swap3A_1226 = arith.constant 28 : i32
      %swap3A_1227 = arith.index_cast %swap3A_1225 : i32 to index
      %swap3A_1228 = arith.index_cast %swap3A_1226 : i32 to index
      %swap3A_1229 = arith.index_cast %mul3A_1224 : i32 to index
      %swap3A_1230 = tpu.vector_load %arg13[%swap3A_1227, %swap3A_1228, %swap3A_1229] {strides = array<i32>} : memref<2x64x512xf32, #tpu.memory_space<vmem>>, vector<16xf32>,
      tpu.vector_store %arg13[%swap3A_1227, %swap3A_1228, %swap3A_1229], %gather3A_1186 {strides = array<i32>} : memref<2x64x512xf32, #tpu.memory_space<vmem>>, vector<16xf32>,
      %add3A_1231 = arith.constant 512 : i32
      %add3A_1232 = vector.broadcast %add3A_1231 : i32 to vector<16xi32>
      %add3A_1233 = arith.addi %add3A_871, %add3A_1232 : vector<16xi32>
      %gather3A_1234 = tpu.vector_load_idx %arg10[%add3A_1233] : memref<6144xf32, #tpu.memory_space<vmem>>[vector<16xi32>], vector<16xf32>,
      %mul3A_1235 = arith.constant 16 : i32
      %mul3A_1236 = arith.muli %scan3A_860, %mul3A_1235 : i32
      %swap3A_1237 = arith.constant 1 : i32
      %swap3A_1238 = arith.constant 29 : i32
      %swap3A_1239 = arith.index_cast %swap3A_1237 : i32 to index
      %swap3A_1240 = arith.index_cast %swap3A_1238 : i32 to index
      %swap3A_1241 = arith.index_cast %mul3A_1236 : i32 to index
      %swap3A_1242 = tpu.vector_load %arg13[%swap3A_1239, %swap3A_1240, %swap3A_1241] {strides = array<i32>} : memref<2x64x512xf32, #tpu.memory_space<vmem>>, vector<16xf32>,
      tpu.vector_store %arg13[%swap3A_1239, %swap3A_1240, %swap3A_1241], %gather3A_1198 {strides = array<i32>} : memref<2x64x512xf32, #tpu.memory_space<vmem>>, vector<16xf32>,
      %add3A_1243 = arith.constant 528 : i32
      %add3A_1244 = vector.broadcast %add3A_1243 : i32 to vector<16xi32>
      %add3A_1245 = arith.addi %add3A_871, %add3A_1244 : vector<16xi32>
      %gather3A_1246 = tpu.vector_load_idx %arg10[%add3A_1245] : memref<6144xf32, #tpu.memory_space<vmem>>[vector<16xi32>], vector<16xf32>,
      %mul3A_1247 = arith.constant 16 : i32
      %mul3A_1248 = arith.muli %scan3A_860, %mul3A_1247 : i32
      %swap3A_1249 = arith.constant 1 : i32
      %swap3A_1250 = arith.constant 30 : i32
      %swap3A_1251 = arith.index_cast %swap3A_1249 : i32 to index
      %swap3A_1252 = arith.index_cast %swap3A_1250 : i32 to index
      %swap3A_1253 = arith.index_cast %mul3A_1248 : i32 to index
      %swap3A_1254 = tpu.vector_load %arg13[%swap3A_1251, %swap3A_1252, %swap3A_1253] {strides = array<i32>} : memref<2x64x512xf32, #tpu.memory_space<vmem>>, vector<16xf32>,
      tpu.vector_store %arg13[%swap3A_1251, %swap3A_1252, %swap3A_1253], %gather3A_1210 {strides = array<i32>} : memref<2x64x512xf32, #tpu.memory_space<vmem>>, vector<16xf32>,
      %add3A_1255 = arith.constant 544 : i32
      %add3A_1256 = vector.broadcast %add3A_1255 : i32 to vector<16xi32>
      %add3A_1257 = arith.addi %add3A_871, %add3A_1256 : vector<16xi32>
      %gather3A_1258 = tpu.vector_load_idx %arg10[%add3A_1257] : memref<6144xf32, #tpu.memory_space<vmem>>[vector<16xi32>], vector<16xf32>,
      %mul3A_1259 = arith.constant 16 : i32
      %mul3A_1260 = arith.muli %scan3A_860, %mul3A_1259 : i32
      %swap3A_1261 = arith.constant 1 : i32
      %swap3A_1262 = arith.constant 31 : i32
      %swap3A_1263 = arith.index_cast %swap3A_1261 : i32 to index
      %swap3A_1264 = arith.index_cast %swap3A_1262 : i32 to index
      %swap3A_1265 = arith.index_cast %mul3A_1260 : i32 to index
      %swap3A_1266 = tpu.vector_load %arg13[%swap3A_1263, %swap3A_1264, %swap3A_1265] {strides = array<i32>} : memref<2x64x512xf32, #tpu.memory_space<vmem>>, vector<16xf32>,
      tpu.vector_store %arg13[%swap3A_1263, %swap3A_1264, %swap3A_1265], %gather3A_1222 {strides = array<i32>} : memref<2x64x512xf32, #tpu.memory_space<vmem>>, vector<16xf32>,
      %add3A_1267 = arith.constant 560 : i32
      %add3A_1268 = vector.broadcast %add3A_1267 : i32 to vector<16xi32>
      %add3A_1269 = arith.addi %add3A_871, %add3A_1268 : vector<16xi32>
      %gather3A_1270 = tpu.vector_load_idx %arg10[%add3A_1269] : memref<6144xf32, #tpu.memory_space<vmem>>[vector<16xi32>], vector<16xf32>,
      %mul3A_1271 = arith.constant 16 : i32
      %mul3A_1272 = arith.muli %scan3A_860, %mul3A_1271 : i32
      %swap3A_1273 = arith.constant 1 : i32
      %swap3A_1274 = arith.constant 32 : i32
      %swap3A_1275 = arith.index_cast %swap3A_1273 : i32 to index
      %swap3A_1276 = arith.index_cast %swap3A_1274 : i32 to index
      %swap3A_1277 = arith.index_cast %mul3A_1272 : i32 to index
      %swap3A_1278 = tpu.vector_load %arg13[%swap3A_1275, %swap3A_1276, %swap3A_1277] {strides = array<i32>} : memref<2x64x512xf32, #tpu.memory_space<vmem>>, vector<16xf32>,
      tpu.vector_store %arg13[%swap3A_1275, %swap3A_1276, %swap3A_1277], %gather3A_1234 {strides = array<i32>} : memref<2x64x512xf32, #tpu.memory_space<vmem>>, vector<16xf32>,
      %add3A_1279 = arith.constant 576 : i32
      %add3A_1280 = vector.broadcast %add3A_1279 : i32 to vector<16xi32>
      %add3A_1281 = arith.addi %add3A_871, %add3A_1280 : vector<16xi32>
      %gather3A_1282 = tpu.vector_load_idx %arg10[%add3A_1281] : memref<6144xf32, #tpu.memory_space<vmem>>[vector<16xi32>], vector<16xf32>,
      %mul3A_1283 = arith.constant 16 : i32
      %mul3A_1284 = arith.muli %scan3A_860, %mul3A_1283 : i32
      %swap3A_1285 = arith.constant 1 : i32
      %swap3A_1286 = arith.constant 33 : i32
      %swap3A_1287 = arith.index_cast %swap3A_1285 : i32 to index
      %swap3A_1288 = arith.index_cast %swap3A_1286 : i32 to index
      %swap3A_1289 = arith.index_cast %mul3A_1284 : i32 to index
      %swap3A_1290 = tpu.vector_load %arg13[%swap3A_1287, %swap3A_1288, %swap3A_1289] {strides = array<i32>} : memref<2x64x512xf32, #tpu.memory_space<vmem>>, vector<16xf32>,
      tpu.vector_store %arg13[%swap3A_1287, %swap3A_1288, %swap3A_1289], %gather3A_1246 {strides = array<i32>} : memref<2x64x512xf32, #tpu.memory_space<vmem>>, vector<16xf32>,
      %add3A_1291 = arith.constant 592 : i32
      %add3A_1292 = vector.broadcast %add3A_1291 : i32 to vector<16xi32>
      %add3A_1293 = arith.addi %add3A_871, %add3A_1292 : vector<16xi32>
      %gather3A_1294 = tpu.vector_load_idx %arg10[%add3A_1293] : memref<6144xf32, #tpu.memory_space<vmem>>[vector<16xi32>], vector<16xf32>,
      %mul3A_1295 = arith.constant 16 : i32
      %mul3A_1296 = arith.muli %scan3A_860, %mul3A_1295 : i32
      %swap3A_1297 = arith.constant 1 : i32
      %swap3A_1298 = arith.constant 34 : i32
      %swap3A_1299 = arith.index_cast %swap3A_1297 : i32 to index
      %swap3A_1300 = arith.index_cast %swap3A_1298 : i32 to index
      %swap3A_1301 = arith.index_cast %mul3A_1296 : i32 to index
      %swap3A_1302 = tpu.vector_load %arg13[%swap3A_1299, %swap3A_1300, %swap3A_1301] {strides = array<i32>} : memref<2x64x512xf32, #tpu.memory_space<vmem>>, vector<16xf32>,
      tpu.vector_store %arg13[%swap3A_1299, %swap3A_1300, %swap3A_1301], %gather3A_1258 {strides = array<i32>} : memref<2x64x512xf32, #tpu.memory_space<vmem>>, vector<16xf32>,
      %add3A_1303 = arith.constant 608 : i32
      %add3A_1304 = vector.broadcast %add3A_1303 : i32 to vector<16xi32>
      %add3A_1305 = arith.addi %add3A_871, %add3A_1304 : vector<16xi32>
      %gather3A_1306 = tpu.vector_load_idx %arg10[%add3A_1305] : memref<6144xf32, #tpu.memory_space<vmem>>[vector<16xi32>], vector<16xf32>,
      %mul3A_1307 = arith.constant 16 : i32
      %mul3A_1308 = arith.muli %scan3A_860, %mul3A_1307 : i32
      %swap3A_1309 = arith.constant 1 : i32
      %swap3A_1310 = arith.constant 35 : i32
      %swap3A_1311 = arith.index_cast %swap3A_1309 : i32 to index
      %swap3A_1312 = arith.index_cast %swap3A_1310 : i32 to index
      %swap3A_1313 = arith.index_cast %mul3A_1308 : i32 to index
      %swap3A_1314 = tpu.vector_load %arg13[%swap3A_1311, %swap3A_1312, %swap3A_1313] {strides = array<i32>} : memref<2x64x512xf32, #tpu.memory_space<vmem>>, vector<16xf32>,
      tpu.vector_store %arg13[%swap3A_1311, %swap3A_1312, %swap3A_1313], %gather3A_1270 {strides = array<i32>} : memref<2x64x512xf32, #tpu.memory_space<vmem>>, vector<16xf32>,
      %add3A_1315 = arith.constant 624 : i32
      %add3A_1316 = vector.broadcast %add3A_1315 : i32 to vector<16xi32>
      %add3A_1317 = arith.addi %add3A_871, %add3A_1316 : vector<16xi32>
      %gather3A_1318 = tpu.vector_load_idx %arg10[%add3A_1317] : memref<6144xf32, #tpu.memory_space<vmem>>[vector<16xi32>], vector<16xf32>,
      %mul3A_1319 = arith.constant 16 : i32
      %mul3A_1320 = arith.muli %scan3A_860, %mul3A_1319 : i32
      %swap3A_1321 = arith.constant 1 : i32
      %swap3A_1322 = arith.constant 36 : i32
      %swap3A_1323 = arith.index_cast %swap3A_1321 : i32 to index
      %swap3A_1324 = arith.index_cast %swap3A_1322 : i32 to index
      %swap3A_1325 = arith.index_cast %mul3A_1320 : i32 to index
      %swap3A_1326 = tpu.vector_load %arg13[%swap3A_1323, %swap3A_1324, %swap3A_1325] {strides = array<i32>} : memref<2x64x512xf32, #tpu.memory_space<vmem>>, vector<16xf32>,
      tpu.vector_store %arg13[%swap3A_1323, %swap3A_1324, %swap3A_1325], %gather3A_1282 {strides = array<i32>} : memref<2x64x512xf32, #tpu.memory_space<vmem>>, vector<16xf32>,
      %add3A_1327 = arith.constant 640 : i32
      %add3A_1328 = vector.broadcast %add3A_1327 : i32 to vector<16xi32>
      %add3A_1329 = arith.addi %add3A_871, %add3A_1328 : vector<16xi32>
      %gather3A_1330 = tpu.vector_load_idx %arg10[%add3A_1329] : memref<6144xf32, #tpu.memory_space<vmem>>[vector<16xi32>], vector<16xf32>,
      %mul3A_1331 = arith.constant 16 : i32
      %mul3A_1332 = arith.muli %scan3A_860, %mul3A_1331 : i32
      %swap3A_1333 = arith.constant 1 : i32
      %swap3A_1334 = arith.constant 37 : i32
      %swap3A_1335 = arith.index_cast %swap3A_1333 : i32 to index
      %swap3A_1336 = arith.index_cast %swap3A_1334 : i32 to index
      %swap3A_1337 = arith.index_cast %mul3A_1332 : i32 to index
      %swap3A_1338 = tpu.vector_load %arg13[%swap3A_1335, %swap3A_1336, %swap3A_1337] {strides = array<i32>} : memref<2x64x512xf32, #tpu.memory_space<vmem>>, vector<16xf32>,
      tpu.vector_store %arg13[%swap3A_1335, %swap3A_1336, %swap3A_1337], %gather3A_1294 {strides = array<i32>} : memref<2x64x512xf32, #tpu.memory_space<vmem>>, vector<16xf32>,
      %add3A_1339 = arith.constant 656 : i32
      %add3A_1340 = vector.broadcast %add3A_1339 : i32 to vector<16xi32>
      %add3A_1341 = arith.addi %add3A_871, %add3A_1340 : vector<16xi32>
      %gather3A_1342 = tpu.vector_load_idx %arg10[%add3A_1341] : memref<6144xf32, #tpu.memory_space<vmem>>[vector<16xi32>], vector<16xf32>,
      %mul3A_1343 = arith.constant 16 : i32
      %mul3A_1344 = arith.muli %scan3A_860, %mul3A_1343 : i32
      %swap3A_1345 = arith.constant 1 : i32
      %swap3A_1346 = arith.constant 38 : i32
      %swap3A_1347 = arith.index_cast %swap3A_1345 : i32 to index
      %swap3A_1348 = arith.index_cast %swap3A_1346 : i32 to index
      %swap3A_1349 = arith.index_cast %mul3A_1344 : i32 to index
      %swap3A_1350 = tpu.vector_load %arg13[%swap3A_1347, %swap3A_1348, %swap3A_1349] {strides = array<i32>} : memref<2x64x512xf32, #tpu.memory_space<vmem>>, vector<16xf32>,
      tpu.vector_store %arg13[%swap3A_1347, %swap3A_1348, %swap3A_1349], %gather3A_1306 {strides = array<i32>} : memref<2x64x512xf32, #tpu.memory_space<vmem>>, vector<16xf32>,
      %add3A_1351 = arith.constant 672 : i32
      %add3A_1352 = vector.broadcast %add3A_1351 : i32 to vector<16xi32>
      %add3A_1353 = arith.addi %add3A_871, %add3A_1352 : vector<16xi32>
      %gather3A_1354 = tpu.vector_load_idx %arg10[%add3A_1353] : memref<6144xf32, #tpu.memory_space<vmem>>[vector<16xi32>], vector<16xf32>,
      %mul3A_1355 = arith.constant 16 : i32
      %mul3A_1356 = arith.muli %scan3A_860, %mul3A_1355 : i32
      %swap3A_1357 = arith.constant 1 : i32
      %swap3A_1358 = arith.constant 39 : i32
      %swap3A_1359 = arith.index_cast %swap3A_1357 : i32 to index
      %swap3A_1360 = arith.index_cast %swap3A_1358 : i32 to index
      %swap3A_1361 = arith.index_cast %mul3A_1356 : i32 to index
      %swap3A_1362 = tpu.vector_load %arg13[%swap3A_1359, %swap3A_1360, %swap3A_1361] {strides = array<i32>} : memref<2x64x512xf32, #tpu.memory_space<vmem>>, vector<16xf32>,
      tpu.vector_store %arg13[%swap3A_1359, %swap3A_1360, %swap3A_1361], %gather3A_1318 {strides = array<i32>} : memref<2x64x512xf32, #tpu.memory_space<vmem>>, vector<16xf32>,
      %add3A_1363 = arith.constant 688 : i32
      %add3A_1364 = vector.broadcast %add3A_1363 : i32 to vector<16xi32>
      %add3A_1365 = arith.addi %add3A_871, %add3A_1364 : vector<16xi32>
      %gather3A_1366 = tpu.vector_load_idx %arg10[%add3A_1365] : memref<6144xf32, #tpu.memory_space<vmem>>[vector<16xi32>], vector<16xf32>,
      %mul3A_1367 = arith.constant 16 : i32
      %mul3A_1368 = arith.muli %scan3A_860, %mul3A_1367 : i32
      %swap3A_1369 = arith.constant 1 : i32
      %swap3A_1370 = arith.constant 40 : i32
      %swap3A_1371 = arith.index_cast %swap3A_1369 : i32 to index
      %swap3A_1372 = arith.index_cast %swap3A_1370 : i32 to index
      %swap3A_1373 = arith.index_cast %mul3A_1368 : i32 to index
      %swap3A_1374 = tpu.vector_load %arg13[%swap3A_1371, %swap3A_1372, %swap3A_1373] {strides = array<i32>} : memref<2x64x512xf32, #tpu.memory_space<vmem>>, vector<16xf32>,
      tpu.vector_store %arg13[%swap3A_1371, %swap3A_1372, %swap3A_1373], %gather3A_1330 {strides = array<i32>} : memref<2x64x512xf32, #tpu.memory_space<vmem>>, vector<16xf32>,
      %add3A_1375 = arith.constant 704 : i32
      %add3A_1376 = vector.broadcast %add3A_1375 : i32 to vector<16xi32>
      %add3A_1377 = arith.addi %add3A_871, %add3A_1376 : vector<16xi32>
      %gather3A_1378 = tpu.vector_load_idx %arg10[%add3A_1377] : memref<6144xf32, #tpu.memory_space<vmem>>[vector<16xi32>], vector<16xf32>,
      %mul3A_1379 = arith.constant 16 : i32
      %mul3A_1380 = arith.muli %scan3A_860, %mul3A_1379 : i32
      %swap3A_1381 = arith.constant 1 : i32
      %swap3A_1382 = arith.constant 41 : i32
      %swap3A_1383 = arith.index_cast %swap3A_1381 : i32 to index
      %swap3A_1384 = arith.index_cast %swap3A_1382 : i32 to index
      %swap3A_1385 = arith.index_cast %mul3A_1380 : i32 to index
      %swap3A_1386 = tpu.vector_load %arg13[%swap3A_1383, %swap3A_1384, %swap3A_1385] {strides = array<i32>} : memref<2x64x512xf32, #tpu.memory_space<vmem>>, vector<16xf32>,
      tpu.vector_store %arg13[%swap3A_1383, %swap3A_1384, %swap3A_1385], %gather3A_1342 {strides = array<i32>} : memref<2x64x512xf32, #tpu.memory_space<vmem>>, vector<16xf32>,
      %add3A_1387 = arith.constant 720 : i32
      %add3A_1388 = vector.broadcast %add3A_1387 : i32 to vector<16xi32>
      %add3A_1389 = arith.addi %add3A_871, %add3A_1388 : vector<16xi32>
      %gather3A_1390 = tpu.vector_load_idx %arg10[%add3A_1389] : memref<6144xf32, #tpu.memory_space<vmem>>[vector<16xi32>], vector<16xf32>,
      %mul3A_1391 = arith.constant 16 : i32
      %mul3A_1392 = arith.muli %scan3A_860, %mul3A_1391 : i32
      %swap3A_1393 = arith.constant 1 : i32
      %swap3A_1394 = arith.constant 42 : i32
      %swap3A_1395 = arith.index_cast %swap3A_1393 : i32 to index
      %swap3A_1396 = arith.index_cast %swap3A_1394 : i32 to index
      %swap3A_1397 = arith.index_cast %mul3A_1392 : i32 to index
      %swap3A_1398 = tpu.vector_load %arg13[%swap3A_1395, %swap3A_1396, %swap3A_1397] {strides = array<i32>} : memref<2x64x512xf32, #tpu.memory_space<vmem>>, vector<16xf32>,
      tpu.vector_store %arg13[%swap3A_1395, %swap3A_1396, %swap3A_1397], %gather3A_1354 {strides = array<i32>} : memref<2x64x512xf32, #tpu.memory_space<vmem>>, vector<16xf32>,
      %add3A_1399 = arith.constant 736 : i32
      %add3A_1400 = vector.broadcast %add3A_1399 : i32 to vector<16xi32>
      %add3A_1401 = arith.addi %add3A_871, %add3A_1400 : vector<16xi32>
      %gather3A_1402 = tpu.vector_load_idx %arg10[%add3A_1401] : memref<6144xf32, #tpu.memory_space<vmem>>[vector<16xi32>], vector<16xf32>,
      %mul3A_1403 = arith.constant 16 : i32
      %mul3A_1404 = arith.muli %scan3A_860, %mul3A_1403 : i32
      %swap3A_1405 = arith.constant 1 : i32
      %swap3A_1406 = arith.constant 43 : i32
      %swap3A_1407 = arith.index_cast %swap3A_1405 : i32 to index
      %swap3A_1408 = arith.index_cast %swap3A_1406 : i32 to index
      %swap3A_1409 = arith.index_cast %mul3A_1404 : i32 to index
      %swap3A_1410 = tpu.vector_load %arg13[%swap3A_1407, %swap3A_1408, %swap3A_1409] {strides = array<i32>} : memref<2x64x512xf32, #tpu.memory_space<vmem>>, vector<16xf32>,
      tpu.vector_store %arg13[%swap3A_1407, %swap3A_1408, %swap3A_1409], %gather3A_1366 {strides = array<i32>} : memref<2x64x512xf32, #tpu.memory_space<vmem>>, vector<16xf32>,
      %add3A_1411 = arith.constant 752 : i32
      %add3A_1412 = vector.broadcast %add3A_1411 : i32 to vector<16xi32>
      %add3A_1413 = arith.addi %add3A_871, %add3A_1412 : vector<16xi32>
      %gather3A_1414 = tpu.vector_load_idx %arg10[%add3A_1413] : memref<6144xf32, #tpu.memory_space<vmem>>[vector<16xi32>], vector<16xf32>,
      %mul3A_1415 = arith.constant 16 : i32
      %mul3A_1416 = arith.muli %scan3A_860, %mul3A_1415 : i32
      %swap3A_1417 = arith.constant 1 : i32
      %swap3A_1418 = arith.constant 44 : i32
      %swap3A_1419 = arith.index_cast %swap3A_1417 : i32 to index
      %swap3A_1420 = arith.index_cast %swap3A_1418 : i32 to index
      %swap3A_1421 = arith.index_cast %mul3A_1416 : i32 to index
      %swap3A_1422 = tpu.vector_load %arg13[%swap3A_1419, %swap3A_1420, %swap3A_1421] {strides = array<i32>} : memref<2x64x512xf32, #tpu.memory_space<vmem>>, vector<16xf32>,
      tpu.vector_store %arg13[%swap3A_1419, %swap3A_1420, %swap3A_1421], %gather3A_1378 {strides = array<i32>} : memref<2x64x512xf32, #tpu.memory_space<vmem>>, vector<16xf32>,
      %add3A_1423 = arith.constant 768 : i32
      %add3A_1424 = vector.broadcast %add3A_1423 : i32 to vector<16xi32>
      %add3A_1425 = arith.addi %add3A_871, %add3A_1424 : vector<16xi32>
      %gather3A_1426 = tpu.vector_load_idx %arg10[%add3A_1425] : memref<6144xf32, #tpu.memory_space<vmem>>[vector<16xi32>], vector<16xf32>,
      %mul3A_1427 = arith.constant 16 : i32
      %mul3A_1428 = arith.muli %scan3A_860, %mul3A_1427 : i32
      %swap3A_1429 = arith.constant 1 : i32
      %swap3A_1430 = arith.constant 45 : i32
      %swap3A_1431 = arith.index_cast %swap3A_1429 : i32 to index
      %swap3A_1432 = arith.index_cast %swap3A_1430 : i32 to index
      %swap3A_1433 = arith.index_cast %mul3A_1428 : i32 to index
      %swap3A_1434 = tpu.vector_load %arg13[%swap3A_1431, %swap3A_1432, %swap3A_1433] {strides = array<i32>} : memref<2x64x512xf32, #tpu.memory_space<vmem>>, vector<16xf32>,
      tpu.vector_store %arg13[%swap3A_1431, %swap3A_1432, %swap3A_1433], %gather3A_1390 {strides = array<i32>} : memref<2x64x512xf32, #tpu.memory_space<vmem>>, vector<16xf32>,
      %add3A_1435 = arith.constant 784 : i32
      %add3A_1436 = vector.broadcast %add3A_1435 : i32 to vector<16xi32>
      %add3A_1437 = arith.addi %add3A_871, %add3A_1436 : vector<16xi32>
      %gather3A_1438 = tpu.vector_load_idx %arg10[%add3A_1437] : memref<6144xf32, #tpu.memory_space<vmem>>[vector<16xi32>], vector<16xf32>,
      %mul3A_1439 = arith.constant 16 : i32
      %mul3A_1440 = arith.muli %scan3A_860, %mul3A_1439 : i32
      %swap3A_1441 = arith.constant 1 : i32
      %swap3A_1442 = arith.constant 46 : i32
      %swap3A_1443 = arith.index_cast %swap3A_1441 : i32 to index
      %swap3A_1444 = arith.index_cast %swap3A_1442 : i32 to index
      %swap3A_1445 = arith.index_cast %mul3A_1440 : i32 to index
      %swap3A_1446 = tpu.vector_load %arg13[%swap3A_1443, %swap3A_1444, %swap3A_1445] {strides = array<i32>} : memref<2x64x512xf32, #tpu.memory_space<vmem>>, vector<16xf32>,
      tpu.vector_store %arg13[%swap3A_1443, %swap3A_1444, %swap3A_1445], %gather3A_1402 {strides = array<i32>} : memref<2x64x512xf32, #tpu.memory_space<vmem>>, vector<16xf32>,
      %add3A_1447 = arith.constant 800 : i32
      %add3A_1448 = vector.broadcast %add3A_1447 : i32 to vector<16xi32>
      %add3A_1449 = arith.addi %add3A_871, %add3A_1448 : vector<16xi32>
      %gather3A_1450 = tpu.vector_load_idx %arg10[%add3A_1449] : memref<6144xf32, #tpu.memory_space<vmem>>[vector<16xi32>], vector<16xf32>,
      %mul3A_1451 = arith.constant 16 : i32
      %mul3A_1452 = arith.muli %scan3A_860, %mul3A_1451 : i32
      %swap3A_1453 = arith.constant 1 : i32
      %swap3A_1454 = arith.constant 47 : i32
      %swap3A_1455 = arith.index_cast %swap3A_1453 : i32 to index
      %swap3A_1456 = arith.index_cast %swap3A_1454 : i32 to index
      %swap3A_1457 = arith.index_cast %mul3A_1452 : i32 to index
      %swap3A_1458 = tpu.vector_load %arg13[%swap3A_1455, %swap3A_1456, %swap3A_1457] {strides = array<i32>} : memref<2x64x512xf32, #tpu.memory_space<vmem>>, vector<16xf32>,
      tpu.vector_store %arg13[%swap3A_1455, %swap3A_1456, %swap3A_1457], %gather3A_1414 {strides = array<i32>} : memref<2x64x512xf32, #tpu.memory_space<vmem>>, vector<16xf32>,
      %add3A_1459 = arith.constant 816 : i32
      %add3A_1460 = vector.broadcast %add3A_1459 : i32 to vector<16xi32>
      %add3A_1461 = arith.addi %add3A_871, %add3A_1460 : vector<16xi32>
      %gather3A_1462 = tpu.vector_load_idx %arg10[%add3A_1461] : memref<6144xf32, #tpu.memory_space<vmem>>[vector<16xi32>], vector<16xf32>,
      %mul3A_1463 = arith.constant 16 : i32
      %mul3A_1464 = arith.muli %scan3A_860, %mul3A_1463 : i32
      %swap3A_1465 = arith.constant 1 : i32
      %swap3A_1466 = arith.constant 48 : i32
      %swap3A_1467 = arith.index_cast %swap3A_1465 : i32 to index
      %swap3A_1468 = arith.index_cast %swap3A_1466 : i32 to index
      %swap3A_1469 = arith.index_cast %mul3A_1464 : i32 to index
      %swap3A_1470 = tpu.vector_load %arg13[%swap3A_1467, %swap3A_1468, %swap3A_1469] {strides = array<i32>} : memref<2x64x512xf32, #tpu.memory_space<vmem>>, vector<16xf32>,
      tpu.vector_store %arg13[%swap3A_1467, %swap3A_1468, %swap3A_1469], %gather3A_1426 {strides = array<i32>} : memref<2x64x512xf32, #tpu.memory_space<vmem>>, vector<16xf32>,
      %add3A_1471 = arith.constant 832 : i32
      %add3A_1472 = vector.broadcast %add3A_1471 : i32 to vector<16xi32>
      %add3A_1473 = arith.addi %add3A_871, %add3A_1472 : vector<16xi32>
      %gather3A_1474 = tpu.vector_load_idx %arg10[%add3A_1473] : memref<6144xf32, #tpu.memory_space<vmem>>[vector<16xi32>], vector<16xf32>,
      %mul3A_1475 = arith.constant 16 : i32
      %mul3A_1476 = arith.muli %scan3A_860, %mul3A_1475 : i32
      %swap3A_1477 = arith.constant 1 : i32
      %swap3A_1478 = arith.constant 49 : i32
      %swap3A_1479 = arith.index_cast %swap3A_1477 : i32 to index
      %swap3A_1480 = arith.index_cast %swap3A_1478 : i32 to index
      %swap3A_1481 = arith.index_cast %mul3A_1476 : i32 to index
      %swap3A_1482 = tpu.vector_load %arg13[%swap3A_1479, %swap3A_1480, %swap3A_1481] {strides = array<i32>} : memref<2x64x512xf32, #tpu.memory_space<vmem>>, vector<16xf32>,
      tpu.vector_store %arg13[%swap3A_1479, %swap3A_1480, %swap3A_1481], %gather3A_1438 {strides = array<i32>} : memref<2x64x512xf32, #tpu.memory_space<vmem>>, vector<16xf32>,
      %add3A_1483 = arith.constant 848 : i32
      %add3A_1484 = vector.broadcast %add3A_1483 : i32 to vector<16xi32>
      %add3A_1485 = arith.addi %add3A_871, %add3A_1484 : vector<16xi32>
      %gather3A_1486 = tpu.vector_load_idx %arg10[%add3A_1485] : memref<6144xf32, #tpu.memory_space<vmem>>[vector<16xi32>], vector<16xf32>,
      %mul3A_1487 = arith.constant 16 : i32
      %mul3A_1488 = arith.muli %scan3A_860, %mul3A_1487 : i32
      %swap3A_1489 = arith.constant 1 : i32
      %swap3A_1490 = arith.constant 50 : i32
      %swap3A_1491 = arith.index_cast %swap3A_1489 : i32 to index
      %swap3A_1492 = arith.index_cast %swap3A_1490 : i32 to index
      %swap3A_1493 = arith.index_cast %mul3A_1488 : i32 to index
      %swap3A_1494 = tpu.vector_load %arg13[%swap3A_1491, %swap3A_1492, %swap3A_1493] {strides = array<i32>} : memref<2x64x512xf32, #tpu.memory_space<vmem>>, vector<16xf32>,
      tpu.vector_store %arg13[%swap3A_1491, %swap3A_1492, %swap3A_1493], %gather3A_1450 {strides = array<i32>} : memref<2x64x512xf32, #tpu.memory_space<vmem>>, vector<16xf32>,
      %add3A_1495 = arith.constant 864 : i32
      %add3A_1496 = vector.broadcast %add3A_1495 : i32 to vector<16xi32>
      %add3A_1497 = arith.addi %add3A_871, %add3A_1496 : vector<16xi32>
      %gather3A_1498 = tpu.vector_load_idx %arg10[%add3A_1497] : memref<6144xf32, #tpu.memory_space<vmem>>[vector<16xi32>], vector<16xf32>,
      %mul3A_1499 = arith.constant 16 : i32
      %mul3A_1500 = arith.muli %scan3A_860, %mul3A_1499 : i32
      %swap3A_1501 = arith.constant 1 : i32
      %swap3A_1502 = arith.constant 51 : i32
      %swap3A_1503 = arith.index_cast %swap3A_1501 : i32 to index
      %swap3A_1504 = arith.index_cast %swap3A_1502 : i32 to index
      %swap3A_1505 = arith.index_cast %mul3A_1500 : i32 to index
      %swap3A_1506 = tpu.vector_load %arg13[%swap3A_1503, %swap3A_1504, %swap3A_1505] {strides = array<i32>} : memref<2x64x512xf32, #tpu.memory_space<vmem>>, vector<16xf32>,
      tpu.vector_store %arg13[%swap3A_1503, %swap3A_1504, %swap3A_1505], %gather3A_1462 {strides = array<i32>} : memref<2x64x512xf32, #tpu.memory_space<vmem>>, vector<16xf32>,
      %add3A_1507 = arith.constant 880 : i32
      %add3A_1508 = vector.broadcast %add3A_1507 : i32 to vector<16xi32>
      %add3A_1509 = arith.addi %add3A_871, %add3A_1508 : vector<16xi32>
      %gather3A_1510 = tpu.vector_load_idx %arg10[%add3A_1509] : memref<6144xf32, #tpu.memory_space<vmem>>[vector<16xi32>], vector<16xf32>,
      %mul3A_1511 = arith.constant 16 : i32
      %mul3A_1512 = arith.muli %scan3A_860, %mul3A_1511 : i32
      %swap3A_1513 = arith.constant 1 : i32
      %swap3A_1514 = arith.constant 52 : i32
      %swap3A_1515 = arith.index_cast %swap3A_1513 : i32 to index
      %swap3A_1516 = arith.index_cast %swap3A_1514 : i32 to index
      %swap3A_1517 = arith.index_cast %mul3A_1512 : i32 to index
      %swap3A_1518 = tpu.vector_load %arg13[%swap3A_1515, %swap3A_1516, %swap3A_1517] {strides = array<i32>} : memref<2x64x512xf32, #tpu.memory_space<vmem>>, vector<16xf32>,
      tpu.vector_store %arg13[%swap3A_1515, %swap3A_1516, %swap3A_1517], %gather3A_1474 {strides = array<i32>} : memref<2x64x512xf32, #tpu.memory_space<vmem>>, vector<16xf32>,
      %add3A_1519 = arith.constant 896 : i32
      %add3A_1520 = vector.broadcast %add3A_1519 : i32 to vector<16xi32>
      %add3A_1521 = arith.addi %add3A_871, %add3A_1520 : vector<16xi32>
      %gather3A_1522 = tpu.vector_load_idx %arg10[%add3A_1521] : memref<6144xf32, #tpu.memory_space<vmem>>[vector<16xi32>], vector<16xf32>,
      %mul3A_1523 = arith.constant 16 : i32
      %mul3A_1524 = arith.muli %scan3A_860, %mul3A_1523 : i32
      %swap3A_1525 = arith.constant 1 : i32
      %swap3A_1526 = arith.constant 53 : i32
      %swap3A_1527 = arith.index_cast %swap3A_1525 : i32 to index
      %swap3A_1528 = arith.index_cast %swap3A_1526 : i32 to index
      %swap3A_1529 = arith.index_cast %mul3A_1524 : i32 to index
      %swap3A_1530 = tpu.vector_load %arg13[%swap3A_1527, %swap3A_1528, %swap3A_1529] {strides = array<i32>} : memref<2x64x512xf32, #tpu.memory_space<vmem>>, vector<16xf32>,
      tpu.vector_store %arg13[%swap3A_1527, %swap3A_1528, %swap3A_1529], %gather3A_1486 {strides = array<i32>} : memref<2x64x512xf32, #tpu.memory_space<vmem>>, vector<16xf32>,
      %add3A_1531 = arith.constant 912 : i32
      %add3A_1532 = vector.broadcast %add3A_1531 : i32 to vector<16xi32>
      %add3A_1533 = arith.addi %add3A_871, %add3A_1532 : vector<16xi32>
      %gather3A_1534 = tpu.vector_load_idx %arg10[%add3A_1533] : memref<6144xf32, #tpu.memory_space<vmem>>[vector<16xi32>], vector<16xf32>,
      %mul3A_1535 = arith.constant 16 : i32
      %mul3A_1536 = arith.muli %scan3A_860, %mul3A_1535 : i32
      %swap3A_1537 = arith.constant 1 : i32
      %swap3A_1538 = arith.constant 54 : i32
      %swap3A_1539 = arith.index_cast %swap3A_1537 : i32 to index
      %swap3A_1540 = arith.index_cast %swap3A_1538 : i32 to index
      %swap3A_1541 = arith.index_cast %mul3A_1536 : i32 to index
      %swap3A_1542 = tpu.vector_load %arg13[%swap3A_1539, %swap3A_1540, %swap3A_1541] {strides = array<i32>} : memref<2x64x512xf32, #tpu.memory_space<vmem>>, vector<16xf32>,
      tpu.vector_store %arg13[%swap3A_1539, %swap3A_1540, %swap3A_1541], %gather3A_1498 {strides = array<i32>} : memref<2x64x512xf32, #tpu.memory_space<vmem>>, vector<16xf32>,
      %add3A_1543 = arith.constant 928 : i32
      %add3A_1544 = vector.broadcast %add3A_1543 : i32 to vector<16xi32>
      %add3A_1545 = arith.addi %add3A_871, %add3A_1544 : vector<16xi32>
      %gather3A_1546 = tpu.vector_load_idx %arg10[%add3A_1545] : memref<6144xf32, #tpu.memory_space<vmem>>[vector<16xi32>], vector<16xf32>,
      %mul3A_1547 = arith.constant 16 : i32
      %mul3A_1548 = arith.muli %scan3A_860, %mul3A_1547 : i32
      %swap3A_1549 = arith.constant 1 : i32
      %swap3A_1550 = arith.constant 55 : i32
      %swap3A_1551 = arith.index_cast %swap3A_1549 : i32 to index
      %swap3A_1552 = arith.index_cast %swap3A_1550 : i32 to index
      %swap3A_1553 = arith.index_cast %mul3A_1548 : i32 to index
      %swap3A_1554 = tpu.vector_load %arg13[%swap3A_1551, %swap3A_1552, %swap3A_1553] {strides = array<i32>} : memref<2x64x512xf32, #tpu.memory_space<vmem>>, vector<16xf32>,
      tpu.vector_store %arg13[%swap3A_1551, %swap3A_1552, %swap3A_1553], %gather3A_1510 {strides = array<i32>} : memref<2x64x512xf32, #tpu.memory_space<vmem>>, vector<16xf32>,
      %add3A_1555 = arith.constant 944 : i32
      %add3A_1556 = vector.broadcast %add3A_1555 : i32 to vector<16xi32>
      %add3A_1557 = arith.addi %add3A_871, %add3A_1556 : vector<16xi32>
      %gather3A_1558 = tpu.vector_load_idx %arg10[%add3A_1557] : memref<6144xf32, #tpu.memory_space<vmem>>[vector<16xi32>], vector<16xf32>,
      %mul3A_1559 = arith.constant 16 : i32
      %mul3A_1560 = arith.muli %scan3A_860, %mul3A_1559 : i32
      %swap3A_1561 = arith.constant 1 : i32
      %swap3A_1562 = arith.constant 56 : i32
      %swap3A_1563 = arith.index_cast %swap3A_1561 : i32 to index
      %swap3A_1564 = arith.index_cast %swap3A_1562 : i32 to index
      %swap3A_1565 = arith.index_cast %mul3A_1560 : i32 to index
      %swap3A_1566 = tpu.vector_load %arg13[%swap3A_1563, %swap3A_1564, %swap3A_1565] {strides = array<i32>} : memref<2x64x512xf32, #tpu.memory_space<vmem>>, vector<16xf32>,
      tpu.vector_store %arg13[%swap3A_1563, %swap3A_1564, %swap3A_1565], %gather3A_1522 {strides = array<i32>} : memref<2x64x512xf32, #tpu.memory_space<vmem>>, vector<16xf32>,
      %add3A_1567 = arith.constant 960 : i32
      %add3A_1568 = vector.broadcast %add3A_1567 : i32 to vector<16xi32>
      %add3A_1569 = arith.addi %add3A_871, %add3A_1568 : vector<16xi32>
      %gather3A_1570 = tpu.vector_load_idx %arg10[%add3A_1569] : memref<6144xf32, #tpu.memory_space<vmem>>[vector<16xi32>], vector<16xf32>,
      %mul3A_1571 = arith.constant 16 : i32
      %mul3A_1572 = arith.muli %scan3A_860, %mul3A_1571 : i32
      %swap3A_1573 = arith.constant 1 : i32
      %swap3A_1574 = arith.constant 57 : i32
      %swap3A_1575 = arith.index_cast %swap3A_1573 : i32 to index
      %swap3A_1576 = arith.index_cast %swap3A_1574 : i32 to index
      %swap3A_1577 = arith.index_cast %mul3A_1572 : i32 to index
      %swap3A_1578 = tpu.vector_load %arg13[%swap3A_1575, %swap3A_1576, %swap3A_1577] {strides = array<i32>} : memref<2x64x512xf32, #tpu.memory_space<vmem>>, vector<16xf32>,
      tpu.vector_store %arg13[%swap3A_1575, %swap3A_1576, %swap3A_1577], %gather3A_1534 {strides = array<i32>} : memref<2x64x512xf32, #tpu.memory_space<vmem>>, vector<16xf32>,
      %add3A_1579 = arith.constant 976 : i32
      %add3A_1580 = vector.broadcast %add3A_1579 : i32 to vector<16xi32>
      %add3A_1581 = arith.addi %add3A_871, %add3A_1580 : vector<16xi32>
      %gather3A_1582 = tpu.vector_load_idx %arg10[%add3A_1581] : memref<6144xf32, #tpu.memory_space<vmem>>[vector<16xi32>], vector<16xf32>,
      %mul3A_1583 = arith.constant 16 : i32
      %mul3A_1584 = arith.muli %scan3A_860, %mul3A_1583 : i32
      %swap3A_1585 = arith.constant 1 : i32
      %swap3A_1586 = arith.constant 58 : i32
      %swap3A_1587 = arith.index_cast %swap3A_1585 : i32 to index
      %swap3A_1588 = arith.index_cast %swap3A_1586 : i32 to index
      %swap3A_1589 = arith.index_cast %mul3A_1584 : i32 to index
      %swap3A_1590 = tpu.vector_load %arg13[%swap3A_1587, %swap3A_1588, %swap3A_1589] {strides = array<i32>} : memref<2x64x512xf32, #tpu.memory_space<vmem>>, vector<16xf32>,
      tpu.vector_store %arg13[%swap3A_1587, %swap3A_1588, %swap3A_1589], %gather3A_1546 {strides = array<i32>} : memref<2x64x512xf32, #tpu.memory_space<vmem>>, vector<16xf32>,
      %add3A_1591 = arith.constant 992 : i32
      %add3A_1592 = vector.broadcast %add3A_1591 : i32 to vector<16xi32>
      %add3A_1593 = arith.addi %add3A_871, %add3A_1592 : vector<16xi32>
      %gather3A_1594 = tpu.vector_load_idx %arg10[%add3A_1593] : memref<6144xf32, #tpu.memory_space<vmem>>[vector<16xi32>], vector<16xf32>,
      %mul3A_1595 = arith.constant 16 : i32
      %mul3A_1596 = arith.muli %scan3A_860, %mul3A_1595 : i32
      %swap3A_1597 = arith.constant 1 : i32
      %swap3A_1598 = arith.constant 59 : i32
      %swap3A_1599 = arith.index_cast %swap3A_1597 : i32 to index
      %swap3A_1600 = arith.index_cast %swap3A_1598 : i32 to index
      %swap3A_1601 = arith.index_cast %mul3A_1596 : i32 to index
      %swap3A_1602 = tpu.vector_load %arg13[%swap3A_1599, %swap3A_1600, %swap3A_1601] {strides = array<i32>} : memref<2x64x512xf32, #tpu.memory_space<vmem>>, vector<16xf32>,
      tpu.vector_store %arg13[%swap3A_1599, %swap3A_1600, %swap3A_1601], %gather3A_1558 {strides = array<i32>} : memref<2x64x512xf32, #tpu.memory_space<vmem>>, vector<16xf32>,
      %add3A_1603 = arith.constant 1008 : i32
      %add3A_1604 = vector.broadcast %add3A_1603 : i32 to vector<16xi32>
      %add3A_1605 = arith.addi %add3A_871, %add3A_1604 : vector<16xi32>
      %gather3A_1606 = tpu.vector_load_idx %arg10[%add3A_1605] : memref<6144xf32, #tpu.memory_space<vmem>>[vector<16xi32>], vector<16xf32>,
      %mul3A_1607 = arith.constant 16 : i32
      %mul3A_1608 = arith.muli %scan3A_860, %mul3A_1607 : i32
      %swap3A_1609 = arith.constant 1 : i32
      %swap3A_1610 = arith.constant 60 : i32
      %swap3A_1611 = arith.index_cast %swap3A_1609 : i32 to index
      %swap3A_1612 = arith.index_cast %swap3A_1610 : i32 to index
      %swap3A_1613 = arith.index_cast %mul3A_1608 : i32 to index
      %swap3A_1614 = tpu.vector_load %arg13[%swap3A_1611, %swap3A_1612, %swap3A_1613] {strides = array<i32>} : memref<2x64x512xf32, #tpu.memory_space<vmem>>, vector<16xf32>,
      tpu.vector_store %arg13[%swap3A_1611, %swap3A_1612, %swap3A_1613], %gather3A_1570 {strides = array<i32>} : memref<2x64x512xf32, #tpu.memory_space<vmem>>, vector<16xf32>,
      %mul3A_1615 = arith.constant 16 : i32
      %mul3A_1616 = arith.muli %scan3A_860, %mul3A_1615 : i32
      %swap3A_1617 = arith.constant 1 : i32
      %swap3A_1618 = arith.constant 61 : i32
      %swap3A_1619 = arith.index_cast %swap3A_1617 : i32 to index
      %swap3A_1620 = arith.index_cast %swap3A_1618 : i32 to index
      %swap3A_1621 = arith.index_cast %mul3A_1616 : i32 to index
      %swap3A_1622 = tpu.vector_load %arg13[%swap3A_1619, %swap3A_1620, %swap3A_1621] {strides = array<i32>} : memref<2x64x512xf32, #tpu.memory_space<vmem>>, vector<16xf32>,
      tpu.vector_store %arg13[%swap3A_1619, %swap3A_1620, %swap3A_1621], %gather3A_1582 {strides = array<i32>} : memref<2x64x512xf32, #tpu.memory_space<vmem>>, vector<16xf32>,
      %mul3A_1623 = arith.constant 16 : i32
      %mul3A_1624 = arith.muli %scan3A_860, %mul3A_1623 : i32
      %swap3A_1625 = arith.constant 1 : i32
      %swap3A_1626 = arith.constant 62 : i32
      %swap3A_1627 = arith.index_cast %swap3A_1625 : i32 to index
      %swap3A_1628 = arith.index_cast %swap3A_1626 : i32 to index
      %swap3A_1629 = arith.index_cast %mul3A_1624 : i32 to index
      %swap3A_1630 = tpu.vector_load %arg13[%swap3A_1627, %swap3A_1628, %swap3A_1629] {strides = array<i32>} : memref<2x64x512xf32, #tpu.memory_space<vmem>>, vector<16xf32>,
      tpu.vector_store %arg13[%swap3A_1627, %swap3A_1628, %swap3A_1629], %gather3A_1594 {strides = array<i32>} : memref<2x64x512xf32, #tpu.memory_space<vmem>>, vector<16xf32>,
      %mul3A_1631 = arith.constant 16 : i32
      %mul3A_1632 = arith.muli %scan3A_860, %mul3A_1631 : i32
      %swap3A_1633 = arith.constant 1 : i32
      %swap3A_1634 = arith.constant 63 : i32
      %swap3A_1635 = arith.index_cast %swap3A_1633 : i32 to index
      %swap3A_1636 = arith.index_cast %swap3A_1634 : i32 to index
      %swap3A_1637 = arith.index_cast %mul3A_1632 : i32 to index
      %swap3A_1638 = tpu.vector_load %arg13[%swap3A_1635, %swap3A_1636, %swap3A_1637] {strides = array<i32>} : memref<2x64x512xf32, #tpu.memory_space<vmem>>, vector<16xf32>,
      tpu.vector_store %arg13[%swap3A_1635, %swap3A_1636, %swap3A_1637], %gather3A_1606 {strides = array<i32>} : memref<2x64x512xf32, #tpu.memory_space<vmem>>, vector<16xf32>,
      %scan3A_1639 = arith.constant 0 : i32
      scf.yield %scan3A_1639 : i32
    }
    %scan3A_28 = arith.constant 32 : i32
    %dma_start3A_29 = arith.constant 1 : i32
    %dma_start3A_30 = arith.constant 0 : i32
    %dma_start3A_31 = arith.constant 0 : i32
    %dma_start3A_32 = tpu.memref_slice %arg13[%dma_start3A_29, %dma_start3A_30, %dma_start3A_31] : memref<2x64x512xf32, #tpu.memory_space<vmem>> -> memref<1x64x512xf32, #tpu.memory_space<vmem>>
    %dma_start3A_33 = tpu.memref_squeeze %dma_start3A_32 : memref<1x64x512xf32, #tpu.memory_space<vmem>> -> memref<64x512xf32, #tpu.memory_space<vmem>>
    %dma_start3A_34 = arith.constant 64 : i32
    %dma_start3A_35 = tpu.memref_slice %arg7[%dma_start3A_34, %mul3A_2] : memref<3488x16384xf32, #tpu.memory_space<hbm>> -> memref<64x512xf32, #tpu.memory_space<hbm>>
    %dma_start3A_36 = arith.constant 64 : i32
    %dma_start3A_37 = tpu.memref_slice %arg7[%dma_start3A_36, %mul3A_2] : memref<3488x16384xf32, #tpu.memory_space<hbm>> -> memref<64x512xf32, #tpu.memory_space<hbm>>
    %dma_start3A_38 = arith.constant 0 : i32
    %dma_start3A_39 = arith.constant 0 : i32
    %dma_start3A_40 = tpu.memref_slice %arg13[%dma_start3A_29, %dma_start3A_38, %dma_start3A_39] : memref<2x64x512xf32, #tpu.memory_space<vmem>> -> memref<1x64x512xf32, #tpu.memory_space<vmem>>
    %dma_start3A_41 = tpu.memref_squeeze %dma_start3A_40 : memref<1x64x512xf32, #tpu.memory_space<vmem>> -> memref<64x512xf32, #tpu.memory_space<vmem>>
    tpu.enqueue_dma source(%dma_start3A_41 : memref<64x512xf32, #tpu.memory_space<vmem>>) target(%dma_start3A_37 : memref<64x512xf32, #tpu.memory_space<hbm>>) target_semaphore(%arg16 : memref<!tpu.dma_semaphore, #tpu.memory_space<semaphore_mem>>)
    %scan3A_42 = arith.constant 0 : i32
    %scan3A_43 = arith.constant 0 : i32
    %scan3A_44 = arith.constant 26 : i32
    %scan3A_45 = arith.addi %scan3A_43, %scan3A_44 : i32
    %scan3A_46 = arith.constant 1 : i32
    %scan3A_47 = scf.for %scan3A_860 = %scan3A_43 to %scan3A_45 step %scan3A_46 iter_args(%scan3A_861 = %scan3A_42) -> (i32)  : i32 {
      %mul3A_862 = arith.constant 2 : i32
      %mul3A_863 = arith.muli %scan3A_860, %mul3A_862 : i32
      %add3A_864 = arith.constant 2 : i32
      %add3A_865 = arith.addi %add3A_864, %mul3A_863 : i32
      %dma_wait3A_866 = arith.constant 0 : i32
      %dma_wait3A_867 = arith.constant 0 : i32
      %dma_wait3A_868 = arith.constant 0 : i32
      %dma_wait3A_869 = tpu.memref_slice %arg13[%dma_wait3A_866, %dma_wait3A_867, %dma_wait3A_868] : memref<2x64x512xf32, #tpu.memory_space<vmem>> -> memref<1x64x512xf32, #tpu.memory_space<vmem>>
      %dma_wait3A_870 = tpu.memref_squeeze %dma_wait3A_869 : memref<1x64x512xf32, #tpu.memory_space<vmem>> -> memref<64x512xf32, #tpu.memory_space<vmem>>
      %dma_wait3A_871 = arith.constant 0 : i32
      %dma_wait3A_872 = tpu.memref_slice %arg7[%dma_wait3A_871, %mul3A_2] : memref<3488x16384xf32, #tpu.memory_space<hbm>> -> memref<64x512xf32, #tpu.memory_space<hbm>>
      %dma_wait3A_873 = arith.constant 0 : i32
      %dma_wait3A_874 = tpu.memref_slice %arg7[%dma_wait3A_873, %mul3A_2] : memref<3488x16384xf32, #tpu.memory_space<hbm>> -> memref<64x512xf32, #tpu.memory_space<hbm>>
      %dma_wait3A_875 = arith.constant 0 : i32
      %dma_wait3A_876 = arith.constant 0 : i32
      %dma_wait3A_877 = tpu.memref_slice %arg13[%dma_wait3A_866, %dma_wait3A_875, %dma_wait3A_876] : memref<2x64x512xf32, #tpu.memory_space<vmem>> -> memref<1x64x512xf32, #tpu.memory_space<vmem>>
      %dma_wait3A_878 = tpu.memref_squeeze %dma_wait3A_877 : memref<1x64x512xf32, #tpu.memory_space<vmem>> -> memref<64x512xf32, #tpu.memory_space<vmem>>
      tpu.wait_dma2 semaphore(%arg15 : memref<!tpu.dma_semaphore, #tpu.memory_space<semaphore_mem>>) src(%dma_wait3A_878 : memref<64x512xf32, #tpu.memory_space<vmem>>) dst(%dma_wait3A_874 : memref<64x512xf32, #tpu.memory_space<hbm>>)
      %add3A_879 = arith.constant 0 : i32
      %add3A_880 = arith.addi %add3A_865, %add3A_879 : i32
      %iota3A_881 = tpu.iota {dimensions = array<i32: 0>} : vector<16xi32>
      %scan3A_882 = arith.constant 0 : i32
      %scan3A_883 = arith.constant 0 : i32
      %scan3A_884 = arith.constant 32 : i32
      %scan3A_885 = arith.addi %scan3A_883, %scan3A_884 : i32
      %scan3A_886 = arith.constant 1 : i32
      %scan3A_887 = scf.for %scan3A_943 = %scan3A_883 to %scan3A_885 step %scan3A_886 iter_args(%scan3A_944 = %scan3A_882) -> (i32)  : i32 {
        %mul3A_945 = arith.constant 16 : i32
        %mul3A_946 = arith.muli %scan3A_943, %mul3A_945 : i32
        %get3A_947 = arith.index_cast %add3A_880 : i32 to index
        %get3A_948 = arith.index_cast %mul3A_946 : i32 to index
        %get3A_949 = tpu.vector_load %arg8[%get3A_947, %get3A_948] {strides = array<i32>} : memref<54x512xi32, #tpu.memory_space<vmem>>, vector<16xi32>,
        %mul3A_950 = arith.constant 1024 : i32
        %mul3A_951 = vector.broadcast %mul3A_950 : i32 to vector<16xi32>
        %mul3A_952 = arith.muli %get3A_949, %mul3A_951 : vector<16xi32>
        %add3A_953 = arith.addi %mul3A_952, %iota3A_881 : vector<16xi32>
        %add3A_954 = arith.constant 0 : i32
        %add3A_955 = vector.broadcast %add3A_954 : i32 to vector<16xi32>
        %add3A_956 = arith.addi %add3A_953, %add3A_955 : vector<16xi32>
        %gather3A_957 = tpu.vector_load_idx %arg10[%add3A_956] : memref<6144xf32, #tpu.memory_space<vmem>>[vector<16xi32>], vector<16xf32>,
        %add3A_958 = arith.constant 16 : i32
        %add3A_959 = vector.broadcast %add3A_958 : i32 to vector<16xi32>
        %add3A_960 = arith.addi %add3A_953, %add3A_959 : vector<16xi32>
        %gather3A_961 = tpu.vector_load_idx %arg10[%add3A_960] : memref<6144xf32, #tpu.memory_space<vmem>>[vector<16xi32>], vector<16xf32>,
        %add3A_962 = arith.constant 32 : i32
        %add3A_963 = vector.broadcast %add3A_962 : i32 to vector<16xi32>
        %add3A_964 = arith.addi %add3A_953, %add3A_963 : vector<16xi32>
        %gather3A_965 = tpu.vector_load_idx %arg10[%add3A_964] : memref<6144xf32, #tpu.memory_space<vmem>>[vector<16xi32>], vector<16xf32>,
        %add3A_966 = arith.constant 48 : i32
        %add3A_967 = vector.broadcast %add3A_966 : i32 to vector<16xi32>
        %add3A_968 = arith.addi %add3A_953, %add3A_967 : vector<16xi32>
        %gather3A_969 = tpu.vector_load_idx %arg10[%add3A_968] : memref<6144xf32, #tpu.memory_space<vmem>>[vector<16xi32>], vector<16xf32>,
        %mul3A_970 = arith.constant 16 : i32
        %mul3A_971 = arith.muli %scan3A_943, %mul3A_970 : i32
        %swap3A = arith.constant 0 : i32
        %swap3A_972 = arith.constant 0 : i32
        %swap3A_973 = arith.index_cast %swap3A : i32 to index
        %swap3A_974 = arith.index_cast %swap3A_972 : i32 to index
        %swap3A_975 = arith.index_cast %mul3A_971 : i32 to index
        %swap3A_976 = tpu.vector_load %arg13[%swap3A_973, %swap3A_974, %swap3A_975] {strides = array<i32>} : memref<2x64x512xf32, #tpu.memory_space<vmem>>, vector<16xf32>,
        tpu.vector_store %arg13[%swap3A_973, %swap3A_974, %swap3A_975], %gather3A_957 {strides = array<i32>} : memref<2x64x512xf32, #tpu.memory_space<vmem>>, vector<16xf32>,
        %add3A_977 = arith.constant 64 : i32
        %add3A_978 = vector.broadcast %add3A_977 : i32 to vector<16xi32>
        %add3A_979 = arith.addi %add3A_953, %add3A_978 : vector<16xi32>
        %gather3A_980 = tpu.vector_load_idx %arg10[%add3A_979] : memref<6144xf32, #tpu.memory_space<vmem>>[vector<16xi32>], vector<16xf32>,
        %mul3A_981 = arith.constant 16 : i32
        %mul3A_982 = arith.muli %scan3A_943, %mul3A_981 : i32
        %swap3A_983 = arith.constant 0 : i32
        %swap3A_984 = arith.constant 1 : i32
        %swap3A_985 = arith.index_cast %swap3A_983 : i32 to index
        %swap3A_986 = arith.index_cast %swap3A_984 : i32 to index
        %swap3A_987 = arith.index_cast %mul3A_982 : i32 to index
        %swap3A_988 = tpu.vector_load %arg13[%swap3A_985, %swap3A_986, %swap3A_987] {strides = array<i32>} : memref<2x64x512xf32, #tpu.memory_space<vmem>>, vector<16xf32>,
        tpu.vector_store %arg13[%swap3A_985, %swap3A_986, %swap3A_987], %gather3A_961 {strides = array<i32>} : memref<2x64x512xf32, #tpu.memory_space<vmem>>, vector<16xf32>,
        %add3A_989 = arith.constant 80 : i32
        %add3A_990 = vector.broadcast %add3A_989 : i32 to vector<16xi32>
        %add3A_991 = arith.addi %add3A_953, %add3A_990 : vector<16xi32>
        %gather3A_992 = tpu.vector_load_idx %arg10[%add3A_991] : memref<6144xf32, #tpu.memory_space<vmem>>[vector<16xi32>], vector<16xf32>,
        %mul3A_993 = arith.constant 16 : i32
        %mul3A_994 = arith.muli %scan3A_943, %mul3A_993 : i32
        %swap3A_995 = arith.constant 0 : i32
        %swap3A_996 = arith.constant 2 : i32
        %swap3A_997 = arith.index_cast %swap3A_995 : i32 to index
        %swap3A_998 = arith.index_cast %swap3A_996 : i32 to index
        %swap3A_999 = arith.index_cast %mul3A_994 : i32 to index
        %swap3A_1000 = tpu.vector_load %arg13[%swap3A_997, %swap3A_998, %swap3A_999] {strides = array<i32>} : memref<2x64x512xf32, #tpu.memory_space<vmem>>, vector<16xf32>,
        tpu.vector_store %arg13[%swap3A_997, %swap3A_998, %swap3A_999], %gather3A_965 {strides = array<i32>} : memref<2x64x512xf32, #tpu.memory_space<vmem>>, vector<16xf32>,
        %add3A_1001 = arith.constant 96 : i32
        %add3A_1002 = vector.broadcast %add3A_1001 : i32 to vector<16xi32>
        %add3A_1003 = arith.addi %add3A_953, %add3A_1002 : vector<16xi32>
        %gather3A_1004 = tpu.vector_load_idx %arg10[%add3A_1003] : memref<6144xf32, #tpu.memory_space<vmem>>[vector<16xi32>], vector<16xf32>,
        %mul3A_1005 = arith.constant 16 : i32
        %mul3A_1006 = arith.muli %scan3A_943, %mul3A_1005 : i32
        %swap3A_1007 = arith.constant 0 : i32
        %swap3A_1008 = arith.constant 3 : i32
        %swap3A_1009 = arith.index_cast %swap3A_1007 : i32 to index
        %swap3A_1010 = arith.index_cast %swap3A_1008 : i32 to index
        %swap3A_1011 = arith.index_cast %mul3A_1006 : i32 to index
        %swap3A_1012 = tpu.vector_load %arg13[%swap3A_1009, %swap3A_1010, %swap3A_1011] {strides = array<i32>} : memref<2x64x512xf32, #tpu.memory_space<vmem>>, vector<16xf32>,
        tpu.vector_store %arg13[%swap3A_1009, %swap3A_1010, %swap3A_1011], %gather3A_969 {strides = array<i32>} : memref<2x64x512xf32, #tpu.memory_space<vmem>>, vector<16xf32>,
        %add3A_1013 = arith.constant 112 : i32
        %add3A_1014 = vector.broadcast %add3A_1013 : i32 to vector<16xi32>
        %add3A_1015 = arith.addi %add3A_953, %add3A_1014 : vector<16xi32>
        %gather3A_1016 = tpu.vector_load_idx %arg10[%add3A_1015] : memref<6144xf32, #tpu.memory_space<vmem>>[vector<16xi32>], vector<16xf32>,
        %mul3A_1017 = arith.constant 16 : i32
        %mul3A_1018 = arith.muli %scan3A_943, %mul3A_1017 : i32
        %swap3A_1019 = arith.constant 0 : i32
        %swap3A_1020 = arith.constant 4 : i32
        %swap3A_1021 = arith.index_cast %swap3A_1019 : i32 to index
        %swap3A_1022 = arith.index_cast %swap3A_1020 : i32 to index
        %swap3A_1023 = arith.index_cast %mul3A_1018 : i32 to index
        %swap3A_1024 = tpu.vector_load %arg13[%swap3A_1021, %swap3A_1022, %swap3A_1023] {strides = array<i32>} : memref<2x64x512xf32, #tpu.memory_space<vmem>>, vector<16xf32>,
        tpu.vector_store %arg13[%swap3A_1021, %swap3A_1022, %swap3A_1023], %gather3A_980 {strides = array<i32>} : memref<2x64x512xf32, #tpu.memory_space<vmem>>, vector<16xf32>,
        %add3A_1025 = arith.constant 128 : i32
        %add3A_1026 = vector.broadcast %add3A_1025 : i32 to vector<16xi32>
        %add3A_1027 = arith.addi %add3A_953, %add3A_1026 : vector<16xi32>
        %gather3A_1028 = tpu.vector_load_idx %arg10[%add3A_1027] : memref<6144xf32, #tpu.memory_space<vmem>>[vector<16xi32>], vector<16xf32>,
        %mul3A_1029 = arith.constant 16 : i32
        %mul3A_1030 = arith.muli %scan3A_943, %mul3A_1029 : i32
        %swap3A_1031 = arith.constant 0 : i32
        %swap3A_1032 = arith.constant 5 : i32
        %swap3A_1033 = arith.index_cast %swap3A_1031 : i32 to index
        %swap3A_1034 = arith.index_cast %swap3A_1032 : i32 to index
        %swap3A_1035 = arith.index_cast %mul3A_1030 : i32 to index
        %swap3A_1036 = tpu.vector_load %arg13[%swap3A_1033, %swap3A_1034, %swap3A_1035] {strides = array<i32>} : memref<2x64x512xf32, #tpu.memory_space<vmem>>, vector<16xf32>,
        tpu.vector_store %arg13[%swap3A_1033, %swap3A_1034, %swap3A_1035], %gather3A_992 {strides = array<i32>} : memref<2x64x512xf32, #tpu.memory_space<vmem>>, vector<16xf32>,
        %add3A_1037 = arith.constant 144 : i32
        %add3A_1038 = vector.broadcast %add3A_1037 : i32 to vector<16xi32>
        %add3A_1039 = arith.addi %add3A_953, %add3A_1038 : vector<16xi32>
        %gather3A_1040 = tpu.vector_load_idx %arg10[%add3A_1039] : memref<6144xf32, #tpu.memory_space<vmem>>[vector<16xi32>], vector<16xf32>,
        %mul3A_1041 = arith.constant 16 : i32
        %mul3A_1042 = arith.muli %scan3A_943, %mul3A_1041 : i32
        %swap3A_1043 = arith.constant 0 : i32
        %swap3A_1044 = arith.constant 6 : i32
        %swap3A_1045 = arith.index_cast %swap3A_1043 : i32 to index
        %swap3A_1046 = arith.index_cast %swap3A_1044 : i32 to index
        %swap3A_1047 = arith.index_cast %mul3A_1042 : i32 to index
        %swap3A_1048 = tpu.vector_load %arg13[%swap3A_1045, %swap3A_1046, %swap3A_1047] {strides = array<i32>} : memref<2x64x512xf32, #tpu.memory_space<vmem>>, vector<16xf32>,
        tpu.vector_store %arg13[%swap3A_1045, %swap3A_1046, %swap3A_1047], %gather3A_1004 {strides = array<i32>} : memref<2x64x512xf32, #tpu.memory_space<vmem>>, vector<16xf32>,
        %add3A_1049 = arith.constant 160 : i32
        %add3A_1050 = vector.broadcast %add3A_1049 : i32 to vector<16xi32>
        %add3A_1051 = arith.addi %add3A_953, %add3A_1050 : vector<16xi32>
        %gather3A_1052 = tpu.vector_load_idx %arg10[%add3A_1051] : memref<6144xf32, #tpu.memory_space<vmem>>[vector<16xi32>], vector<16xf32>,
        %mul3A_1053 = arith.constant 16 : i32
        %mul3A_1054 = arith.muli %scan3A_943, %mul3A_1053 : i32
        %swap3A_1055 = arith.constant 0 : i32
        %swap3A_1056 = arith.constant 7 : i32
        %swap3A_1057 = arith.index_cast %swap3A_1055 : i32 to index
        %swap3A_1058 = arith.index_cast %swap3A_1056 : i32 to index
        %swap3A_1059 = arith.index_cast %mul3A_1054 : i32 to index
        %swap3A_1060 = tpu.vector_load %arg13[%swap3A_1057, %swap3A_1058, %swap3A_1059] {strides = array<i32>} : memref<2x64x512xf32, #tpu.memory_space<vmem>>, vector<16xf32>,
        tpu.vector_store %arg13[%swap3A_1057, %swap3A_1058, %swap3A_1059], %gather3A_1016 {strides = array<i32>} : memref<2x64x512xf32, #tpu.memory_space<vmem>>, vector<16xf32>,
        %add3A_1061 = arith.constant 176 : i32
        %add3A_1062 = vector.broadcast %add3A_1061 : i32 to vector<16xi32>
        %add3A_1063 = arith.addi %add3A_953, %add3A_1062 : vector<16xi32>
        %gather3A_1064 = tpu.vector_load_idx %arg10[%add3A_1063] : memref<6144xf32, #tpu.memory_space<vmem>>[vector<16xi32>], vector<16xf32>,
        %mul3A_1065 = arith.constant 16 : i32
        %mul3A_1066 = arith.muli %scan3A_943, %mul3A_1065 : i32
        %swap3A_1067 = arith.constant 0 : i32
        %swap3A_1068 = arith.constant 8 : i32
        %swap3A_1069 = arith.index_cast %swap3A_1067 : i32 to index
        %swap3A_1070 = arith.index_cast %swap3A_1068 : i32 to index
        %swap3A_1071 = arith.index_cast %mul3A_1066 : i32 to index
        %swap3A_1072 = tpu.vector_load %arg13[%swap3A_1069, %swap3A_1070, %swap3A_1071] {strides = array<i32>} : memref<2x64x512xf32, #tpu.memory_space<vmem>>, vector<16xf32>,
        tpu.vector_store %arg13[%swap3A_1069, %swap3A_1070, %swap3A_1071], %gather3A_1028 {strides = array<i32>} : memref<2x64x512xf32, #tpu.memory_space<vmem>>, vector<16xf32>,
        %add3A_1073 = arith.constant 192 : i32
        %add3A_1074 = vector.broadcast %add3A_1073 : i32 to vector<16xi32>
        %add3A_1075 = arith.addi %add3A_953, %add3A_1074 : vector<16xi32>
        %gather3A_1076 = tpu.vector_load_idx %arg10[%add3A_1075] : memref<6144xf32, #tpu.memory_space<vmem>>[vector<16xi32>], vector<16xf32>,
        %mul3A_1077 = arith.constant 16 : i32
        %mul3A_1078 = arith.muli %scan3A_943, %mul3A_1077 : i32
        %swap3A_1079 = arith.constant 0 : i32
        %swap3A_1080 = arith.constant 9 : i32
        %swap3A_1081 = arith.index_cast %swap3A_1079 : i32 to index
        %swap3A_1082 = arith.index_cast %swap3A_1080 : i32 to index
        %swap3A_1083 = arith.index_cast %mul3A_1078 : i32 to index
        %swap3A_1084 = tpu.vector_load %arg13[%swap3A_1081, %swap3A_1082, %swap3A_1083] {strides = array<i32>} : memref<2x64x512xf32, #tpu.memory_space<vmem>>, vector<16xf32>,
        tpu.vector_store %arg13[%swap3A_1081, %swap3A_1082, %swap3A_1083], %gather3A_1040 {strides = array<i32>} : memref<2x64x512xf32, #tpu.memory_space<vmem>>, vector<16xf32>,
        %add3A_1085 = arith.constant 208 : i32
        %add3A_1086 = vector.broadcast %add3A_1085 : i32 to vector<16xi32>
        %add3A_1087 = arith.addi %add3A_953, %add3A_1086 : vector<16xi32>
        %gather3A_1088 = tpu.vector_load_idx %arg10[%add3A_1087] : memref<6144xf32, #tpu.memory_space<vmem>>[vector<16xi32>], vector<16xf32>,
        %mul3A_1089 = arith.constant 16 : i32
        %mul3A_1090 = arith.muli %scan3A_943, %mul3A_1089 : i32
        %swap3A_1091 = arith.constant 0 : i32
        %swap3A_1092 = arith.constant 10 : i32
        %swap3A_1093 = arith.index_cast %swap3A_1091 : i32 to index
        %swap3A_1094 = arith.index_cast %swap3A_1092 : i32 to index
        %swap3A_1095 = arith.index_cast %mul3A_1090 : i32 to index
        %swap3A_1096 = tpu.vector_load %arg13[%swap3A_1093, %swap3A_1094, %swap3A_1095] {strides = array<i32>} : memref<2x64x512xf32, #tpu.memory_space<vmem>>, vector<16xf32>,
        tpu.vector_store %arg13[%swap3A_1093, %swap3A_1094, %swap3A_1095], %gather3A_1052 {strides = array<i32>} : memref<2x64x512xf32, #tpu.memory_space<vmem>>, vector<16xf32>,
        %add3A_1097 = arith.constant 224 : i32
        %add3A_1098 = vector.broadcast %add3A_1097 : i32 to vector<16xi32>
        %add3A_1099 = arith.addi %add3A_953, %add3A_1098 : vector<16xi32>
        %gather3A_1100 = tpu.vector_load_idx %arg10[%add3A_1099] : memref<6144xf32, #tpu.memory_space<vmem>>[vector<16xi32>], vector<16xf32>,
        %mul3A_1101 = arith.constant 16 : i32
        %mul3A_1102 = arith.muli %scan3A_943, %mul3A_1101 : i32
        %swap3A_1103 = arith.constant 0 : i32
        %swap3A_1104 = arith.constant 11 : i32
        %swap3A_1105 = arith.index_cast %swap3A_1103 : i32 to index
        %swap3A_1106 = arith.index_cast %swap3A_1104 : i32 to index
        %swap3A_1107 = arith.index_cast %mul3A_1102 : i32 to index
        %swap3A_1108 = tpu.vector_load %arg13[%swap3A_1105, %swap3A_1106, %swap3A_1107] {strides = array<i32>} : memref<2x64x512xf32, #tpu.memory_space<vmem>>, vector<16xf32>,
        tpu.vector_store %arg13[%swap3A_1105, %swap3A_1106, %swap3A_1107], %gather3A_1064 {strides = array<i32>} : memref<2x64x512xf32, #tpu.memory_space<vmem>>, vector<16xf32>,
        %add3A_1109 = arith.constant 240 : i32
        %add3A_1110 = vector.broadcast %add3A_1109 : i32 to vector<16xi32>
        %add3A_1111 = arith.addi %add3A_953, %add3A_1110 : vector<16xi32>
        %gather3A_1112 = tpu.vector_load_idx %arg10[%add3A_1111] : memref<6144xf32, #tpu.memory_space<vmem>>[vector<16xi32>], vector<16xf32>,
        %mul3A_1113 = arith.constant 16 : i32
        %mul3A_1114 = arith.muli %scan3A_943, %mul3A_1113 : i32
        %swap3A_1115 = arith.constant 0 : i32
        %swap3A_1116 = arith.constant 12 : i32
        %swap3A_1117 = arith.index_cast %swap3A_1115 : i32 to index
        %swap3A_1118 = arith.index_cast %swap3A_1116 : i32 to index
        %swap3A_1119 = arith.index_cast %mul3A_1114 : i32 to index
        %swap3A_1120 = tpu.vector_load %arg13[%swap3A_1117, %swap3A_1118, %swap3A_1119] {strides = array<i32>} : memref<2x64x512xf32, #tpu.memory_space<vmem>>, vector<16xf32>,
        tpu.vector_store %arg13[%swap3A_1117, %swap3A_1118, %swap3A_1119], %gather3A_1076 {strides = array<i32>} : memref<2x64x512xf32, #tpu.memory_space<vmem>>, vector<16xf32>,
        %add3A_1121 = arith.constant 256 : i32
        %add3A_1122 = vector.broadcast %add3A_1121 : i32 to vector<16xi32>
        %add3A_1123 = arith.addi %add3A_953, %add3A_1122 : vector<16xi32>
        %gather3A_1124 = tpu.vector_load_idx %arg10[%add3A_1123] : memref<6144xf32, #tpu.memory_space<vmem>>[vector<16xi32>], vector<16xf32>,
        %mul3A_1125 = arith.constant 16 : i32
        %mul3A_1126 = arith.muli %scan3A_943, %mul3A_1125 : i32
        %swap3A_1127 = arith.constant 0 : i32
        %swap3A_1128 = arith.constant 13 : i32
        %swap3A_1129 = arith.index_cast %swap3A_1127 : i32 to index
        %swap3A_1130 = arith.index_cast %swap3A_1128 : i32 to index
        %swap3A_1131 = arith.index_cast %mul3A_1126 : i32 to index
        %swap3A_1132 = tpu.vector_load %arg13[%swap3A_1129, %swap3A_1130, %swap3A_1131] {strides = array<i32>} : memref<2x64x512xf32, #tpu.memory_space<vmem>>, vector<16xf32>,
        tpu.vector_store %arg13[%swap3A_1129, %swap3A_1130, %swap3A_1131], %gather3A_1088 {strides = array<i32>} : memref<2x64x512xf32, #tpu.memory_space<vmem>>, vector<16xf32>,
        %add3A_1133 = arith.constant 272 : i32
        %add3A_1134 = vector.broadcast %add3A_1133 : i32 to vector<16xi32>
        %add3A_1135 = arith.addi %add3A_953, %add3A_1134 : vector<16xi32>
        %gather3A_1136 = tpu.vector_load_idx %arg10[%add3A_1135] : memref<6144xf32, #tpu.memory_space<vmem>>[vector<16xi32>], vector<16xf32>,
        %mul3A_1137 = arith.constant 16 : i32
        %mul3A_1138 = arith.muli %scan3A_943, %mul3A_1137 : i32
        %swap3A_1139 = arith.constant 0 : i32
        %swap3A_1140 = arith.constant 14 : i32
        %swap3A_1141 = arith.index_cast %swap3A_1139 : i32 to index
        %swap3A_1142 = arith.index_cast %swap3A_1140 : i32 to index
        %swap3A_1143 = arith.index_cast %mul3A_1138 : i32 to index
        %swap3A_1144 = tpu.vector_load %arg13[%swap3A_1141, %swap3A_1142, %swap3A_1143] {strides = array<i32>} : memref<2x64x512xf32, #tpu.memory_space<vmem>>, vector<16xf32>,
        tpu.vector_store %arg13[%swap3A_1141, %swap3A_1142, %swap3A_1143], %gather3A_1100 {strides = array<i32>} : memref<2x64x512xf32, #tpu.memory_space<vmem>>, vector<16xf32>,
        %add3A_1145 = arith.constant 288 : i32
        %add3A_1146 = vector.broadcast %add3A_1145 : i32 to vector<16xi32>
        %add3A_1147 = arith.addi %add3A_953, %add3A_1146 : vector<16xi32>
        %gather3A_1148 = tpu.vector_load_idx %arg10[%add3A_1147] : memref<6144xf32, #tpu.memory_space<vmem>>[vector<16xi32>], vector<16xf32>,
        %mul3A_1149 = arith.constant 16 : i32
        %mul3A_1150 = arith.muli %scan3A_943, %mul3A_1149 : i32
        %swap3A_1151 = arith.constant 0 : i32
        %swap3A_1152 = arith.constant 15 : i32
        %swap3A_1153 = arith.index_cast %swap3A_1151 : i32 to index
        %swap3A_1154 = arith.index_cast %swap3A_1152 : i32 to index
        %swap3A_1155 = arith.index_cast %mul3A_1150 : i32 to index
        %swap3A_1156 = tpu.vector_load %arg13[%swap3A_1153, %swap3A_1154, %swap3A_1155] {strides = array<i32>} : memref<2x64x512xf32, #tpu.memory_space<vmem>>, vector<16xf32>,
        tpu.vector_store %arg13[%swap3A_1153, %swap3A_1154, %swap3A_1155], %gather3A_1112 {strides = array<i32>} : memref<2x64x512xf32, #tpu.memory_space<vmem>>, vector<16xf32>,
        %add3A_1157 = arith.constant 304 : i32
        %add3A_1158 = vector.broadcast %add3A_1157 : i32 to vector<16xi32>
        %add3A_1159 = arith.addi %add3A_953, %add3A_1158 : vector<16xi32>
        %gather3A_1160 = tpu.vector_load_idx %arg10[%add3A_1159] : memref<6144xf32, #tpu.memory_space<vmem>>[vector<16xi32>], vector<16xf32>,
        %mul3A_1161 = arith.constant 16 : i32
        %mul3A_1162 = arith.muli %scan3A_943, %mul3A_1161 : i32
        %swap3A_1163 = arith.constant 0 : i32
        %swap3A_1164 = arith.constant 16 : i32
        %swap3A_1165 = arith.index_cast %swap3A_1163 : i32 to index
        %swap3A_1166 = arith.index_cast %swap3A_1164 : i32 to index
        %swap3A_1167 = arith.index_cast %mul3A_1162 : i32 to index
        %swap3A_1168 = tpu.vector_load %arg13[%swap3A_1165, %swap3A_1166, %swap3A_1167] {strides = array<i32>} : memref<2x64x512xf32, #tpu.memory_space<vmem>>, vector<16xf32>,
        tpu.vector_store %arg13[%swap3A_1165, %swap3A_1166, %swap3A_1167], %gather3A_1124 {strides = array<i32>} : memref<2x64x512xf32, #tpu.memory_space<vmem>>, vector<16xf32>,
        %add3A_1169 = arith.constant 320 : i32
        %add3A_1170 = vector.broadcast %add3A_1169 : i32 to vector<16xi32>
        %add3A_1171 = arith.addi %add3A_953, %add3A_1170 : vector<16xi32>
        %gather3A_1172 = tpu.vector_load_idx %arg10[%add3A_1171] : memref<6144xf32, #tpu.memory_space<vmem>>[vector<16xi32>], vector<16xf32>,
        %mul3A_1173 = arith.constant 16 : i32
        %mul3A_1174 = arith.muli %scan3A_943, %mul3A_1173 : i32
        %swap3A_1175 = arith.constant 0 : i32
        %swap3A_1176 = arith.constant 17 : i32
        %swap3A_1177 = arith.index_cast %swap3A_1175 : i32 to index
        %swap3A_1178 = arith.index_cast %swap3A_1176 : i32 to index
        %swap3A_1179 = arith.index_cast %mul3A_1174 : i32 to index
        %swap3A_1180 = tpu.vector_load %arg13[%swap3A_1177, %swap3A_1178, %swap3A_1179] {strides = array<i32>} : memref<2x64x512xf32, #tpu.memory_space<vmem>>, vector<16xf32>,
        tpu.vector_store %arg13[%swap3A_1177, %swap3A_1178, %swap3A_1179], %gather3A_1136 {strides = array<i32>} : memref<2x64x512xf32, #tpu.memory_space<vmem>>, vector<16xf32>,
        %add3A_1181 = arith.constant 336 : i32
        %add3A_1182 = vector.broadcast %add3A_1181 : i32 to vector<16xi32>
        %add3A_1183 = arith.addi %add3A_953, %add3A_1182 : vector<16xi32>
        %gather3A_1184 = tpu.vector_load_idx %arg10[%add3A_1183] : memref<6144xf32, #tpu.memory_space<vmem>>[vector<16xi32>], vector<16xf32>,
        %mul3A_1185 = arith.constant 16 : i32
        %mul3A_1186 = arith.muli %scan3A_943, %mul3A_1185 : i32
        %swap3A_1187 = arith.constant 0 : i32
        %swap3A_1188 = arith.constant 18 : i32
        %swap3A_1189 = arith.index_cast %swap3A_1187 : i32 to index
        %swap3A_1190 = arith.index_cast %swap3A_1188 : i32 to index
        %swap3A_1191 = arith.index_cast %mul3A_1186 : i32 to index
        %swap3A_1192 = tpu.vector_load %arg13[%swap3A_1189, %swap3A_1190, %swap3A_1191] {strides = array<i32>} : memref<2x64x512xf32, #tpu.memory_space<vmem>>, vector<16xf32>,
        tpu.vector_store %arg13[%swap3A_1189, %swap3A_1190, %swap3A_1191], %gather3A_1148 {strides = array<i32>} : memref<2x64x512xf32, #tpu.memory_space<vmem>>, vector<16xf32>,
        %add3A_1193 = arith.constant 352 : i32
        %add3A_1194 = vector.broadcast %add3A_1193 : i32 to vector<16xi32>
        %add3A_1195 = arith.addi %add3A_953, %add3A_1194 : vector<16xi32>
        %gather3A_1196 = tpu.vector_load_idx %arg10[%add3A_1195] : memref<6144xf32, #tpu.memory_space<vmem>>[vector<16xi32>], vector<16xf32>,
        %mul3A_1197 = arith.constant 16 : i32
        %mul3A_1198 = arith.muli %scan3A_943, %mul3A_1197 : i32
        %swap3A_1199 = arith.constant 0 : i32
        %swap3A_1200 = arith.constant 19 : i32
        %swap3A_1201 = arith.index_cast %swap3A_1199 : i32 to index
        %swap3A_1202 = arith.index_cast %swap3A_1200 : i32 to index
        %swap3A_1203 = arith.index_cast %mul3A_1198 : i32 to index
        %swap3A_1204 = tpu.vector_load %arg13[%swap3A_1201, %swap3A_1202, %swap3A_1203] {strides = array<i32>} : memref<2x64x512xf32, #tpu.memory_space<vmem>>, vector<16xf32>,
        tpu.vector_store %arg13[%swap3A_1201, %swap3A_1202, %swap3A_1203], %gather3A_1160 {strides = array<i32>} : memref<2x64x512xf32, #tpu.memory_space<vmem>>, vector<16xf32>,
        %add3A_1205 = arith.constant 368 : i32
        %add3A_1206 = vector.broadcast %add3A_1205 : i32 to vector<16xi32>
        %add3A_1207 = arith.addi %add3A_953, %add3A_1206 : vector<16xi32>
        %gather3A_1208 = tpu.vector_load_idx %arg10[%add3A_1207] : memref<6144xf32, #tpu.memory_space<vmem>>[vector<16xi32>], vector<16xf32>,
        %mul3A_1209 = arith.constant 16 : i32
        %mul3A_1210 = arith.muli %scan3A_943, %mul3A_1209 : i32
        %swap3A_1211 = arith.constant 0 : i32
        %swap3A_1212 = arith.constant 20 : i32
        %swap3A_1213 = arith.index_cast %swap3A_1211 : i32 to index
        %swap3A_1214 = arith.index_cast %swap3A_1212 : i32 to index
        %swap3A_1215 = arith.index_cast %mul3A_1210 : i32 to index
        %swap3A_1216 = tpu.vector_load %arg13[%swap3A_1213, %swap3A_1214, %swap3A_1215] {strides = array<i32>} : memref<2x64x512xf32, #tpu.memory_space<vmem>>, vector<16xf32>,
        tpu.vector_store %arg13[%swap3A_1213, %swap3A_1214, %swap3A_1215], %gather3A_1172 {strides = array<i32>} : memref<2x64x512xf32, #tpu.memory_space<vmem>>, vector<16xf32>,
        %add3A_1217 = arith.constant 384 : i32
        %add3A_1218 = vector.broadcast %add3A_1217 : i32 to vector<16xi32>
        %add3A_1219 = arith.addi %add3A_953, %add3A_1218 : vector<16xi32>
        %gather3A_1220 = tpu.vector_load_idx %arg10[%add3A_1219] : memref<6144xf32, #tpu.memory_space<vmem>>[vector<16xi32>], vector<16xf32>,
        %mul3A_1221 = arith.constant 16 : i32
        %mul3A_1222 = arith.muli %scan3A_943, %mul3A_1221 : i32
        %swap3A_1223 = arith.constant 0 : i32
        %swap3A_1224 = arith.constant 21 : i32
        %swap3A_1225 = arith.index_cast %swap3A_1223 : i32 to index
        %swap3A_1226 = arith.index_cast %swap3A_1224 : i32 to index
        %swap3A_1227 = arith.index_cast %mul3A_1222 : i32 to index
        %swap3A_1228 = tpu.vector_load %arg13[%swap3A_1225, %swap3A_1226, %swap3A_1227] {strides = array<i32>} : memref<2x64x512xf32, #tpu.memory_space<vmem>>, vector<16xf32>,
        tpu.vector_store %arg13[%swap3A_1225, %swap3A_1226, %swap3A_1227], %gather3A_1184 {strides = array<i32>} : memref<2x64x512xf32, #tpu.memory_space<vmem>>, vector<16xf32>,
        %add3A_1229 = arith.constant 400 : i32
        %add3A_1230 = vector.broadcast %add3A_1229 : i32 to vector<16xi32>
        %add3A_1231 = arith.addi %add3A_953, %add3A_1230 : vector<16xi32>
        %gather3A_1232 = tpu.vector_load_idx %arg10[%add3A_1231] : memref<6144xf32, #tpu.memory_space<vmem>>[vector<16xi32>], vector<16xf32>,
        %mul3A_1233 = arith.constant 16 : i32
        %mul3A_1234 = arith.muli %scan3A_943, %mul3A_1233 : i32
        %swap3A_1235 = arith.constant 0 : i32
        %swap3A_1236 = arith.constant 22 : i32
        %swap3A_1237 = arith.index_cast %swap3A_1235 : i32 to index
        %swap3A_1238 = arith.index_cast %swap3A_1236 : i32 to index
        %swap3A_1239 = arith.index_cast %mul3A_1234 : i32 to index
        %swap3A_1240 = tpu.vector_load %arg13[%swap3A_1237, %swap3A_1238, %swap3A_1239] {strides = array<i32>} : memref<2x64x512xf32, #tpu.memory_space<vmem>>, vector<16xf32>,
        tpu.vector_store %arg13[%swap3A_1237, %swap3A_1238, %swap3A_1239], %gather3A_1196 {strides = array<i32>} : memref<2x64x512xf32, #tpu.memory_space<vmem>>, vector<16xf32>,
        %add3A_1241 = arith.constant 416 : i32
        %add3A_1242 = vector.broadcast %add3A_1241 : i32 to vector<16xi32>
        %add3A_1243 = arith.addi %add3A_953, %add3A_1242 : vector<16xi32>
        %gather3A_1244 = tpu.vector_load_idx %arg10[%add3A_1243] : memref<6144xf32, #tpu.memory_space<vmem>>[vector<16xi32>], vector<16xf32>,
        %mul3A_1245 = arith.constant 16 : i32
        %mul3A_1246 = arith.muli %scan3A_943, %mul3A_1245 : i32
        %swap3A_1247 = arith.constant 0 : i32
        %swap3A_1248 = arith.constant 23 : i32
        %swap3A_1249 = arith.index_cast %swap3A_1247 : i32 to index
        %swap3A_1250 = arith.index_cast %swap3A_1248 : i32 to index
        %swap3A_1251 = arith.index_cast %mul3A_1246 : i32 to index
        %swap3A_1252 = tpu.vector_load %arg13[%swap3A_1249, %swap3A_1250, %swap3A_1251] {strides = array<i32>} : memref<2x64x512xf32, #tpu.memory_space<vmem>>, vector<16xf32>,
        tpu.vector_store %arg13[%swap3A_1249, %swap3A_1250, %swap3A_1251], %gather3A_1208 {strides = array<i32>} : memref<2x64x512xf32, #tpu.memory_space<vmem>>, vector<16xf32>,
        %add3A_1253 = arith.constant 432 : i32
        %add3A_1254 = vector.broadcast %add3A_1253 : i32 to vector<16xi32>
        %add3A_1255 = arith.addi %add3A_953, %add3A_1254 : vector<16xi32>
        %gather3A_1256 = tpu.vector_load_idx %arg10[%add3A_1255] : memref<6144xf32, #tpu.memory_space<vmem>>[vector<16xi32>], vector<16xf32>,
        %mul3A_1257 = arith.constant 16 : i32
        %mul3A_1258 = arith.muli %scan3A_943, %mul3A_1257 : i32
        %swap3A_1259 = arith.constant 0 : i32
        %swap3A_1260 = arith.constant 24 : i32
        %swap3A_1261 = arith.index_cast %swap3A_1259 : i32 to index
        %swap3A_1262 = arith.index_cast %swap3A_1260 : i32 to index
        %swap3A_1263 = arith.index_cast %mul3A_1258 : i32 to index
        %swap3A_1264 = tpu.vector_load %arg13[%swap3A_1261, %swap3A_1262, %swap3A_1263] {strides = array<i32>} : memref<2x64x512xf32, #tpu.memory_space<vmem>>, vector<16xf32>,
        tpu.vector_store %arg13[%swap3A_1261, %swap3A_1262, %swap3A_1263], %gather3A_1220 {strides = array<i32>} : memref<2x64x512xf32, #tpu.memory_space<vmem>>, vector<16xf32>,
        %add3A_1265 = arith.constant 448 : i32
        %add3A_1266 = vector.broadcast %add3A_1265 : i32 to vector<16xi32>
        %add3A_1267 = arith.addi %add3A_953, %add3A_1266 : vector<16xi32>
        %gather3A_1268 = tpu.vector_load_idx %arg10[%add3A_1267] : memref<6144xf32, #tpu.memory_space<vmem>>[vector<16xi32>], vector<16xf32>,
        %mul3A_1269 = arith.constant 16 : i32
        %mul3A_1270 = arith.muli %scan3A_943, %mul3A_1269 : i32
        %swap3A_1271 = arith.constant 0 : i32
        %swap3A_1272 = arith.constant 25 : i32
        %swap3A_1273 = arith.index_cast %swap3A_1271 : i32 to index
        %swap3A_1274 = arith.index_cast %swap3A_1272 : i32 to index
        %swap3A_1275 = arith.index_cast %mul3A_1270 : i32 to index
        %swap3A_1276 = tpu.vector_load %arg13[%swap3A_1273, %swap3A_1274, %swap3A_1275] {strides = array<i32>} : memref<2x64x512xf32, #tpu.memory_space<vmem>>, vector<16xf32>,
        tpu.vector_store %arg13[%swap3A_1273, %swap3A_1274, %swap3A_1275], %gather3A_1232 {strides = array<i32>} : memref<2x64x512xf32, #tpu.memory_space<vmem>>, vector<16xf32>,
        %add3A_1277 = arith.constant 464 : i32
        %add3A_1278 = vector.broadcast %add3A_1277 : i32 to vector<16xi32>
        %add3A_1279 = arith.addi %add3A_953, %add3A_1278 : vector<16xi32>
        %gather3A_1280 = tpu.vector_load_idx %arg10[%add3A_1279] : memref<6144xf32, #tpu.memory_space<vmem>>[vector<16xi32>], vector<16xf32>,
        %mul3A_1281 = arith.constant 16 : i32
        %mul3A_1282 = arith.muli %scan3A_943, %mul3A_1281 : i32
        %swap3A_1283 = arith.constant 0 : i32
        %swap3A_1284 = arith.constant 26 : i32
        %swap3A_1285 = arith.index_cast %swap3A_1283 : i32 to index
        %swap3A_1286 = arith.index_cast %swap3A_1284 : i32 to index
        %swap3A_1287 = arith.index_cast %mul3A_1282 : i32 to index
        %swap3A_1288 = tpu.vector_load %arg13[%swap3A_1285, %swap3A_1286, %swap3A_1287] {strides = array<i32>} : memref<2x64x512xf32, #tpu.memory_space<vmem>>, vector<16xf32>,
        tpu.vector_store %arg13[%swap3A_1285, %swap3A_1286, %swap3A_1287], %gather3A_1244 {strides = array<i32>} : memref<2x64x512xf32, #tpu.memory_space<vmem>>, vector<16xf32>,
        %add3A_1289 = arith.constant 480 : i32
        %add3A_1290 = vector.broadcast %add3A_1289 : i32 to vector<16xi32>
        %add3A_1291 = arith.addi %add3A_953, %add3A_1290 : vector<16xi32>
        %gather3A_1292 = tpu.vector_load_idx %arg10[%add3A_1291] : memref<6144xf32, #tpu.memory_space<vmem>>[vector<16xi32>], vector<16xf32>,
        %mul3A_1293 = arith.constant 16 : i32
        %mul3A_1294 = arith.muli %scan3A_943, %mul3A_1293 : i32
        %swap3A_1295 = arith.constant 0 : i32
        %swap3A_1296 = arith.constant 27 : i32
        %swap3A_1297 = arith.index_cast %swap3A_1295 : i32 to index
        %swap3A_1298 = arith.index_cast %swap3A_1296 : i32 to index
        %swap3A_1299 = arith.index_cast %mul3A_1294 : i32 to index
        %swap3A_1300 = tpu.vector_load %arg13[%swap3A_1297, %swap3A_1298, %swap3A_1299] {strides = array<i32>} : memref<2x64x512xf32, #tpu.memory_space<vmem>>, vector<16xf32>,
        tpu.vector_store %arg13[%swap3A_1297, %swap3A_1298, %swap3A_1299], %gather3A_1256 {strides = array<i32>} : memref<2x64x512xf32, #tpu.memory_space<vmem>>, vector<16xf32>,
        %add3A_1301 = arith.constant 496 : i32
        %add3A_1302 = vector.broadcast %add3A_1301 : i32 to vector<16xi32>
        %add3A_1303 = arith.addi %add3A_953, %add3A_1302 : vector<16xi32>
        %gather3A_1304 = tpu.vector_load_idx %arg10[%add3A_1303] : memref<6144xf32, #tpu.memory_space<vmem>>[vector<16xi32>], vector<16xf32>,
        %mul3A_1305 = arith.constant 16 : i32
        %mul3A_1306 = arith.muli %scan3A_943, %mul3A_1305 : i32
        %swap3A_1307 = arith.constant 0 : i32
        %swap3A_1308 = arith.constant 28 : i32
        %swap3A_1309 = arith.index_cast %swap3A_1307 : i32 to index
        %swap3A_1310 = arith.index_cast %swap3A_1308 : i32 to index
        %swap3A_1311 = arith.index_cast %mul3A_1306 : i32 to index
        %swap3A_1312 = tpu.vector_load %arg13[%swap3A_1309, %swap3A_1310, %swap3A_1311] {strides = array<i32>} : memref<2x64x512xf32, #tpu.memory_space<vmem>>, vector<16xf32>,
        tpu.vector_store %arg13[%swap3A_1309, %swap3A_1310, %swap3A_1311], %gather3A_1268 {strides = array<i32>} : memref<2x64x512xf32, #tpu.memory_space<vmem>>, vector<16xf32>,
        %add3A_1313 = arith.constant 512 : i32
        %add3A_1314 = vector.broadcast %add3A_1313 : i32 to vector<16xi32>
        %add3A_1315 = arith.addi %add3A_953, %add3A_1314 : vector<16xi32>
        %gather3A_1316 = tpu.vector_load_idx %arg10[%add3A_1315] : memref<6144xf32, #tpu.memory_space<vmem>>[vector<16xi32>], vector<16xf32>,
        %mul3A_1317 = arith.constant 16 : i32
        %mul3A_1318 = arith.muli %scan3A_943, %mul3A_1317 : i32
        %swap3A_1319 = arith.constant 0 : i32
        %swap3A_1320 = arith.constant 29 : i32
        %swap3A_1321 = arith.index_cast %swap3A_1319 : i32 to index
        %swap3A_1322 = arith.index_cast %swap3A_1320 : i32 to index
        %swap3A_1323 = arith.index_cast %mul3A_1318 : i32 to index
        %swap3A_1324 = tpu.vector_load %arg13[%swap3A_1321, %swap3A_1322, %swap3A_1323] {strides = array<i32>} : memref<2x64x512xf32, #tpu.memory_space<vmem>>, vector<16xf32>,
        tpu.vector_store %arg13[%swap3A_1321, %swap3A_1322, %swap3A_1323], %gather3A_1280 {strides = array<i32>} : memref<2x64x512xf32, #tpu.memory_space<vmem>>, vector<16xf32>,
        %add3A_1325 = arith.constant 528 : i32
        %add3A_1326 = vector.broadcast %add3A_1325 : i32 to vector<16xi32>
        %add3A_1327 = arith.addi %add3A_953, %add3A_1326 : vector<16xi32>
        %gather3A_1328 = tpu.vector_load_idx %arg10[%add3A_1327] : memref<6144xf32, #tpu.memory_space<vmem>>[vector<16xi32>], vector<16xf32>,
        %mul3A_1329 = arith.constant 16 : i32
        %mul3A_1330 = arith.muli %scan3A_943, %mul3A_1329 : i32
        %swap3A_1331 = arith.constant 0 : i32
        %swap3A_1332 = arith.constant 30 : i32
        %swap3A_1333 = arith.index_cast %swap3A_1331 : i32 to index
        %swap3A_1334 = arith.index_cast %swap3A_1332 : i32 to index
        %swap3A_1335 = arith.index_cast %mul3A_1330 : i32 to index
        %swap3A_1336 = tpu.vector_load %arg13[%swap3A_1333, %swap3A_1334, %swap3A_1335] {strides = array<i32>} : memref<2x64x512xf32, #tpu.memory_space<vmem>>, vector<16xf32>,
        tpu.vector_store %arg13[%swap3A_1333, %swap3A_1334, %swap3A_1335], %gather3A_1292 {strides = array<i32>} : memref<2x64x512xf32, #tpu.memory_space<vmem>>, vector<16xf32>,
        %add3A_1337 = arith.constant 544 : i32
        %add3A_1338 = vector.broadcast %add3A_1337 : i32 to vector<16xi32>
        %add3A_1339 = arith.addi %add3A_953, %add3A_1338 : vector<16xi32>
        %gather3A_1340 = tpu.vector_load_idx %arg10[%add3A_1339] : memref<6144xf32, #tpu.memory_space<vmem>>[vector<16xi32>], vector<16xf32>,
        %mul3A_1341 = arith.constant 16 : i32
        %mul3A_1342 = arith.muli %scan3A_943, %mul3A_1341 : i32
        %swap3A_1343 = arith.constant 0 : i32
        %swap3A_1344 = arith.constant 31 : i32
        %swap3A_1345 = arith.index_cast %swap3A_1343 : i32 to index
        %swap3A_1346 = arith.index_cast %swap3A_1344 : i32 to index
        %swap3A_1347 = arith.index_cast %mul3A_1342 : i32 to index
        %swap3A_1348 = tpu.vector_load %arg13[%swap3A_1345, %swap3A_1346, %swap3A_1347] {strides = array<i32>} : memref<2x64x512xf32, #tpu.memory_space<vmem>>, vector<16xf32>,
        tpu.vector_store %arg13[%swap3A_1345, %swap3A_1346, %swap3A_1347], %gather3A_1304 {strides = array<i32>} : memref<2x64x512xf32, #tpu.memory_space<vmem>>, vector<16xf32>,
        %add3A_1349 = arith.constant 560 : i32
        %add3A_1350 = vector.broadcast %add3A_1349 : i32 to vector<16xi32>
        %add3A_1351 = arith.addi %add3A_953, %add3A_1350 : vector<16xi32>
        %gather3A_1352 = tpu.vector_load_idx %arg10[%add3A_1351] : memref<6144xf32, #tpu.memory_space<vmem>>[vector<16xi32>], vector<16xf32>,
        %mul3A_1353 = arith.constant 16 : i32
        %mul3A_1354 = arith.muli %scan3A_943, %mul3A_1353 : i32
        %swap3A_1355 = arith.constant 0 : i32
        %swap3A_1356 = arith.constant 32 : i32
        %swap3A_1357 = arith.index_cast %swap3A_1355 : i32 to index
        %swap3A_1358 = arith.index_cast %swap3A_1356 : i32 to index
        %swap3A_1359 = arith.index_cast %mul3A_1354 : i32 to index
        %swap3A_1360 = tpu.vector_load %arg13[%swap3A_1357, %swap3A_1358, %swap3A_1359] {strides = array<i32>} : memref<2x64x512xf32, #tpu.memory_space<vmem>>, vector<16xf32>,
        tpu.vector_store %arg13[%swap3A_1357, %swap3A_1358, %swap3A_1359], %gather3A_1316 {strides = array<i32>} : memref<2x64x512xf32, #tpu.memory_space<vmem>>, vector<16xf32>,
        %add3A_1361 = arith.constant 576 : i32
        %add3A_1362 = vector.broadcast %add3A_1361 : i32 to vector<16xi32>
        %add3A_1363 = arith.addi %add3A_953, %add3A_1362 : vector<16xi32>
        %gather3A_1364 = tpu.vector_load_idx %arg10[%add3A_1363] : memref<6144xf32, #tpu.memory_space<vmem>>[vector<16xi32>], vector<16xf32>,
        %mul3A_1365 = arith.constant 16 : i32
        %mul3A_1366 = arith.muli %scan3A_943, %mul3A_1365 : i32
        %swap3A_1367 = arith.constant 0 : i32
        %swap3A_1368 = arith.constant 33 : i32
        %swap3A_1369 = arith.index_cast %swap3A_1367 : i32 to index
        %swap3A_1370 = arith.index_cast %swap3A_1368 : i32 to index
        %swap3A_1371 = arith.index_cast %mul3A_1366 : i32 to index
        %swap3A_1372 = tpu.vector_load %arg13[%swap3A_1369, %swap3A_1370, %swap3A_1371] {strides = array<i32>} : memref<2x64x512xf32, #tpu.memory_space<vmem>>, vector<16xf32>,
        tpu.vector_store %arg13[%swap3A_1369, %swap3A_1370, %swap3A_1371], %gather3A_1328 {strides = array<i32>} : memref<2x64x512xf32, #tpu.memory_space<vmem>>, vector<16xf32>,
        %add3A_1373 = arith.constant 592 : i32
        %add3A_1374 = vector.broadcast %add3A_1373 : i32 to vector<16xi32>
        %add3A_1375 = arith.addi %add3A_953, %add3A_1374 : vector<16xi32>
        %gather3A_1376 = tpu.vector_load_idx %arg10[%add3A_1375] : memref<6144xf32, #tpu.memory_space<vmem>>[vector<16xi32>], vector<16xf32>,
        %mul3A_1377 = arith.constant 16 : i32
        %mul3A_1378 = arith.muli %scan3A_943, %mul3A_1377 : i32
        %swap3A_1379 = arith.constant 0 : i32
        %swap3A_1380 = arith.constant 34 : i32
        %swap3A_1381 = arith.index_cast %swap3A_1379 : i32 to index
        %swap3A_1382 = arith.index_cast %swap3A_1380 : i32 to index
        %swap3A_1383 = arith.index_cast %mul3A_1378 : i32 to index
        %swap3A_1384 = tpu.vector_load %arg13[%swap3A_1381, %swap3A_1382, %swap3A_1383] {strides = array<i32>} : memref<2x64x512xf32, #tpu.memory_space<vmem>>, vector<16xf32>,
        tpu.vector_store %arg13[%swap3A_1381, %swap3A_1382, %swap3A_1383], %gather3A_1340 {strides = array<i32>} : memref<2x64x512xf32, #tpu.memory_space<vmem>>, vector<16xf32>,
        %add3A_1385 = arith.constant 608 : i32
        %add3A_1386 = vector.broadcast %add3A_1385 : i32 to vector<16xi32>
        %add3A_1387 = arith.addi %add3A_953, %add3A_1386 : vector<16xi32>
        %gather3A_1388 = tpu.vector_load_idx %arg10[%add3A_1387] : memref<6144xf32, #tpu.memory_space<vmem>>[vector<16xi32>], vector<16xf32>,
        %mul3A_1389 = arith.constant 16 : i32
        %mul3A_1390 = arith.muli %scan3A_943, %mul3A_1389 : i32
        %swap3A_1391 = arith.constant 0 : i32
        %swap3A_1392 = arith.constant 35 : i32
        %swap3A_1393 = arith.index_cast %swap3A_1391 : i32 to index
        %swap3A_1394 = arith.index_cast %swap3A_1392 : i32 to index
        %swap3A_1395 = arith.index_cast %mul3A_1390 : i32 to index
        %swap3A_1396 = tpu.vector_load %arg13[%swap3A_1393, %swap3A_1394, %swap3A_1395] {strides = array<i32>} : memref<2x64x512xf32, #tpu.memory_space<vmem>>, vector<16xf32>,
        tpu.vector_store %arg13[%swap3A_1393, %swap3A_1394, %swap3A_1395], %gather3A_1352 {strides = array<i32>} : memref<2x64x512xf32, #tpu.memory_space<vmem>>, vector<16xf32>,
        %add3A_1397 = arith.constant 624 : i32
        %add3A_1398 = vector.broadcast %add3A_1397 : i32 to vector<16xi32>
        %add3A_1399 = arith.addi %add3A_953, %add3A_1398 : vector<16xi32>
        %gather3A_1400 = tpu.vector_load_idx %arg10[%add3A_1399] : memref<6144xf32, #tpu.memory_space<vmem>>[vector<16xi32>], vector<16xf32>,
        %mul3A_1401 = arith.constant 16 : i32
        %mul3A_1402 = arith.muli %scan3A_943, %mul3A_1401 : i32
        %swap3A_1403 = arith.constant 0 : i32
        %swap3A_1404 = arith.constant 36 : i32
        %swap3A_1405 = arith.index_cast %swap3A_1403 : i32 to index
        %swap3A_1406 = arith.index_cast %swap3A_1404 : i32 to index
        %swap3A_1407 = arith.index_cast %mul3A_1402 : i32 to index
        %swap3A_1408 = tpu.vector_load %arg13[%swap3A_1405, %swap3A_1406, %swap3A_1407] {strides = array<i32>} : memref<2x64x512xf32, #tpu.memory_space<vmem>>, vector<16xf32>,
        tpu.vector_store %arg13[%swap3A_1405, %swap3A_1406, %swap3A_1407], %gather3A_1364 {strides = array<i32>} : memref<2x64x512xf32, #tpu.memory_space<vmem>>, vector<16xf32>,
        %add3A_1409 = arith.constant 640 : i32
        %add3A_1410 = vector.broadcast %add3A_1409 : i32 to vector<16xi32>
        %add3A_1411 = arith.addi %add3A_953, %add3A_1410 : vector<16xi32>
        %gather3A_1412 = tpu.vector_load_idx %arg10[%add3A_1411] : memref<6144xf32, #tpu.memory_space<vmem>>[vector<16xi32>], vector<16xf32>,
        %mul3A_1413 = arith.constant 16 : i32
        %mul3A_1414 = arith.muli %scan3A_943, %mul3A_1413 : i32
        %swap3A_1415 = arith.constant 0 : i32
        %swap3A_1416 = arith.constant 37 : i32
        %swap3A_1417 = arith.index_cast %swap3A_1415 : i32 to index
        %swap3A_1418 = arith.index_cast %swap3A_1416 : i32 to index
        %swap3A_1419 = arith.index_cast %mul3A_1414 : i32 to index
        %swap3A_1420 = tpu.vector_load %arg13[%swap3A_1417, %swap3A_1418, %swap3A_1419] {strides = array<i32>} : memref<2x64x512xf32, #tpu.memory_space<vmem>>, vector<16xf32>,
        tpu.vector_store %arg13[%swap3A_1417, %swap3A_1418, %swap3A_1419], %gather3A_1376 {strides = array<i32>} : memref<2x64x512xf32, #tpu.memory_space<vmem>>, vector<16xf32>,
        %add3A_1421 = arith.constant 656 : i32
        %add3A_1422 = vector.broadcast %add3A_1421 : i32 to vector<16xi32>
        %add3A_1423 = arith.addi %add3A_953, %add3A_1422 : vector<16xi32>
        %gather3A_1424 = tpu.vector_load_idx %arg10[%add3A_1423] : memref<6144xf32, #tpu.memory_space<vmem>>[vector<16xi32>], vector<16xf32>,
        %mul3A_1425 = arith.constant 16 : i32
        %mul3A_1426 = arith.muli %scan3A_943, %mul3A_1425 : i32
        %swap3A_1427 = arith.constant 0 : i32
        %swap3A_1428 = arith.constant 38 : i32
        %swap3A_1429 = arith.index_cast %swap3A_1427 : i32 to index
        %swap3A_1430 = arith.index_cast %swap3A_1428 : i32 to index
        %swap3A_1431 = arith.index_cast %mul3A_1426 : i32 to index
        %swap3A_1432 = tpu.vector_load %arg13[%swap3A_1429, %swap3A_1430, %swap3A_1431] {strides = array<i32>} : memref<2x64x512xf32, #tpu.memory_space<vmem>>, vector<16xf32>,
        tpu.vector_store %arg13[%swap3A_1429, %swap3A_1430, %swap3A_1431], %gather3A_1388 {strides = array<i32>} : memref<2x64x512xf32, #tpu.memory_space<vmem>>, vector<16xf32>,
        %add3A_1433 = arith.constant 672 : i32
        %add3A_1434 = vector.broadcast %add3A_1433 : i32 to vector<16xi32>
        %add3A_1435 = arith.addi %add3A_953, %add3A_1434 : vector<16xi32>
        %gather3A_1436 = tpu.vector_load_idx %arg10[%add3A_1435] : memref<6144xf32, #tpu.memory_space<vmem>>[vector<16xi32>], vector<16xf32>,
        %mul3A_1437 = arith.constant 16 : i32
        %mul3A_1438 = arith.muli %scan3A_943, %mul3A_1437 : i32
        %swap3A_1439 = arith.constant 0 : i32
        %swap3A_1440 = arith.constant 39 : i32
        %swap3A_1441 = arith.index_cast %swap3A_1439 : i32 to index
        %swap3A_1442 = arith.index_cast %swap3A_1440 : i32 to index
        %swap3A_1443 = arith.index_cast %mul3A_1438 : i32 to index
        %swap3A_1444 = tpu.vector_load %arg13[%swap3A_1441, %swap3A_1442, %swap3A_1443] {strides = array<i32>} : memref<2x64x512xf32, #tpu.memory_space<vmem>>, vector<16xf32>,
        tpu.vector_store %arg13[%swap3A_1441, %swap3A_1442, %swap3A_1443], %gather3A_1400 {strides = array<i32>} : memref<2x64x512xf32, #tpu.memory_space<vmem>>, vector<16xf32>,
        %add3A_1445 = arith.constant 688 : i32
        %add3A_1446 = vector.broadcast %add3A_1445 : i32 to vector<16xi32>
        %add3A_1447 = arith.addi %add3A_953, %add3A_1446 : vector<16xi32>
        %gather3A_1448 = tpu.vector_load_idx %arg10[%add3A_1447] : memref<6144xf32, #tpu.memory_space<vmem>>[vector<16xi32>], vector<16xf32>,
        %mul3A_1449 = arith.constant 16 : i32
        %mul3A_1450 = arith.muli %scan3A_943, %mul3A_1449 : i32
        %swap3A_1451 = arith.constant 0 : i32
        %swap3A_1452 = arith.constant 40 : i32
        %swap3A_1453 = arith.index_cast %swap3A_1451 : i32 to index
        %swap3A_1454 = arith.index_cast %swap3A_1452 : i32 to index
        %swap3A_1455 = arith.index_cast %mul3A_1450 : i32 to index
        %swap3A_1456 = tpu.vector_load %arg13[%swap3A_1453, %swap3A_1454, %swap3A_1455] {strides = array<i32>} : memref<2x64x512xf32, #tpu.memory_space<vmem>>, vector<16xf32>,
        tpu.vector_store %arg13[%swap3A_1453, %swap3A_1454, %swap3A_1455], %gather3A_1412 {strides = array<i32>} : memref<2x64x512xf32, #tpu.memory_space<vmem>>, vector<16xf32>,
        %add3A_1457 = arith.constant 704 : i32
        %add3A_1458 = vector.broadcast %add3A_1457 : i32 to vector<16xi32>
        %add3A_1459 = arith.addi %add3A_953, %add3A_1458 : vector<16xi32>
        %gather3A_1460 = tpu.vector_load_idx %arg10[%add3A_1459] : memref<6144xf32, #tpu.memory_space<vmem>>[vector<16xi32>], vector<16xf32>,
        %mul3A_1461 = arith.constant 16 : i32
        %mul3A_1462 = arith.muli %scan3A_943, %mul3A_1461 : i32
        %swap3A_1463 = arith.constant 0 : i32
        %swap3A_1464 = arith.constant 41 : i32
        %swap3A_1465 = arith.index_cast %swap3A_1463 : i32 to index
        %swap3A_1466 = arith.index_cast %swap3A_1464 : i32 to index
        %swap3A_1467 = arith.index_cast %mul3A_1462 : i32 to index
        %swap3A_1468 = tpu.vector_load %arg13[%swap3A_1465, %swap3A_1466, %swap3A_1467] {strides = array<i32>} : memref<2x64x512xf32, #tpu.memory_space<vmem>>, vector<16xf32>,
        tpu.vector_store %arg13[%swap3A_1465, %swap3A_1466, %swap3A_1467], %gather3A_1424 {strides = array<i32>} : memref<2x64x512xf32, #tpu.memory_space<vmem>>, vector<16xf32>,
        %add3A_1469 = arith.constant 720 : i32
        %add3A_1470 = vector.broadcast %add3A_1469 : i32 to vector<16xi32>
        %add3A_1471 = arith.addi %add3A_953, %add3A_1470 : vector<16xi32>
        %gather3A_1472 = tpu.vector_load_idx %arg10[%add3A_1471] : memref<6144xf32, #tpu.memory_space<vmem>>[vector<16xi32>], vector<16xf32>,
        %mul3A_1473 = arith.constant 16 : i32
        %mul3A_1474 = arith.muli %scan3A_943, %mul3A_1473 : i32
        %swap3A_1475 = arith.constant 0 : i32
        %swap3A_1476 = arith.constant 42 : i32
        %swap3A_1477 = arith.index_cast %swap3A_1475 : i32 to index
        %swap3A_1478 = arith.index_cast %swap3A_1476 : i32 to index
        %swap3A_1479 = arith.index_cast %mul3A_1474 : i32 to index
        %swap3A_1480 = tpu.vector_load %arg13[%swap3A_1477, %swap3A_1478, %swap3A_1479] {strides = array<i32>} : memref<2x64x512xf32, #tpu.memory_space<vmem>>, vector<16xf32>,
        tpu.vector_store %arg13[%swap3A_1477, %swap3A_1478, %swap3A_1479], %gather3A_1436 {strides = array<i32>} : memref<2x64x512xf32, #tpu.memory_space<vmem>>, vector<16xf32>,
        %add3A_1481 = arith.constant 736 : i32
        %add3A_1482 = vector.broadcast %add3A_1481 : i32 to vector<16xi32>
        %add3A_1483 = arith.addi %add3A_953, %add3A_1482 : vector<16xi32>
        %gather3A_1484 = tpu.vector_load_idx %arg10[%add3A_1483] : memref<6144xf32, #tpu.memory_space<vmem>>[vector<16xi32>], vector<16xf32>,
        %mul3A_1485 = arith.constant 16 : i32
        %mul3A_1486 = arith.muli %scan3A_943, %mul3A_1485 : i32
        %swap3A_1487 = arith.constant 0 : i32
        %swap3A_1488 = arith.constant 43 : i32
        %swap3A_1489 = arith.index_cast %swap3A_1487 : i32 to index
        %swap3A_1490 = arith.index_cast %swap3A_1488 : i32 to index
        %swap3A_1491 = arith.index_cast %mul3A_1486 : i32 to index
        %swap3A_1492 = tpu.vector_load %arg13[%swap3A_1489, %swap3A_1490, %swap3A_1491] {strides = array<i32>} : memref<2x64x512xf32, #tpu.memory_space<vmem>>, vector<16xf32>,
        tpu.vector_store %arg13[%swap3A_1489, %swap3A_1490, %swap3A_1491], %gather3A_1448 {strides = array<i32>} : memref<2x64x512xf32, #tpu.memory_space<vmem>>, vector<16xf32>,
        %add3A_1493 = arith.constant 752 : i32
        %add3A_1494 = vector.broadcast %add3A_1493 : i32 to vector<16xi32>
        %add3A_1495 = arith.addi %add3A_953, %add3A_1494 : vector<16xi32>
        %gather3A_1496 = tpu.vector_load_idx %arg10[%add3A_1495] : memref<6144xf32, #tpu.memory_space<vmem>>[vector<16xi32>], vector<16xf32>,
        %mul3A_1497 = arith.constant 16 : i32
        %mul3A_1498 = arith.muli %scan3A_943, %mul3A_1497 : i32
        %swap3A_1499 = arith.constant 0 : i32
        %swap3A_1500 = arith.constant 44 : i32
        %swap3A_1501 = arith.index_cast %swap3A_1499 : i32 to index
        %swap3A_1502 = arith.index_cast %swap3A_1500 : i32 to index
        %swap3A_1503 = arith.index_cast %mul3A_1498 : i32 to index
        %swap3A_1504 = tpu.vector_load %arg13[%swap3A_1501, %swap3A_1502, %swap3A_1503] {strides = array<i32>} : memref<2x64x512xf32, #tpu.memory_space<vmem>>, vector<16xf32>,
        tpu.vector_store %arg13[%swap3A_1501, %swap3A_1502, %swap3A_1503], %gather3A_1460 {strides = array<i32>} : memref<2x64x512xf32, #tpu.memory_space<vmem>>, vector<16xf32>,
        %add3A_1505 = arith.constant 768 : i32
        %add3A_1506 = vector.broadcast %add3A_1505 : i32 to vector<16xi32>
        %add3A_1507 = arith.addi %add3A_953, %add3A_1506 : vector<16xi32>
        %gather3A_1508 = tpu.vector_load_idx %arg10[%add3A_1507] : memref<6144xf32, #tpu.memory_space<vmem>>[vector<16xi32>], vector<16xf32>,
        %mul3A_1509 = arith.constant 16 : i32
        %mul3A_1510 = arith.muli %scan3A_943, %mul3A_1509 : i32
        %swap3A_1511 = arith.constant 0 : i32
        %swap3A_1512 = arith.constant 45 : i32
        %swap3A_1513 = arith.index_cast %swap3A_1511 : i32 to index
        %swap3A_1514 = arith.index_cast %swap3A_1512 : i32 to index
        %swap3A_1515 = arith.index_cast %mul3A_1510 : i32 to index
        %swap3A_1516 = tpu.vector_load %arg13[%swap3A_1513, %swap3A_1514, %swap3A_1515] {strides = array<i32>} : memref<2x64x512xf32, #tpu.memory_space<vmem>>, vector<16xf32>,
        tpu.vector_store %arg13[%swap3A_1513, %swap3A_1514, %swap3A_1515], %gather3A_1472 {strides = array<i32>} : memref<2x64x512xf32, #tpu.memory_space<vmem>>, vector<16xf32>,
        %add3A_1517 = arith.constant 784 : i32
        %add3A_1518 = vector.broadcast %add3A_1517 : i32 to vector<16xi32>
        %add3A_1519 = arith.addi %add3A_953, %add3A_1518 : vector<16xi32>
        %gather3A_1520 = tpu.vector_load_idx %arg10[%add3A_1519] : memref<6144xf32, #tpu.memory_space<vmem>>[vector<16xi32>], vector<16xf32>,
        %mul3A_1521 = arith.constant 16 : i32
        %mul3A_1522 = arith.muli %scan3A_943, %mul3A_1521 : i32
        %swap3A_1523 = arith.constant 0 : i32
        %swap3A_1524 = arith.constant 46 : i32
        %swap3A_1525 = arith.index_cast %swap3A_1523 : i32 to index
        %swap3A_1526 = arith.index_cast %swap3A_1524 : i32 to index
        %swap3A_1527 = arith.index_cast %mul3A_1522 : i32 to index
        %swap3A_1528 = tpu.vector_load %arg13[%swap3A_1525, %swap3A_1526, %swap3A_1527] {strides = array<i32>} : memref<2x64x512xf32, #tpu.memory_space<vmem>>, vector<16xf32>,
        tpu.vector_store %arg13[%swap3A_1525, %swap3A_1526, %swap3A_1527], %gather3A_1484 {strides = array<i32>} : memref<2x64x512xf32, #tpu.memory_space<vmem>>, vector<16xf32>,
        %add3A_1529 = arith.constant 800 : i32
        %add3A_1530 = vector.broadcast %add3A_1529 : i32 to vector<16xi32>
        %add3A_1531 = arith.addi %add3A_953, %add3A_1530 : vector<16xi32>
        %gather3A_1532 = tpu.vector_load_idx %arg10[%add3A_1531] : memref<6144xf32, #tpu.memory_space<vmem>>[vector<16xi32>], vector<16xf32>,
        %mul3A_1533 = arith.constant 16 : i32
        %mul3A_1534 = arith.muli %scan3A_943, %mul3A_1533 : i32
        %swap3A_1535 = arith.constant 0 : i32
        %swap3A_1536 = arith.constant 47 : i32
        %swap3A_1537 = arith.index_cast %swap3A_1535 : i32 to index
        %swap3A_1538 = arith.index_cast %swap3A_1536 : i32 to index
        %swap3A_1539 = arith.index_cast %mul3A_1534 : i32 to index
        %swap3A_1540 = tpu.vector_load %arg13[%swap3A_1537, %swap3A_1538, %swap3A_1539] {strides = array<i32>} : memref<2x64x512xf32, #tpu.memory_space<vmem>>, vector<16xf32>,
        tpu.vector_store %arg13[%swap3A_1537, %swap3A_1538, %swap3A_1539], %gather3A_1496 {strides = array<i32>} : memref<2x64x512xf32, #tpu.memory_space<vmem>>, vector<16xf32>,
        %add3A_1541 = arith.constant 816 : i32
        %add3A_1542 = vector.broadcast %add3A_1541 : i32 to vector<16xi32>
        %add3A_1543 = arith.addi %add3A_953, %add3A_1542 : vector<16xi32>
        %gather3A_1544 = tpu.vector_load_idx %arg10[%add3A_1543] : memref<6144xf32, #tpu.memory_space<vmem>>[vector<16xi32>], vector<16xf32>,
        %mul3A_1545 = arith.constant 16 : i32
        %mul3A_1546 = arith.muli %scan3A_943, %mul3A_1545 : i32
        %swap3A_1547 = arith.constant 0 : i32
        %swap3A_1548 = arith.constant 48 : i32
        %swap3A_1549 = arith.index_cast %swap3A_1547 : i32 to index
        %swap3A_1550 = arith.index_cast %swap3A_1548 : i32 to index
        %swap3A_1551 = arith.index_cast %mul3A_1546 : i32 to index
        %swap3A_1552 = tpu.vector_load %arg13[%swap3A_1549, %swap3A_1550, %swap3A_1551] {strides = array<i32>} : memref<2x64x512xf32, #tpu.memory_space<vmem>>, vector<16xf32>,
        tpu.vector_store %arg13[%swap3A_1549, %swap3A_1550, %swap3A_1551], %gather3A_1508 {strides = array<i32>} : memref<2x64x512xf32, #tpu.memory_space<vmem>>, vector<16xf32>,
        %add3A_1553 = arith.constant 832 : i32
        %add3A_1554 = vector.broadcast %add3A_1553 : i32 to vector<16xi32>
        %add3A_1555 = arith.addi %add3A_953, %add3A_1554 : vector<16xi32>
        %gather3A_1556 = tpu.vector_load_idx %arg10[%add3A_1555] : memref<6144xf32, #tpu.memory_space<vmem>>[vector<16xi32>], vector<16xf32>,
        %mul3A_1557 = arith.constant 16 : i32
        %mul3A_1558 = arith.muli %scan3A_943, %mul3A_1557 : i32
        %swap3A_1559 = arith.constant 0 : i32
        %swap3A_1560 = arith.constant 49 : i32
        %swap3A_1561 = arith.index_cast %swap3A_1559 : i32 to index
        %swap3A_1562 = arith.index_cast %swap3A_1560 : i32 to index
        %swap3A_1563 = arith.index_cast %mul3A_1558 : i32 to index
        %swap3A_1564 = tpu.vector_load %arg13[%swap3A_1561, %swap3A_1562, %swap3A_1563] {strides = array<i32>} : memref<2x64x512xf32, #tpu.memory_space<vmem>>, vector<16xf32>,
        tpu.vector_store %arg13[%swap3A_1561, %swap3A_1562, %swap3A_1563], %gather3A_1520 {strides = array<i32>} : memref<2x64x512xf32, #tpu.memory_space<vmem>>, vector<16xf32>,
        %add3A_1565 = arith.constant 848 : i32
        %add3A_1566 = vector.broadcast %add3A_1565 : i32 to vector<16xi32>
        %add3A_1567 = arith.addi %add3A_953, %add3A_1566 : vector<16xi32>
        %gather3A_1568 = tpu.vector_load_idx %arg10[%add3A_1567] : memref<6144xf32, #tpu.memory_space<vmem>>[vector<16xi32>], vector<16xf32>,
        %mul3A_1569 = arith.constant 16 : i32
        %mul3A_1570 = arith.muli %scan3A_943, %mul3A_1569 : i32
        %swap3A_1571 = arith.constant 0 : i32
        %swap3A_1572 = arith.constant 50 : i32
        %swap3A_1573 = arith.index_cast %swap3A_1571 : i32 to index
        %swap3A_1574 = arith.index_cast %swap3A_1572 : i32 to index
        %swap3A_1575 = arith.index_cast %mul3A_1570 : i32 to index
        %swap3A_1576 = tpu.vector_load %arg13[%swap3A_1573, %swap3A_1574, %swap3A_1575] {strides = array<i32>} : memref<2x64x512xf32, #tpu.memory_space<vmem>>, vector<16xf32>,
        tpu.vector_store %arg13[%swap3A_1573, %swap3A_1574, %swap3A_1575], %gather3A_1532 {strides = array<i32>} : memref<2x64x512xf32, #tpu.memory_space<vmem>>, vector<16xf32>,
        %add3A_1577 = arith.constant 864 : i32
        %add3A_1578 = vector.broadcast %add3A_1577 : i32 to vector<16xi32>
        %add3A_1579 = arith.addi %add3A_953, %add3A_1578 : vector<16xi32>
        %gather3A_1580 = tpu.vector_load_idx %arg10[%add3A_1579] : memref<6144xf32, #tpu.memory_space<vmem>>[vector<16xi32>], vector<16xf32>,
        %mul3A_1581 = arith.constant 16 : i32
        %mul3A_1582 = arith.muli %scan3A_943, %mul3A_1581 : i32
        %swap3A_1583 = arith.constant 0 : i32
        %swap3A_1584 = arith.constant 51 : i32
        %swap3A_1585 = arith.index_cast %swap3A_1583 : i32 to index
        %swap3A_1586 = arith.index_cast %swap3A_1584 : i32 to index
        %swap3A_1587 = arith.index_cast %mul3A_1582 : i32 to index
        %swap3A_1588 = tpu.vector_load %arg13[%swap3A_1585, %swap3A_1586, %swap3A_1587] {strides = array<i32>} : memref<2x64x512xf32, #tpu.memory_space<vmem>>, vector<16xf32>,
        tpu.vector_store %arg13[%swap3A_1585, %swap3A_1586, %swap3A_1587], %gather3A_1544 {strides = array<i32>} : memref<2x64x512xf32, #tpu.memory_space<vmem>>, vector<16xf32>,
        %add3A_1589 = arith.constant 880 : i32
        %add3A_1590 = vector.broadcast %add3A_1589 : i32 to vector<16xi32>
        %add3A_1591 = arith.addi %add3A_953, %add3A_1590 : vector<16xi32>
        %gather3A_1592 = tpu.vector_load_idx %arg10[%add3A_1591] : memref<6144xf32, #tpu.memory_space<vmem>>[vector<16xi32>], vector<16xf32>,
        %mul3A_1593 = arith.constant 16 : i32
        %mul3A_1594 = arith.muli %scan3A_943, %mul3A_1593 : i32
        %swap3A_1595 = arith.constant 0 : i32
        %swap3A_1596 = arith.constant 52 : i32
        %swap3A_1597 = arith.index_cast %swap3A_1595 : i32 to index
        %swap3A_1598 = arith.index_cast %swap3A_1596 : i32 to index
        %swap3A_1599 = arith.index_cast %mul3A_1594 : i32 to index
        %swap3A_1600 = tpu.vector_load %arg13[%swap3A_1597, %swap3A_1598, %swap3A_1599] {strides = array<i32>} : memref<2x64x512xf32, #tpu.memory_space<vmem>>, vector<16xf32>,
        tpu.vector_store %arg13[%swap3A_1597, %swap3A_1598, %swap3A_1599], %gather3A_1556 {strides = array<i32>} : memref<2x64x512xf32, #tpu.memory_space<vmem>>, vector<16xf32>,
        %add3A_1601 = arith.constant 896 : i32
        %add3A_1602 = vector.broadcast %add3A_1601 : i32 to vector<16xi32>
        %add3A_1603 = arith.addi %add3A_953, %add3A_1602 : vector<16xi32>
        %gather3A_1604 = tpu.vector_load_idx %arg10[%add3A_1603] : memref<6144xf32, #tpu.memory_space<vmem>>[vector<16xi32>], vector<16xf32>,
        %mul3A_1605 = arith.constant 16 : i32
        %mul3A_1606 = arith.muli %scan3A_943, %mul3A_1605 : i32
        %swap3A_1607 = arith.constant 0 : i32
        %swap3A_1608 = arith.constant 53 : i32
        %swap3A_1609 = arith.index_cast %swap3A_1607 : i32 to index
        %swap3A_1610 = arith.index_cast %swap3A_1608 : i32 to index
        %swap3A_1611 = arith.index_cast %mul3A_1606 : i32 to index
        %swap3A_1612 = tpu.vector_load %arg13[%swap3A_1609, %swap3A_1610, %swap3A_1611] {strides = array<i32>} : memref<2x64x512xf32, #tpu.memory_space<vmem>>, vector<16xf32>,
        tpu.vector_store %arg13[%swap3A_1609, %swap3A_1610, %swap3A_1611], %gather3A_1568 {strides = array<i32>} : memref<2x64x512xf32, #tpu.memory_space<vmem>>, vector<16xf32>,
        %add3A_1613 = arith.constant 912 : i32
        %add3A_1614 = vector.broadcast %add3A_1613 : i32 to vector<16xi32>
        %add3A_1615 = arith.addi %add3A_953, %add3A_1614 : vector<16xi32>
        %gather3A_1616 = tpu.vector_load_idx %arg10[%add3A_1615] : memref<6144xf32, #tpu.memory_space<vmem>>[vector<16xi32>], vector<16xf32>,
        %mul3A_1617 = arith.constant 16 : i32
        %mul3A_1618 = arith.muli %scan3A_943, %mul3A_1617 : i32
        %swap3A_1619 = arith.constant 0 : i32
        %swap3A_1620 = arith.constant 54 : i32
        %swap3A_1621 = arith.index_cast %swap3A_1619 : i32 to index
        %swap3A_1622 = arith.index_cast %swap3A_1620 : i32 to index
        %swap3A_1623 = arith.index_cast %mul3A_1618 : i32 to index
        %swap3A_1624 = tpu.vector_load %arg13[%swap3A_1621, %swap3A_1622, %swap3A_1623] {strides = array<i32>} : memref<2x64x512xf32, #tpu.memory_space<vmem>>, vector<16xf32>,
        tpu.vector_store %arg13[%swap3A_1621, %swap3A_1622, %swap3A_1623], %gather3A_1580 {strides = array<i32>} : memref<2x64x512xf32, #tpu.memory_space<vmem>>, vector<16xf32>,
        %add3A_1625 = arith.constant 928 : i32
        %add3A_1626 = vector.broadcast %add3A_1625 : i32 to vector<16xi32>
        %add3A_1627 = arith.addi %add3A_953, %add3A_1626 : vector<16xi32>
        %gather3A_1628 = tpu.vector_load_idx %arg10[%add3A_1627] : memref<6144xf32, #tpu.memory_space<vmem>>[vector<16xi32>], vector<16xf32>,
        %mul3A_1629 = arith.constant 16 : i32
        %mul3A_1630 = arith.muli %scan3A_943, %mul3A_1629 : i32
        %swap3A_1631 = arith.constant 0 : i32
        %swap3A_1632 = arith.constant 55 : i32
        %swap3A_1633 = arith.index_cast %swap3A_1631 : i32 to index
        %swap3A_1634 = arith.index_cast %swap3A_1632 : i32 to index
        %swap3A_1635 = arith.index_cast %mul3A_1630 : i32 to index
        %swap3A_1636 = tpu.vector_load %arg13[%swap3A_1633, %swap3A_1634, %swap3A_1635] {strides = array<i32>} : memref<2x64x512xf32, #tpu.memory_space<vmem>>, vector<16xf32>,
        tpu.vector_store %arg13[%swap3A_1633, %swap3A_1634, %swap3A_1635], %gather3A_1592 {strides = array<i32>} : memref<2x64x512xf32, #tpu.memory_space<vmem>>, vector<16xf32>,
        %add3A_1637 = arith.constant 944 : i32
        %add3A_1638 = vector.broadcast %add3A_1637 : i32 to vector<16xi32>
        %add3A_1639 = arith.addi %add3A_953, %add3A_1638 : vector<16xi32>
        %gather3A_1640 = tpu.vector_load_idx %arg10[%add3A_1639] : memref<6144xf32, #tpu.memory_space<vmem>>[vector<16xi32>], vector<16xf32>,
        %mul3A_1641 = arith.constant 16 : i32
        %mul3A_1642 = arith.muli %scan3A_943, %mul3A_1641 : i32
        %swap3A_1643 = arith.constant 0 : i32
        %swap3A_1644 = arith.constant 56 : i32
        %swap3A_1645 = arith.index_cast %swap3A_1643 : i32 to index
        %swap3A_1646 = arith.index_cast %swap3A_1644 : i32 to index
        %swap3A_1647 = arith.index_cast %mul3A_1642 : i32 to index
        %swap3A_1648 = tpu.vector_load %arg13[%swap3A_1645, %swap3A_1646, %swap3A_1647] {strides = array<i32>} : memref<2x64x512xf32, #tpu.memory_space<vmem>>, vector<16xf32>,
        tpu.vector_store %arg13[%swap3A_1645, %swap3A_1646, %swap3A_1647], %gather3A_1604 {strides = array<i32>} : memref<2x64x512xf32, #tpu.memory_space<vmem>>, vector<16xf32>,
        %add3A_1649 = arith.constant 960 : i32
        %add3A_1650 = vector.broadcast %add3A_1649 : i32 to vector<16xi32>
        %add3A_1651 = arith.addi %add3A_953, %add3A_1650 : vector<16xi32>
        %gather3A_1652 = tpu.vector_load_idx %arg10[%add3A_1651] : memref<6144xf32, #tpu.memory_space<vmem>>[vector<16xi32>], vector<16xf32>,
        %mul3A_1653 = arith.constant 16 : i32
        %mul3A_1654 = arith.muli %scan3A_943, %mul3A_1653 : i32
        %swap3A_1655 = arith.constant 0 : i32
        %swap3A_1656 = arith.constant 57 : i32
        %swap3A_1657 = arith.index_cast %swap3A_1655 : i32 to index
        %swap3A_1658 = arith.index_cast %swap3A_1656 : i32 to index
        %swap3A_1659 = arith.index_cast %mul3A_1654 : i32 to index
        %swap3A_1660 = tpu.vector_load %arg13[%swap3A_1657, %swap3A_1658, %swap3A_1659] {strides = array<i32>} : memref<2x64x512xf32, #tpu.memory_space<vmem>>, vector<16xf32>,
        tpu.vector_store %arg13[%swap3A_1657, %swap3A_1658, %swap3A_1659], %gather3A_1616 {strides = array<i32>} : memref<2x64x512xf32, #tpu.memory_space<vmem>>, vector<16xf32>,
        %add3A_1661 = arith.constant 976 : i32
        %add3A_1662 = vector.broadcast %add3A_1661 : i32 to vector<16xi32>
        %add3A_1663 = arith.addi %add3A_953, %add3A_1662 : vector<16xi32>
        %gather3A_1664 = tpu.vector_load_idx %arg10[%add3A_1663] : memref<6144xf32, #tpu.memory_space<vmem>>[vector<16xi32>], vector<16xf32>,
        %mul3A_1665 = arith.constant 16 : i32
        %mul3A_1666 = arith.muli %scan3A_943, %mul3A_1665 : i32
        %swap3A_1667 = arith.constant 0 : i32
        %swap3A_1668 = arith.constant 58 : i32
        %swap3A_1669 = arith.index_cast %swap3A_1667 : i32 to index
        %swap3A_1670 = arith.index_cast %swap3A_1668 : i32 to index
        %swap3A_1671 = arith.index_cast %mul3A_1666 : i32 to index
        %swap3A_1672 = tpu.vector_load %arg13[%swap3A_1669, %swap3A_1670, %swap3A_1671] {strides = array<i32>} : memref<2x64x512xf32, #tpu.memory_space<vmem>>, vector<16xf32>,
        tpu.vector_store %arg13[%swap3A_1669, %swap3A_1670, %swap3A_1671], %gather3A_1628 {strides = array<i32>} : memref<2x64x512xf32, #tpu.memory_space<vmem>>, vector<16xf32>,
        %add3A_1673 = arith.constant 992 : i32
        %add3A_1674 = vector.broadcast %add3A_1673 : i32 to vector<16xi32>
        %add3A_1675 = arith.addi %add3A_953, %add3A_1674 : vector<16xi32>
        %gather3A_1676 = tpu.vector_load_idx %arg10[%add3A_1675] : memref<6144xf32, #tpu.memory_space<vmem>>[vector<16xi32>], vector<16xf32>,
        %mul3A_1677 = arith.constant 16 : i32
        %mul3A_1678 = arith.muli %scan3A_943, %mul3A_1677 : i32
        %swap3A_1679 = arith.constant 0 : i32
        %swap3A_1680 = arith.constant 59 : i32
        %swap3A_1681 = arith.index_cast %swap3A_1679 : i32 to index
        %swap3A_1682 = arith.index_cast %swap3A_1680 : i32 to index
        %swap3A_1683 = arith.index_cast %mul3A_1678 : i32 to index
        %swap3A_1684 = tpu.vector_load %arg13[%swap3A_1681, %swap3A_1682, %swap3A_1683] {strides = array<i32>} : memref<2x64x512xf32, #tpu.memory_space<vmem>>, vector<16xf32>,
        tpu.vector_store %arg13[%swap3A_1681, %swap3A_1682, %swap3A_1683], %gather3A_1640 {strides = array<i32>} : memref<2x64x512xf32, #tpu.memory_space<vmem>>, vector<16xf32>,
        %add3A_1685 = arith.constant 1008 : i32
        %add3A_1686 = vector.broadcast %add3A_1685 : i32 to vector<16xi32>
        %add3A_1687 = arith.addi %add3A_953, %add3A_1686 : vector<16xi32>
        %gather3A_1688 = tpu.vector_load_idx %arg10[%add3A_1687] : memref<6144xf32, #tpu.memory_space<vmem>>[vector<16xi32>], vector<16xf32>,
        %mul3A_1689 = arith.constant 16 : i32
        %mul3A_1690 = arith.muli %scan3A_943, %mul3A_1689 : i32
        %swap3A_1691 = arith.constant 0 : i32
        %swap3A_1692 = arith.constant 60 : i32
        %swap3A_1693 = arith.index_cast %swap3A_1691 : i32 to index
        %swap3A_1694 = arith.index_cast %swap3A_1692 : i32 to index
        %swap3A_1695 = arith.index_cast %mul3A_1690 : i32 to index
        %swap3A_1696 = tpu.vector_load %arg13[%swap3A_1693, %swap3A_1694, %swap3A_1695] {strides = array<i32>} : memref<2x64x512xf32, #tpu.memory_space<vmem>>, vector<16xf32>,
        tpu.vector_store %arg13[%swap3A_1693, %swap3A_1694, %swap3A_1695], %gather3A_1652 {strides = array<i32>} : memref<2x64x512xf32, #tpu.memory_space<vmem>>, vector<16xf32>,
        %mul3A_1697 = arith.constant 16 : i32
        %mul3A_1698 = arith.muli %scan3A_943, %mul3A_1697 : i32
        %swap3A_1699 = arith.constant 0 : i32
        %swap3A_1700 = arith.constant 61 : i32
        %swap3A_1701 = arith.index_cast %swap3A_1699 : i32 to index
        %swap3A_1702 = arith.index_cast %swap3A_1700 : i32 to index
        %swap3A_1703 = arith.index_cast %mul3A_1698 : i32 to index
        %swap3A_1704 = tpu.vector_load %arg13[%swap3A_1701, %swap3A_1702, %swap3A_1703] {strides = array<i32>} : memref<2x64x512xf32, #tpu.memory_space<vmem>>, vector<16xf32>,
        tpu.vector_store %arg13[%swap3A_1701, %swap3A_1702, %swap3A_1703], %gather3A_1664 {strides = array<i32>} : memref<2x64x512xf32, #tpu.memory_space<vmem>>, vector<16xf32>,
        %mul3A_1705 = arith.constant 16 : i32
        %mul3A_1706 = arith.muli %scan3A_943, %mul3A_1705 : i32
        %swap3A_1707 = arith.constant 0 : i32
        %swap3A_1708 = arith.constant 62 : i32
        %swap3A_1709 = arith.index_cast %swap3A_1707 : i32 to index
        %swap3A_1710 = arith.index_cast %swap3A_1708 : i32 to index
        %swap3A_1711 = arith.index_cast %mul3A_1706 : i32 to index
        %swap3A_1712 = tpu.vector_load %arg13[%swap3A_1709, %swap3A_1710, %swap3A_1711] {strides = array<i32>} : memref<2x64x512xf32, #tpu.memory_space<vmem>>, vector<16xf32>,
        tpu.vector_store %arg13[%swap3A_1709, %swap3A_1710, %swap3A_1711], %gather3A_1676 {strides = array<i32>} : memref<2x64x512xf32, #tpu.memory_space<vmem>>, vector<16xf32>,
        %mul3A_1713 = arith.constant 16 : i32
        %mul3A_1714 = arith.muli %scan3A_943, %mul3A_1713 : i32
        %swap3A_1715 = arith.constant 0 : i32
        %swap3A_1716 = arith.constant 63 : i32
        %swap3A_1717 = arith.index_cast %swap3A_1715 : i32 to index
        %swap3A_1718 = arith.index_cast %swap3A_1716 : i32 to index
        %swap3A_1719 = arith.index_cast %mul3A_1714 : i32 to index
        %swap3A_1720 = tpu.vector_load %arg13[%swap3A_1717, %swap3A_1718, %swap3A_1719] {strides = array<i32>} : memref<2x64x512xf32, #tpu.memory_space<vmem>>, vector<16xf32>,
        tpu.vector_store %arg13[%swap3A_1717, %swap3A_1718, %swap3A_1719], %gather3A_1688 {strides = array<i32>} : memref<2x64x512xf32, #tpu.memory_space<vmem>>, vector<16xf32>,
        %scan3A_1721 = arith.constant 0 : i32
        scf.yield %scan3A_1721 : i32
      }
      %scan3A_888 = arith.constant 32 : i32
      %add3A_889 = arith.constant 0 : i32
      %add3A_890 = arith.addi %add3A_865, %add3A_889 : i32
      %mul3A_891 = arith.constant 64 : i32
      %mul3A_892 = arith.muli %add3A_890, %mul3A_891 : i32
      %dma_start3A_893 = arith.constant 0 : i32
      %dma_start3A_894 = arith.constant 0 : i32
      %dma_start3A_895 = arith.constant 0 : i32
      %dma_start3A_896 = tpu.memref_slice %arg13[%dma_start3A_893, %dma_start3A_894, %dma_start3A_895] : memref<2x64x512xf32, #tpu.memory_space<vmem>> -> memref<1x64x512xf32, #tpu.memory_space<vmem>>
      %dma_start3A_897 = tpu.memref_squeeze %dma_start3A_896 : memref<1x64x512xf32, #tpu.memory_space<vmem>> -> memref<64x512xf32, #tpu.memory_space<vmem>>
      %dma_start3A_898 = tpu.memref_slice %arg7[%mul3A_892, %mul3A_2] : memref<3488x16384xf32, #tpu.memory_space<hbm>> -> memref<64x512xf32, #tpu.memory_space<hbm>>
      %dma_start3A_899 = tpu.memref_slice %arg7[%mul3A_892, %mul3A_2] : memref<3488x16384xf32, #tpu.memory_space<hbm>> -> memref<64x512xf32, #tpu.memory_space<hbm>>
      %dma_start3A_900 = arith.constant 0 : i32
      %dma_start3A_901 = arith.constant 0 : i32
      %dma_start3A_902 = tpu.memref_slice %arg13[%dma_start3A_893, %dma_start3A_900, %dma_start3A_901] : memref<2x64x512xf32, #tpu.memory_space<vmem>> -> memref<1x64x512xf32, #tpu.memory_space<vmem>>
      %dma_start3A_903 = tpu.memref_squeeze %dma_start3A_902 : memref<1x64x512xf32, #tpu.memory_space<vmem>> -> memref<64x512xf32, #tpu.memory_space<vmem>>
      tpu.enqueue_dma source(%dma_start3A_903 : memref<64x512xf32, #tpu.memory_space<vmem>>) target(%dma_start3A_899 : memref<64x512xf32, #tpu.memory_space<hbm>>) target_semaphore(%arg15 : memref<!tpu.dma_semaphore, #tpu.memory_space<semaphore_mem>>)
      %dma_wait3A_904 = arith.constant 1 : i32
      %dma_wait3A_905 = arith.constant 0 : i32
      %dma_wait3A_906 = arith.constant 0 : i32
      %dma_wait3A_907 = tpu.memref_slice %arg13[%dma_wait3A_904, %dma_wait3A_905, %dma_wait3A_906] : memref<2x64x512xf32, #tpu.memory_space<vmem>> -> memref<1x64x512xf32, #tpu.memory_space<vmem>>
      %dma_wait3A_908 = tpu.memref_squeeze %dma_wait3A_907 : memref<1x64x512xf32, #tpu.memory_space<vmem>> -> memref<64x512xf32, #tpu.memory_space<vmem>>
      %dma_wait3A_909 = arith.constant 0 : i32
      %dma_wait3A_910 = tpu.memref_slice %arg7[%dma_wait3A_909, %mul3A_2] : memref<3488x16384xf32, #tpu.memory_space<hbm>> -> memref<64x512xf32, #tpu.memory_space<hbm>>
      %dma_wait3A_911 = arith.constant 0 : i32
      %dma_wait3A_912 = tpu.memref_slice %arg7[%dma_wait3A_911, %mul3A_2] : memref<3488x16384xf32, #tpu.memory_space<hbm>> -> memref<64x512xf32, #tpu.memory_space<hbm>>
      %dma_wait3A_913 = arith.constant 0 : i32
      %dma_wait3A_914 = arith.constant 0 : i32
      %dma_wait3A_915 = tpu.memref_slice %arg13[%dma_wait3A_904, %dma_wait3A_913, %dma_wait3A_914] : memref<2x64x512xf32, #tpu.memory_space<vmem>> -> memref<1x64x512xf32, #tpu.memory_space<vmem>>
      %dma_wait3A_916 = tpu.memref_squeeze %dma_wait3A_915 : memref<1x64x512xf32, #tpu.memory_space<vmem>> -> memref<64x512xf32, #tpu.memory_space<vmem>>
      tpu.wait_dma2 semaphore(%arg16 : memref<!tpu.dma_semaphore, #tpu.memory_space<semaphore_mem>>) src(%dma_wait3A_916 : memref<64x512xf32, #tpu.memory_space<vmem>>) dst(%dma_wait3A_912 : memref<64x512xf32, #tpu.memory_space<hbm>>)
      %add3A_917 = arith.constant 1 : i32
      %add3A_918 = arith.addi %add3A_865, %add3A_917 : i32
      %iota3A_919 = tpu.iota {dimensions = array<i32: 0>} : vector<16xi32>
      %scan3A_920 = arith.constant 0 : i32
      %scan3A_921 = arith.constant 0 : i32
      %scan3A_922 = arith.constant 32 : i32
      %scan3A_923 = arith.addi %scan3A_921, %scan3A_922 : i32
      %scan3A_924 = arith.constant 1 : i32
      %scan3A_925 = scf.for %scan3A_943 = %scan3A_921 to %scan3A_923 step %scan3A_924 iter_args(%scan3A_944 = %scan3A_920) -> (i32)  : i32 {
        %mul3A_945 = arith.constant 16 : i32
        %mul3A_946 = arith.muli %scan3A_943, %mul3A_945 : i32
        %get3A_947 = arith.index_cast %add3A_918 : i32 to index
        %get3A_948 = arith.index_cast %mul3A_946 : i32 to index
        %get3A_949 = tpu.vector_load %arg8[%get3A_947, %get3A_948] {strides = array<i32>} : memref<54x512xi32, #tpu.memory_space<vmem>>, vector<16xi32>,
        %mul3A_950 = arith.constant 1024 : i32
        %mul3A_951 = vector.broadcast %mul3A_950 : i32 to vector<16xi32>
        %mul3A_952 = arith.muli %get3A_949, %mul3A_951 : vector<16xi32>
        %add3A_953 = arith.addi %mul3A_952, %iota3A_919 : vector<16xi32>
        %add3A_954 = arith.constant 0 : i32
        %add3A_955 = vector.broadcast %add3A_954 : i32 to vector<16xi32>
        %add3A_956 = arith.addi %add3A_953, %add3A_955 : vector<16xi32>
        %gather3A_957 = tpu.vector_load_idx %arg10[%add3A_956] : memref<6144xf32, #tpu.memory_space<vmem>>[vector<16xi32>], vector<16xf32>,
        %add3A_958 = arith.constant 16 : i32
        %add3A_959 = vector.broadcast %add3A_958 : i32 to vector<16xi32>
        %add3A_960 = arith.addi %add3A_953, %add3A_959 : vector<16xi32>
        %gather3A_961 = tpu.vector_load_idx %arg10[%add3A_960] : memref<6144xf32, #tpu.memory_space<vmem>>[vector<16xi32>], vector<16xf32>,
        %add3A_962 = arith.constant 32 : i32
        %add3A_963 = vector.broadcast %add3A_962 : i32 to vector<16xi32>
        %add3A_964 = arith.addi %add3A_953, %add3A_963 : vector<16xi32>
        %gather3A_965 = tpu.vector_load_idx %arg10[%add3A_964] : memref<6144xf32, #tpu.memory_space<vmem>>[vector<16xi32>], vector<16xf32>,
        %add3A_966 = arith.constant 48 : i32
        %add3A_967 = vector.broadcast %add3A_966 : i32 to vector<16xi32>
        %add3A_968 = arith.addi %add3A_953, %add3A_967 : vector<16xi32>
        %gather3A_969 = tpu.vector_load_idx %arg10[%add3A_968] : memref<6144xf32, #tpu.memory_space<vmem>>[vector<16xi32>], vector<16xf32>,
        %mul3A_970 = arith.constant 16 : i32
        %mul3A_971 = arith.muli %scan3A_943, %mul3A_970 : i32
        %swap3A = arith.constant 1 : i32
        %swap3A_972 = arith.constant 0 : i32
        %swap3A_973 = arith.index_cast %swap3A : i32 to index
        %swap3A_974 = arith.index_cast %swap3A_972 : i32 to index
        %swap3A_975 = arith.index_cast %mul3A_971 : i32 to index
        %swap3A_976 = tpu.vector_load %arg13[%swap3A_973, %swap3A_974, %swap3A_975] {strides = array<i32>} : memref<2x64x512xf32, #tpu.memory_space<vmem>>, vector<16xf32>,
        tpu.vector_store %arg13[%swap3A_973, %swap3A_974, %swap3A_975], %gather3A_957 {strides = array<i32>} : memref<2x64x512xf32, #tpu.memory_space<vmem>>, vector<16xf32>,
        %add3A_977 = arith.constant 64 : i32
        %add3A_978 = vector.broadcast %add3A_977 : i32 to vector<16xi32>
        %add3A_979 = arith.addi %add3A_953, %add3A_978 : vector<16xi32>
        %gather3A_980 = tpu.vector_load_idx %arg10[%add3A_979] : memref<6144xf32, #tpu.memory_space<vmem>>[vector<16xi32>], vector<16xf32>,
        %mul3A_981 = arith.constant 16 : i32
        %mul3A_982 = arith.muli %scan3A_943, %mul3A_981 : i32
        %swap3A_983 = arith.constant 1 : i32
        %swap3A_984 = arith.constant 1 : i32
        %swap3A_985 = arith.index_cast %swap3A_983 : i32 to index
        %swap3A_986 = arith.index_cast %swap3A_984 : i32 to index
        %swap3A_987 = arith.index_cast %mul3A_982 : i32 to index
        %swap3A_988 = tpu.vector_load %arg13[%swap3A_985, %swap3A_986, %swap3A_987] {strides = array<i32>} : memref<2x64x512xf32, #tpu.memory_space<vmem>>, vector<16xf32>,
        tpu.vector_store %arg13[%swap3A_985, %swap3A_986, %swap3A_987], %gather3A_961 {strides = array<i32>} : memref<2x64x512xf32, #tpu.memory_space<vmem>>, vector<16xf32>,
        %add3A_989 = arith.constant 80 : i32
        %add3A_990 = vector.broadcast %add3A_989 : i32 to vector<16xi32>
        %add3A_991 = arith.addi %add3A_953, %add3A_990 : vector<16xi32>
        %gather3A_992 = tpu.vector_load_idx %arg10[%add3A_991] : memref<6144xf32, #tpu.memory_space<vmem>>[vector<16xi32>], vector<16xf32>,
        %mul3A_993 = arith.constant 16 : i32
        %mul3A_994 = arith.muli %scan3A_943, %mul3A_993 : i32
        %swap3A_995 = arith.constant 1 : i32
        %swap3A_996 = arith.constant 2 : i32
        %swap3A_997 = arith.index_cast %swap3A_995 : i32 to index
        %swap3A_998 = arith.index_cast %swap3A_996 : i32 to index
        %swap3A_999 = arith.index_cast %mul3A_994 : i32 to index
        %swap3A_1000 = tpu.vector_load %arg13[%swap3A_997, %swap3A_998, %swap3A_999] {strides = array<i32>} : memref<2x64x512xf32, #tpu.memory_space<vmem>>, vector<16xf32>,
        tpu.vector_store %arg13[%swap3A_997, %swap3A_998, %swap3A_999], %gather3A_965 {strides = array<i32>} : memref<2x64x512xf32, #tpu.memory_space<vmem>>, vector<16xf32>,
        %add3A_1001 = arith.constant 96 : i32
        %add3A_1002 = vector.broadcast %add3A_1001 : i32 to vector<16xi32>
        %add3A_1003 = arith.addi %add3A_953, %add3A_1002 : vector<16xi32>
        %gather3A_1004 = tpu.vector_load_idx %arg10[%add3A_1003] : memref<6144xf32, #tpu.memory_space<vmem>>[vector<16xi32>], vector<16xf32>,
        %mul3A_1005 = arith.constant 16 : i32
        %mul3A_1006 = arith.muli %scan3A_943, %mul3A_1005 : i32
        %swap3A_1007 = arith.constant 1 : i32
        %swap3A_1008 = arith.constant 3 : i32
        %swap3A_1009 = arith.index_cast %swap3A_1007 : i32 to index
        %swap3A_1010 = arith.index_cast %swap3A_1008 : i32 to index
        %swap3A_1011 = arith.index_cast %mul3A_1006 : i32 to index
        %swap3A_1012 = tpu.vector_load %arg13[%swap3A_1009, %swap3A_1010, %swap3A_1011] {strides = array<i32>} : memref<2x64x512xf32, #tpu.memory_space<vmem>>, vector<16xf32>,
        tpu.vector_store %arg13[%swap3A_1009, %swap3A_1010, %swap3A_1011], %gather3A_969 {strides = array<i32>} : memref<2x64x512xf32, #tpu.memory_space<vmem>>, vector<16xf32>,
        %add3A_1013 = arith.constant 112 : i32
        %add3A_1014 = vector.broadcast %add3A_1013 : i32 to vector<16xi32>
        %add3A_1015 = arith.addi %add3A_953, %add3A_1014 : vector<16xi32>
        %gather3A_1016 = tpu.vector_load_idx %arg10[%add3A_1015] : memref<6144xf32, #tpu.memory_space<vmem>>[vector<16xi32>], vector<16xf32>,
        %mul3A_1017 = arith.constant 16 : i32
        %mul3A_1018 = arith.muli %scan3A_943, %mul3A_1017 : i32
        %swap3A_1019 = arith.constant 1 : i32
        %swap3A_1020 = arith.constant 4 : i32
        %swap3A_1021 = arith.index_cast %swap3A_1019 : i32 to index
        %swap3A_1022 = arith.index_cast %swap3A_1020 : i32 to index
        %swap3A_1023 = arith.index_cast %mul3A_1018 : i32 to index
        %swap3A_1024 = tpu.vector_load %arg13[%swap3A_1021, %swap3A_1022, %swap3A_1023] {strides = array<i32>} : memref<2x64x512xf32, #tpu.memory_space<vmem>>, vector<16xf32>,
        tpu.vector_store %arg13[%swap3A_1021, %swap3A_1022, %swap3A_1023], %gather3A_980 {strides = array<i32>} : memref<2x64x512xf32, #tpu.memory_space<vmem>>, vector<16xf32>,
        %add3A_1025 = arith.constant 128 : i32
        %add3A_1026 = vector.broadcast %add3A_1025 : i32 to vector<16xi32>
        %add3A_1027 = arith.addi %add3A_953, %add3A_1026 : vector<16xi32>
        %gather3A_1028 = tpu.vector_load_idx %arg10[%add3A_1027] : memref<6144xf32, #tpu.memory_space<vmem>>[vector<16xi32>], vector<16xf32>,
        %mul3A_1029 = arith.constant 16 : i32
        %mul3A_1030 = arith.muli %scan3A_943, %mul3A_1029 : i32
        %swap3A_1031 = arith.constant 1 : i32
        %swap3A_1032 = arith.constant 5 : i32
        %swap3A_1033 = arith.index_cast %swap3A_1031 : i32 to index
        %swap3A_1034 = arith.index_cast %swap3A_1032 : i32 to index
        %swap3A_1035 = arith.index_cast %mul3A_1030 : i32 to index
        %swap3A_1036 = tpu.vector_load %arg13[%swap3A_1033, %swap3A_1034, %swap3A_1035] {strides = array<i32>} : memref<2x64x512xf32, #tpu.memory_space<vmem>>, vector<16xf32>,
        tpu.vector_store %arg13[%swap3A_1033, %swap3A_1034, %swap3A_1035], %gather3A_992 {strides = array<i32>} : memref<2x64x512xf32, #tpu.memory_space<vmem>>, vector<16xf32>,
        %add3A_1037 = arith.constant 144 : i32
        %add3A_1038 = vector.broadcast %add3A_1037 : i32 to vector<16xi32>
        %add3A_1039 = arith.addi %add3A_953, %add3A_1038 : vector<16xi32>
        %gather3A_1040 = tpu.vector_load_idx %arg10[%add3A_1039] : memref<6144xf32, #tpu.memory_space<vmem>>[vector<16xi32>], vector<16xf32>,
        %mul3A_1041 = arith.constant 16 : i32
        %mul3A_1042 = arith.muli %scan3A_943, %mul3A_1041 : i32
        %swap3A_1043 = arith.constant 1 : i32
        %swap3A_1044 = arith.constant 6 : i32
        %swap3A_1045 = arith.index_cast %swap3A_1043 : i32 to index
        %swap3A_1046 = arith.index_cast %swap3A_1044 : i32 to index
        %swap3A_1047 = arith.index_cast %mul3A_1042 : i32 to index
        %swap3A_1048 = tpu.vector_load %arg13[%swap3A_1045, %swap3A_1046, %swap3A_1047] {strides = array<i32>} : memref<2x64x512xf32, #tpu.memory_space<vmem>>, vector<16xf32>,
        tpu.vector_store %arg13[%swap3A_1045, %swap3A_1046, %swap3A_1047], %gather3A_1004 {strides = array<i32>} : memref<2x64x512xf32, #tpu.memory_space<vmem>>, vector<16xf32>,
        %add3A_1049 = arith.constant 160 : i32
        %add3A_1050 = vector.broadcast %add3A_1049 : i32 to vector<16xi32>
        %add3A_1051 = arith.addi %add3A_953, %add3A_1050 : vector<16xi32>
        %gather3A_1052 = tpu.vector_load_idx %arg10[%add3A_1051] : memref<6144xf32, #tpu.memory_space<vmem>>[vector<16xi32>], vector<16xf32>,
        %mul3A_1053 = arith.constant 16 : i32
        %mul3A_1054 = arith.muli %scan3A_943, %mul3A_1053 : i32
        %swap3A_1055 = arith.constant 1 : i32
        %swap3A_1056 = arith.constant 7 : i32
        %swap3A_1057 = arith.index_cast %swap3A_1055 : i32 to index
        %swap3A_1058 = arith.index_cast %swap3A_1056 : i32 to index
        %swap3A_1059 = arith.index_cast %mul3A_1054 : i32 to index
        %swap3A_1060 = tpu.vector_load %arg13[%swap3A_1057, %swap3A_1058, %swap3A_1059] {strides = array<i32>} : memref<2x64x512xf32, #tpu.memory_space<vmem>>, vector<16xf32>,
        tpu.vector_store %arg13[%swap3A_1057, %swap3A_1058, %swap3A_1059], %gather3A_1016 {strides = array<i32>} : memref<2x64x512xf32, #tpu.memory_space<vmem>>, vector<16xf32>,
        %add3A_1061 = arith.constant 176 : i32
        %add3A_1062 = vector.broadcast %add3A_1061 : i32 to vector<16xi32>
        %add3A_1063 = arith.addi %add3A_953, %add3A_1062 : vector<16xi32>
        %gather3A_1064 = tpu.vector_load_idx %arg10[%add3A_1063] : memref<6144xf32, #tpu.memory_space<vmem>>[vector<16xi32>], vector<16xf32>,
        %mul3A_1065 = arith.constant 16 : i32
        %mul3A_1066 = arith.muli %scan3A_943, %mul3A_1065 : i32
        %swap3A_1067 = arith.constant 1 : i32
        %swap3A_1068 = arith.constant 8 : i32
        %swap3A_1069 = arith.index_cast %swap3A_1067 : i32 to index
        %swap3A_1070 = arith.index_cast %swap3A_1068 : i32 to index
        %swap3A_1071 = arith.index_cast %mul3A_1066 : i32 to index
        %swap3A_1072 = tpu.vector_load %arg13[%swap3A_1069, %swap3A_1070, %swap3A_1071] {strides = array<i32>} : memref<2x64x512xf32, #tpu.memory_space<vmem>>, vector<16xf32>,
        tpu.vector_store %arg13[%swap3A_1069, %swap3A_1070, %swap3A_1071], %gather3A_1028 {strides = array<i32>} : memref<2x64x512xf32, #tpu.memory_space<vmem>>, vector<16xf32>,
        %add3A_1073 = arith.constant 192 : i32
        %add3A_1074 = vector.broadcast %add3A_1073 : i32 to vector<16xi32>
        %add3A_1075 = arith.addi %add3A_953, %add3A_1074 : vector<16xi32>
        %gather3A_1076 = tpu.vector_load_idx %arg10[%add3A_1075] : memref<6144xf32, #tpu.memory_space<vmem>>[vector<16xi32>], vector<16xf32>,
        %mul3A_1077 = arith.constant 16 : i32
        %mul3A_1078 = arith.muli %scan3A_943, %mul3A_1077 : i32
        %swap3A_1079 = arith.constant 1 : i32
        %swap3A_1080 = arith.constant 9 : i32
        %swap3A_1081 = arith.index_cast %swap3A_1079 : i32 to index
        %swap3A_1082 = arith.index_cast %swap3A_1080 : i32 to index
        %swap3A_1083 = arith.index_cast %mul3A_1078 : i32 to index
        %swap3A_1084 = tpu.vector_load %arg13[%swap3A_1081, %swap3A_1082, %swap3A_1083] {strides = array<i32>} : memref<2x64x512xf32, #tpu.memory_space<vmem>>, vector<16xf32>,
        tpu.vector_store %arg13[%swap3A_1081, %swap3A_1082, %swap3A_1083], %gather3A_1040 {strides = array<i32>} : memref<2x64x512xf32, #tpu.memory_space<vmem>>, vector<16xf32>,
        %add3A_1085 = arith.constant 208 : i32
        %add3A_1086 = vector.broadcast %add3A_1085 : i32 to vector<16xi32>
        %add3A_1087 = arith.addi %add3A_953, %add3A_1086 : vector<16xi32>
        %gather3A_1088 = tpu.vector_load_idx %arg10[%add3A_1087] : memref<6144xf32, #tpu.memory_space<vmem>>[vector<16xi32>], vector<16xf32>,
        %mul3A_1089 = arith.constant 16 : i32
        %mul3A_1090 = arith.muli %scan3A_943, %mul3A_1089 : i32
        %swap3A_1091 = arith.constant 1 : i32
        %swap3A_1092 = arith.constant 10 : i32
        %swap3A_1093 = arith.index_cast %swap3A_1091 : i32 to index
        %swap3A_1094 = arith.index_cast %swap3A_1092 : i32 to index
        %swap3A_1095 = arith.index_cast %mul3A_1090 : i32 to index
        %swap3A_1096 = tpu.vector_load %arg13[%swap3A_1093, %swap3A_1094, %swap3A_1095] {strides = array<i32>} : memref<2x64x512xf32, #tpu.memory_space<vmem>>, vector<16xf32>,
        tpu.vector_store %arg13[%swap3A_1093, %swap3A_1094, %swap3A_1095], %gather3A_1052 {strides = array<i32>} : memref<2x64x512xf32, #tpu.memory_space<vmem>>, vector<16xf32>,
        %add3A_1097 = arith.constant 224 : i32
        %add3A_1098 = vector.broadcast %add3A_1097 : i32 to vector<16xi32>
        %add3A_1099 = arith.addi %add3A_953, %add3A_1098 : vector<16xi32>
        %gather3A_1100 = tpu.vector_load_idx %arg10[%add3A_1099] : memref<6144xf32, #tpu.memory_space<vmem>>[vector<16xi32>], vector<16xf32>,
        %mul3A_1101 = arith.constant 16 : i32
        %mul3A_1102 = arith.muli %scan3A_943, %mul3A_1101 : i32
        %swap3A_1103 = arith.constant 1 : i32
        %swap3A_1104 = arith.constant 11 : i32
        %swap3A_1105 = arith.index_cast %swap3A_1103 : i32 to index
        %swap3A_1106 = arith.index_cast %swap3A_1104 : i32 to index
        %swap3A_1107 = arith.index_cast %mul3A_1102 : i32 to index
        %swap3A_1108 = tpu.vector_load %arg13[%swap3A_1105, %swap3A_1106, %swap3A_1107] {strides = array<i32>} : memref<2x64x512xf32, #tpu.memory_space<vmem>>, vector<16xf32>,
        tpu.vector_store %arg13[%swap3A_1105, %swap3A_1106, %swap3A_1107], %gather3A_1064 {strides = array<i32>} : memref<2x64x512xf32, #tpu.memory_space<vmem>>, vector<16xf32>,
        %add3A_1109 = arith.constant 240 : i32
        %add3A_1110 = vector.broadcast %add3A_1109 : i32 to vector<16xi32>
        %add3A_1111 = arith.addi %add3A_953, %add3A_1110 : vector<16xi32>
        %gather3A_1112 = tpu.vector_load_idx %arg10[%add3A_1111] : memref<6144xf32, #tpu.memory_space<vmem>>[vector<16xi32>], vector<16xf32>,
        %mul3A_1113 = arith.constant 16 : i32
        %mul3A_1114 = arith.muli %scan3A_943, %mul3A_1113 : i32
        %swap3A_1115 = arith.constant 1 : i32
        %swap3A_1116 = arith.constant 12 : i32
        %swap3A_1117 = arith.index_cast %swap3A_1115 : i32 to index
        %swap3A_1118 = arith.index_cast %swap3A_1116 : i32 to index
        %swap3A_1119 = arith.index_cast %mul3A_1114 : i32 to index
        %swap3A_1120 = tpu.vector_load %arg13[%swap3A_1117, %swap3A_1118, %swap3A_1119] {strides = array<i32>} : memref<2x64x512xf32, #tpu.memory_space<vmem>>, vector<16xf32>,
        tpu.vector_store %arg13[%swap3A_1117, %swap3A_1118, %swap3A_1119], %gather3A_1076 {strides = array<i32>} : memref<2x64x512xf32, #tpu.memory_space<vmem>>, vector<16xf32>,
        %add3A_1121 = arith.constant 256 : i32
        %add3A_1122 = vector.broadcast %add3A_1121 : i32 to vector<16xi32>
        %add3A_1123 = arith.addi %add3A_953, %add3A_1122 : vector<16xi32>
        %gather3A_1124 = tpu.vector_load_idx %arg10[%add3A_1123] : memref<6144xf32, #tpu.memory_space<vmem>>[vector<16xi32>], vector<16xf32>,
        %mul3A_1125 = arith.constant 16 : i32
        %mul3A_1126 = arith.muli %scan3A_943, %mul3A_1125 : i32
        %swap3A_1127 = arith.constant 1 : i32
        %swap3A_1128 = arith.constant 13 : i32
        %swap3A_1129 = arith.index_cast %swap3A_1127 : i32 to index
        %swap3A_1130 = arith.index_cast %swap3A_1128 : i32 to index
        %swap3A_1131 = arith.index_cast %mul3A_1126 : i32 to index
        %swap3A_1132 = tpu.vector_load %arg13[%swap3A_1129, %swap3A_1130, %swap3A_1131] {strides = array<i32>} : memref<2x64x512xf32, #tpu.memory_space<vmem>>, vector<16xf32>,
        tpu.vector_store %arg13[%swap3A_1129, %swap3A_1130, %swap3A_1131], %gather3A_1088 {strides = array<i32>} : memref<2x64x512xf32, #tpu.memory_space<vmem>>, vector<16xf32>,
        %add3A_1133 = arith.constant 272 : i32
        %add3A_1134 = vector.broadcast %add3A_1133 : i32 to vector<16xi32>
        %add3A_1135 = arith.addi %add3A_953, %add3A_1134 : vector<16xi32>
        %gather3A_1136 = tpu.vector_load_idx %arg10[%add3A_1135] : memref<6144xf32, #tpu.memory_space<vmem>>[vector<16xi32>], vector<16xf32>,
        %mul3A_1137 = arith.constant 16 : i32
        %mul3A_1138 = arith.muli %scan3A_943, %mul3A_1137 : i32
        %swap3A_1139 = arith.constant 1 : i32
        %swap3A_1140 = arith.constant 14 : i32
        %swap3A_1141 = arith.index_cast %swap3A_1139 : i32 to index
        %swap3A_1142 = arith.index_cast %swap3A_1140 : i32 to index
        %swap3A_1143 = arith.index_cast %mul3A_1138 : i32 to index
        %swap3A_1144 = tpu.vector_load %arg13[%swap3A_1141, %swap3A_1142, %swap3A_1143] {strides = array<i32>} : memref<2x64x512xf32, #tpu.memory_space<vmem>>, vector<16xf32>,
        tpu.vector_store %arg13[%swap3A_1141, %swap3A_1142, %swap3A_1143], %gather3A_1100 {strides = array<i32>} : memref<2x64x512xf32, #tpu.memory_space<vmem>>, vector<16xf32>,
        %add3A_1145 = arith.constant 288 : i32
        %add3A_1146 = vector.broadcast %add3A_1145 : i32 to vector<16xi32>
        %add3A_1147 = arith.addi %add3A_953, %add3A_1146 : vector<16xi32>
        %gather3A_1148 = tpu.vector_load_idx %arg10[%add3A_1147] : memref<6144xf32, #tpu.memory_space<vmem>>[vector<16xi32>], vector<16xf32>,
        %mul3A_1149 = arith.constant 16 : i32
        %mul3A_1150 = arith.muli %scan3A_943, %mul3A_1149 : i32
        %swap3A_1151 = arith.constant 1 : i32
        %swap3A_1152 = arith.constant 15 : i32
        %swap3A_1153 = arith.index_cast %swap3A_1151 : i32 to index
        %swap3A_1154 = arith.index_cast %swap3A_1152 : i32 to index
        %swap3A_1155 = arith.index_cast %mul3A_1150 : i32 to index
        %swap3A_1156 = tpu.vector_load %arg13[%swap3A_1153, %swap3A_1154, %swap3A_1155] {strides = array<i32>} : memref<2x64x512xf32, #tpu.memory_space<vmem>>, vector<16xf32>,
        tpu.vector_store %arg13[%swap3A_1153, %swap3A_1154, %swap3A_1155], %gather3A_1112 {strides = array<i32>} : memref<2x64x512xf32, #tpu.memory_space<vmem>>, vector<16xf32>,
        %add3A_1157 = arith.constant 304 : i32
        %add3A_1158 = vector.broadcast %add3A_1157 : i32 to vector<16xi32>
        %add3A_1159 = arith.addi %add3A_953, %add3A_1158 : vector<16xi32>
        %gather3A_1160 = tpu.vector_load_idx %arg10[%add3A_1159] : memref<6144xf32, #tpu.memory_space<vmem>>[vector<16xi32>], vector<16xf32>,
        %mul3A_1161 = arith.constant 16 : i32
        %mul3A_1162 = arith.muli %scan3A_943, %mul3A_1161 : i32
        %swap3A_1163 = arith.constant 1 : i32
        %swap3A_1164 = arith.constant 16 : i32
        %swap3A_1165 = arith.index_cast %swap3A_1163 : i32 to index
        %swap3A_1166 = arith.index_cast %swap3A_1164 : i32 to index
        %swap3A_1167 = arith.index_cast %mul3A_1162 : i32 to index
        %swap3A_1168 = tpu.vector_load %arg13[%swap3A_1165, %swap3A_1166, %swap3A_1167] {strides = array<i32>} : memref<2x64x512xf32, #tpu.memory_space<vmem>>, vector<16xf32>,
        tpu.vector_store %arg13[%swap3A_1165, %swap3A_1166, %swap3A_1167], %gather3A_1124 {strides = array<i32>} : memref<2x64x512xf32, #tpu.memory_space<vmem>>, vector<16xf32>,
        %add3A_1169 = arith.constant 320 : i32
        %add3A_1170 = vector.broadcast %add3A_1169 : i32 to vector<16xi32>
        %add3A_1171 = arith.addi %add3A_953, %add3A_1170 : vector<16xi32>
        %gather3A_1172 = tpu.vector_load_idx %arg10[%add3A_1171] : memref<6144xf32, #tpu.memory_space<vmem>>[vector<16xi32>], vector<16xf32>,
        %mul3A_1173 = arith.constant 16 : i32
        %mul3A_1174 = arith.muli %scan3A_943, %mul3A_1173 : i32
        %swap3A_1175 = arith.constant 1 : i32
        %swap3A_1176 = arith.constant 17 : i32
        %swap3A_1177 = arith.index_cast %swap3A_1175 : i32 to index
        %swap3A_1178 = arith.index_cast %swap3A_1176 : i32 to index
        %swap3A_1179 = arith.index_cast %mul3A_1174 : i32 to index
        %swap3A_1180 = tpu.vector_load %arg13[%swap3A_1177, %swap3A_1178, %swap3A_1179] {strides = array<i32>} : memref<2x64x512xf32, #tpu.memory_space<vmem>>, vector<16xf32>,
        tpu.vector_store %arg13[%swap3A_1177, %swap3A_1178, %swap3A_1179], %gather3A_1136 {strides = array<i32>} : memref<2x64x512xf32, #tpu.memory_space<vmem>>, vector<16xf32>,
        %add3A_1181 = arith.constant 336 : i32
        %add3A_1182 = vector.broadcast %add3A_1181 : i32 to vector<16xi32>
        %add3A_1183 = arith.addi %add3A_953, %add3A_1182 : vector<16xi32>
        %gather3A_1184 = tpu.vector_load_idx %arg10[%add3A_1183] : memref<6144xf32, #tpu.memory_space<vmem>>[vector<16xi32>], vector<16xf32>,
        %mul3A_1185 = arith.constant 16 : i32
        %mul3A_1186 = arith.muli %scan3A_943, %mul3A_1185 : i32
        %swap3A_1187 = arith.constant 1 : i32
        %swap3A_1188 = arith.constant 18 : i32
        %swap3A_1189 = arith.index_cast %swap3A_1187 : i32 to index
        %swap3A_1190 = arith.index_cast %swap3A_1188 : i32 to index
        %swap3A_1191 = arith.index_cast %mul3A_1186 : i32 to index
        %swap3A_1192 = tpu.vector_load %arg13[%swap3A_1189, %swap3A_1190, %swap3A_1191] {strides = array<i32>} : memref<2x64x512xf32, #tpu.memory_space<vmem>>, vector<16xf32>,
        tpu.vector_store %arg13[%swap3A_1189, %swap3A_1190, %swap3A_1191], %gather3A_1148 {strides = array<i32>} : memref<2x64x512xf32, #tpu.memory_space<vmem>>, vector<16xf32>,
        %add3A_1193 = arith.constant 352 : i32
        %add3A_1194 = vector.broadcast %add3A_1193 : i32 to vector<16xi32>
        %add3A_1195 = arith.addi %add3A_953, %add3A_1194 : vector<16xi32>
        %gather3A_1196 = tpu.vector_load_idx %arg10[%add3A_1195] : memref<6144xf32, #tpu.memory_space<vmem>>[vector<16xi32>], vector<16xf32>,
        %mul3A_1197 = arith.constant 16 : i32
        %mul3A_1198 = arith.muli %scan3A_943, %mul3A_1197 : i32
        %swap3A_1199 = arith.constant 1 : i32
        %swap3A_1200 = arith.constant 19 : i32
        %swap3A_1201 = arith.index_cast %swap3A_1199 : i32 to index
        %swap3A_1202 = arith.index_cast %swap3A_1200 : i32 to index
        %swap3A_1203 = arith.index_cast %mul3A_1198 : i32 to index
        %swap3A_1204 = tpu.vector_load %arg13[%swap3A_1201, %swap3A_1202, %swap3A_1203] {strides = array<i32>} : memref<2x64x512xf32, #tpu.memory_space<vmem>>, vector<16xf32>,
        tpu.vector_store %arg13[%swap3A_1201, %swap3A_1202, %swap3A_1203], %gather3A_1160 {strides = array<i32>} : memref<2x64x512xf32, #tpu.memory_space<vmem>>, vector<16xf32>,
        %add3A_1205 = arith.constant 368 : i32
        %add3A_1206 = vector.broadcast %add3A_1205 : i32 to vector<16xi32>
        %add3A_1207 = arith.addi %add3A_953, %add3A_1206 : vector<16xi32>
        %gather3A_1208 = tpu.vector_load_idx %arg10[%add3A_1207] : memref<6144xf32, #tpu.memory_space<vmem>>[vector<16xi32>], vector<16xf32>,
        %mul3A_1209 = arith.constant 16 : i32
        %mul3A_1210 = arith.muli %scan3A_943, %mul3A_1209 : i32
        %swap3A_1211 = arith.constant 1 : i32
        %swap3A_1212 = arith.constant 20 : i32
        %swap3A_1213 = arith.index_cast %swap3A_1211 : i32 to index
        %swap3A_1214 = arith.index_cast %swap3A_1212 : i32 to index
        %swap3A_1215 = arith.index_cast %mul3A_1210 : i32 to index
        %swap3A_1216 = tpu.vector_load %arg13[%swap3A_1213, %swap3A_1214, %swap3A_1215] {strides = array<i32>} : memref<2x64x512xf32, #tpu.memory_space<vmem>>, vector<16xf32>,
        tpu.vector_store %arg13[%swap3A_1213, %swap3A_1214, %swap3A_1215], %gather3A_1172 {strides = array<i32>} : memref<2x64x512xf32, #tpu.memory_space<vmem>>, vector<16xf32>,
        %add3A_1217 = arith.constant 384 : i32
        %add3A_1218 = vector.broadcast %add3A_1217 : i32 to vector<16xi32>
        %add3A_1219 = arith.addi %add3A_953, %add3A_1218 : vector<16xi32>
        %gather3A_1220 = tpu.vector_load_idx %arg10[%add3A_1219] : memref<6144xf32, #tpu.memory_space<vmem>>[vector<16xi32>], vector<16xf32>,
        %mul3A_1221 = arith.constant 16 : i32
        %mul3A_1222 = arith.muli %scan3A_943, %mul3A_1221 : i32
        %swap3A_1223 = arith.constant 1 : i32
        %swap3A_1224 = arith.constant 21 : i32
        %swap3A_1225 = arith.index_cast %swap3A_1223 : i32 to index
        %swap3A_1226 = arith.index_cast %swap3A_1224 : i32 to index
        %swap3A_1227 = arith.index_cast %mul3A_1222 : i32 to index
        %swap3A_1228 = tpu.vector_load %arg13[%swap3A_1225, %swap3A_1226, %swap3A_1227] {strides = array<i32>} : memref<2x64x512xf32, #tpu.memory_space<vmem>>, vector<16xf32>,
        tpu.vector_store %arg13[%swap3A_1225, %swap3A_1226, %swap3A_1227], %gather3A_1184 {strides = array<i32>} : memref<2x64x512xf32, #tpu.memory_space<vmem>>, vector<16xf32>,
        %add3A_1229 = arith.constant 400 : i32
        %add3A_1230 = vector.broadcast %add3A_1229 : i32 to vector<16xi32>
        %add3A_1231 = arith.addi %add3A_953, %add3A_1230 : vector<16xi32>
        %gather3A_1232 = tpu.vector_load_idx %arg10[%add3A_1231] : memref<6144xf32, #tpu.memory_space<vmem>>[vector<16xi32>], vector<16xf32>,
        %mul3A_1233 = arith.constant 16 : i32
        %mul3A_1234 = arith.muli %scan3A_943, %mul3A_1233 : i32
        %swap3A_1235 = arith.constant 1 : i32
        %swap3A_1236 = arith.constant 22 : i32
        %swap3A_1237 = arith.index_cast %swap3A_1235 : i32 to index
        %swap3A_1238 = arith.index_cast %swap3A_1236 : i32 to index
        %swap3A_1239 = arith.index_cast %mul3A_1234 : i32 to index
        %swap3A_1240 = tpu.vector_load %arg13[%swap3A_1237, %swap3A_1238, %swap3A_1239] {strides = array<i32>} : memref<2x64x512xf32, #tpu.memory_space<vmem>>, vector<16xf32>,
        tpu.vector_store %arg13[%swap3A_1237, %swap3A_1238, %swap3A_1239], %gather3A_1196 {strides = array<i32>} : memref<2x64x512xf32, #tpu.memory_space<vmem>>, vector<16xf32>,
        %add3A_1241 = arith.constant 416 : i32
        %add3A_1242 = vector.broadcast %add3A_1241 : i32 to vector<16xi32>
        %add3A_1243 = arith.addi %add3A_953, %add3A_1242 : vector<16xi32>
        %gather3A_1244 = tpu.vector_load_idx %arg10[%add3A_1243] : memref<6144xf32, #tpu.memory_space<vmem>>[vector<16xi32>], vector<16xf32>,
        %mul3A_1245 = arith.constant 16 : i32
        %mul3A_1246 = arith.muli %scan3A_943, %mul3A_1245 : i32
        %swap3A_1247 = arith.constant 1 : i32
        %swap3A_1248 = arith.constant 23 : i32
        %swap3A_1249 = arith.index_cast %swap3A_1247 : i32 to index
        %swap3A_1250 = arith.index_cast %swap3A_1248 : i32 to index
        %swap3A_1251 = arith.index_cast %mul3A_1246 : i32 to index
        %swap3A_1252 = tpu.vector_load %arg13[%swap3A_1249, %swap3A_1250, %swap3A_1251] {strides = array<i32>} : memref<2x64x512xf32, #tpu.memory_space<vmem>>, vector<16xf32>,
        tpu.vector_store %arg13[%swap3A_1249, %swap3A_1250, %swap3A_1251], %gather3A_1208 {strides = array<i32>} : memref<2x64x512xf32, #tpu.memory_space<vmem>>, vector<16xf32>,
        %add3A_1253 = arith.constant 432 : i32
        %add3A_1254 = vector.broadcast %add3A_1253 : i32 to vector<16xi32>
        %add3A_1255 = arith.addi %add3A_953, %add3A_1254 : vector<16xi32>
        %gather3A_1256 = tpu.vector_load_idx %arg10[%add3A_1255] : memref<6144xf32, #tpu.memory_space<vmem>>[vector<16xi32>], vector<16xf32>,
        %mul3A_1257 = arith.constant 16 : i32
        %mul3A_1258 = arith.muli %scan3A_943, %mul3A_1257 : i32
        %swap3A_1259 = arith.constant 1 : i32
        %swap3A_1260 = arith.constant 24 : i32
        %swap3A_1261 = arith.index_cast %swap3A_1259 : i32 to index
        %swap3A_1262 = arith.index_cast %swap3A_1260 : i32 to index
        %swap3A_1263 = arith.index_cast %mul3A_1258 : i32 to index
        %swap3A_1264 = tpu.vector_load %arg13[%swap3A_1261, %swap3A_1262, %swap3A_1263] {strides = array<i32>} : memref<2x64x512xf32, #tpu.memory_space<vmem>>, vector<16xf32>,
        tpu.vector_store %arg13[%swap3A_1261, %swap3A_1262, %swap3A_1263], %gather3A_1220 {strides = array<i32>} : memref<2x64x512xf32, #tpu.memory_space<vmem>>, vector<16xf32>,
        %add3A_1265 = arith.constant 448 : i32
        %add3A_1266 = vector.broadcast %add3A_1265 : i32 to vector<16xi32>
        %add3A_1267 = arith.addi %add3A_953, %add3A_1266 : vector<16xi32>
        %gather3A_1268 = tpu.vector_load_idx %arg10[%add3A_1267] : memref<6144xf32, #tpu.memory_space<vmem>>[vector<16xi32>], vector<16xf32>,
        %mul3A_1269 = arith.constant 16 : i32
        %mul3A_1270 = arith.muli %scan3A_943, %mul3A_1269 : i32
        %swap3A_1271 = arith.constant 1 : i32
        %swap3A_1272 = arith.constant 25 : i32
        %swap3A_1273 = arith.index_cast %swap3A_1271 : i32 to index
        %swap3A_1274 = arith.index_cast %swap3A_1272 : i32 to index
        %swap3A_1275 = arith.index_cast %mul3A_1270 : i32 to index
        %swap3A_1276 = tpu.vector_load %arg13[%swap3A_1273, %swap3A_1274, %swap3A_1275] {strides = array<i32>} : memref<2x64x512xf32, #tpu.memory_space<vmem>>, vector<16xf32>,
        tpu.vector_store %arg13[%swap3A_1273, %swap3A_1274, %swap3A_1275], %gather3A_1232 {strides = array<i32>} : memref<2x64x512xf32, #tpu.memory_space<vmem>>, vector<16xf32>,
        %add3A_1277 = arith.constant 464 : i32
        %add3A_1278 = vector.broadcast %add3A_1277 : i32 to vector<16xi32>
        %add3A_1279 = arith.addi %add3A_953, %add3A_1278 : vector<16xi32>
        %gather3A_1280 = tpu.vector_load_idx %arg10[%add3A_1279] : memref<6144xf32, #tpu.memory_space<vmem>>[vector<16xi32>], vector<16xf32>,
        %mul3A_1281 = arith.constant 16 : i32
        %mul3A_1282 = arith.muli %scan3A_943, %mul3A_1281 : i32
        %swap3A_1283 = arith.constant 1 : i32
        %swap3A_1284 = arith.constant 26 : i32
        %swap3A_1285 = arith.index_cast %swap3A_1283 : i32 to index
        %swap3A_1286 = arith.index_cast %swap3A_1284 : i32 to index
        %swap3A_1287 = arith.index_cast %mul3A_1282 : i32 to index
        %swap3A_1288 = tpu.vector_load %arg13[%swap3A_1285, %swap3A_1286, %swap3A_1287] {strides = array<i32>} : memref<2x64x512xf32, #tpu.memory_space<vmem>>, vector<16xf32>,
        tpu.vector_store %arg13[%swap3A_1285, %swap3A_1286, %swap3A_1287], %gather3A_1244 {strides = array<i32>} : memref<2x64x512xf32, #tpu.memory_space<vmem>>, vector<16xf32>,
        %add3A_1289 = arith.constant 480 : i32
        %add3A_1290 = vector.broadcast %add3A_1289 : i32 to vector<16xi32>
        %add3A_1291 = arith.addi %add3A_953, %add3A_1290 : vector<16xi32>
        %gather3A_1292 = tpu.vector_load_idx %arg10[%add3A_1291] : memref<6144xf32, #tpu.memory_space<vmem>>[vector<16xi32>], vector<16xf32>,
        %mul3A_1293 = arith.constant 16 : i32
        %mul3A_1294 = arith.muli %scan3A_943, %mul3A_1293 : i32
        %swap3A_1295 = arith.constant 1 : i32
        %swap3A_1296 = arith.constant 27 : i32
        %swap3A_1297 = arith.index_cast %swap3A_1295 : i32 to index
        %swap3A_1298 = arith.index_cast %swap3A_1296 : i32 to index
        %swap3A_1299 = arith.index_cast %mul3A_1294 : i32 to index
        %swap3A_1300 = tpu.vector_load %arg13[%swap3A_1297, %swap3A_1298, %swap3A_1299] {strides = array<i32>} : memref<2x64x512xf32, #tpu.memory_space<vmem>>, vector<16xf32>,
        tpu.vector_store %arg13[%swap3A_1297, %swap3A_1298, %swap3A_1299], %gather3A_1256 {strides = array<i32>} : memref<2x64x512xf32, #tpu.memory_space<vmem>>, vector<16xf32>,
        %add3A_1301 = arith.constant 496 : i32
        %add3A_1302 = vector.broadcast %add3A_1301 : i32 to vector<16xi32>
        %add3A_1303 = arith.addi %add3A_953, %add3A_1302 : vector<16xi32>
        %gather3A_1304 = tpu.vector_load_idx %arg10[%add3A_1303] : memref<6144xf32, #tpu.memory_space<vmem>>[vector<16xi32>], vector<16xf32>,
        %mul3A_1305 = arith.constant 16 : i32
        %mul3A_1306 = arith.muli %scan3A_943, %mul3A_1305 : i32
        %swap3A_1307 = arith.constant 1 : i32
        %swap3A_1308 = arith.constant 28 : i32
        %swap3A_1309 = arith.index_cast %swap3A_1307 : i32 to index
        %swap3A_1310 = arith.index_cast %swap3A_1308 : i32 to index
        %swap3A_1311 = arith.index_cast %mul3A_1306 : i32 to index
        %swap3A_1312 = tpu.vector_load %arg13[%swap3A_1309, %swap3A_1310, %swap3A_1311] {strides = array<i32>} : memref<2x64x512xf32, #tpu.memory_space<vmem>>, vector<16xf32>,
        tpu.vector_store %arg13[%swap3A_1309, %swap3A_1310, %swap3A_1311], %gather3A_1268 {strides = array<i32>} : memref<2x64x512xf32, #tpu.memory_space<vmem>>, vector<16xf32>,
        %add3A_1313 = arith.constant 512 : i32
        %add3A_1314 = vector.broadcast %add3A_1313 : i32 to vector<16xi32>
        %add3A_1315 = arith.addi %add3A_953, %add3A_1314 : vector<16xi32>
        %gather3A_1316 = tpu.vector_load_idx %arg10[%add3A_1315] : memref<6144xf32, #tpu.memory_space<vmem>>[vector<16xi32>], vector<16xf32>,
        %mul3A_1317 = arith.constant 16 : i32
        %mul3A_1318 = arith.muli %scan3A_943, %mul3A_1317 : i32
        %swap3A_1319 = arith.constant 1 : i32
        %swap3A_1320 = arith.constant 29 : i32
        %swap3A_1321 = arith.index_cast %swap3A_1319 : i32 to index
        %swap3A_1322 = arith.index_cast %swap3A_1320 : i32 to index
        %swap3A_1323 = arith.index_cast %mul3A_1318 : i32 to index
        %swap3A_1324 = tpu.vector_load %arg13[%swap3A_1321, %swap3A_1322, %swap3A_1323] {strides = array<i32>} : memref<2x64x512xf32, #tpu.memory_space<vmem>>, vector<16xf32>,
        tpu.vector_store %arg13[%swap3A_1321, %swap3A_1322, %swap3A_1323], %gather3A_1280 {strides = array<i32>} : memref<2x64x512xf32, #tpu.memory_space<vmem>>, vector<16xf32>,
        %add3A_1325 = arith.constant 528 : i32
        %add3A_1326 = vector.broadcast %add3A_1325 : i32 to vector<16xi32>
        %add3A_1327 = arith.addi %add3A_953, %add3A_1326 : vector<16xi32>
        %gather3A_1328 = tpu.vector_load_idx %arg10[%add3A_1327] : memref<6144xf32, #tpu.memory_space<vmem>>[vector<16xi32>], vector<16xf32>,
        %mul3A_1329 = arith.constant 16 : i32
        %mul3A_1330 = arith.muli %scan3A_943, %mul3A_1329 : i32
        %swap3A_1331 = arith.constant 1 : i32
        %swap3A_1332 = arith.constant 30 : i32
        %swap3A_1333 = arith.index_cast %swap3A_1331 : i32 to index
        %swap3A_1334 = arith.index_cast %swap3A_1332 : i32 to index
        %swap3A_1335 = arith.index_cast %mul3A_1330 : i32 to index
        %swap3A_1336 = tpu.vector_load %arg13[%swap3A_1333, %swap3A_1334, %swap3A_1335] {strides = array<i32>} : memref<2x64x512xf32, #tpu.memory_space<vmem>>, vector<16xf32>,
        tpu.vector_store %arg13[%swap3A_1333, %swap3A_1334, %swap3A_1335], %gather3A_1292 {strides = array<i32>} : memref<2x64x512xf32, #tpu.memory_space<vmem>>, vector<16xf32>,
        %add3A_1337 = arith.constant 544 : i32
        %add3A_1338 = vector.broadcast %add3A_1337 : i32 to vector<16xi32>
        %add3A_1339 = arith.addi %add3A_953, %add3A_1338 : vector<16xi32>
        %gather3A_1340 = tpu.vector_load_idx %arg10[%add3A_1339] : memref<6144xf32, #tpu.memory_space<vmem>>[vector<16xi32>], vector<16xf32>,
        %mul3A_1341 = arith.constant 16 : i32
        %mul3A_1342 = arith.muli %scan3A_943, %mul3A_1341 : i32
        %swap3A_1343 = arith.constant 1 : i32
        %swap3A_1344 = arith.constant 31 : i32
        %swap3A_1345 = arith.index_cast %swap3A_1343 : i32 to index
        %swap3A_1346 = arith.index_cast %swap3A_1344 : i32 to index
        %swap3A_1347 = arith.index_cast %mul3A_1342 : i32 to index
        %swap3A_1348 = tpu.vector_load %arg13[%swap3A_1345, %swap3A_1346, %swap3A_1347] {strides = array<i32>} : memref<2x64x512xf32, #tpu.memory_space<vmem>>, vector<16xf32>,
        tpu.vector_store %arg13[%swap3A_1345, %swap3A_1346, %swap3A_1347], %gather3A_1304 {strides = array<i32>} : memref<2x64x512xf32, #tpu.memory_space<vmem>>, vector<16xf32>,
        %add3A_1349 = arith.constant 560 : i32
        %add3A_1350 = vector.broadcast %add3A_1349 : i32 to vector<16xi32>
        %add3A_1351 = arith.addi %add3A_953, %add3A_1350 : vector<16xi32>
        %gather3A_1352 = tpu.vector_load_idx %arg10[%add3A_1351] : memref<6144xf32, #tpu.memory_space<vmem>>[vector<16xi32>], vector<16xf32>,
        %mul3A_1353 = arith.constant 16 : i32
        %mul3A_1354 = arith.muli %scan3A_943, %mul3A_1353 : i32
        %swap3A_1355 = arith.constant 1 : i32
        %swap3A_1356 = arith.constant 32 : i32
        %swap3A_1357 = arith.index_cast %swap3A_1355 : i32 to index
        %swap3A_1358 = arith.index_cast %swap3A_1356 : i32 to index
        %swap3A_1359 = arith.index_cast %mul3A_1354 : i32 to index
        %swap3A_1360 = tpu.vector_load %arg13[%swap3A_1357, %swap3A_1358, %swap3A_1359] {strides = array<i32>} : memref<2x64x512xf32, #tpu.memory_space<vmem>>, vector<16xf32>,
        tpu.vector_store %arg13[%swap3A_1357, %swap3A_1358, %swap3A_1359], %gather3A_1316 {strides = array<i32>} : memref<2x64x512xf32, #tpu.memory_space<vmem>>, vector<16xf32>,
        %add3A_1361 = arith.constant 576 : i32
        %add3A_1362 = vector.broadcast %add3A_1361 : i32 to vector<16xi32>
        %add3A_1363 = arith.addi %add3A_953, %add3A_1362 : vector<16xi32>
        %gather3A_1364 = tpu.vector_load_idx %arg10[%add3A_1363] : memref<6144xf32, #tpu.memory_space<vmem>>[vector<16xi32>], vector<16xf32>,
        %mul3A_1365 = arith.constant 16 : i32
        %mul3A_1366 = arith.muli %scan3A_943, %mul3A_1365 : i32
        %swap3A_1367 = arith.constant 1 : i32
        %swap3A_1368 = arith.constant 33 : i32
        %swap3A_1369 = arith.index_cast %swap3A_1367 : i32 to index
        %swap3A_1370 = arith.index_cast %swap3A_1368 : i32 to index
        %swap3A_1371 = arith.index_cast %mul3A_1366 : i32 to index
        %swap3A_1372 = tpu.vector_load %arg13[%swap3A_1369, %swap3A_1370, %swap3A_1371] {strides = array<i32>} : memref<2x64x512xf32, #tpu.memory_space<vmem>>, vector<16xf32>,
        tpu.vector_store %arg13[%swap3A_1369, %swap3A_1370, %swap3A_1371], %gather3A_1328 {strides = array<i32>} : memref<2x64x512xf32, #tpu.memory_space<vmem>>, vector<16xf32>,
        %add3A_1373 = arith.constant 592 : i32
        %add3A_1374 = vector.broadcast %add3A_1373 : i32 to vector<16xi32>
        %add3A_1375 = arith.addi %add3A_953, %add3A_1374 : vector<16xi32>
        %gather3A_1376 = tpu.vector_load_idx %arg10[%add3A_1375] : memref<6144xf32, #tpu.memory_space<vmem>>[vector<16xi32>], vector<16xf32>,
        %mul3A_1377 = arith.constant 16 : i32
        %mul3A_1378 = arith.muli %scan3A_943, %mul3A_1377 : i32
        %swap3A_1379 = arith.constant 1 : i32
        %swap3A_1380 = arith.constant 34 : i32
        %swap3A_1381 = arith.index_cast %swap3A_1379 : i32 to index
        %swap3A_1382 = arith.index_cast %swap3A_1380 : i32 to index
        %swap3A_1383 = arith.index_cast %mul3A_1378 : i32 to index
        %swap3A_1384 = tpu.vector_load %arg13[%swap3A_1381, %swap3A_1382, %swap3A_1383] {strides = array<i32>} : memref<2x64x512xf32, #tpu.memory_space<vmem>>, vector<16xf32>,
        tpu.vector_store %arg13[%swap3A_1381, %swap3A_1382, %swap3A_1383], %gather3A_1340 {strides = array<i32>} : memref<2x64x512xf32, #tpu.memory_space<vmem>>, vector<16xf32>,
        %add3A_1385 = arith.constant 608 : i32
        %add3A_1386 = vector.broadcast %add3A_1385 : i32 to vector<16xi32>
        %add3A_1387 = arith.addi %add3A_953, %add3A_1386 : vector<16xi32>
        %gather3A_1388 = tpu.vector_load_idx %arg10[%add3A_1387] : memref<6144xf32, #tpu.memory_space<vmem>>[vector<16xi32>], vector<16xf32>,
        %mul3A_1389 = arith.constant 16 : i32
        %mul3A_1390 = arith.muli %scan3A_943, %mul3A_1389 : i32
        %swap3A_1391 = arith.constant 1 : i32
        %swap3A_1392 = arith.constant 35 : i32
        %swap3A_1393 = arith.index_cast %swap3A_1391 : i32 to index
        %swap3A_1394 = arith.index_cast %swap3A_1392 : i32 to index
        %swap3A_1395 = arith.index_cast %mul3A_1390 : i32 to index
        %swap3A_1396 = tpu.vector_load %arg13[%swap3A_1393, %swap3A_1394, %swap3A_1395] {strides = array<i32>} : memref<2x64x512xf32, #tpu.memory_space<vmem>>, vector<16xf32>,
        tpu.vector_store %arg13[%swap3A_1393, %swap3A_1394, %swap3A_1395], %gather3A_1352 {strides = array<i32>} : memref<2x64x512xf32, #tpu.memory_space<vmem>>, vector<16xf32>,
        %add3A_1397 = arith.constant 624 : i32
        %add3A_1398 = vector.broadcast %add3A_1397 : i32 to vector<16xi32>
        %add3A_1399 = arith.addi %add3A_953, %add3A_1398 : vector<16xi32>
        %gather3A_1400 = tpu.vector_load_idx %arg10[%add3A_1399] : memref<6144xf32, #tpu.memory_space<vmem>>[vector<16xi32>], vector<16xf32>,
        %mul3A_1401 = arith.constant 16 : i32
        %mul3A_1402 = arith.muli %scan3A_943, %mul3A_1401 : i32
        %swap3A_1403 = arith.constant 1 : i32
        %swap3A_1404 = arith.constant 36 : i32
        %swap3A_1405 = arith.index_cast %swap3A_1403 : i32 to index
        %swap3A_1406 = arith.index_cast %swap3A_1404 : i32 to index
        %swap3A_1407 = arith.index_cast %mul3A_1402 : i32 to index
        %swap3A_1408 = tpu.vector_load %arg13[%swap3A_1405, %swap3A_1406, %swap3A_1407] {strides = array<i32>} : memref<2x64x512xf32, #tpu.memory_space<vmem>>, vector<16xf32>,
        tpu.vector_store %arg13[%swap3A_1405, %swap3A_1406, %swap3A_1407], %gather3A_1364 {strides = array<i32>} : memref<2x64x512xf32, #tpu.memory_space<vmem>>, vector<16xf32>,
        %add3A_1409 = arith.constant 640 : i32
        %add3A_1410 = vector.broadcast %add3A_1409 : i32 to vector<16xi32>
        %add3A_1411 = arith.addi %add3A_953, %add3A_1410 : vector<16xi32>
        %gather3A_1412 = tpu.vector_load_idx %arg10[%add3A_1411] : memref<6144xf32, #tpu.memory_space<vmem>>[vector<16xi32>], vector<16xf32>,
        %mul3A_1413 = arith.constant 16 : i32
        %mul3A_1414 = arith.muli %scan3A_943, %mul3A_1413 : i32
        %swap3A_1415 = arith.constant 1 : i32
        %swap3A_1416 = arith.constant 37 : i32
        %swap3A_1417 = arith.index_cast %swap3A_1415 : i32 to index
        %swap3A_1418 = arith.index_cast %swap3A_1416 : i32 to index
        %swap3A_1419 = arith.index_cast %mul3A_1414 : i32 to index
        %swap3A_1420 = tpu.vector_load %arg13[%swap3A_1417, %swap3A_1418, %swap3A_1419] {strides = array<i32>} : memref<2x64x512xf32, #tpu.memory_space<vmem>>, vector<16xf32>,
        tpu.vector_store %arg13[%swap3A_1417, %swap3A_1418, %swap3A_1419], %gather3A_1376 {strides = array<i32>} : memref<2x64x512xf32, #tpu.memory_space<vmem>>, vector<16xf32>,
        %add3A_1421 = arith.constant 656 : i32
        %add3A_1422 = vector.broadcast %add3A_1421 : i32 to vector<16xi32>
        %add3A_1423 = arith.addi %add3A_953, %add3A_1422 : vector<16xi32>
        %gather3A_1424 = tpu.vector_load_idx %arg10[%add3A_1423] : memref<6144xf32, #tpu.memory_space<vmem>>[vector<16xi32>], vector<16xf32>,
        %mul3A_1425 = arith.constant 16 : i32
        %mul3A_1426 = arith.muli %scan3A_943, %mul3A_1425 : i32
        %swap3A_1427 = arith.constant 1 : i32
        %swap3A_1428 = arith.constant 38 : i32
        %swap3A_1429 = arith.index_cast %swap3A_1427 : i32 to index
        %swap3A_1430 = arith.index_cast %swap3A_1428 : i32 to index
        %swap3A_1431 = arith.index_cast %mul3A_1426 : i32 to index
        %swap3A_1432 = tpu.vector_load %arg13[%swap3A_1429, %swap3A_1430, %swap3A_1431] {strides = array<i32>} : memref<2x64x512xf32, #tpu.memory_space<vmem>>, vector<16xf32>,
        tpu.vector_store %arg13[%swap3A_1429, %swap3A_1430, %swap3A_1431], %gather3A_1388 {strides = array<i32>} : memref<2x64x512xf32, #tpu.memory_space<vmem>>, vector<16xf32>,
        %add3A_1433 = arith.constant 672 : i32
        %add3A_1434 = vector.broadcast %add3A_1433 : i32 to vector<16xi32>
        %add3A_1435 = arith.addi %add3A_953, %add3A_1434 : vector<16xi32>
        %gather3A_1436 = tpu.vector_load_idx %arg10[%add3A_1435] : memref<6144xf32, #tpu.memory_space<vmem>>[vector<16xi32>], vector<16xf32>,
        %mul3A_1437 = arith.constant 16 : i32
        %mul3A_1438 = arith.muli %scan3A_943, %mul3A_1437 : i32
        %swap3A_1439 = arith.constant 1 : i32
        %swap3A_1440 = arith.constant 39 : i32
        %swap3A_1441 = arith.index_cast %swap3A_1439 : i32 to index
        %swap3A_1442 = arith.index_cast %swap3A_1440 : i32 to index
        %swap3A_1443 = arith.index_cast %mul3A_1438 : i32 to index
        %swap3A_1444 = tpu.vector_load %arg13[%swap3A_1441, %swap3A_1442, %swap3A_1443] {strides = array<i32>} : memref<2x64x512xf32, #tpu.memory_space<vmem>>, vector<16xf32>,
        tpu.vector_store %arg13[%swap3A_1441, %swap3A_1442, %swap3A_1443], %gather3A_1400 {strides = array<i32>} : memref<2x64x512xf32, #tpu.memory_space<vmem>>, vector<16xf32>,
        %add3A_1445 = arith.constant 688 : i32
        %add3A_1446 = vector.broadcast %add3A_1445 : i32 to vector<16xi32>
        %add3A_1447 = arith.addi %add3A_953, %add3A_1446 : vector<16xi32>
        %gather3A_1448 = tpu.vector_load_idx %arg10[%add3A_1447] : memref<6144xf32, #tpu.memory_space<vmem>>[vector<16xi32>], vector<16xf32>,
        %mul3A_1449 = arith.constant 16 : i32
        %mul3A_1450 = arith.muli %scan3A_943, %mul3A_1449 : i32
        %swap3A_1451 = arith.constant 1 : i32
        %swap3A_1452 = arith.constant 40 : i32
        %swap3A_1453 = arith.index_cast %swap3A_1451 : i32 to index
        %swap3A_1454 = arith.index_cast %swap3A_1452 : i32 to index
        %swap3A_1455 = arith.index_cast %mul3A_1450 : i32 to index
        %swap3A_1456 = tpu.vector_load %arg13[%swap3A_1453, %swap3A_1454, %swap3A_1455] {strides = array<i32>} : memref<2x64x512xf32, #tpu.memory_space<vmem>>, vector<16xf32>,
        tpu.vector_store %arg13[%swap3A_1453, %swap3A_1454, %swap3A_1455], %gather3A_1412 {strides = array<i32>} : memref<2x64x512xf32, #tpu.memory_space<vmem>>, vector<16xf32>,
        %add3A_1457 = arith.constant 704 : i32
        %add3A_1458 = vector.broadcast %add3A_1457 : i32 to vector<16xi32>
        %add3A_1459 = arith.addi %add3A_953, %add3A_1458 : vector<16xi32>
        %gather3A_1460 = tpu.vector_load_idx %arg10[%add3A_1459] : memref<6144xf32, #tpu.memory_space<vmem>>[vector<16xi32>], vector<16xf32>,
        %mul3A_1461 = arith.constant 16 : i32
        %mul3A_1462 = arith.muli %scan3A_943, %mul3A_1461 : i32
        %swap3A_1463 = arith.constant 1 : i32
        %swap3A_1464 = arith.constant 41 : i32
        %swap3A_1465 = arith.index_cast %swap3A_1463 : i32 to index
        %swap3A_1466 = arith.index_cast %swap3A_1464 : i32 to index
        %swap3A_1467 = arith.index_cast %mul3A_1462 : i32 to index
        %swap3A_1468 = tpu.vector_load %arg13[%swap3A_1465, %swap3A_1466, %swap3A_1467] {strides = array<i32>} : memref<2x64x512xf32, #tpu.memory_space<vmem>>, vector<16xf32>,
        tpu.vector_store %arg13[%swap3A_1465, %swap3A_1466, %swap3A_1467], %gather3A_1424 {strides = array<i32>} : memref<2x64x512xf32, #tpu.memory_space<vmem>>, vector<16xf32>,
        %add3A_1469 = arith.constant 720 : i32
        %add3A_1470 = vector.broadcast %add3A_1469 : i32 to vector<16xi32>
        %add3A_1471 = arith.addi %add3A_953, %add3A_1470 : vector<16xi32>
        %gather3A_1472 = tpu.vector_load_idx %arg10[%add3A_1471] : memref<6144xf32, #tpu.memory_space<vmem>>[vector<16xi32>], vector<16xf32>,
        %mul3A_1473 = arith.constant 16 : i32
        %mul3A_1474 = arith.muli %scan3A_943, %mul3A_1473 : i32
        %swap3A_1475 = arith.constant 1 : i32
        %swap3A_1476 = arith.constant 42 : i32
        %swap3A_1477 = arith.index_cast %swap3A_1475 : i32 to index
        %swap3A_1478 = arith.index_cast %swap3A_1476 : i32 to index
        %swap3A_1479 = arith.index_cast %mul3A_1474 : i32 to index
        %swap3A_1480 = tpu.vector_load %arg13[%swap3A_1477, %swap3A_1478, %swap3A_1479] {strides = array<i32>} : memref<2x64x512xf32, #tpu.memory_space<vmem>>, vector<16xf32>,
        tpu.vector_store %arg13[%swap3A_1477, %swap3A_1478, %swap3A_1479], %gather3A_1436 {strides = array<i32>} : memref<2x64x512xf32, #tpu.memory_space<vmem>>, vector<16xf32>,
        %add3A_1481 = arith.constant 736 : i32
        %add3A_1482 = vector.broadcast %add3A_1481 : i32 to vector<16xi32>
        %add3A_1483 = arith.addi %add3A_953, %add3A_1482 : vector<16xi32>
        %gather3A_1484 = tpu.vector_load_idx %arg10[%add3A_1483] : memref<6144xf32, #tpu.memory_space<vmem>>[vector<16xi32>], vector<16xf32>,
        %mul3A_1485 = arith.constant 16 : i32
        %mul3A_1486 = arith.muli %scan3A_943, %mul3A_1485 : i32
        %swap3A_1487 = arith.constant 1 : i32
        %swap3A_1488 = arith.constant 43 : i32
        %swap3A_1489 = arith.index_cast %swap3A_1487 : i32 to index
        %swap3A_1490 = arith.index_cast %swap3A_1488 : i32 to index
        %swap3A_1491 = arith.index_cast %mul3A_1486 : i32 to index
        %swap3A_1492 = tpu.vector_load %arg13[%swap3A_1489, %swap3A_1490, %swap3A_1491] {strides = array<i32>} : memref<2x64x512xf32, #tpu.memory_space<vmem>>, vector<16xf32>,
        tpu.vector_store %arg13[%swap3A_1489, %swap3A_1490, %swap3A_1491], %gather3A_1448 {strides = array<i32>} : memref<2x64x512xf32, #tpu.memory_space<vmem>>, vector<16xf32>,
        %add3A_1493 = arith.constant 752 : i32
        %add3A_1494 = vector.broadcast %add3A_1493 : i32 to vector<16xi32>
        %add3A_1495 = arith.addi %add3A_953, %add3A_1494 : vector<16xi32>
        %gather3A_1496 = tpu.vector_load_idx %arg10[%add3A_1495] : memref<6144xf32, #tpu.memory_space<vmem>>[vector<16xi32>], vector<16xf32>,
        %mul3A_1497 = arith.constant 16 : i32
        %mul3A_1498 = arith.muli %scan3A_943, %mul3A_1497 : i32
        %swap3A_1499 = arith.constant 1 : i32
        %swap3A_1500 = arith.constant 44 : i32
        %swap3A_1501 = arith.index_cast %swap3A_1499 : i32 to index
        %swap3A_1502 = arith.index_cast %swap3A_1500 : i32 to index
        %swap3A_1503 = arith.index_cast %mul3A_1498 : i32 to index
        %swap3A_1504 = tpu.vector_load %arg13[%swap3A_1501, %swap3A_1502, %swap3A_1503] {strides = array<i32>} : memref<2x64x512xf32, #tpu.memory_space<vmem>>, vector<16xf32>,
        tpu.vector_store %arg13[%swap3A_1501, %swap3A_1502, %swap3A_1503], %gather3A_1460 {strides = array<i32>} : memref<2x64x512xf32, #tpu.memory_space<vmem>>, vector<16xf32>,
        %add3A_1505 = arith.constant 768 : i32
        %add3A_1506 = vector.broadcast %add3A_1505 : i32 to vector<16xi32>
        %add3A_1507 = arith.addi %add3A_953, %add3A_1506 : vector<16xi32>
        %gather3A_1508 = tpu.vector_load_idx %arg10[%add3A_1507] : memref<6144xf32, #tpu.memory_space<vmem>>[vector<16xi32>], vector<16xf32>,
        %mul3A_1509 = arith.constant 16 : i32
        %mul3A_1510 = arith.muli %scan3A_943, %mul3A_1509 : i32
        %swap3A_1511 = arith.constant 1 : i32
        %swap3A_1512 = arith.constant 45 : i32
        %swap3A_1513 = arith.index_cast %swap3A_1511 : i32 to index
        %swap3A_1514 = arith.index_cast %swap3A_1512 : i32 to index
        %swap3A_1515 = arith.index_cast %mul3A_1510 : i32 to index
        %swap3A_1516 = tpu.vector_load %arg13[%swap3A_1513, %swap3A_1514, %swap3A_1515] {strides = array<i32>} : memref<2x64x512xf32, #tpu.memory_space<vmem>>, vector<16xf32>,
        tpu.vector_store %arg13[%swap3A_1513, %swap3A_1514, %swap3A_1515], %gather3A_1472 {strides = array<i32>} : memref<2x64x512xf32, #tpu.memory_space<vmem>>, vector<16xf32>,
        %add3A_1517 = arith.constant 784 : i32
        %add3A_1518 = vector.broadcast %add3A_1517 : i32 to vector<16xi32>
        %add3A_1519 = arith.addi %add3A_953, %add3A_1518 : vector<16xi32>
        %gather3A_1520 = tpu.vector_load_idx %arg10[%add3A_1519] : memref<6144xf32, #tpu.memory_space<vmem>>[vector<16xi32>], vector<16xf32>,
        %mul3A_1521 = arith.constant 16 : i32
        %mul3A_1522 = arith.muli %scan3A_943, %mul3A_1521 : i32
        %swap3A_1523 = arith.constant 1 : i32
        %swap3A_1524 = arith.constant 46 : i32
        %swap3A_1525 = arith.index_cast %swap3A_1523 : i32 to index
        %swap3A_1526 = arith.index_cast %swap3A_1524 : i32 to index
        %swap3A_1527 = arith.index_cast %mul3A_1522 : i32 to index
        %swap3A_1528 = tpu.vector_load %arg13[%swap3A_1525, %swap3A_1526, %swap3A_1527] {strides = array<i32>} : memref<2x64x512xf32, #tpu.memory_space<vmem>>, vector<16xf32>,
        tpu.vector_store %arg13[%swap3A_1525, %swap3A_1526, %swap3A_1527], %gather3A_1484 {strides = array<i32>} : memref<2x64x512xf32, #tpu.memory_space<vmem>>, vector<16xf32>,
        %add3A_1529 = arith.constant 800 : i32
        %add3A_1530 = vector.broadcast %add3A_1529 : i32 to vector<16xi32>
        %add3A_1531 = arith.addi %add3A_953, %add3A_1530 : vector<16xi32>
        %gather3A_1532 = tpu.vector_load_idx %arg10[%add3A_1531] : memref<6144xf32, #tpu.memory_space<vmem>>[vector<16xi32>], vector<16xf32>,
        %mul3A_1533 = arith.constant 16 : i32
        %mul3A_1534 = arith.muli %scan3A_943, %mul3A_1533 : i32
        %swap3A_1535 = arith.constant 1 : i32
        %swap3A_1536 = arith.constant 47 : i32
        %swap3A_1537 = arith.index_cast %swap3A_1535 : i32 to index
        %swap3A_1538 = arith.index_cast %swap3A_1536 : i32 to index
        %swap3A_1539 = arith.index_cast %mul3A_1534 : i32 to index
        %swap3A_1540 = tpu.vector_load %arg13[%swap3A_1537, %swap3A_1538, %swap3A_1539] {strides = array<i32>} : memref<2x64x512xf32, #tpu.memory_space<vmem>>, vector<16xf32>,
        tpu.vector_store %arg13[%swap3A_1537, %swap3A_1538, %swap3A_1539], %gather3A_1496 {strides = array<i32>} : memref<2x64x512xf32, #tpu.memory_space<vmem>>, vector<16xf32>,
        %add3A_1541 = arith.constant 816 : i32
        %add3A_1542 = vector.broadcast %add3A_1541 : i32 to vector<16xi32>
        %add3A_1543 = arith.addi %add3A_953, %add3A_1542 : vector<16xi32>
        %gather3A_1544 = tpu.vector_load_idx %arg10[%add3A_1543] : memref<6144xf32, #tpu.memory_space<vmem>>[vector<16xi32>], vector<16xf32>,
        %mul3A_1545 = arith.constant 16 : i32
        %mul3A_1546 = arith.muli %scan3A_943, %mul3A_1545 : i32
        %swap3A_1547 = arith.constant 1 : i32
        %swap3A_1548 = arith.constant 48 : i32
        %swap3A_1549 = arith.index_cast %swap3A_1547 : i32 to index
        %swap3A_1550 = arith.index_cast %swap3A_1548 : i32 to index
        %swap3A_1551 = arith.index_cast %mul3A_1546 : i32 to index
        %swap3A_1552 = tpu.vector_load %arg13[%swap3A_1549, %swap3A_1550, %swap3A_1551] {strides = array<i32>} : memref<2x64x512xf32, #tpu.memory_space<vmem>>, vector<16xf32>,
        tpu.vector_store %arg13[%swap3A_1549, %swap3A_1550, %swap3A_1551], %gather3A_1508 {strides = array<i32>} : memref<2x64x512xf32, #tpu.memory_space<vmem>>, vector<16xf32>,
        %add3A_1553 = arith.constant 832 : i32
        %add3A_1554 = vector.broadcast %add3A_1553 : i32 to vector<16xi32>
        %add3A_1555 = arith.addi %add3A_953, %add3A_1554 : vector<16xi32>
        %gather3A_1556 = tpu.vector_load_idx %arg10[%add3A_1555] : memref<6144xf32, #tpu.memory_space<vmem>>[vector<16xi32>], vector<16xf32>,
        %mul3A_1557 = arith.constant 16 : i32
        %mul3A_1558 = arith.muli %scan3A_943, %mul3A_1557 : i32
        %swap3A_1559 = arith.constant 1 : i32
        %swap3A_1560 = arith.constant 49 : i32
        %swap3A_1561 = arith.index_cast %swap3A_1559 : i32 to index
        %swap3A_1562 = arith.index_cast %swap3A_1560 : i32 to index
        %swap3A_1563 = arith.index_cast %mul3A_1558 : i32 to index
        %swap3A_1564 = tpu.vector_load %arg13[%swap3A_1561, %swap3A_1562, %swap3A_1563] {strides = array<i32>} : memref<2x64x512xf32, #tpu.memory_space<vmem>>, vector<16xf32>,
        tpu.vector_store %arg13[%swap3A_1561, %swap3A_1562, %swap3A_1563], %gather3A_1520 {strides = array<i32>} : memref<2x64x512xf32, #tpu.memory_space<vmem>>, vector<16xf32>,
        %add3A_1565 = arith.constant 848 : i32
        %add3A_1566 = vector.broadcast %add3A_1565 : i32 to vector<16xi32>
        %add3A_1567 = arith.addi %add3A_953, %add3A_1566 : vector<16xi32>
        %gather3A_1568 = tpu.vector_load_idx %arg10[%add3A_1567] : memref<6144xf32, #tpu.memory_space<vmem>>[vector<16xi32>], vector<16xf32>,
        %mul3A_1569 = arith.constant 16 : i32
        %mul3A_1570 = arith.muli %scan3A_943, %mul3A_1569 : i32
        %swap3A_1571 = arith.constant 1 : i32
        %swap3A_1572 = arith.constant 50 : i32
        %swap3A_1573 = arith.index_cast %swap3A_1571 : i32 to index
        %swap3A_1574 = arith.index_cast %swap3A_1572 : i32 to index
        %swap3A_1575 = arith.index_cast %mul3A_1570 : i32 to index
        %swap3A_1576 = tpu.vector_load %arg13[%swap3A_1573, %swap3A_1574, %swap3A_1575] {strides = array<i32>} : memref<2x64x512xf32, #tpu.memory_space<vmem>>, vector<16xf32>,
        tpu.vector_store %arg13[%swap3A_1573, %swap3A_1574, %swap3A_1575], %gather3A_1532 {strides = array<i32>} : memref<2x64x512xf32, #tpu.memory_space<vmem>>, vector<16xf32>,
        %add3A_1577 = arith.constant 864 : i32
        %add3A_1578 = vector.broadcast %add3A_1577 : i32 to vector<16xi32>
        %add3A_1579 = arith.addi %add3A_953, %add3A_1578 : vector<16xi32>
        %gather3A_1580 = tpu.vector_load_idx %arg10[%add3A_1579] : memref<6144xf32, #tpu.memory_space<vmem>>[vector<16xi32>], vector<16xf32>,
        %mul3A_1581 = arith.constant 16 : i32
        %mul3A_1582 = arith.muli %scan3A_943, %mul3A_1581 : i32
        %swap3A_1583 = arith.constant 1 : i32
        %swap3A_1584 = arith.constant 51 : i32
        %swap3A_1585 = arith.index_cast %swap3A_1583 : i32 to index
        %swap3A_1586 = arith.index_cast %swap3A_1584 : i32 to index
        %swap3A_1587 = arith.index_cast %mul3A_1582 : i32 to index
        %swap3A_1588 = tpu.vector_load %arg13[%swap3A_1585, %swap3A_1586, %swap3A_1587] {strides = array<i32>} : memref<2x64x512xf32, #tpu.memory_space<vmem>>, vector<16xf32>,
        tpu.vector_store %arg13[%swap3A_1585, %swap3A_1586, %swap3A_1587], %gather3A_1544 {strides = array<i32>} : memref<2x64x512xf32, #tpu.memory_space<vmem>>, vector<16xf32>,
        %add3A_1589 = arith.constant 880 : i32
        %add3A_1590 = vector.broadcast %add3A_1589 : i32 to vector<16xi32>
        %add3A_1591 = arith.addi %add3A_953, %add3A_1590 : vector<16xi32>
        %gather3A_1592 = tpu.vector_load_idx %arg10[%add3A_1591] : memref<6144xf32, #tpu.memory_space<vmem>>[vector<16xi32>], vector<16xf32>,
        %mul3A_1593 = arith.constant 16 : i32
        %mul3A_1594 = arith.muli %scan3A_943, %mul3A_1593 : i32
        %swap3A_1595 = arith.constant 1 : i32
        %swap3A_1596 = arith.constant 52 : i32
        %swap3A_1597 = arith.index_cast %swap3A_1595 : i32 to index
        %swap3A_1598 = arith.index_cast %swap3A_1596 : i32 to index
        %swap3A_1599 = arith.index_cast %mul3A_1594 : i32 to index
        %swap3A_1600 = tpu.vector_load %arg13[%swap3A_1597, %swap3A_1598, %swap3A_1599] {strides = array<i32>} : memref<2x64x512xf32, #tpu.memory_space<vmem>>, vector<16xf32>,
        tpu.vector_store %arg13[%swap3A_1597, %swap3A_1598, %swap3A_1599], %gather3A_1556 {strides = array<i32>} : memref<2x64x512xf32, #tpu.memory_space<vmem>>, vector<16xf32>,
        %add3A_1601 = arith.constant 896 : i32
        %add3A_1602 = vector.broadcast %add3A_1601 : i32 to vector<16xi32>
        %add3A_1603 = arith.addi %add3A_953, %add3A_1602 : vector<16xi32>
        %gather3A_1604 = tpu.vector_load_idx %arg10[%add3A_1603] : memref<6144xf32, #tpu.memory_space<vmem>>[vector<16xi32>], vector<16xf32>,
        %mul3A_1605 = arith.constant 16 : i32
        %mul3A_1606 = arith.muli %scan3A_943, %mul3A_1605 : i32
        %swap3A_1607 = arith.constant 1 : i32
        %swap3A_1608 = arith.constant 53 : i32
        %swap3A_1609 = arith.index_cast %swap3A_1607 : i32 to index
        %swap3A_1610 = arith.index_cast %swap3A_1608 : i32 to index
        %swap3A_1611 = arith.index_cast %mul3A_1606 : i32 to index
        %swap3A_1612 = tpu.vector_load %arg13[%swap3A_1609, %swap3A_1610, %swap3A_1611] {strides = array<i32>} : memref<2x64x512xf32, #tpu.memory_space<vmem>>, vector<16xf32>,
        tpu.vector_store %arg13[%swap3A_1609, %swap3A_1610, %swap3A_1611], %gather3A_1568 {strides = array<i32>} : memref<2x64x512xf32, #tpu.memory_space<vmem>>, vector<16xf32>,
        %add3A_1613 = arith.constant 912 : i32
        %add3A_1614 = vector.broadcast %add3A_1613 : i32 to vector<16xi32>
        %add3A_1615 = arith.addi %add3A_953, %add3A_1614 : vector<16xi32>
        %gather3A_1616 = tpu.vector_load_idx %arg10[%add3A_1615] : memref<6144xf32, #tpu.memory_space<vmem>>[vector<16xi32>], vector<16xf32>,
        %mul3A_1617 = arith.constant 16 : i32
        %mul3A_1618 = arith.muli %scan3A_943, %mul3A_1617 : i32
        %swap3A_1619 = arith.constant 1 : i32
        %swap3A_1620 = arith.constant 54 : i32
        %swap3A_1621 = arith.index_cast %swap3A_1619 : i32 to index
        %swap3A_1622 = arith.index_cast %swap3A_1620 : i32 to index
        %swap3A_1623 = arith.index_cast %mul3A_1618 : i32 to index
        %swap3A_1624 = tpu.vector_load %arg13[%swap3A_1621, %swap3A_1622, %swap3A_1623] {strides = array<i32>} : memref<2x64x512xf32, #tpu.memory_space<vmem>>, vector<16xf32>,
        tpu.vector_store %arg13[%swap3A_1621, %swap3A_1622, %swap3A_1623], %gather3A_1580 {strides = array<i32>} : memref<2x64x512xf32, #tpu.memory_space<vmem>>, vector<16xf32>,
        %add3A_1625 = arith.constant 928 : i32
        %add3A_1626 = vector.broadcast %add3A_1625 : i32 to vector<16xi32>
        %add3A_1627 = arith.addi %add3A_953, %add3A_1626 : vector<16xi32>
        %gather3A_1628 = tpu.vector_load_idx %arg10[%add3A_1627] : memref<6144xf32, #tpu.memory_space<vmem>>[vector<16xi32>], vector<16xf32>,
        %mul3A_1629 = arith.constant 16 : i32
        %mul3A_1630 = arith.muli %scan3A_943, %mul3A_1629 : i32
        %swap3A_1631 = arith.constant 1 : i32
        %swap3A_1632 = arith.constant 55 : i32
        %swap3A_1633 = arith.index_cast %swap3A_1631 : i32 to index
        %swap3A_1634 = arith.index_cast %swap3A_1632 : i32 to index
        %swap3A_1635 = arith.index_cast %mul3A_1630 : i32 to index
        %swap3A_1636 = tpu.vector_load %arg13[%swap3A_1633, %swap3A_1634, %swap3A_1635] {strides = array<i32>} : memref<2x64x512xf32, #tpu.memory_space<vmem>>, vector<16xf32>,
        tpu.vector_store %arg13[%swap3A_1633, %swap3A_1634, %swap3A_1635], %gather3A_1592 {strides = array<i32>} : memref<2x64x512xf32, #tpu.memory_space<vmem>>, vector<16xf32>,
        %add3A_1637 = arith.constant 944 : i32
        %add3A_1638 = vector.broadcast %add3A_1637 : i32 to vector<16xi32>
        %add3A_1639 = arith.addi %add3A_953, %add3A_1638 : vector<16xi32>
        %gather3A_1640 = tpu.vector_load_idx %arg10[%add3A_1639] : memref<6144xf32, #tpu.memory_space<vmem>>[vector<16xi32>], vector<16xf32>,
        %mul3A_1641 = arith.constant 16 : i32
        %mul3A_1642 = arith.muli %scan3A_943, %mul3A_1641 : i32
        %swap3A_1643 = arith.constant 1 : i32
        %swap3A_1644 = arith.constant 56 : i32
        %swap3A_1645 = arith.index_cast %swap3A_1643 : i32 to index
        %swap3A_1646 = arith.index_cast %swap3A_1644 : i32 to index
        %swap3A_1647 = arith.index_cast %mul3A_1642 : i32 to index
        %swap3A_1648 = tpu.vector_load %arg13[%swap3A_1645, %swap3A_1646, %swap3A_1647] {strides = array<i32>} : memref<2x64x512xf32, #tpu.memory_space<vmem>>, vector<16xf32>,
        tpu.vector_store %arg13[%swap3A_1645, %swap3A_1646, %swap3A_1647], %gather3A_1604 {strides = array<i32>} : memref<2x64x512xf32, #tpu.memory_space<vmem>>, vector<16xf32>,
        %add3A_1649 = arith.constant 960 : i32
        %add3A_1650 = vector.broadcast %add3A_1649 : i32 to vector<16xi32>
        %add3A_1651 = arith.addi %add3A_953, %add3A_1650 : vector<16xi32>
        %gather3A_1652 = tpu.vector_load_idx %arg10[%add3A_1651] : memref<6144xf32, #tpu.memory_space<vmem>>[vector<16xi32>], vector<16xf32>,
        %mul3A_1653 = arith.constant 16 : i32
        %mul3A_1654 = arith.muli %scan3A_943, %mul3A_1653 : i32
        %swap3A_1655 = arith.constant 1 : i32
        %swap3A_1656 = arith.constant 57 : i32
        %swap3A_1657 = arith.index_cast %swap3A_1655 : i32 to index
        %swap3A_1658 = arith.index_cast %swap3A_1656 : i32 to index
        %swap3A_1659 = arith.index_cast %mul3A_1654 : i32 to index
        %swap3A_1660 = tpu.vector_load %arg13[%swap3A_1657, %swap3A_1658, %swap3A_1659] {strides = array<i32>} : memref<2x64x512xf32, #tpu.memory_space<vmem>>, vector<16xf32>,
        tpu.vector_store %arg13[%swap3A_1657, %swap3A_1658, %swap3A_1659], %gather3A_1616 {strides = array<i32>} : memref<2x64x512xf32, #tpu.memory_space<vmem>>, vector<16xf32>,
        %add3A_1661 = arith.constant 976 : i32
        %add3A_1662 = vector.broadcast %add3A_1661 : i32 to vector<16xi32>
        %add3A_1663 = arith.addi %add3A_953, %add3A_1662 : vector<16xi32>
        %gather3A_1664 = tpu.vector_load_idx %arg10[%add3A_1663] : memref<6144xf32, #tpu.memory_space<vmem>>[vector<16xi32>], vector<16xf32>,
        %mul3A_1665 = arith.constant 16 : i32
        %mul3A_1666 = arith.muli %scan3A_943, %mul3A_1665 : i32
        %swap3A_1667 = arith.constant 1 : i32
        %swap3A_1668 = arith.constant 58 : i32
        %swap3A_1669 = arith.index_cast %swap3A_1667 : i32 to index
        %swap3A_1670 = arith.index_cast %swap3A_1668 : i32 to index
        %swap3A_1671 = arith.index_cast %mul3A_1666 : i32 to index
        %swap3A_1672 = tpu.vector_load %arg13[%swap3A_1669, %swap3A_1670, %swap3A_1671] {strides = array<i32>} : memref<2x64x512xf32, #tpu.memory_space<vmem>>, vector<16xf32>,
        tpu.vector_store %arg13[%swap3A_1669, %swap3A_1670, %swap3A_1671], %gather3A_1628 {strides = array<i32>} : memref<2x64x512xf32, #tpu.memory_space<vmem>>, vector<16xf32>,
        %add3A_1673 = arith.constant 992 : i32
        %add3A_1674 = vector.broadcast %add3A_1673 : i32 to vector<16xi32>
        %add3A_1675 = arith.addi %add3A_953, %add3A_1674 : vector<16xi32>
        %gather3A_1676 = tpu.vector_load_idx %arg10[%add3A_1675] : memref<6144xf32, #tpu.memory_space<vmem>>[vector<16xi32>], vector<16xf32>,
        %mul3A_1677 = arith.constant 16 : i32
        %mul3A_1678 = arith.muli %scan3A_943, %mul3A_1677 : i32
        %swap3A_1679 = arith.constant 1 : i32
        %swap3A_1680 = arith.constant 59 : i32
        %swap3A_1681 = arith.index_cast %swap3A_1679 : i32 to index
        %swap3A_1682 = arith.index_cast %swap3A_1680 : i32 to index
        %swap3A_1683 = arith.index_cast %mul3A_1678 : i32 to index
        %swap3A_1684 = tpu.vector_load %arg13[%swap3A_1681, %swap3A_1682, %swap3A_1683] {strides = array<i32>} : memref<2x64x512xf32, #tpu.memory_space<vmem>>, vector<16xf32>,
        tpu.vector_store %arg13[%swap3A_1681, %swap3A_1682, %swap3A_1683], %gather3A_1640 {strides = array<i32>} : memref<2x64x512xf32, #tpu.memory_space<vmem>>, vector<16xf32>,
        %add3A_1685 = arith.constant 1008 : i32
        %add3A_1686 = vector.broadcast %add3A_1685 : i32 to vector<16xi32>
        %add3A_1687 = arith.addi %add3A_953, %add3A_1686 : vector<16xi32>
        %gather3A_1688 = tpu.vector_load_idx %arg10[%add3A_1687] : memref<6144xf32, #tpu.memory_space<vmem>>[vector<16xi32>], vector<16xf32>,
        %mul3A_1689 = arith.constant 16 : i32
        %mul3A_1690 = arith.muli %scan3A_943, %mul3A_1689 : i32
        %swap3A_1691 = arith.constant 1 : i32
        %swap3A_1692 = arith.constant 60 : i32
        %swap3A_1693 = arith.index_cast %swap3A_1691 : i32 to index
        %swap3A_1694 = arith.index_cast %swap3A_1692 : i32 to index
        %swap3A_1695 = arith.index_cast %mul3A_1690 : i32 to index
        %swap3A_1696 = tpu.vector_load %arg13[%swap3A_1693, %swap3A_1694, %swap3A_1695] {strides = array<i32>} : memref<2x64x512xf32, #tpu.memory_space<vmem>>, vector<16xf32>,
        tpu.vector_store %arg13[%swap3A_1693, %swap3A_1694, %swap3A_1695], %gather3A_1652 {strides = array<i32>} : memref<2x64x512xf32, #tpu.memory_space<vmem>>, vector<16xf32>,
        %mul3A_1697 = arith.constant 16 : i32
        %mul3A_1698 = arith.muli %scan3A_943, %mul3A_1697 : i32
        %swap3A_1699 = arith.constant 1 : i32
        %swap3A_1700 = arith.constant 61 : i32
        %swap3A_1701 = arith.index_cast %swap3A_1699 : i32 to index
        %swap3A_1702 = arith.index_cast %swap3A_1700 : i32 to index
        %swap3A_1703 = arith.index_cast %mul3A_1698 : i32 to index
        %swap3A_1704 = tpu.vector_load %arg13[%swap3A_1701, %swap3A_1702, %swap3A_1703] {strides = array<i32>} : memref<2x64x512xf32, #tpu.memory_space<vmem>>, vector<16xf32>,
        tpu.vector_store %arg13[%swap3A_1701, %swap3A_1702, %swap3A_1703], %gather3A_1664 {strides = array<i32>} : memref<2x64x512xf32, #tpu.memory_space<vmem>>, vector<16xf32>,
        %mul3A_1705 = arith.constant 16 : i32
        %mul3A_1706 = arith.muli %scan3A_943, %mul3A_1705 : i32
        %swap3A_1707 = arith.constant 1 : i32
        %swap3A_1708 = arith.constant 62 : i32
        %swap3A_1709 = arith.index_cast %swap3A_1707 : i32 to index
        %swap3A_1710 = arith.index_cast %swap3A_1708 : i32 to index
        %swap3A_1711 = arith.index_cast %mul3A_1706 : i32 to index
        %swap3A_1712 = tpu.vector_load %arg13[%swap3A_1709, %swap3A_1710, %swap3A_1711] {strides = array<i32>} : memref<2x64x512xf32, #tpu.memory_space<vmem>>, vector<16xf32>,
        tpu.vector_store %arg13[%swap3A_1709, %swap3A_1710, %swap3A_1711], %gather3A_1676 {strides = array<i32>} : memref<2x64x512xf32, #tpu.memory_space<vmem>>, vector<16xf32>,
        %mul3A_1713 = arith.constant 16 : i32
        %mul3A_1714 = arith.muli %scan3A_943, %mul3A_1713 : i32
        %swap3A_1715 = arith.constant 1 : i32
        %swap3A_1716 = arith.constant 63 : i32
        %swap3A_1717 = arith.index_cast %swap3A_1715 : i32 to index
        %swap3A_1718 = arith.index_cast %swap3A_1716 : i32 to index
        %swap3A_1719 = arith.index_cast %mul3A_1714 : i32 to index
        %swap3A_1720 = tpu.vector_load %arg13[%swap3A_1717, %swap3A_1718, %swap3A_1719] {strides = array<i32>} : memref<2x64x512xf32, #tpu.memory_space<vmem>>, vector<16xf32>,
        tpu.vector_store %arg13[%swap3A_1717, %swap3A_1718, %swap3A_1719], %gather3A_1688 {strides = array<i32>} : memref<2x64x512xf32, #tpu.memory_space<vmem>>, vector<16xf32>,
        %scan3A_1721 = arith.constant 0 : i32
        scf.yield %scan3A_1721 : i32
      }
      %scan3A_926 = arith.constant 32 : i32
      %add3A_927 = arith.constant 1 : i32
      %add3A_928 = arith.addi %add3A_865, %add3A_927 : i32
      %mul3A_929 = arith.constant 64 : i32
      %mul3A_930 = arith.muli %add3A_928, %mul3A_929 : i32
      %dma_start3A_931 = arith.constant 1 : i32
      %dma_start3A_932 = arith.constant 0 : i32
      %dma_start3A_933 = arith.constant 0 : i32
      %dma_start3A_934 = tpu.memref_slice %arg13[%dma_start3A_931, %dma_start3A_932, %dma_start3A_933] : memref<2x64x512xf32, #tpu.memory_space<vmem>> -> memref<1x64x512xf32, #tpu.memory_space<vmem>>
      %dma_start3A_935 = tpu.memref_squeeze %dma_start3A_934 : memref<1x64x512xf32, #tpu.memory_space<vmem>> -> memref<64x512xf32, #tpu.memory_space<vmem>>
      %dma_start3A_936 = tpu.memref_slice %arg7[%mul3A_930, %mul3A_2] : memref<3488x16384xf32, #tpu.memory_space<hbm>> -> memref<64x512xf32, #tpu.memory_space<hbm>>
      %dma_start3A_937 = tpu.memref_slice %arg7[%mul3A_930, %mul3A_2] : memref<3488x16384xf32, #tpu.memory_space<hbm>> -> memref<64x512xf32, #tpu.memory_space<hbm>>
      %dma_start3A_938 = arith.constant 0 : i32
      %dma_start3A_939 = arith.constant 0 : i32
      %dma_start3A_940 = tpu.memref_slice %arg13[%dma_start3A_931, %dma_start3A_938, %dma_start3A_939] : memref<2x64x512xf32, #tpu.memory_space<vmem>> -> memref<1x64x512xf32, #tpu.memory_space<vmem>>
      %dma_start3A_941 = tpu.memref_squeeze %dma_start3A_940 : memref<1x64x512xf32, #tpu.memory_space<vmem>> -> memref<64x512xf32, #tpu.memory_space<vmem>>
      tpu.enqueue_dma source(%dma_start3A_941 : memref<64x512xf32, #tpu.memory_space<vmem>>) target(%dma_start3A_937 : memref<64x512xf32, #tpu.memory_space<hbm>>) target_semaphore(%arg16 : memref<!tpu.dma_semaphore, #tpu.memory_space<semaphore_mem>>)
      %scan3A_942 = arith.constant 0 : i32
      scf.yield %scan3A_942 : i32
    }
    %scan3A_48 = arith.constant 26 : i32
    %get3A = arith.constant 0 : index
    %get3A_49 = tpu.vector_load %arg11[%get3A] {strides = array<i32>} : memref<32xf32, #tpu.memory_space<vmem>>, vector<16xf32>,
    %get3A_50 = arith.constant 16 : index
    %get3A_51 = tpu.vector_load %arg11[%get3A_50] {strides = array<i32>} : memref<32xf32, #tpu.memory_space<vmem>>, vector<16xf32>,
    %get3A_52 = arith.constant 0 : index
    %get3A_53 = tpu.vector_load %arg12[%get3A_52] {strides = array<i32>} : memref<32xf32, #tpu.memory_space<vmem>>, vector<16xf32>,
    %get3A_54 = arith.constant 16 : index
    %get3A_55 = tpu.vector_load %arg12[%get3A_54] {strides = array<i32>} : memref<32xf32, #tpu.memory_space<vmem>>, vector<16xf32>,
    %broadcast_in_dim3A = arith.constant 0 : i32
    %broadcast_in_dim3A_56 = vector.broadcast %broadcast_in_dim3A : i32 to vector<16xi32>
    %lt3A = arith.constant 0 : i32
    %lt3A_57 = vector.broadcast %lt3A : i32 to vector<16xi32>
    %lt3A_58 = arith.cmpi slt, %broadcast_in_dim3A_56, %lt3A_57 : vector<16xi32>
    %add3A_59 = arith.constant 16 : i32
    %add3A_60 = vector.broadcast %add3A_59 : i32 to vector<16xi32>
    %add3A_61 = arith.addi %broadcast_in_dim3A_56, %add3A_60 : vector<16xi32>
    %select_n3A = arith.select %lt3A_58, %add3A_61, %broadcast_in_dim3A_56 : vector<16xi1>, vector<16xi32>
    %broadcast_in_dim3A_62 = vector.shape_cast %select_n3A : vector<16xi32> to vector<16x1xi32>
    %gather3A = vector.shape_cast %broadcast_in_dim3A_62 : vector<16x1xi32> to vector<16xi32>
    %gather3A_63 = tpu.dynamic_gather %get3A_49[%gather3A] in [0] : vector<16xf32>, vector<16xi32> -> vector<16xf32>
    %broadcast_in_dim3A_64 = arith.constant 1 : i32
    %broadcast_in_dim3A_65 = vector.broadcast %broadcast_in_dim3A_64 : i32 to vector<16xi32>
    %lt3A_66 = arith.constant 0 : i32
    %lt3A_67 = vector.broadcast %lt3A_66 : i32 to vector<16xi32>
    %lt3A_68 = arith.cmpi slt, %broadcast_in_dim3A_65, %lt3A_67 : vector<16xi32>
    %add3A_69 = arith.constant 16 : i32
    %add3A_70 = vector.broadcast %add3A_69 : i32 to vector<16xi32>
    %add3A_71 = arith.addi %broadcast_in_dim3A_65, %add3A_70 : vector<16xi32>
    %select_n3A_72 = arith.select %lt3A_68, %add3A_71, %broadcast_in_dim3A_65 : vector<16xi1>, vector<16xi32>
    %broadcast_in_dim3A_73 = vector.shape_cast %select_n3A_72 : vector<16xi32> to vector<16x1xi32>
    %gather3A_74 = vector.shape_cast %broadcast_in_dim3A_73 : vector<16x1xi32> to vector<16xi32>
    %gather3A_75 = tpu.dynamic_gather %get3A_49[%gather3A_74] in [0] : vector<16xf32>, vector<16xi32> -> vector<16xf32>
    %broadcast_in_dim3A_76 = arith.constant 2 : i32
    %broadcast_in_dim3A_77 = vector.broadcast %broadcast_in_dim3A_76 : i32 to vector<16xi32>
    %lt3A_78 = arith.constant 0 : i32
    %lt3A_79 = vector.broadcast %lt3A_78 : i32 to vector<16xi32>
    %lt3A_80 = arith.cmpi slt, %broadcast_in_dim3A_77, %lt3A_79 : vector<16xi32>
    %add3A_81 = arith.constant 16 : i32
    %add3A_82 = vector.broadcast %add3A_81 : i32 to vector<16xi32>
    %add3A_83 = arith.addi %broadcast_in_dim3A_77, %add3A_82 : vector<16xi32>
    %select_n3A_84 = arith.select %lt3A_80, %add3A_83, %broadcast_in_dim3A_77 : vector<16xi1>, vector<16xi32>
    %broadcast_in_dim3A_85 = vector.shape_cast %select_n3A_84 : vector<16xi32> to vector<16x1xi32>
    %gather3A_86 = vector.shape_cast %broadcast_in_dim3A_85 : vector<16x1xi32> to vector<16xi32>
    %gather3A_87 = tpu.dynamic_gather %get3A_49[%gather3A_86] in [0] : vector<16xf32>, vector<16xi32> -> vector<16xf32>
    %broadcast_in_dim3A_88 = arith.constant 3 : i32
    %broadcast_in_dim3A_89 = vector.broadcast %broadcast_in_dim3A_88 : i32 to vector<16xi32>
    %lt3A_90 = arith.constant 0 : i32
    %lt3A_91 = vector.broadcast %lt3A_90 : i32 to vector<16xi32>
    %lt3A_92 = arith.cmpi slt, %broadcast_in_dim3A_89, %lt3A_91 : vector<16xi32>
    %add3A_93 = arith.constant 16 : i32
    %add3A_94 = vector.broadcast %add3A_93 : i32 to vector<16xi32>
    %add3A_95 = arith.addi %broadcast_in_dim3A_89, %add3A_94 : vector<16xi32>
    %select_n3A_96 = arith.select %lt3A_92, %add3A_95, %broadcast_in_dim3A_89 : vector<16xi1>, vector<16xi32>
    %broadcast_in_dim3A_97 = vector.shape_cast %select_n3A_96 : vector<16xi32> to vector<16x1xi32>
    %gather3A_98 = vector.shape_cast %broadcast_in_dim3A_97 : vector<16x1xi32> to vector<16xi32>
    %gather3A_99 = tpu.dynamic_gather %get3A_49[%gather3A_98] in [0] : vector<16xf32>, vector<16xi32> -> vector<16xf32>
    %broadcast_in_dim3A_100 = arith.constant 4 : i32
    %broadcast_in_dim3A_101 = vector.broadcast %broadcast_in_dim3A_100 : i32 to vector<16xi32>
    %lt3A_102 = arith.constant 0 : i32
    %lt3A_103 = vector.broadcast %lt3A_102 : i32 to vector<16xi32>
    %lt3A_104 = arith.cmpi slt, %broadcast_in_dim3A_101, %lt3A_103 : vector<16xi32>
    %add3A_105 = arith.constant 16 : i32
    %add3A_106 = vector.broadcast %add3A_105 : i32 to vector<16xi32>
    %add3A_107 = arith.addi %broadcast_in_dim3A_101, %add3A_106 : vector<16xi32>
    %select_n3A_108 = arith.select %lt3A_104, %add3A_107, %broadcast_in_dim3A_101 : vector<16xi1>, vector<16xi32>
    %broadcast_in_dim3A_109 = vector.shape_cast %select_n3A_108 : vector<16xi32> to vector<16x1xi32>
    %gather3A_110 = vector.shape_cast %broadcast_in_dim3A_109 : vector<16x1xi32> to vector<16xi32>
    %gather3A_111 = tpu.dynamic_gather %get3A_49[%gather3A_110] in [0] : vector<16xf32>, vector<16xi32> -> vector<16xf32>
    %broadcast_in_dim3A_112 = arith.constant 5 : i32
    %broadcast_in_dim3A_113 = vector.broadcast %broadcast_in_dim3A_112 : i32 to vector<16xi32>
    %lt3A_114 = arith.constant 0 : i32
    %lt3A_115 = vector.broadcast %lt3A_114 : i32 to vector<16xi32>
    %lt3A_116 = arith.cmpi slt, %broadcast_in_dim3A_113, %lt3A_115 : vector<16xi32>
    %add3A_117 = arith.constant 16 : i32
    %add3A_118 = vector.broadcast %add3A_117 : i32 to vector<16xi32>
    %add3A_119 = arith.addi %broadcast_in_dim3A_113, %add3A_118 : vector<16xi32>
    %select_n3A_120 = arith.select %lt3A_116, %add3A_119, %broadcast_in_dim3A_113 : vector<16xi1>, vector<16xi32>
    %broadcast_in_dim3A_121 = vector.shape_cast %select_n3A_120 : vector<16xi32> to vector<16x1xi32>
    %gather3A_122 = vector.shape_cast %broadcast_in_dim3A_121 : vector<16x1xi32> to vector<16xi32>
    %gather3A_123 = tpu.dynamic_gather %get3A_49[%gather3A_122] in [0] : vector<16xf32>, vector<16xi32> -> vector<16xf32>
    %broadcast_in_dim3A_124 = arith.constant 6 : i32
    %broadcast_in_dim3A_125 = vector.broadcast %broadcast_in_dim3A_124 : i32 to vector<16xi32>
    %lt3A_126 = arith.constant 0 : i32
    %lt3A_127 = vector.broadcast %lt3A_126 : i32 to vector<16xi32>
    %lt3A_128 = arith.cmpi slt, %broadcast_in_dim3A_125, %lt3A_127 : vector<16xi32>
    %add3A_129 = arith.constant 16 : i32
    %add3A_130 = vector.broadcast %add3A_129 : i32 to vector<16xi32>
    %add3A_131 = arith.addi %broadcast_in_dim3A_125, %add3A_130 : vector<16xi32>
    %select_n3A_132 = arith.select %lt3A_128, %add3A_131, %broadcast_in_dim3A_125 : vector<16xi1>, vector<16xi32>
    %broadcast_in_dim3A_133 = vector.shape_cast %select_n3A_132 : vector<16xi32> to vector<16x1xi32>
    %gather3A_134 = vector.shape_cast %broadcast_in_dim3A_133 : vector<16x1xi32> to vector<16xi32>
    %gather3A_135 = tpu.dynamic_gather %get3A_49[%gather3A_134] in [0] : vector<16xf32>, vector<16xi32> -> vector<16xf32>
    %broadcast_in_dim3A_136 = arith.constant 7 : i32
    %broadcast_in_dim3A_137 = vector.broadcast %broadcast_in_dim3A_136 : i32 to vector<16xi32>
    %lt3A_138 = arith.constant 0 : i32
    %lt3A_139 = vector.broadcast %lt3A_138 : i32 to vector<16xi32>
    %lt3A_140 = arith.cmpi slt, %broadcast_in_dim3A_137, %lt3A_139 : vector<16xi32>
    %add3A_141 = arith.constant 16 : i32
    %add3A_142 = vector.broadcast %add3A_141 : i32 to vector<16xi32>
    %add3A_143 = arith.addi %broadcast_in_dim3A_137, %add3A_142 : vector<16xi32>
    %select_n3A_144 = arith.select %lt3A_140, %add3A_143, %broadcast_in_dim3A_137 : vector<16xi1>, vector<16xi32>
    %broadcast_in_dim3A_145 = vector.shape_cast %select_n3A_144 : vector<16xi32> to vector<16x1xi32>
    %gather3A_146 = vector.shape_cast %broadcast_in_dim3A_145 : vector<16x1xi32> to vector<16xi32>
    %gather3A_147 = tpu.dynamic_gather %get3A_49[%gather3A_146] in [0] : vector<16xf32>, vector<16xi32> -> vector<16xf32>
    %broadcast_in_dim3A_148 = arith.constant 8 : i32
    %broadcast_in_dim3A_149 = vector.broadcast %broadcast_in_dim3A_148 : i32 to vector<16xi32>
    %lt3A_150 = arith.constant 0 : i32
    %lt3A_151 = vector.broadcast %lt3A_150 : i32 to vector<16xi32>
    %lt3A_152 = arith.cmpi slt, %broadcast_in_dim3A_149, %lt3A_151 : vector<16xi32>
    %add3A_153 = arith.constant 16 : i32
    %add3A_154 = vector.broadcast %add3A_153 : i32 to vector<16xi32>
    %add3A_155 = arith.addi %broadcast_in_dim3A_149, %add3A_154 : vector<16xi32>
    %select_n3A_156 = arith.select %lt3A_152, %add3A_155, %broadcast_in_dim3A_149 : vector<16xi1>, vector<16xi32>
    %broadcast_in_dim3A_157 = vector.shape_cast %select_n3A_156 : vector<16xi32> to vector<16x1xi32>
    %gather3A_158 = vector.shape_cast %broadcast_in_dim3A_157 : vector<16x1xi32> to vector<16xi32>
    %gather3A_159 = tpu.dynamic_gather %get3A_49[%gather3A_158] in [0] : vector<16xf32>, vector<16xi32> -> vector<16xf32>
    %broadcast_in_dim3A_160 = arith.constant 9 : i32
    %broadcast_in_dim3A_161 = vector.broadcast %broadcast_in_dim3A_160 : i32 to vector<16xi32>
    %lt3A_162 = arith.constant 0 : i32
    %lt3A_163 = vector.broadcast %lt3A_162 : i32 to vector<16xi32>
    %lt3A_164 = arith.cmpi slt, %broadcast_in_dim3A_161, %lt3A_163 : vector<16xi32>
    %add3A_165 = arith.constant 16 : i32
    %add3A_166 = vector.broadcast %add3A_165 : i32 to vector<16xi32>
    %add3A_167 = arith.addi %broadcast_in_dim3A_161, %add3A_166 : vector<16xi32>
    %select_n3A_168 = arith.select %lt3A_164, %add3A_167, %broadcast_in_dim3A_161 : vector<16xi1>, vector<16xi32>
    %broadcast_in_dim3A_169 = vector.shape_cast %select_n3A_168 : vector<16xi32> to vector<16x1xi32>
    %gather3A_170 = vector.shape_cast %broadcast_in_dim3A_169 : vector<16x1xi32> to vector<16xi32>
    %gather3A_171 = tpu.dynamic_gather %get3A_49[%gather3A_170] in [0] : vector<16xf32>, vector<16xi32> -> vector<16xf32>
    %broadcast_in_dim3A_172 = arith.constant 10 : i32
    %broadcast_in_dim3A_173 = vector.broadcast %broadcast_in_dim3A_172 : i32 to vector<16xi32>
    %lt3A_174 = arith.constant 0 : i32
    %lt3A_175 = vector.broadcast %lt3A_174 : i32 to vector<16xi32>
    %lt3A_176 = arith.cmpi slt, %broadcast_in_dim3A_173, %lt3A_175 : vector<16xi32>
    %add3A_177 = arith.constant 16 : i32
    %add3A_178 = vector.broadcast %add3A_177 : i32 to vector<16xi32>
    %add3A_179 = arith.addi %broadcast_in_dim3A_173, %add3A_178 : vector<16xi32>
    %select_n3A_180 = arith.select %lt3A_176, %add3A_179, %broadcast_in_dim3A_173 : vector<16xi1>, vector<16xi32>
    %broadcast_in_dim3A_181 = vector.shape_cast %select_n3A_180 : vector<16xi32> to vector<16x1xi32>
    %gather3A_182 = vector.shape_cast %broadcast_in_dim3A_181 : vector<16x1xi32> to vector<16xi32>
    %gather3A_183 = tpu.dynamic_gather %get3A_49[%gather3A_182] in [0] : vector<16xf32>, vector<16xi32> -> vector<16xf32>
    %broadcast_in_dim3A_184 = arith.constant 11 : i32
    %broadcast_in_dim3A_185 = vector.broadcast %broadcast_in_dim3A_184 : i32 to vector<16xi32>
    %lt3A_186 = arith.constant 0 : i32
    %lt3A_187 = vector.broadcast %lt3A_186 : i32 to vector<16xi32>
    %lt3A_188 = arith.cmpi slt, %broadcast_in_dim3A_185, %lt3A_187 : vector<16xi32>
    %add3A_189 = arith.constant 16 : i32
    %add3A_190 = vector.broadcast %add3A_189 : i32 to vector<16xi32>
    %add3A_191 = arith.addi %broadcast_in_dim3A_185, %add3A_190 : vector<16xi32>
    %select_n3A_192 = arith.select %lt3A_188, %add3A_191, %broadcast_in_dim3A_185 : vector<16xi1>, vector<16xi32>
    %broadcast_in_dim3A_193 = vector.shape_cast %select_n3A_192 : vector<16xi32> to vector<16x1xi32>
    %gather3A_194 = vector.shape_cast %broadcast_in_dim3A_193 : vector<16x1xi32> to vector<16xi32>
    %gather3A_195 = tpu.dynamic_gather %get3A_49[%gather3A_194] in [0] : vector<16xf32>, vector<16xi32> -> vector<16xf32>
    %broadcast_in_dim3A_196 = arith.constant 12 : i32
    %broadcast_in_dim3A_197 = vector.broadcast %broadcast_in_dim3A_196 : i32 to vector<16xi32>
    %lt3A_198 = arith.constant 0 : i32
    %lt3A_199 = vector.broadcast %lt3A_198 : i32 to vector<16xi32>
    %lt3A_200 = arith.cmpi slt, %broadcast_in_dim3A_197, %lt3A_199 : vector<16xi32>
    %add3A_201 = arith.constant 16 : i32
    %add3A_202 = vector.broadcast %add3A_201 : i32 to vector<16xi32>
    %add3A_203 = arith.addi %broadcast_in_dim3A_197, %add3A_202 : vector<16xi32>
    %select_n3A_204 = arith.select %lt3A_200, %add3A_203, %broadcast_in_dim3A_197 : vector<16xi1>, vector<16xi32>
    %broadcast_in_dim3A_205 = vector.shape_cast %select_n3A_204 : vector<16xi32> to vector<16x1xi32>
    %gather3A_206 = vector.shape_cast %broadcast_in_dim3A_205 : vector<16x1xi32> to vector<16xi32>
    %gather3A_207 = tpu.dynamic_gather %get3A_49[%gather3A_206] in [0] : vector<16xf32>, vector<16xi32> -> vector<16xf32>
    %broadcast_in_dim3A_208 = arith.constant 13 : i32
    %broadcast_in_dim3A_209 = vector.broadcast %broadcast_in_dim3A_208 : i32 to vector<16xi32>
    %lt3A_210 = arith.constant 0 : i32
    %lt3A_211 = vector.broadcast %lt3A_210 : i32 to vector<16xi32>
    %lt3A_212 = arith.cmpi slt, %broadcast_in_dim3A_209, %lt3A_211 : vector<16xi32>
    %add3A_213 = arith.constant 16 : i32
    %add3A_214 = vector.broadcast %add3A_213 : i32 to vector<16xi32>
    %add3A_215 = arith.addi %broadcast_in_dim3A_209, %add3A_214 : vector<16xi32>
    %select_n3A_216 = arith.select %lt3A_212, %add3A_215, %broadcast_in_dim3A_209 : vector<16xi1>, vector<16xi32>
    %broadcast_in_dim3A_217 = vector.shape_cast %select_n3A_216 : vector<16xi32> to vector<16x1xi32>
    %gather3A_218 = vector.shape_cast %broadcast_in_dim3A_217 : vector<16x1xi32> to vector<16xi32>
    %gather3A_219 = tpu.dynamic_gather %get3A_49[%gather3A_218] in [0] : vector<16xf32>, vector<16xi32> -> vector<16xf32>
    %broadcast_in_dim3A_220 = arith.constant 14 : i32
    %broadcast_in_dim3A_221 = vector.broadcast %broadcast_in_dim3A_220 : i32 to vector<16xi32>
    %lt3A_222 = arith.constant 0 : i32
    %lt3A_223 = vector.broadcast %lt3A_222 : i32 to vector<16xi32>
    %lt3A_224 = arith.cmpi slt, %broadcast_in_dim3A_221, %lt3A_223 : vector<16xi32>
    %add3A_225 = arith.constant 16 : i32
    %add3A_226 = vector.broadcast %add3A_225 : i32 to vector<16xi32>
    %add3A_227 = arith.addi %broadcast_in_dim3A_221, %add3A_226 : vector<16xi32>
    %select_n3A_228 = arith.select %lt3A_224, %add3A_227, %broadcast_in_dim3A_221 : vector<16xi1>, vector<16xi32>
    %broadcast_in_dim3A_229 = vector.shape_cast %select_n3A_228 : vector<16xi32> to vector<16x1xi32>
    %gather3A_230 = vector.shape_cast %broadcast_in_dim3A_229 : vector<16x1xi32> to vector<16xi32>
    %gather3A_231 = tpu.dynamic_gather %get3A_49[%gather3A_230] in [0] : vector<16xf32>, vector<16xi32> -> vector<16xf32>
    %broadcast_in_dim3A_232 = arith.constant 15 : i32
    %broadcast_in_dim3A_233 = vector.broadcast %broadcast_in_dim3A_232 : i32 to vector<16xi32>
    %lt3A_234 = arith.constant 0 : i32
    %lt3A_235 = vector.broadcast %lt3A_234 : i32 to vector<16xi32>
    %lt3A_236 = arith.cmpi slt, %broadcast_in_dim3A_233, %lt3A_235 : vector<16xi32>
    %add3A_237 = arith.constant 16 : i32
    %add3A_238 = vector.broadcast %add3A_237 : i32 to vector<16xi32>
    %add3A_239 = arith.addi %broadcast_in_dim3A_233, %add3A_238 : vector<16xi32>
    %select_n3A_240 = arith.select %lt3A_236, %add3A_239, %broadcast_in_dim3A_233 : vector<16xi1>, vector<16xi32>
    %broadcast_in_dim3A_241 = vector.shape_cast %select_n3A_240 : vector<16xi32> to vector<16x1xi32>
    %gather3A_242 = vector.shape_cast %broadcast_in_dim3A_241 : vector<16x1xi32> to vector<16xi32>
    %gather3A_243 = tpu.dynamic_gather %get3A_49[%gather3A_242] in [0] : vector<16xf32>, vector<16xi32> -> vector<16xf32>
    %broadcast_in_dim3A_244 = arith.constant 0 : i32
    %broadcast_in_dim3A_245 = vector.broadcast %broadcast_in_dim3A_244 : i32 to vector<16xi32>
    %lt3A_246 = arith.constant 0 : i32
    %lt3A_247 = vector.broadcast %lt3A_246 : i32 to vector<16xi32>
    %lt3A_248 = arith.cmpi slt, %broadcast_in_dim3A_245, %lt3A_247 : vector<16xi32>
    %add3A_249 = arith.constant 16 : i32
    %add3A_250 = vector.broadcast %add3A_249 : i32 to vector<16xi32>
    %add3A_251 = arith.addi %broadcast_in_dim3A_245, %add3A_250 : vector<16xi32>
    %select_n3A_252 = arith.select %lt3A_248, %add3A_251, %broadcast_in_dim3A_245 : vector<16xi1>, vector<16xi32>
    %broadcast_in_dim3A_253 = vector.shape_cast %select_n3A_252 : vector<16xi32> to vector<16x1xi32>
    %gather3A_254 = vector.shape_cast %broadcast_in_dim3A_253 : vector<16x1xi32> to vector<16xi32>
    %gather3A_255 = tpu.dynamic_gather %get3A_51[%gather3A_254] in [0] : vector<16xf32>, vector<16xi32> -> vector<16xf32>
    %broadcast_in_dim3A_256 = arith.constant 1 : i32
    %broadcast_in_dim3A_257 = vector.broadcast %broadcast_in_dim3A_256 : i32 to vector<16xi32>
    %lt3A_258 = arith.constant 0 : i32
    %lt3A_259 = vector.broadcast %lt3A_258 : i32 to vector<16xi32>
    %lt3A_260 = arith.cmpi slt, %broadcast_in_dim3A_257, %lt3A_259 : vector<16xi32>
    %add3A_261 = arith.constant 16 : i32
    %add3A_262 = vector.broadcast %add3A_261 : i32 to vector<16xi32>
    %add3A_263 = arith.addi %broadcast_in_dim3A_257, %add3A_262 : vector<16xi32>
    %select_n3A_264 = arith.select %lt3A_260, %add3A_263, %broadcast_in_dim3A_257 : vector<16xi1>, vector<16xi32>
    %broadcast_in_dim3A_265 = vector.shape_cast %select_n3A_264 : vector<16xi32> to vector<16x1xi32>
    %gather3A_266 = vector.shape_cast %broadcast_in_dim3A_265 : vector<16x1xi32> to vector<16xi32>
    %gather3A_267 = tpu.dynamic_gather %get3A_51[%gather3A_266] in [0] : vector<16xf32>, vector<16xi32> -> vector<16xf32>
    %broadcast_in_dim3A_268 = arith.constant 2 : i32
    %broadcast_in_dim3A_269 = vector.broadcast %broadcast_in_dim3A_268 : i32 to vector<16xi32>
    %lt3A_270 = arith.constant 0 : i32
    %lt3A_271 = vector.broadcast %lt3A_270 : i32 to vector<16xi32>
    %lt3A_272 = arith.cmpi slt, %broadcast_in_dim3A_269, %lt3A_271 : vector<16xi32>
    %add3A_273 = arith.constant 16 : i32
    %add3A_274 = vector.broadcast %add3A_273 : i32 to vector<16xi32>
    %add3A_275 = arith.addi %broadcast_in_dim3A_269, %add3A_274 : vector<16xi32>
    %select_n3A_276 = arith.select %lt3A_272, %add3A_275, %broadcast_in_dim3A_269 : vector<16xi1>, vector<16xi32>
    %broadcast_in_dim3A_277 = vector.shape_cast %select_n3A_276 : vector<16xi32> to vector<16x1xi32>
    %gather3A_278 = vector.shape_cast %broadcast_in_dim3A_277 : vector<16x1xi32> to vector<16xi32>
    %gather3A_279 = tpu.dynamic_gather %get3A_51[%gather3A_278] in [0] : vector<16xf32>, vector<16xi32> -> vector<16xf32>
    %broadcast_in_dim3A_280 = arith.constant 3 : i32
    %broadcast_in_dim3A_281 = vector.broadcast %broadcast_in_dim3A_280 : i32 to vector<16xi32>
    %lt3A_282 = arith.constant 0 : i32
    %lt3A_283 = vector.broadcast %lt3A_282 : i32 to vector<16xi32>
    %lt3A_284 = arith.cmpi slt, %broadcast_in_dim3A_281, %lt3A_283 : vector<16xi32>
    %add3A_285 = arith.constant 16 : i32
    %add3A_286 = vector.broadcast %add3A_285 : i32 to vector<16xi32>
    %add3A_287 = arith.addi %broadcast_in_dim3A_281, %add3A_286 : vector<16xi32>
    %select_n3A_288 = arith.select %lt3A_284, %add3A_287, %broadcast_in_dim3A_281 : vector<16xi1>, vector<16xi32>
    %broadcast_in_dim3A_289 = vector.shape_cast %select_n3A_288 : vector<16xi32> to vector<16x1xi32>
    %gather3A_290 = vector.shape_cast %broadcast_in_dim3A_289 : vector<16x1xi32> to vector<16xi32>
    %gather3A_291 = tpu.dynamic_gather %get3A_51[%gather3A_290] in [0] : vector<16xf32>, vector<16xi32> -> vector<16xf32>
    %broadcast_in_dim3A_292 = arith.constant 4 : i32
    %broadcast_in_dim3A_293 = vector.broadcast %broadcast_in_dim3A_292 : i32 to vector<16xi32>
    %lt3A_294 = arith.constant 0 : i32
    %lt3A_295 = vector.broadcast %lt3A_294 : i32 to vector<16xi32>
    %lt3A_296 = arith.cmpi slt, %broadcast_in_dim3A_293, %lt3A_295 : vector<16xi32>
    %add3A_297 = arith.constant 16 : i32
    %add3A_298 = vector.broadcast %add3A_297 : i32 to vector<16xi32>
    %add3A_299 = arith.addi %broadcast_in_dim3A_293, %add3A_298 : vector<16xi32>
    %select_n3A_300 = arith.select %lt3A_296, %add3A_299, %broadcast_in_dim3A_293 : vector<16xi1>, vector<16xi32>
    %broadcast_in_dim3A_301 = vector.shape_cast %select_n3A_300 : vector<16xi32> to vector<16x1xi32>
    %gather3A_302 = vector.shape_cast %broadcast_in_dim3A_301 : vector<16x1xi32> to vector<16xi32>
    %gather3A_303 = tpu.dynamic_gather %get3A_51[%gather3A_302] in [0] : vector<16xf32>, vector<16xi32> -> vector<16xf32>
    %broadcast_in_dim3A_304 = arith.constant 5 : i32
    %broadcast_in_dim3A_305 = vector.broadcast %broadcast_in_dim3A_304 : i32 to vector<16xi32>
    %lt3A_306 = arith.constant 0 : i32
    %lt3A_307 = vector.broadcast %lt3A_306 : i32 to vector<16xi32>
    %lt3A_308 = arith.cmpi slt, %broadcast_in_dim3A_305, %lt3A_307 : vector<16xi32>
    %add3A_309 = arith.constant 16 : i32
    %add3A_310 = vector.broadcast %add3A_309 : i32 to vector<16xi32>
    %add3A_311 = arith.addi %broadcast_in_dim3A_305, %add3A_310 : vector<16xi32>
    %select_n3A_312 = arith.select %lt3A_308, %add3A_311, %broadcast_in_dim3A_305 : vector<16xi1>, vector<16xi32>
    %broadcast_in_dim3A_313 = vector.shape_cast %select_n3A_312 : vector<16xi32> to vector<16x1xi32>
    %gather3A_314 = vector.shape_cast %broadcast_in_dim3A_313 : vector<16x1xi32> to vector<16xi32>
    %gather3A_315 = tpu.dynamic_gather %get3A_51[%gather3A_314] in [0] : vector<16xf32>, vector<16xi32> -> vector<16xf32>
    %broadcast_in_dim3A_316 = arith.constant 6 : i32
    %broadcast_in_dim3A_317 = vector.broadcast %broadcast_in_dim3A_316 : i32 to vector<16xi32>
    %lt3A_318 = arith.constant 0 : i32
    %lt3A_319 = vector.broadcast %lt3A_318 : i32 to vector<16xi32>
    %lt3A_320 = arith.cmpi slt, %broadcast_in_dim3A_317, %lt3A_319 : vector<16xi32>
    %add3A_321 = arith.constant 16 : i32
    %add3A_322 = vector.broadcast %add3A_321 : i32 to vector<16xi32>
    %add3A_323 = arith.addi %broadcast_in_dim3A_317, %add3A_322 : vector<16xi32>
    %select_n3A_324 = arith.select %lt3A_320, %add3A_323, %broadcast_in_dim3A_317 : vector<16xi1>, vector<16xi32>
    %broadcast_in_dim3A_325 = vector.shape_cast %select_n3A_324 : vector<16xi32> to vector<16x1xi32>
    %gather3A_326 = vector.shape_cast %broadcast_in_dim3A_325 : vector<16x1xi32> to vector<16xi32>
    %gather3A_327 = tpu.dynamic_gather %get3A_51[%gather3A_326] in [0] : vector<16xf32>, vector<16xi32> -> vector<16xf32>
    %broadcast_in_dim3A_328 = arith.constant 7 : i32
    %broadcast_in_dim3A_329 = vector.broadcast %broadcast_in_dim3A_328 : i32 to vector<16xi32>
    %lt3A_330 = arith.constant 0 : i32
    %lt3A_331 = vector.broadcast %lt3A_330 : i32 to vector<16xi32>
    %lt3A_332 = arith.cmpi slt, %broadcast_in_dim3A_329, %lt3A_331 : vector<16xi32>
    %add3A_333 = arith.constant 16 : i32
    %add3A_334 = vector.broadcast %add3A_333 : i32 to vector<16xi32>
    %add3A_335 = arith.addi %broadcast_in_dim3A_329, %add3A_334 : vector<16xi32>
    %select_n3A_336 = arith.select %lt3A_332, %add3A_335, %broadcast_in_dim3A_329 : vector<16xi1>, vector<16xi32>
    %broadcast_in_dim3A_337 = vector.shape_cast %select_n3A_336 : vector<16xi32> to vector<16x1xi32>
    %gather3A_338 = vector.shape_cast %broadcast_in_dim3A_337 : vector<16x1xi32> to vector<16xi32>
    %gather3A_339 = tpu.dynamic_gather %get3A_51[%gather3A_338] in [0] : vector<16xf32>, vector<16xi32> -> vector<16xf32>
    %broadcast_in_dim3A_340 = arith.constant 8 : i32
    %broadcast_in_dim3A_341 = vector.broadcast %broadcast_in_dim3A_340 : i32 to vector<16xi32>
    %lt3A_342 = arith.constant 0 : i32
    %lt3A_343 = vector.broadcast %lt3A_342 : i32 to vector<16xi32>
    %lt3A_344 = arith.cmpi slt, %broadcast_in_dim3A_341, %lt3A_343 : vector<16xi32>
    %add3A_345 = arith.constant 16 : i32
    %add3A_346 = vector.broadcast %add3A_345 : i32 to vector<16xi32>
    %add3A_347 = arith.addi %broadcast_in_dim3A_341, %add3A_346 : vector<16xi32>
    %select_n3A_348 = arith.select %lt3A_344, %add3A_347, %broadcast_in_dim3A_341 : vector<16xi1>, vector<16xi32>
    %broadcast_in_dim3A_349 = vector.shape_cast %select_n3A_348 : vector<16xi32> to vector<16x1xi32>
    %gather3A_350 = vector.shape_cast %broadcast_in_dim3A_349 : vector<16x1xi32> to vector<16xi32>
    %gather3A_351 = tpu.dynamic_gather %get3A_51[%gather3A_350] in [0] : vector<16xf32>, vector<16xi32> -> vector<16xf32>
    %broadcast_in_dim3A_352 = arith.constant 9 : i32
    %broadcast_in_dim3A_353 = vector.broadcast %broadcast_in_dim3A_352 : i32 to vector<16xi32>
    %lt3A_354 = arith.constant 0 : i32
    %lt3A_355 = vector.broadcast %lt3A_354 : i32 to vector<16xi32>
    %lt3A_356 = arith.cmpi slt, %broadcast_in_dim3A_353, %lt3A_355 : vector<16xi32>
    %add3A_357 = arith.constant 16 : i32
    %add3A_358 = vector.broadcast %add3A_357 : i32 to vector<16xi32>
    %add3A_359 = arith.addi %broadcast_in_dim3A_353, %add3A_358 : vector<16xi32>
    %select_n3A_360 = arith.select %lt3A_356, %add3A_359, %broadcast_in_dim3A_353 : vector<16xi1>, vector<16xi32>
    %broadcast_in_dim3A_361 = vector.shape_cast %select_n3A_360 : vector<16xi32> to vector<16x1xi32>
    %gather3A_362 = vector.shape_cast %broadcast_in_dim3A_361 : vector<16x1xi32> to vector<16xi32>
    %gather3A_363 = tpu.dynamic_gather %get3A_51[%gather3A_362] in [0] : vector<16xf32>, vector<16xi32> -> vector<16xf32>
    %broadcast_in_dim3A_364 = arith.constant 10 : i32
    %broadcast_in_dim3A_365 = vector.broadcast %broadcast_in_dim3A_364 : i32 to vector<16xi32>
    %lt3A_366 = arith.constant 0 : i32
    %lt3A_367 = vector.broadcast %lt3A_366 : i32 to vector<16xi32>
    %lt3A_368 = arith.cmpi slt, %broadcast_in_dim3A_365, %lt3A_367 : vector<16xi32>
    %add3A_369 = arith.constant 16 : i32
    %add3A_370 = vector.broadcast %add3A_369 : i32 to vector<16xi32>
    %add3A_371 = arith.addi %broadcast_in_dim3A_365, %add3A_370 : vector<16xi32>
    %select_n3A_372 = arith.select %lt3A_368, %add3A_371, %broadcast_in_dim3A_365 : vector<16xi1>, vector<16xi32>
    %broadcast_in_dim3A_373 = vector.shape_cast %select_n3A_372 : vector<16xi32> to vector<16x1xi32>
    %gather3A_374 = vector.shape_cast %broadcast_in_dim3A_373 : vector<16x1xi32> to vector<16xi32>
    %gather3A_375 = tpu.dynamic_gather %get3A_51[%gather3A_374] in [0] : vector<16xf32>, vector<16xi32> -> vector<16xf32>
    %broadcast_in_dim3A_376 = arith.constant 11 : i32
    %broadcast_in_dim3A_377 = vector.broadcast %broadcast_in_dim3A_376 : i32 to vector<16xi32>
    %lt3A_378 = arith.constant 0 : i32
    %lt3A_379 = vector.broadcast %lt3A_378 : i32 to vector<16xi32>
    %lt3A_380 = arith.cmpi slt, %broadcast_in_dim3A_377, %lt3A_379 : vector<16xi32>
    %add3A_381 = arith.constant 16 : i32
    %add3A_382 = vector.broadcast %add3A_381 : i32 to vector<16xi32>
    %add3A_383 = arith.addi %broadcast_in_dim3A_377, %add3A_382 : vector<16xi32>
    %select_n3A_384 = arith.select %lt3A_380, %add3A_383, %broadcast_in_dim3A_377 : vector<16xi1>, vector<16xi32>
    %broadcast_in_dim3A_385 = vector.shape_cast %select_n3A_384 : vector<16xi32> to vector<16x1xi32>
    %gather3A_386 = vector.shape_cast %broadcast_in_dim3A_385 : vector<16x1xi32> to vector<16xi32>
    %gather3A_387 = tpu.dynamic_gather %get3A_51[%gather3A_386] in [0] : vector<16xf32>, vector<16xi32> -> vector<16xf32>
    %broadcast_in_dim3A_388 = arith.constant 12 : i32
    %broadcast_in_dim3A_389 = vector.broadcast %broadcast_in_dim3A_388 : i32 to vector<16xi32>
    %lt3A_390 = arith.constant 0 : i32
    %lt3A_391 = vector.broadcast %lt3A_390 : i32 to vector<16xi32>
    %lt3A_392 = arith.cmpi slt, %broadcast_in_dim3A_389, %lt3A_391 : vector<16xi32>
    %add3A_393 = arith.constant 16 : i32
    %add3A_394 = vector.broadcast %add3A_393 : i32 to vector<16xi32>
    %add3A_395 = arith.addi %broadcast_in_dim3A_389, %add3A_394 : vector<16xi32>
    %select_n3A_396 = arith.select %lt3A_392, %add3A_395, %broadcast_in_dim3A_389 : vector<16xi1>, vector<16xi32>
    %broadcast_in_dim3A_397 = vector.shape_cast %select_n3A_396 : vector<16xi32> to vector<16x1xi32>
    %gather3A_398 = vector.shape_cast %broadcast_in_dim3A_397 : vector<16x1xi32> to vector<16xi32>
    %gather3A_399 = tpu.dynamic_gather %get3A_51[%gather3A_398] in [0] : vector<16xf32>, vector<16xi32> -> vector<16xf32>
    %broadcast_in_dim3A_400 = arith.constant 13 : i32
    %broadcast_in_dim3A_401 = vector.broadcast %broadcast_in_dim3A_400 : i32 to vector<16xi32>
    %lt3A_402 = arith.constant 0 : i32
    %lt3A_403 = vector.broadcast %lt3A_402 : i32 to vector<16xi32>
    %lt3A_404 = arith.cmpi slt, %broadcast_in_dim3A_401, %lt3A_403 : vector<16xi32>
    %add3A_405 = arith.constant 16 : i32
    %add3A_406 = vector.broadcast %add3A_405 : i32 to vector<16xi32>
    %add3A_407 = arith.addi %broadcast_in_dim3A_401, %add3A_406 : vector<16xi32>
    %select_n3A_408 = arith.select %lt3A_404, %add3A_407, %broadcast_in_dim3A_401 : vector<16xi1>, vector<16xi32>
    %broadcast_in_dim3A_409 = vector.shape_cast %select_n3A_408 : vector<16xi32> to vector<16x1xi32>
    %gather3A_410 = vector.shape_cast %broadcast_in_dim3A_409 : vector<16x1xi32> to vector<16xi32>
    %gather3A_411 = tpu.dynamic_gather %get3A_51[%gather3A_410] in [0] : vector<16xf32>, vector<16xi32> -> vector<16xf32>
    %broadcast_in_dim3A_412 = arith.constant 14 : i32
    %broadcast_in_dim3A_413 = vector.broadcast %broadcast_in_dim3A_412 : i32 to vector<16xi32>
    %lt3A_414 = arith.constant 0 : i32
    %lt3A_415 = vector.broadcast %lt3A_414 : i32 to vector<16xi32>
    %lt3A_416 = arith.cmpi slt, %broadcast_in_dim3A_413, %lt3A_415 : vector<16xi32>
    %add3A_417 = arith.constant 16 : i32
    %add3A_418 = vector.broadcast %add3A_417 : i32 to vector<16xi32>
    %add3A_419 = arith.addi %broadcast_in_dim3A_413, %add3A_418 : vector<16xi32>
    %select_n3A_420 = arith.select %lt3A_416, %add3A_419, %broadcast_in_dim3A_413 : vector<16xi1>, vector<16xi32>
    %broadcast_in_dim3A_421 = vector.shape_cast %select_n3A_420 : vector<16xi32> to vector<16x1xi32>
    %gather3A_422 = vector.shape_cast %broadcast_in_dim3A_421 : vector<16x1xi32> to vector<16xi32>
    %gather3A_423 = tpu.dynamic_gather %get3A_51[%gather3A_422] in [0] : vector<16xf32>, vector<16xi32> -> vector<16xf32>
    %broadcast_in_dim3A_424 = arith.constant 15 : i32
    %broadcast_in_dim3A_425 = vector.broadcast %broadcast_in_dim3A_424 : i32 to vector<16xi32>
    %lt3A_426 = arith.constant 0 : i32
    %lt3A_427 = vector.broadcast %lt3A_426 : i32 to vector<16xi32>
    %lt3A_428 = arith.cmpi slt, %broadcast_in_dim3A_425, %lt3A_427 : vector<16xi32>
    %add3A_429 = arith.constant 16 : i32
    %add3A_430 = vector.broadcast %add3A_429 : i32 to vector<16xi32>
    %add3A_431 = arith.addi %broadcast_in_dim3A_425, %add3A_430 : vector<16xi32>
    %select_n3A_432 = arith.select %lt3A_428, %add3A_431, %broadcast_in_dim3A_425 : vector<16xi1>, vector<16xi32>
    %broadcast_in_dim3A_433 = vector.shape_cast %select_n3A_432 : vector<16xi32> to vector<16x1xi32>
    %gather3A_434 = vector.shape_cast %broadcast_in_dim3A_433 : vector<16x1xi32> to vector<16xi32>
    %gather3A_435 = tpu.dynamic_gather %get3A_51[%gather3A_434] in [0] : vector<16xf32>, vector<16xi32> -> vector<16xf32>
    %broadcast_in_dim3A_436 = arith.constant 0 : i32
    %broadcast_in_dim3A_437 = vector.broadcast %broadcast_in_dim3A_436 : i32 to vector<16xi32>
    %lt3A_438 = arith.constant 0 : i32
    %lt3A_439 = vector.broadcast %lt3A_438 : i32 to vector<16xi32>
    %lt3A_440 = arith.cmpi slt, %broadcast_in_dim3A_437, %lt3A_439 : vector<16xi32>
    %add3A_441 = arith.constant 16 : i32
    %add3A_442 = vector.broadcast %add3A_441 : i32 to vector<16xi32>
    %add3A_443 = arith.addi %broadcast_in_dim3A_437, %add3A_442 : vector<16xi32>
    %select_n3A_444 = arith.select %lt3A_440, %add3A_443, %broadcast_in_dim3A_437 : vector<16xi1>, vector<16xi32>
    %broadcast_in_dim3A_445 = vector.shape_cast %select_n3A_444 : vector<16xi32> to vector<16x1xi32>
    %gather3A_446 = vector.shape_cast %broadcast_in_dim3A_445 : vector<16x1xi32> to vector<16xi32>
    %gather3A_447 = tpu.dynamic_gather %get3A_53[%gather3A_446] in [0] : vector<16xf32>, vector<16xi32> -> vector<16xf32>
    %broadcast_in_dim3A_448 = arith.constant 1 : i32
    %broadcast_in_dim3A_449 = vector.broadcast %broadcast_in_dim3A_448 : i32 to vector<16xi32>
    %lt3A_450 = arith.constant 0 : i32
    %lt3A_451 = vector.broadcast %lt3A_450 : i32 to vector<16xi32>
    %lt3A_452 = arith.cmpi slt, %broadcast_in_dim3A_449, %lt3A_451 : vector<16xi32>
    %add3A_453 = arith.constant 16 : i32
    %add3A_454 = vector.broadcast %add3A_453 : i32 to vector<16xi32>
    %add3A_455 = arith.addi %broadcast_in_dim3A_449, %add3A_454 : vector<16xi32>
    %select_n3A_456 = arith.select %lt3A_452, %add3A_455, %broadcast_in_dim3A_449 : vector<16xi1>, vector<16xi32>
    %broadcast_in_dim3A_457 = vector.shape_cast %select_n3A_456 : vector<16xi32> to vector<16x1xi32>
    %gather3A_458 = vector.shape_cast %broadcast_in_dim3A_457 : vector<16x1xi32> to vector<16xi32>
    %gather3A_459 = tpu.dynamic_gather %get3A_53[%gather3A_458] in [0] : vector<16xf32>, vector<16xi32> -> vector<16xf32>
    %broadcast_in_dim3A_460 = arith.constant 2 : i32
    %broadcast_in_dim3A_461 = vector.broadcast %broadcast_in_dim3A_460 : i32 to vector<16xi32>
    %lt3A_462 = arith.constant 0 : i32
    %lt3A_463 = vector.broadcast %lt3A_462 : i32 to vector<16xi32>
    %lt3A_464 = arith.cmpi slt, %broadcast_in_dim3A_461, %lt3A_463 : vector<16xi32>
    %add3A_465 = arith.constant 16 : i32
    %add3A_466 = vector.broadcast %add3A_465 : i32 to vector<16xi32>
    %add3A_467 = arith.addi %broadcast_in_dim3A_461, %add3A_466 : vector<16xi32>
    %select_n3A_468 = arith.select %lt3A_464, %add3A_467, %broadcast_in_dim3A_461 : vector<16xi1>, vector<16xi32>
    %broadcast_in_dim3A_469 = vector.shape_cast %select_n3A_468 : vector<16xi32> to vector<16x1xi32>
    %gather3A_470 = vector.shape_cast %broadcast_in_dim3A_469 : vector<16x1xi32> to vector<16xi32>
    %gather3A_471 = tpu.dynamic_gather %get3A_53[%gather3A_470] in [0] : vector<16xf32>, vector<16xi32> -> vector<16xf32>
    %broadcast_in_dim3A_472 = arith.constant 3 : i32
    %broadcast_in_dim3A_473 = vector.broadcast %broadcast_in_dim3A_472 : i32 to vector<16xi32>
    %lt3A_474 = arith.constant 0 : i32
    %lt3A_475 = vector.broadcast %lt3A_474 : i32 to vector<16xi32>
    %lt3A_476 = arith.cmpi slt, %broadcast_in_dim3A_473, %lt3A_475 : vector<16xi32>
    %add3A_477 = arith.constant 16 : i32
    %add3A_478 = vector.broadcast %add3A_477 : i32 to vector<16xi32>
    %add3A_479 = arith.addi %broadcast_in_dim3A_473, %add3A_478 : vector<16xi32>
    %select_n3A_480 = arith.select %lt3A_476, %add3A_479, %broadcast_in_dim3A_473 : vector<16xi1>, vector<16xi32>
    %broadcast_in_dim3A_481 = vector.shape_cast %select_n3A_480 : vector<16xi32> to vector<16x1xi32>
    %gather3A_482 = vector.shape_cast %broadcast_in_dim3A_481 : vector<16x1xi32> to vector<16xi32>
    %gather3A_483 = tpu.dynamic_gather %get3A_53[%gather3A_482] in [0] : vector<16xf32>, vector<16xi32> -> vector<16xf32>
    %broadcast_in_dim3A_484 = arith.constant 4 : i32
    %broadcast_in_dim3A_485 = vector.broadcast %broadcast_in_dim3A_484 : i32 to vector<16xi32>
    %lt3A_486 = arith.constant 0 : i32
    %lt3A_487 = vector.broadcast %lt3A_486 : i32 to vector<16xi32>
    %lt3A_488 = arith.cmpi slt, %broadcast_in_dim3A_485, %lt3A_487 : vector<16xi32>
    %add3A_489 = arith.constant 16 : i32
    %add3A_490 = vector.broadcast %add3A_489 : i32 to vector<16xi32>
    %add3A_491 = arith.addi %broadcast_in_dim3A_485, %add3A_490 : vector<16xi32>
    %select_n3A_492 = arith.select %lt3A_488, %add3A_491, %broadcast_in_dim3A_485 : vector<16xi1>, vector<16xi32>
    %broadcast_in_dim3A_493 = vector.shape_cast %select_n3A_492 : vector<16xi32> to vector<16x1xi32>
    %gather3A_494 = vector.shape_cast %broadcast_in_dim3A_493 : vector<16x1xi32> to vector<16xi32>
    %gather3A_495 = tpu.dynamic_gather %get3A_53[%gather3A_494] in [0] : vector<16xf32>, vector<16xi32> -> vector<16xf32>
    %broadcast_in_dim3A_496 = arith.constant 5 : i32
    %broadcast_in_dim3A_497 = vector.broadcast %broadcast_in_dim3A_496 : i32 to vector<16xi32>
    %lt3A_498 = arith.constant 0 : i32
    %lt3A_499 = vector.broadcast %lt3A_498 : i32 to vector<16xi32>
    %lt3A_500 = arith.cmpi slt, %broadcast_in_dim3A_497, %lt3A_499 : vector<16xi32>
    %add3A_501 = arith.constant 16 : i32
    %add3A_502 = vector.broadcast %add3A_501 : i32 to vector<16xi32>
    %add3A_503 = arith.addi %broadcast_in_dim3A_497, %add3A_502 : vector<16xi32>
    %select_n3A_504 = arith.select %lt3A_500, %add3A_503, %broadcast_in_dim3A_497 : vector<16xi1>, vector<16xi32>
    %broadcast_in_dim3A_505 = vector.shape_cast %select_n3A_504 : vector<16xi32> to vector<16x1xi32>
    %gather3A_506 = vector.shape_cast %broadcast_in_dim3A_505 : vector<16x1xi32> to vector<16xi32>
    %gather3A_507 = tpu.dynamic_gather %get3A_53[%gather3A_506] in [0] : vector<16xf32>, vector<16xi32> -> vector<16xf32>
    %broadcast_in_dim3A_508 = arith.constant 6 : i32
    %broadcast_in_dim3A_509 = vector.broadcast %broadcast_in_dim3A_508 : i32 to vector<16xi32>
    %lt3A_510 = arith.constant 0 : i32
    %lt3A_511 = vector.broadcast %lt3A_510 : i32 to vector<16xi32>
    %lt3A_512 = arith.cmpi slt, %broadcast_in_dim3A_509, %lt3A_511 : vector<16xi32>
    %add3A_513 = arith.constant 16 : i32
    %add3A_514 = vector.broadcast %add3A_513 : i32 to vector<16xi32>
    %add3A_515 = arith.addi %broadcast_in_dim3A_509, %add3A_514 : vector<16xi32>
    %select_n3A_516 = arith.select %lt3A_512, %add3A_515, %broadcast_in_dim3A_509 : vector<16xi1>, vector<16xi32>
    %broadcast_in_dim3A_517 = vector.shape_cast %select_n3A_516 : vector<16xi32> to vector<16x1xi32>
    %gather3A_518 = vector.shape_cast %broadcast_in_dim3A_517 : vector<16x1xi32> to vector<16xi32>
    %gather3A_519 = tpu.dynamic_gather %get3A_53[%gather3A_518] in [0] : vector<16xf32>, vector<16xi32> -> vector<16xf32>
    %broadcast_in_dim3A_520 = arith.constant 7 : i32
    %broadcast_in_dim3A_521 = vector.broadcast %broadcast_in_dim3A_520 : i32 to vector<16xi32>
    %lt3A_522 = arith.constant 0 : i32
    %lt3A_523 = vector.broadcast %lt3A_522 : i32 to vector<16xi32>
    %lt3A_524 = arith.cmpi slt, %broadcast_in_dim3A_521, %lt3A_523 : vector<16xi32>
    %add3A_525 = arith.constant 16 : i32
    %add3A_526 = vector.broadcast %add3A_525 : i32 to vector<16xi32>
    %add3A_527 = arith.addi %broadcast_in_dim3A_521, %add3A_526 : vector<16xi32>
    %select_n3A_528 = arith.select %lt3A_524, %add3A_527, %broadcast_in_dim3A_521 : vector<16xi1>, vector<16xi32>
    %broadcast_in_dim3A_529 = vector.shape_cast %select_n3A_528 : vector<16xi32> to vector<16x1xi32>
    %gather3A_530 = vector.shape_cast %broadcast_in_dim3A_529 : vector<16x1xi32> to vector<16xi32>
    %gather3A_531 = tpu.dynamic_gather %get3A_53[%gather3A_530] in [0] : vector<16xf32>, vector<16xi32> -> vector<16xf32>
    %broadcast_in_dim3A_532 = arith.constant 8 : i32
    %broadcast_in_dim3A_533 = vector.broadcast %broadcast_in_dim3A_532 : i32 to vector<16xi32>
    %lt3A_534 = arith.constant 0 : i32
    %lt3A_535 = vector.broadcast %lt3A_534 : i32 to vector<16xi32>
    %lt3A_536 = arith.cmpi slt, %broadcast_in_dim3A_533, %lt3A_535 : vector<16xi32>
    %add3A_537 = arith.constant 16 : i32
    %add3A_538 = vector.broadcast %add3A_537 : i32 to vector<16xi32>
    %add3A_539 = arith.addi %broadcast_in_dim3A_533, %add3A_538 : vector<16xi32>
    %select_n3A_540 = arith.select %lt3A_536, %add3A_539, %broadcast_in_dim3A_533 : vector<16xi1>, vector<16xi32>
    %broadcast_in_dim3A_541 = vector.shape_cast %select_n3A_540 : vector<16xi32> to vector<16x1xi32>
    %gather3A_542 = vector.shape_cast %broadcast_in_dim3A_541 : vector<16x1xi32> to vector<16xi32>
    %gather3A_543 = tpu.dynamic_gather %get3A_53[%gather3A_542] in [0] : vector<16xf32>, vector<16xi32> -> vector<16xf32>
    %broadcast_in_dim3A_544 = arith.constant 9 : i32
    %broadcast_in_dim3A_545 = vector.broadcast %broadcast_in_dim3A_544 : i32 to vector<16xi32>
    %lt3A_546 = arith.constant 0 : i32
    %lt3A_547 = vector.broadcast %lt3A_546 : i32 to vector<16xi32>
    %lt3A_548 = arith.cmpi slt, %broadcast_in_dim3A_545, %lt3A_547 : vector<16xi32>
    %add3A_549 = arith.constant 16 : i32
    %add3A_550 = vector.broadcast %add3A_549 : i32 to vector<16xi32>
    %add3A_551 = arith.addi %broadcast_in_dim3A_545, %add3A_550 : vector<16xi32>
    %select_n3A_552 = arith.select %lt3A_548, %add3A_551, %broadcast_in_dim3A_545 : vector<16xi1>, vector<16xi32>
    %broadcast_in_dim3A_553 = vector.shape_cast %select_n3A_552 : vector<16xi32> to vector<16x1xi32>
    %gather3A_554 = vector.shape_cast %broadcast_in_dim3A_553 : vector<16x1xi32> to vector<16xi32>
    %gather3A_555 = tpu.dynamic_gather %get3A_53[%gather3A_554] in [0] : vector<16xf32>, vector<16xi32> -> vector<16xf32>
    %broadcast_in_dim3A_556 = arith.constant 10 : i32
    %broadcast_in_dim3A_557 = vector.broadcast %broadcast_in_dim3A_556 : i32 to vector<16xi32>
    %lt3A_558 = arith.constant 0 : i32
    %lt3A_559 = vector.broadcast %lt3A_558 : i32 to vector<16xi32>
    %lt3A_560 = arith.cmpi slt, %broadcast_in_dim3A_557, %lt3A_559 : vector<16xi32>
    %add3A_561 = arith.constant 16 : i32
    %add3A_562 = vector.broadcast %add3A_561 : i32 to vector<16xi32>
    %add3A_563 = arith.addi %broadcast_in_dim3A_557, %add3A_562 : vector<16xi32>
    %select_n3A_564 = arith.select %lt3A_560, %add3A_563, %broadcast_in_dim3A_557 : vector<16xi1>, vector<16xi32>
    %broadcast_in_dim3A_565 = vector.shape_cast %select_n3A_564 : vector<16xi32> to vector<16x1xi32>
    %gather3A_566 = vector.shape_cast %broadcast_in_dim3A_565 : vector<16x1xi32> to vector<16xi32>
    %gather3A_567 = tpu.dynamic_gather %get3A_53[%gather3A_566] in [0] : vector<16xf32>, vector<16xi32> -> vector<16xf32>
    %broadcast_in_dim3A_568 = arith.constant 11 : i32
    %broadcast_in_dim3A_569 = vector.broadcast %broadcast_in_dim3A_568 : i32 to vector<16xi32>
    %lt3A_570 = arith.constant 0 : i32
    %lt3A_571 = vector.broadcast %lt3A_570 : i32 to vector<16xi32>
    %lt3A_572 = arith.cmpi slt, %broadcast_in_dim3A_569, %lt3A_571 : vector<16xi32>
    %add3A_573 = arith.constant 16 : i32
    %add3A_574 = vector.broadcast %add3A_573 : i32 to vector<16xi32>
    %add3A_575 = arith.addi %broadcast_in_dim3A_569, %add3A_574 : vector<16xi32>
    %select_n3A_576 = arith.select %lt3A_572, %add3A_575, %broadcast_in_dim3A_569 : vector<16xi1>, vector<16xi32>
    %broadcast_in_dim3A_577 = vector.shape_cast %select_n3A_576 : vector<16xi32> to vector<16x1xi32>
    %gather3A_578 = vector.shape_cast %broadcast_in_dim3A_577 : vector<16x1xi32> to vector<16xi32>
    %gather3A_579 = tpu.dynamic_gather %get3A_53[%gather3A_578] in [0] : vector<16xf32>, vector<16xi32> -> vector<16xf32>
    %broadcast_in_dim3A_580 = arith.constant 12 : i32
    %broadcast_in_dim3A_581 = vector.broadcast %broadcast_in_dim3A_580 : i32 to vector<16xi32>
    %lt3A_582 = arith.constant 0 : i32
    %lt3A_583 = vector.broadcast %lt3A_582 : i32 to vector<16xi32>
    %lt3A_584 = arith.cmpi slt, %broadcast_in_dim3A_581, %lt3A_583 : vector<16xi32>
    %add3A_585 = arith.constant 16 : i32
    %add3A_586 = vector.broadcast %add3A_585 : i32 to vector<16xi32>
    %add3A_587 = arith.addi %broadcast_in_dim3A_581, %add3A_586 : vector<16xi32>
    %select_n3A_588 = arith.select %lt3A_584, %add3A_587, %broadcast_in_dim3A_581 : vector<16xi1>, vector<16xi32>
    %broadcast_in_dim3A_589 = vector.shape_cast %select_n3A_588 : vector<16xi32> to vector<16x1xi32>
    %gather3A_590 = vector.shape_cast %broadcast_in_dim3A_589 : vector<16x1xi32> to vector<16xi32>
    %gather3A_591 = tpu.dynamic_gather %get3A_53[%gather3A_590] in [0] : vector<16xf32>, vector<16xi32> -> vector<16xf32>
    %broadcast_in_dim3A_592 = arith.constant 13 : i32
    %broadcast_in_dim3A_593 = vector.broadcast %broadcast_in_dim3A_592 : i32 to vector<16xi32>
    %lt3A_594 = arith.constant 0 : i32
    %lt3A_595 = vector.broadcast %lt3A_594 : i32 to vector<16xi32>
    %lt3A_596 = arith.cmpi slt, %broadcast_in_dim3A_593, %lt3A_595 : vector<16xi32>
    %add3A_597 = arith.constant 16 : i32
    %add3A_598 = vector.broadcast %add3A_597 : i32 to vector<16xi32>
    %add3A_599 = arith.addi %broadcast_in_dim3A_593, %add3A_598 : vector<16xi32>
    %select_n3A_600 = arith.select %lt3A_596, %add3A_599, %broadcast_in_dim3A_593 : vector<16xi1>, vector<16xi32>
    %broadcast_in_dim3A_601 = vector.shape_cast %select_n3A_600 : vector<16xi32> to vector<16x1xi32>
    %gather3A_602 = vector.shape_cast %broadcast_in_dim3A_601 : vector<16x1xi32> to vector<16xi32>
    %gather3A_603 = tpu.dynamic_gather %get3A_53[%gather3A_602] in [0] : vector<16xf32>, vector<16xi32> -> vector<16xf32>
    %broadcast_in_dim3A_604 = arith.constant 14 : i32
    %broadcast_in_dim3A_605 = vector.broadcast %broadcast_in_dim3A_604 : i32 to vector<16xi32>
    %lt3A_606 = arith.constant 0 : i32
    %lt3A_607 = vector.broadcast %lt3A_606 : i32 to vector<16xi32>
    %lt3A_608 = arith.cmpi slt, %broadcast_in_dim3A_605, %lt3A_607 : vector<16xi32>
    %add3A_609 = arith.constant 16 : i32
    %add3A_610 = vector.broadcast %add3A_609 : i32 to vector<16xi32>
    %add3A_611 = arith.addi %broadcast_in_dim3A_605, %add3A_610 : vector<16xi32>
    %select_n3A_612 = arith.select %lt3A_608, %add3A_611, %broadcast_in_dim3A_605 : vector<16xi1>, vector<16xi32>
    %broadcast_in_dim3A_613 = vector.shape_cast %select_n3A_612 : vector<16xi32> to vector<16x1xi32>
    %gather3A_614 = vector.shape_cast %broadcast_in_dim3A_613 : vector<16x1xi32> to vector<16xi32>
    %gather3A_615 = tpu.dynamic_gather %get3A_53[%gather3A_614] in [0] : vector<16xf32>, vector<16xi32> -> vector<16xf32>
    %broadcast_in_dim3A_616 = arith.constant 15 : i32
    %broadcast_in_dim3A_617 = vector.broadcast %broadcast_in_dim3A_616 : i32 to vector<16xi32>
    %lt3A_618 = arith.constant 0 : i32
    %lt3A_619 = vector.broadcast %lt3A_618 : i32 to vector<16xi32>
    %lt3A_620 = arith.cmpi slt, %broadcast_in_dim3A_617, %lt3A_619 : vector<16xi32>
    %add3A_621 = arith.constant 16 : i32
    %add3A_622 = vector.broadcast %add3A_621 : i32 to vector<16xi32>
    %add3A_623 = arith.addi %broadcast_in_dim3A_617, %add3A_622 : vector<16xi32>
    %select_n3A_624 = arith.select %lt3A_620, %add3A_623, %broadcast_in_dim3A_617 : vector<16xi1>, vector<16xi32>
    %broadcast_in_dim3A_625 = vector.shape_cast %select_n3A_624 : vector<16xi32> to vector<16x1xi32>
    %gather3A_626 = vector.shape_cast %broadcast_in_dim3A_625 : vector<16x1xi32> to vector<16xi32>
    %gather3A_627 = tpu.dynamic_gather %get3A_53[%gather3A_626] in [0] : vector<16xf32>, vector<16xi32> -> vector<16xf32>
    %broadcast_in_dim3A_628 = arith.constant 0 : i32
    %broadcast_in_dim3A_629 = vector.broadcast %broadcast_in_dim3A_628 : i32 to vector<16xi32>
    %lt3A_630 = arith.constant 0 : i32
    %lt3A_631 = vector.broadcast %lt3A_630 : i32 to vector<16xi32>
    %lt3A_632 = arith.cmpi slt, %broadcast_in_dim3A_629, %lt3A_631 : vector<16xi32>
    %add3A_633 = arith.constant 16 : i32
    %add3A_634 = vector.broadcast %add3A_633 : i32 to vector<16xi32>
    %add3A_635 = arith.addi %broadcast_in_dim3A_629, %add3A_634 : vector<16xi32>
    %select_n3A_636 = arith.select %lt3A_632, %add3A_635, %broadcast_in_dim3A_629 : vector<16xi1>, vector<16xi32>
    %broadcast_in_dim3A_637 = vector.shape_cast %select_n3A_636 : vector<16xi32> to vector<16x1xi32>
    %gather3A_638 = vector.shape_cast %broadcast_in_dim3A_637 : vector<16x1xi32> to vector<16xi32>
    %gather3A_639 = tpu.dynamic_gather %get3A_55[%gather3A_638] in [0] : vector<16xf32>, vector<16xi32> -> vector<16xf32>
    %broadcast_in_dim3A_640 = arith.constant 1 : i32
    %broadcast_in_dim3A_641 = vector.broadcast %broadcast_in_dim3A_640 : i32 to vector<16xi32>
    %lt3A_642 = arith.constant 0 : i32
    %lt3A_643 = vector.broadcast %lt3A_642 : i32 to vector<16xi32>
    %lt3A_644 = arith.cmpi slt, %broadcast_in_dim3A_641, %lt3A_643 : vector<16xi32>
    %add3A_645 = arith.constant 16 : i32
    %add3A_646 = vector.broadcast %add3A_645 : i32 to vector<16xi32>
    %add3A_647 = arith.addi %broadcast_in_dim3A_641, %add3A_646 : vector<16xi32>
    %select_n3A_648 = arith.select %lt3A_644, %add3A_647, %broadcast_in_dim3A_641 : vector<16xi1>, vector<16xi32>
    %broadcast_in_dim3A_649 = vector.shape_cast %select_n3A_648 : vector<16xi32> to vector<16x1xi32>
    %gather3A_650 = vector.shape_cast %broadcast_in_dim3A_649 : vector<16x1xi32> to vector<16xi32>
    %gather3A_651 = tpu.dynamic_gather %get3A_55[%gather3A_650] in [0] : vector<16xf32>, vector<16xi32> -> vector<16xf32>
    %broadcast_in_dim3A_652 = arith.constant 2 : i32
    %broadcast_in_dim3A_653 = vector.broadcast %broadcast_in_dim3A_652 : i32 to vector<16xi32>
    %lt3A_654 = arith.constant 0 : i32
    %lt3A_655 = vector.broadcast %lt3A_654 : i32 to vector<16xi32>
    %lt3A_656 = arith.cmpi slt, %broadcast_in_dim3A_653, %lt3A_655 : vector<16xi32>
    %add3A_657 = arith.constant 16 : i32
    %add3A_658 = vector.broadcast %add3A_657 : i32 to vector<16xi32>
    %add3A_659 = arith.addi %broadcast_in_dim3A_653, %add3A_658 : vector<16xi32>
    %select_n3A_660 = arith.select %lt3A_656, %add3A_659, %broadcast_in_dim3A_653 : vector<16xi1>, vector<16xi32>
    %broadcast_in_dim3A_661 = vector.shape_cast %select_n3A_660 : vector<16xi32> to vector<16x1xi32>
    %gather3A_662 = vector.shape_cast %broadcast_in_dim3A_661 : vector<16x1xi32> to vector<16xi32>
    %gather3A_663 = tpu.dynamic_gather %get3A_55[%gather3A_662] in [0] : vector<16xf32>, vector<16xi32> -> vector<16xf32>
    %broadcast_in_dim3A_664 = arith.constant 3 : i32
    %broadcast_in_dim3A_665 = vector.broadcast %broadcast_in_dim3A_664 : i32 to vector<16xi32>
    %lt3A_666 = arith.constant 0 : i32
    %lt3A_667 = vector.broadcast %lt3A_666 : i32 to vector<16xi32>
    %lt3A_668 = arith.cmpi slt, %broadcast_in_dim3A_665, %lt3A_667 : vector<16xi32>
    %add3A_669 = arith.constant 16 : i32
    %add3A_670 = vector.broadcast %add3A_669 : i32 to vector<16xi32>
    %add3A_671 = arith.addi %broadcast_in_dim3A_665, %add3A_670 : vector<16xi32>
    %select_n3A_672 = arith.select %lt3A_668, %add3A_671, %broadcast_in_dim3A_665 : vector<16xi1>, vector<16xi32>
    %broadcast_in_dim3A_673 = vector.shape_cast %select_n3A_672 : vector<16xi32> to vector<16x1xi32>
    %gather3A_674 = vector.shape_cast %broadcast_in_dim3A_673 : vector<16x1xi32> to vector<16xi32>
    %gather3A_675 = tpu.dynamic_gather %get3A_55[%gather3A_674] in [0] : vector<16xf32>, vector<16xi32> -> vector<16xf32>
    %broadcast_in_dim3A_676 = arith.constant 4 : i32
    %broadcast_in_dim3A_677 = vector.broadcast %broadcast_in_dim3A_676 : i32 to vector<16xi32>
    %lt3A_678 = arith.constant 0 : i32
    %lt3A_679 = vector.broadcast %lt3A_678 : i32 to vector<16xi32>
    %lt3A_680 = arith.cmpi slt, %broadcast_in_dim3A_677, %lt3A_679 : vector<16xi32>
    %add3A_681 = arith.constant 16 : i32
    %add3A_682 = vector.broadcast %add3A_681 : i32 to vector<16xi32>
    %add3A_683 = arith.addi %broadcast_in_dim3A_677, %add3A_682 : vector<16xi32>
    %select_n3A_684 = arith.select %lt3A_680, %add3A_683, %broadcast_in_dim3A_677 : vector<16xi1>, vector<16xi32>
    %broadcast_in_dim3A_685 = vector.shape_cast %select_n3A_684 : vector<16xi32> to vector<16x1xi32>
    %gather3A_686 = vector.shape_cast %broadcast_in_dim3A_685 : vector<16x1xi32> to vector<16xi32>
    %gather3A_687 = tpu.dynamic_gather %get3A_55[%gather3A_686] in [0] : vector<16xf32>, vector<16xi32> -> vector<16xf32>
    %broadcast_in_dim3A_688 = arith.constant 5 : i32
    %broadcast_in_dim3A_689 = vector.broadcast %broadcast_in_dim3A_688 : i32 to vector<16xi32>
    %lt3A_690 = arith.constant 0 : i32
    %lt3A_691 = vector.broadcast %lt3A_690 : i32 to vector<16xi32>
    %lt3A_692 = arith.cmpi slt, %broadcast_in_dim3A_689, %lt3A_691 : vector<16xi32>
    %add3A_693 = arith.constant 16 : i32
    %add3A_694 = vector.broadcast %add3A_693 : i32 to vector<16xi32>
    %add3A_695 = arith.addi %broadcast_in_dim3A_689, %add3A_694 : vector<16xi32>
    %select_n3A_696 = arith.select %lt3A_692, %add3A_695, %broadcast_in_dim3A_689 : vector<16xi1>, vector<16xi32>
    %broadcast_in_dim3A_697 = vector.shape_cast %select_n3A_696 : vector<16xi32> to vector<16x1xi32>
    %gather3A_698 = vector.shape_cast %broadcast_in_dim3A_697 : vector<16x1xi32> to vector<16xi32>
    %gather3A_699 = tpu.dynamic_gather %get3A_55[%gather3A_698] in [0] : vector<16xf32>, vector<16xi32> -> vector<16xf32>
    %broadcast_in_dim3A_700 = arith.constant 6 : i32
    %broadcast_in_dim3A_701 = vector.broadcast %broadcast_in_dim3A_700 : i32 to vector<16xi32>
    %lt3A_702 = arith.constant 0 : i32
    %lt3A_703 = vector.broadcast %lt3A_702 : i32 to vector<16xi32>
    %lt3A_704 = arith.cmpi slt, %broadcast_in_dim3A_701, %lt3A_703 : vector<16xi32>
    %add3A_705 = arith.constant 16 : i32
    %add3A_706 = vector.broadcast %add3A_705 : i32 to vector<16xi32>
    %add3A_707 = arith.addi %broadcast_in_dim3A_701, %add3A_706 : vector<16xi32>
    %select_n3A_708 = arith.select %lt3A_704, %add3A_707, %broadcast_in_dim3A_701 : vector<16xi1>, vector<16xi32>
    %broadcast_in_dim3A_709 = vector.shape_cast %select_n3A_708 : vector<16xi32> to vector<16x1xi32>
    %gather3A_710 = vector.shape_cast %broadcast_in_dim3A_709 : vector<16x1xi32> to vector<16xi32>
    %gather3A_711 = tpu.dynamic_gather %get3A_55[%gather3A_710] in [0] : vector<16xf32>, vector<16xi32> -> vector<16xf32>
    %broadcast_in_dim3A_712 = arith.constant 7 : i32
    %broadcast_in_dim3A_713 = vector.broadcast %broadcast_in_dim3A_712 : i32 to vector<16xi32>
    %lt3A_714 = arith.constant 0 : i32
    %lt3A_715 = vector.broadcast %lt3A_714 : i32 to vector<16xi32>
    %lt3A_716 = arith.cmpi slt, %broadcast_in_dim3A_713, %lt3A_715 : vector<16xi32>
    %add3A_717 = arith.constant 16 : i32
    %add3A_718 = vector.broadcast %add3A_717 : i32 to vector<16xi32>
    %add3A_719 = arith.addi %broadcast_in_dim3A_713, %add3A_718 : vector<16xi32>
    %select_n3A_720 = arith.select %lt3A_716, %add3A_719, %broadcast_in_dim3A_713 : vector<16xi1>, vector<16xi32>
    %broadcast_in_dim3A_721 = vector.shape_cast %select_n3A_720 : vector<16xi32> to vector<16x1xi32>
    %gather3A_722 = vector.shape_cast %broadcast_in_dim3A_721 : vector<16x1xi32> to vector<16xi32>
    %gather3A_723 = tpu.dynamic_gather %get3A_55[%gather3A_722] in [0] : vector<16xf32>, vector<16xi32> -> vector<16xf32>
    %broadcast_in_dim3A_724 = arith.constant 8 : i32
    %broadcast_in_dim3A_725 = vector.broadcast %broadcast_in_dim3A_724 : i32 to vector<16xi32>
    %lt3A_726 = arith.constant 0 : i32
    %lt3A_727 = vector.broadcast %lt3A_726 : i32 to vector<16xi32>
    %lt3A_728 = arith.cmpi slt, %broadcast_in_dim3A_725, %lt3A_727 : vector<16xi32>
    %add3A_729 = arith.constant 16 : i32
    %add3A_730 = vector.broadcast %add3A_729 : i32 to vector<16xi32>
    %add3A_731 = arith.addi %broadcast_in_dim3A_725, %add3A_730 : vector<16xi32>
    %select_n3A_732 = arith.select %lt3A_728, %add3A_731, %broadcast_in_dim3A_725 : vector<16xi1>, vector<16xi32>
    %broadcast_in_dim3A_733 = vector.shape_cast %select_n3A_732 : vector<16xi32> to vector<16x1xi32>
    %gather3A_734 = vector.shape_cast %broadcast_in_dim3A_733 : vector<16x1xi32> to vector<16xi32>
    %gather3A_735 = tpu.dynamic_gather %get3A_55[%gather3A_734] in [0] : vector<16xf32>, vector<16xi32> -> vector<16xf32>
    %broadcast_in_dim3A_736 = arith.constant 9 : i32
    %broadcast_in_dim3A_737 = vector.broadcast %broadcast_in_dim3A_736 : i32 to vector<16xi32>
    %lt3A_738 = arith.constant 0 : i32
    %lt3A_739 = vector.broadcast %lt3A_738 : i32 to vector<16xi32>
    %lt3A_740 = arith.cmpi slt, %broadcast_in_dim3A_737, %lt3A_739 : vector<16xi32>
    %add3A_741 = arith.constant 16 : i32
    %add3A_742 = vector.broadcast %add3A_741 : i32 to vector<16xi32>
    %add3A_743 = arith.addi %broadcast_in_dim3A_737, %add3A_742 : vector<16xi32>
    %select_n3A_744 = arith.select %lt3A_740, %add3A_743, %broadcast_in_dim3A_737 : vector<16xi1>, vector<16xi32>
    %broadcast_in_dim3A_745 = vector.shape_cast %select_n3A_744 : vector<16xi32> to vector<16x1xi32>
    %gather3A_746 = vector.shape_cast %broadcast_in_dim3A_745 : vector<16x1xi32> to vector<16xi32>
    %gather3A_747 = tpu.dynamic_gather %get3A_55[%gather3A_746] in [0] : vector<16xf32>, vector<16xi32> -> vector<16xf32>
    %broadcast_in_dim3A_748 = arith.constant 10 : i32
    %broadcast_in_dim3A_749 = vector.broadcast %broadcast_in_dim3A_748 : i32 to vector<16xi32>
    %lt3A_750 = arith.constant 0 : i32
    %lt3A_751 = vector.broadcast %lt3A_750 : i32 to vector<16xi32>
    %lt3A_752 = arith.cmpi slt, %broadcast_in_dim3A_749, %lt3A_751 : vector<16xi32>
    %add3A_753 = arith.constant 16 : i32
    %add3A_754 = vector.broadcast %add3A_753 : i32 to vector<16xi32>
    %add3A_755 = arith.addi %broadcast_in_dim3A_749, %add3A_754 : vector<16xi32>
    %select_n3A_756 = arith.select %lt3A_752, %add3A_755, %broadcast_in_dim3A_749 : vector<16xi1>, vector<16xi32>
    %broadcast_in_dim3A_757 = vector.shape_cast %select_n3A_756 : vector<16xi32> to vector<16x1xi32>
    %gather3A_758 = vector.shape_cast %broadcast_in_dim3A_757 : vector<16x1xi32> to vector<16xi32>
    %gather3A_759 = tpu.dynamic_gather %get3A_55[%gather3A_758] in [0] : vector<16xf32>, vector<16xi32> -> vector<16xf32>
    %broadcast_in_dim3A_760 = arith.constant 11 : i32
    %broadcast_in_dim3A_761 = vector.broadcast %broadcast_in_dim3A_760 : i32 to vector<16xi32>
    %lt3A_762 = arith.constant 0 : i32
    %lt3A_763 = vector.broadcast %lt3A_762 : i32 to vector<16xi32>
    %lt3A_764 = arith.cmpi slt, %broadcast_in_dim3A_761, %lt3A_763 : vector<16xi32>
    %add3A_765 = arith.constant 16 : i32
    %add3A_766 = vector.broadcast %add3A_765 : i32 to vector<16xi32>
    %add3A_767 = arith.addi %broadcast_in_dim3A_761, %add3A_766 : vector<16xi32>
    %select_n3A_768 = arith.select %lt3A_764, %add3A_767, %broadcast_in_dim3A_761 : vector<16xi1>, vector<16xi32>
    %broadcast_in_dim3A_769 = vector.shape_cast %select_n3A_768 : vector<16xi32> to vector<16x1xi32>
    %gather3A_770 = vector.shape_cast %broadcast_in_dim3A_769 : vector<16x1xi32> to vector<16xi32>
    %gather3A_771 = tpu.dynamic_gather %get3A_55[%gather3A_770] in [0] : vector<16xf32>, vector<16xi32> -> vector<16xf32>
    %broadcast_in_dim3A_772 = arith.constant 12 : i32
    %broadcast_in_dim3A_773 = vector.broadcast %broadcast_in_dim3A_772 : i32 to vector<16xi32>
    %lt3A_774 = arith.constant 0 : i32
    %lt3A_775 = vector.broadcast %lt3A_774 : i32 to vector<16xi32>
    %lt3A_776 = arith.cmpi slt, %broadcast_in_dim3A_773, %lt3A_775 : vector<16xi32>
    %add3A_777 = arith.constant 16 : i32
    %add3A_778 = vector.broadcast %add3A_777 : i32 to vector<16xi32>
    %add3A_779 = arith.addi %broadcast_in_dim3A_773, %add3A_778 : vector<16xi32>
    %select_n3A_780 = arith.select %lt3A_776, %add3A_779, %broadcast_in_dim3A_773 : vector<16xi1>, vector<16xi32>
    %broadcast_in_dim3A_781 = vector.shape_cast %select_n3A_780 : vector<16xi32> to vector<16x1xi32>
    %gather3A_782 = vector.shape_cast %broadcast_in_dim3A_781 : vector<16x1xi32> to vector<16xi32>
    %gather3A_783 = tpu.dynamic_gather %get3A_55[%gather3A_782] in [0] : vector<16xf32>, vector<16xi32> -> vector<16xf32>
    %broadcast_in_dim3A_784 = arith.constant 13 : i32
    %broadcast_in_dim3A_785 = vector.broadcast %broadcast_in_dim3A_784 : i32 to vector<16xi32>
    %lt3A_786 = arith.constant 0 : i32
    %lt3A_787 = vector.broadcast %lt3A_786 : i32 to vector<16xi32>
    %lt3A_788 = arith.cmpi slt, %broadcast_in_dim3A_785, %lt3A_787 : vector<16xi32>
    %add3A_789 = arith.constant 16 : i32
    %add3A_790 = vector.broadcast %add3A_789 : i32 to vector<16xi32>
    %add3A_791 = arith.addi %broadcast_in_dim3A_785, %add3A_790 : vector<16xi32>
    %select_n3A_792 = arith.select %lt3A_788, %add3A_791, %broadcast_in_dim3A_785 : vector<16xi1>, vector<16xi32>
    %broadcast_in_dim3A_793 = vector.shape_cast %select_n3A_792 : vector<16xi32> to vector<16x1xi32>
    %gather3A_794 = vector.shape_cast %broadcast_in_dim3A_793 : vector<16x1xi32> to vector<16xi32>
    %gather3A_795 = tpu.dynamic_gather %get3A_55[%gather3A_794] in [0] : vector<16xf32>, vector<16xi32> -> vector<16xf32>
    %broadcast_in_dim3A_796 = arith.constant 14 : i32
    %broadcast_in_dim3A_797 = vector.broadcast %broadcast_in_dim3A_796 : i32 to vector<16xi32>
    %lt3A_798 = arith.constant 0 : i32
    %lt3A_799 = vector.broadcast %lt3A_798 : i32 to vector<16xi32>
    %lt3A_800 = arith.cmpi slt, %broadcast_in_dim3A_797, %lt3A_799 : vector<16xi32>
    %add3A_801 = arith.constant 16 : i32
    %add3A_802 = vector.broadcast %add3A_801 : i32 to vector<16xi32>
    %add3A_803 = arith.addi %broadcast_in_dim3A_797, %add3A_802 : vector<16xi32>
    %select_n3A_804 = arith.select %lt3A_800, %add3A_803, %broadcast_in_dim3A_797 : vector<16xi1>, vector<16xi32>
    %broadcast_in_dim3A_805 = vector.shape_cast %select_n3A_804 : vector<16xi32> to vector<16x1xi32>
    %gather3A_806 = vector.shape_cast %broadcast_in_dim3A_805 : vector<16x1xi32> to vector<16xi32>
    %gather3A_807 = tpu.dynamic_gather %get3A_55[%gather3A_806] in [0] : vector<16xf32>, vector<16xi32> -> vector<16xf32>
    %broadcast_in_dim3A_808 = arith.constant 15 : i32
    %broadcast_in_dim3A_809 = vector.broadcast %broadcast_in_dim3A_808 : i32 to vector<16xi32>
    %lt3A_810 = arith.constant 0 : i32
    %lt3A_811 = vector.broadcast %lt3A_810 : i32 to vector<16xi32>
    %lt3A_812 = arith.cmpi slt, %broadcast_in_dim3A_809, %lt3A_811 : vector<16xi32>
    %add3A_813 = arith.constant 16 : i32
    %add3A_814 = vector.broadcast %add3A_813 : i32 to vector<16xi32>
    %add3A_815 = arith.addi %broadcast_in_dim3A_809, %add3A_814 : vector<16xi32>
    %select_n3A_816 = arith.select %lt3A_812, %add3A_815, %broadcast_in_dim3A_809 : vector<16xi1>, vector<16xi32>
    %broadcast_in_dim3A_817 = vector.shape_cast %select_n3A_816 : vector<16xi32> to vector<16x1xi32>
    %gather3A_818 = vector.shape_cast %broadcast_in_dim3A_817 : vector<16x1xi32> to vector<16xi32>
    %gather3A_819 = tpu.dynamic_gather %get3A_55[%gather3A_818] in [0] : vector<16xf32>, vector<16xi32> -> vector<16xf32>
    %scan3A_820 = arith.constant 0 : i32
    %scan3A_821 = arith.constant 0 : i32
    %scan3A_822 = arith.constant 32 : i32
    %scan3A_823 = arith.addi %scan3A_821, %scan3A_822 : i32
    %scan3A_824 = arith.constant 1 : i32
    %scan3A_825 = scf.for %scan3A_860 = %scan3A_821 to %scan3A_823 step %scan3A_824 iter_args(%scan3A_861 = %scan3A_820) -> (i32)  : i32 {
      %mul3A_862 = arith.constant 16 : i32
      %mul3A_863 = arith.muli %scan3A_860, %mul3A_862 : i32
      %get3A_864 = arith.index_cast %mul3A_863 : i32 to index
      %get3A_865 = tpu.vector_load %arg9[%get3A_864] {strides = array<i32>} : memref<512xi32, #tpu.memory_space<vmem>>, vector<16xi32>,
      %convert_element_type3A = arith.sitofp %get3A_865 : vector<16xi32> to vector<16xf32>
      %div3A = arith.constant 2.000000e+02 : f32
      %div3A_866 = vector.broadcast %div3A : f32 to vector<16xf32>
      %div3A_867 = arith.divf %convert_element_type3A, %div3A_866 : vector<16xf32>
      %mul3A_868 = arith.mulf %div3A_867, %gather3A_63 : vector<16xf32>
      %add3A_869 = arith.addf %mul3A_868, %gather3A_447 : vector<16xf32>
      %mul3A_870 = arith.constant 16 : i32
      %mul3A_871 = arith.muli %scan3A_860, %mul3A_870 : i32
      %swap3A = arith.constant 0 : i32
      %swap3A_872 = arith.index_cast %swap3A : i32 to index
      %swap3A_873 = arith.index_cast %mul3A_871 : i32 to index
      %swap3A_874 = tpu.vector_load %arg14[%swap3A_872, %swap3A_873] {strides = array<i32>} : memref<32x512xf32, #tpu.memory_space<vmem>>, vector<16xf32>,
      tpu.vector_store %arg14[%swap3A_872, %swap3A_873], %add3A_869 {strides = array<i32>} : memref<32x512xf32, #tpu.memory_space<vmem>>, vector<16xf32>,
      %mul3A_875 = arith.mulf %div3A_867, %gather3A_75 : vector<16xf32>
      %add3A_876 = arith.addf %mul3A_875, %gather3A_459 : vector<16xf32>
      %mul3A_877 = arith.constant 16 : i32
      %mul3A_878 = arith.muli %scan3A_860, %mul3A_877 : i32
      %swap3A_879 = arith.constant 1 : i32
      %swap3A_880 = arith.index_cast %swap3A_879 : i32 to index
      %swap3A_881 = arith.index_cast %mul3A_878 : i32 to index
      %swap3A_882 = tpu.vector_load %arg14[%swap3A_880, %swap3A_881] {strides = array<i32>} : memref<32x512xf32, #tpu.memory_space<vmem>>, vector<16xf32>,
      tpu.vector_store %arg14[%swap3A_880, %swap3A_881], %add3A_876 {strides = array<i32>} : memref<32x512xf32, #tpu.memory_space<vmem>>, vector<16xf32>,
      %mul3A_883 = arith.mulf %div3A_867, %gather3A_87 : vector<16xf32>
      %add3A_884 = arith.addf %mul3A_883, %gather3A_471 : vector<16xf32>
      %mul3A_885 = arith.constant 16 : i32
      %mul3A_886 = arith.muli %scan3A_860, %mul3A_885 : i32
      %swap3A_887 = arith.constant 2 : i32
      %swap3A_888 = arith.index_cast %swap3A_887 : i32 to index
      %swap3A_889 = arith.index_cast %mul3A_886 : i32 to index
      %swap3A_890 = tpu.vector_load %arg14[%swap3A_888, %swap3A_889] {strides = array<i32>} : memref<32x512xf32, #tpu.memory_space<vmem>>, vector<16xf32>,
      tpu.vector_store %arg14[%swap3A_888, %swap3A_889], %add3A_884 {strides = array<i32>} : memref<32x512xf32, #tpu.memory_space<vmem>>, vector<16xf32>,
      %mul3A_891 = arith.mulf %div3A_867, %gather3A_99 : vector<16xf32>
      %add3A_892 = arith.addf %mul3A_891, %gather3A_483 : vector<16xf32>
      %mul3A_893 = arith.constant 16 : i32
      %mul3A_894 = arith.muli %scan3A_860, %mul3A_893 : i32
      %swap3A_895 = arith.constant 3 : i32
      %swap3A_896 = arith.index_cast %swap3A_895 : i32 to index
      %swap3A_897 = arith.index_cast %mul3A_894 : i32 to index
      %swap3A_898 = tpu.vector_load %arg14[%swap3A_896, %swap3A_897] {strides = array<i32>} : memref<32x512xf32, #tpu.memory_space<vmem>>, vector<16xf32>,
      tpu.vector_store %arg14[%swap3A_896, %swap3A_897], %add3A_892 {strides = array<i32>} : memref<32x512xf32, #tpu.memory_space<vmem>>, vector<16xf32>,
      %mul3A_899 = arith.mulf %div3A_867, %gather3A_111 : vector<16xf32>
      %add3A_900 = arith.addf %mul3A_899, %gather3A_495 : vector<16xf32>
      %mul3A_901 = arith.constant 16 : i32
      %mul3A_902 = arith.muli %scan3A_860, %mul3A_901 : i32
      %swap3A_903 = arith.constant 4 : i32
      %swap3A_904 = arith.index_cast %swap3A_903 : i32 to index
      %swap3A_905 = arith.index_cast %mul3A_902 : i32 to index
      %swap3A_906 = tpu.vector_load %arg14[%swap3A_904, %swap3A_905] {strides = array<i32>} : memref<32x512xf32, #tpu.memory_space<vmem>>, vector<16xf32>,
      tpu.vector_store %arg14[%swap3A_904, %swap3A_905], %add3A_900 {strides = array<i32>} : memref<32x512xf32, #tpu.memory_space<vmem>>, vector<16xf32>,
      %mul3A_907 = arith.mulf %div3A_867, %gather3A_123 : vector<16xf32>
      %add3A_908 = arith.addf %mul3A_907, %gather3A_507 : vector<16xf32>
      %mul3A_909 = arith.constant 16 : i32
      %mul3A_910 = arith.muli %scan3A_860, %mul3A_909 : i32
      %swap3A_911 = arith.constant 5 : i32
      %swap3A_912 = arith.index_cast %swap3A_911 : i32 to index
      %swap3A_913 = arith.index_cast %mul3A_910 : i32 to index
      %swap3A_914 = tpu.vector_load %arg14[%swap3A_912, %swap3A_913] {strides = array<i32>} : memref<32x512xf32, #tpu.memory_space<vmem>>, vector<16xf32>,
      tpu.vector_store %arg14[%swap3A_912, %swap3A_913], %add3A_908 {strides = array<i32>} : memref<32x512xf32, #tpu.memory_space<vmem>>, vector<16xf32>,
      %mul3A_915 = arith.mulf %div3A_867, %gather3A_135 : vector<16xf32>
      %add3A_916 = arith.addf %mul3A_915, %gather3A_519 : vector<16xf32>
      %mul3A_917 = arith.constant 16 : i32
      %mul3A_918 = arith.muli %scan3A_860, %mul3A_917 : i32
      %swap3A_919 = arith.constant 6 : i32
      %swap3A_920 = arith.index_cast %swap3A_919 : i32 to index
      %swap3A_921 = arith.index_cast %mul3A_918 : i32 to index
      %swap3A_922 = tpu.vector_load %arg14[%swap3A_920, %swap3A_921] {strides = array<i32>} : memref<32x512xf32, #tpu.memory_space<vmem>>, vector<16xf32>,
      tpu.vector_store %arg14[%swap3A_920, %swap3A_921], %add3A_916 {strides = array<i32>} : memref<32x512xf32, #tpu.memory_space<vmem>>, vector<16xf32>,
      %mul3A_923 = arith.mulf %div3A_867, %gather3A_147 : vector<16xf32>
      %add3A_924 = arith.addf %mul3A_923, %gather3A_531 : vector<16xf32>
      %mul3A_925 = arith.constant 16 : i32
      %mul3A_926 = arith.muli %scan3A_860, %mul3A_925 : i32
      %swap3A_927 = arith.constant 7 : i32
      %swap3A_928 = arith.index_cast %swap3A_927 : i32 to index
      %swap3A_929 = arith.index_cast %mul3A_926 : i32 to index
      %swap3A_930 = tpu.vector_load %arg14[%swap3A_928, %swap3A_929] {strides = array<i32>} : memref<32x512xf32, #tpu.memory_space<vmem>>, vector<16xf32>,
      tpu.vector_store %arg14[%swap3A_928, %swap3A_929], %add3A_924 {strides = array<i32>} : memref<32x512xf32, #tpu.memory_space<vmem>>, vector<16xf32>,
      %mul3A_931 = arith.mulf %div3A_867, %gather3A_159 : vector<16xf32>
      %add3A_932 = arith.addf %mul3A_931, %gather3A_543 : vector<16xf32>
      %mul3A_933 = arith.constant 16 : i32
      %mul3A_934 = arith.muli %scan3A_860, %mul3A_933 : i32
      %swap3A_935 = arith.constant 8 : i32
      %swap3A_936 = arith.index_cast %swap3A_935 : i32 to index
      %swap3A_937 = arith.index_cast %mul3A_934 : i32 to index
      %swap3A_938 = tpu.vector_load %arg14[%swap3A_936, %swap3A_937] {strides = array<i32>} : memref<32x512xf32, #tpu.memory_space<vmem>>, vector<16xf32>,
      tpu.vector_store %arg14[%swap3A_936, %swap3A_937], %add3A_932 {strides = array<i32>} : memref<32x512xf32, #tpu.memory_space<vmem>>, vector<16xf32>,
      %mul3A_939 = arith.mulf %div3A_867, %gather3A_171 : vector<16xf32>
      %add3A_940 = arith.addf %mul3A_939, %gather3A_555 : vector<16xf32>
      %mul3A_941 = arith.constant 16 : i32
      %mul3A_942 = arith.muli %scan3A_860, %mul3A_941 : i32
      %swap3A_943 = arith.constant 9 : i32
      %swap3A_944 = arith.index_cast %swap3A_943 : i32 to index
      %swap3A_945 = arith.index_cast %mul3A_942 : i32 to index
      %swap3A_946 = tpu.vector_load %arg14[%swap3A_944, %swap3A_945] {strides = array<i32>} : memref<32x512xf32, #tpu.memory_space<vmem>>, vector<16xf32>,
      tpu.vector_store %arg14[%swap3A_944, %swap3A_945], %add3A_940 {strides = array<i32>} : memref<32x512xf32, #tpu.memory_space<vmem>>, vector<16xf32>,
      %mul3A_947 = arith.mulf %div3A_867, %gather3A_183 : vector<16xf32>
      %add3A_948 = arith.addf %mul3A_947, %gather3A_567 : vector<16xf32>
      %mul3A_949 = arith.constant 16 : i32
      %mul3A_950 = arith.muli %scan3A_860, %mul3A_949 : i32
      %swap3A_951 = arith.constant 10 : i32
      %swap3A_952 = arith.index_cast %swap3A_951 : i32 to index
      %swap3A_953 = arith.index_cast %mul3A_950 : i32 to index
      %swap3A_954 = tpu.vector_load %arg14[%swap3A_952, %swap3A_953] {strides = array<i32>} : memref<32x512xf32, #tpu.memory_space<vmem>>, vector<16xf32>,
      tpu.vector_store %arg14[%swap3A_952, %swap3A_953], %add3A_948 {strides = array<i32>} : memref<32x512xf32, #tpu.memory_space<vmem>>, vector<16xf32>,
      %mul3A_955 = arith.mulf %div3A_867, %gather3A_195 : vector<16xf32>
      %add3A_956 = arith.addf %mul3A_955, %gather3A_579 : vector<16xf32>
      %mul3A_957 = arith.constant 16 : i32
      %mul3A_958 = arith.muli %scan3A_860, %mul3A_957 : i32
      %swap3A_959 = arith.constant 11 : i32
      %swap3A_960 = arith.index_cast %swap3A_959 : i32 to index
      %swap3A_961 = arith.index_cast %mul3A_958 : i32 to index
      %swap3A_962 = tpu.vector_load %arg14[%swap3A_960, %swap3A_961] {strides = array<i32>} : memref<32x512xf32, #tpu.memory_space<vmem>>, vector<16xf32>,
      tpu.vector_store %arg14[%swap3A_960, %swap3A_961], %add3A_956 {strides = array<i32>} : memref<32x512xf32, #tpu.memory_space<vmem>>, vector<16xf32>,
      %mul3A_963 = arith.mulf %div3A_867, %gather3A_207 : vector<16xf32>
      %add3A_964 = arith.addf %mul3A_963, %gather3A_591 : vector<16xf32>
      %mul3A_965 = arith.constant 16 : i32
      %mul3A_966 = arith.muli %scan3A_860, %mul3A_965 : i32
      %swap3A_967 = arith.constant 12 : i32
      %swap3A_968 = arith.index_cast %swap3A_967 : i32 to index
      %swap3A_969 = arith.index_cast %mul3A_966 : i32 to index
      %swap3A_970 = tpu.vector_load %arg14[%swap3A_968, %swap3A_969] {strides = array<i32>} : memref<32x512xf32, #tpu.memory_space<vmem>>, vector<16xf32>,
      tpu.vector_store %arg14[%swap3A_968, %swap3A_969], %add3A_964 {strides = array<i32>} : memref<32x512xf32, #tpu.memory_space<vmem>>, vector<16xf32>,
      %mul3A_971 = arith.mulf %div3A_867, %gather3A_219 : vector<16xf32>
      %add3A_972 = arith.addf %mul3A_971, %gather3A_603 : vector<16xf32>
      %mul3A_973 = arith.constant 16 : i32
      %mul3A_974 = arith.muli %scan3A_860, %mul3A_973 : i32
      %swap3A_975 = arith.constant 13 : i32
      %swap3A_976 = arith.index_cast %swap3A_975 : i32 to index
      %swap3A_977 = arith.index_cast %mul3A_974 : i32 to index
      %swap3A_978 = tpu.vector_load %arg14[%swap3A_976, %swap3A_977] {strides = array<i32>} : memref<32x512xf32, #tpu.memory_space<vmem>>, vector<16xf32>,
      tpu.vector_store %arg14[%swap3A_976, %swap3A_977], %add3A_972 {strides = array<i32>} : memref<32x512xf32, #tpu.memory_space<vmem>>, vector<16xf32>,
      %mul3A_979 = arith.mulf %div3A_867, %gather3A_231 : vector<16xf32>
      %add3A_980 = arith.addf %mul3A_979, %gather3A_615 : vector<16xf32>
      %mul3A_981 = arith.constant 16 : i32
      %mul3A_982 = arith.muli %scan3A_860, %mul3A_981 : i32
      %swap3A_983 = arith.constant 14 : i32
      %swap3A_984 = arith.index_cast %swap3A_983 : i32 to index
      %swap3A_985 = arith.index_cast %mul3A_982 : i32 to index
      %swap3A_986 = tpu.vector_load %arg14[%swap3A_984, %swap3A_985] {strides = array<i32>} : memref<32x512xf32, #tpu.memory_space<vmem>>, vector<16xf32>,
      tpu.vector_store %arg14[%swap3A_984, %swap3A_985], %add3A_980 {strides = array<i32>} : memref<32x512xf32, #tpu.memory_space<vmem>>, vector<16xf32>,
      %mul3A_987 = arith.mulf %div3A_867, %gather3A_243 : vector<16xf32>
      %add3A_988 = arith.addf %mul3A_987, %gather3A_627 : vector<16xf32>
      %mul3A_989 = arith.constant 16 : i32
      %mul3A_990 = arith.muli %scan3A_860, %mul3A_989 : i32
      %swap3A_991 = arith.constant 15 : i32
      %swap3A_992 = arith.index_cast %swap3A_991 : i32 to index
      %swap3A_993 = arith.index_cast %mul3A_990 : i32 to index
      %swap3A_994 = tpu.vector_load %arg14[%swap3A_992, %swap3A_993] {strides = array<i32>} : memref<32x512xf32, #tpu.memory_space<vmem>>, vector<16xf32>,
      tpu.vector_store %arg14[%swap3A_992, %swap3A_993], %add3A_988 {strides = array<i32>} : memref<32x512xf32, #tpu.memory_space<vmem>>, vector<16xf32>,
      %mul3A_995 = arith.mulf %div3A_867, %gather3A_255 : vector<16xf32>
      %add3A_996 = arith.addf %mul3A_995, %gather3A_639 : vector<16xf32>
      %mul3A_997 = arith.constant 16 : i32
      %mul3A_998 = arith.muli %scan3A_860, %mul3A_997 : i32
      %swap3A_999 = arith.constant 16 : i32
      %swap3A_1000 = arith.index_cast %swap3A_999 : i32 to index
      %swap3A_1001 = arith.index_cast %mul3A_998 : i32 to index
      %swap3A_1002 = tpu.vector_load %arg14[%swap3A_1000, %swap3A_1001] {strides = array<i32>} : memref<32x512xf32, #tpu.memory_space<vmem>>, vector<16xf32>,
      tpu.vector_store %arg14[%swap3A_1000, %swap3A_1001], %add3A_996 {strides = array<i32>} : memref<32x512xf32, #tpu.memory_space<vmem>>, vector<16xf32>,
      %mul3A_1003 = arith.mulf %div3A_867, %gather3A_267 : vector<16xf32>
      %add3A_1004 = arith.addf %mul3A_1003, %gather3A_651 : vector<16xf32>
      %mul3A_1005 = arith.constant 16 : i32
      %mul3A_1006 = arith.muli %scan3A_860, %mul3A_1005 : i32
      %swap3A_1007 = arith.constant 17 : i32
      %swap3A_1008 = arith.index_cast %swap3A_1007 : i32 to index
      %swap3A_1009 = arith.index_cast %mul3A_1006 : i32 to index
      %swap3A_1010 = tpu.vector_load %arg14[%swap3A_1008, %swap3A_1009] {strides = array<i32>} : memref<32x512xf32, #tpu.memory_space<vmem>>, vector<16xf32>,
      tpu.vector_store %arg14[%swap3A_1008, %swap3A_1009], %add3A_1004 {strides = array<i32>} : memref<32x512xf32, #tpu.memory_space<vmem>>, vector<16xf32>,
      %mul3A_1011 = arith.mulf %div3A_867, %gather3A_279 : vector<16xf32>
      %add3A_1012 = arith.addf %mul3A_1011, %gather3A_663 : vector<16xf32>
      %mul3A_1013 = arith.constant 16 : i32
      %mul3A_1014 = arith.muli %scan3A_860, %mul3A_1013 : i32
      %swap3A_1015 = arith.constant 18 : i32
      %swap3A_1016 = arith.index_cast %swap3A_1015 : i32 to index
      %swap3A_1017 = arith.index_cast %mul3A_1014 : i32 to index
      %swap3A_1018 = tpu.vector_load %arg14[%swap3A_1016, %swap3A_1017] {strides = array<i32>} : memref<32x512xf32, #tpu.memory_space<vmem>>, vector<16xf32>,
      tpu.vector_store %arg14[%swap3A_1016, %swap3A_1017], %add3A_1012 {strides = array<i32>} : memref<32x512xf32, #tpu.memory_space<vmem>>, vector<16xf32>,
      %mul3A_1019 = arith.mulf %div3A_867, %gather3A_291 : vector<16xf32>
      %add3A_1020 = arith.addf %mul3A_1019, %gather3A_675 : vector<16xf32>
      %mul3A_1021 = arith.constant 16 : i32
      %mul3A_1022 = arith.muli %scan3A_860, %mul3A_1021 : i32
      %swap3A_1023 = arith.constant 19 : i32
      %swap3A_1024 = arith.index_cast %swap3A_1023 : i32 to index
      %swap3A_1025 = arith.index_cast %mul3A_1022 : i32 to index
      %swap3A_1026 = tpu.vector_load %arg14[%swap3A_1024, %swap3A_1025] {strides = array<i32>} : memref<32x512xf32, #tpu.memory_space<vmem>>, vector<16xf32>,
      tpu.vector_store %arg14[%swap3A_1024, %swap3A_1025], %add3A_1020 {strides = array<i32>} : memref<32x512xf32, #tpu.memory_space<vmem>>, vector<16xf32>,
      %mul3A_1027 = arith.mulf %div3A_867, %gather3A_303 : vector<16xf32>
      %add3A_1028 = arith.addf %mul3A_1027, %gather3A_687 : vector<16xf32>
      %mul3A_1029 = arith.constant 16 : i32
      %mul3A_1030 = arith.muli %scan3A_860, %mul3A_1029 : i32
      %swap3A_1031 = arith.constant 20 : i32
      %swap3A_1032 = arith.index_cast %swap3A_1031 : i32 to index
      %swap3A_1033 = arith.index_cast %mul3A_1030 : i32 to index
      %swap3A_1034 = tpu.vector_load %arg14[%swap3A_1032, %swap3A_1033] {strides = array<i32>} : memref<32x512xf32, #tpu.memory_space<vmem>>, vector<16xf32>,
      tpu.vector_store %arg14[%swap3A_1032, %swap3A_1033], %add3A_1028 {strides = array<i32>} : memref<32x512xf32, #tpu.memory_space<vmem>>, vector<16xf32>,
      %mul3A_1035 = arith.mulf %div3A_867, %gather3A_315 : vector<16xf32>
      %add3A_1036 = arith.addf %mul3A_1035, %gather3A_699 : vector<16xf32>
      %mul3A_1037 = arith.constant 16 : i32
      %mul3A_1038 = arith.muli %scan3A_860, %mul3A_1037 : i32
      %swap3A_1039 = arith.constant 21 : i32
      %swap3A_1040 = arith.index_cast %swap3A_1039 : i32 to index
      %swap3A_1041 = arith.index_cast %mul3A_1038 : i32 to index
      %swap3A_1042 = tpu.vector_load %arg14[%swap3A_1040, %swap3A_1041] {strides = array<i32>} : memref<32x512xf32, #tpu.memory_space<vmem>>, vector<16xf32>,
      tpu.vector_store %arg14[%swap3A_1040, %swap3A_1041], %add3A_1036 {strides = array<i32>} : memref<32x512xf32, #tpu.memory_space<vmem>>, vector<16xf32>,
      %mul3A_1043 = arith.mulf %div3A_867, %gather3A_327 : vector<16xf32>
      %add3A_1044 = arith.addf %mul3A_1043, %gather3A_711 : vector<16xf32>
      %mul3A_1045 = arith.constant 16 : i32
      %mul3A_1046 = arith.muli %scan3A_860, %mul3A_1045 : i32
      %swap3A_1047 = arith.constant 22 : i32
      %swap3A_1048 = arith.index_cast %swap3A_1047 : i32 to index
      %swap3A_1049 = arith.index_cast %mul3A_1046 : i32 to index
      %swap3A_1050 = tpu.vector_load %arg14[%swap3A_1048, %swap3A_1049] {strides = array<i32>} : memref<32x512xf32, #tpu.memory_space<vmem>>, vector<16xf32>,
      tpu.vector_store %arg14[%swap3A_1048, %swap3A_1049], %add3A_1044 {strides = array<i32>} : memref<32x512xf32, #tpu.memory_space<vmem>>, vector<16xf32>,
      %mul3A_1051 = arith.mulf %div3A_867, %gather3A_339 : vector<16xf32>
      %add3A_1052 = arith.addf %mul3A_1051, %gather3A_723 : vector<16xf32>
      %mul3A_1053 = arith.constant 16 : i32
      %mul3A_1054 = arith.muli %scan3A_860, %mul3A_1053 : i32
      %swap3A_1055 = arith.constant 23 : i32
      %swap3A_1056 = arith.index_cast %swap3A_1055 : i32 to index
      %swap3A_1057 = arith.index_cast %mul3A_1054 : i32 to index
      %swap3A_1058 = tpu.vector_load %arg14[%swap3A_1056, %swap3A_1057] {strides = array<i32>} : memref<32x512xf32, #tpu.memory_space<vmem>>, vector<16xf32>,
      tpu.vector_store %arg14[%swap3A_1056, %swap3A_1057], %add3A_1052 {strides = array<i32>} : memref<32x512xf32, #tpu.memory_space<vmem>>, vector<16xf32>,
      %mul3A_1059 = arith.mulf %div3A_867, %gather3A_351 : vector<16xf32>
      %add3A_1060 = arith.addf %mul3A_1059, %gather3A_735 : vector<16xf32>
      %mul3A_1061 = arith.constant 16 : i32
      %mul3A_1062 = arith.muli %scan3A_860, %mul3A_1061 : i32
      %swap3A_1063 = arith.constant 24 : i32
      %swap3A_1064 = arith.index_cast %swap3A_1063 : i32 to index
      %swap3A_1065 = arith.index_cast %mul3A_1062 : i32 to index
      %swap3A_1066 = tpu.vector_load %arg14[%swap3A_1064, %swap3A_1065] {strides = array<i32>} : memref<32x512xf32, #tpu.memory_space<vmem>>, vector<16xf32>,
      tpu.vector_store %arg14[%swap3A_1064, %swap3A_1065], %add3A_1060 {strides = array<i32>} : memref<32x512xf32, #tpu.memory_space<vmem>>, vector<16xf32>,
      %mul3A_1067 = arith.mulf %div3A_867, %gather3A_363 : vector<16xf32>
      %add3A_1068 = arith.addf %mul3A_1067, %gather3A_747 : vector<16xf32>
      %mul3A_1069 = arith.constant 16 : i32
      %mul3A_1070 = arith.muli %scan3A_860, %mul3A_1069 : i32
      %swap3A_1071 = arith.constant 25 : i32
      %swap3A_1072 = arith.index_cast %swap3A_1071 : i32 to index
      %swap3A_1073 = arith.index_cast %mul3A_1070 : i32 to index
      %swap3A_1074 = tpu.vector_load %arg14[%swap3A_1072, %swap3A_1073] {strides = array<i32>} : memref<32x512xf32, #tpu.memory_space<vmem>>, vector<16xf32>,
      tpu.vector_store %arg14[%swap3A_1072, %swap3A_1073], %add3A_1068 {strides = array<i32>} : memref<32x512xf32, #tpu.memory_space<vmem>>, vector<16xf32>,
      %mul3A_1075 = arith.mulf %div3A_867, %gather3A_375 : vector<16xf32>
      %add3A_1076 = arith.addf %mul3A_1075, %gather3A_759 : vector<16xf32>
      %mul3A_1077 = arith.constant 16 : i32
      %mul3A_1078 = arith.muli %scan3A_860, %mul3A_1077 : i32
      %swap3A_1079 = arith.constant 26 : i32
      %swap3A_1080 = arith.index_cast %swap3A_1079 : i32 to index
      %swap3A_1081 = arith.index_cast %mul3A_1078 : i32 to index
      %swap3A_1082 = tpu.vector_load %arg14[%swap3A_1080, %swap3A_1081] {strides = array<i32>} : memref<32x512xf32, #tpu.memory_space<vmem>>, vector<16xf32>,
      tpu.vector_store %arg14[%swap3A_1080, %swap3A_1081], %add3A_1076 {strides = array<i32>} : memref<32x512xf32, #tpu.memory_space<vmem>>, vector<16xf32>,
      %mul3A_1083 = arith.mulf %div3A_867, %gather3A_387 : vector<16xf32>
      %add3A_1084 = arith.addf %mul3A_1083, %gather3A_771 : vector<16xf32>
      %mul3A_1085 = arith.constant 16 : i32
      %mul3A_1086 = arith.muli %scan3A_860, %mul3A_1085 : i32
      %swap3A_1087 = arith.constant 27 : i32
      %swap3A_1088 = arith.index_cast %swap3A_1087 : i32 to index
      %swap3A_1089 = arith.index_cast %mul3A_1086 : i32 to index
      %swap3A_1090 = tpu.vector_load %arg14[%swap3A_1088, %swap3A_1089] {strides = array<i32>} : memref<32x512xf32, #tpu.memory_space<vmem>>, vector<16xf32>,
      tpu.vector_store %arg14[%swap3A_1088, %swap3A_1089], %add3A_1084 {strides = array<i32>} : memref<32x512xf32, #tpu.memory_space<vmem>>, vector<16xf32>,
      %mul3A_1091 = arith.mulf %div3A_867, %gather3A_399 : vector<16xf32>
      %add3A_1092 = arith.addf %mul3A_1091, %gather3A_783 : vector<16xf32>
      %mul3A_1093 = arith.constant 16 : i32
      %mul3A_1094 = arith.muli %scan3A_860, %mul3A_1093 : i32
      %swap3A_1095 = arith.constant 28 : i32
      %swap3A_1096 = arith.index_cast %swap3A_1095 : i32 to index
      %swap3A_1097 = arith.index_cast %mul3A_1094 : i32 to index
      %swap3A_1098 = tpu.vector_load %arg14[%swap3A_1096, %swap3A_1097] {strides = array<i32>} : memref<32x512xf32, #tpu.memory_space<vmem>>, vector<16xf32>,
      tpu.vector_store %arg14[%swap3A_1096, %swap3A_1097], %add3A_1092 {strides = array<i32>} : memref<32x512xf32, #tpu.memory_space<vmem>>, vector<16xf32>,
      %mul3A_1099 = arith.mulf %div3A_867, %gather3A_411 : vector<16xf32>
      %add3A_1100 = arith.addf %mul3A_1099, %gather3A_795 : vector<16xf32>
      %mul3A_1101 = arith.constant 16 : i32
      %mul3A_1102 = arith.muli %scan3A_860, %mul3A_1101 : i32
      %swap3A_1103 = arith.constant 29 : i32
      %swap3A_1104 = arith.index_cast %swap3A_1103 : i32 to index
      %swap3A_1105 = arith.index_cast %mul3A_1102 : i32 to index
      %swap3A_1106 = tpu.vector_load %arg14[%swap3A_1104, %swap3A_1105] {strides = array<i32>} : memref<32x512xf32, #tpu.memory_space<vmem>>, vector<16xf32>,
      tpu.vector_store %arg14[%swap3A_1104, %swap3A_1105], %add3A_1100 {strides = array<i32>} : memref<32x512xf32, #tpu.memory_space<vmem>>, vector<16xf32>,
      %mul3A_1107 = arith.mulf %div3A_867, %gather3A_423 : vector<16xf32>
      %add3A_1108 = arith.addf %mul3A_1107, %gather3A_807 : vector<16xf32>
      %mul3A_1109 = arith.constant 16 : i32
      %mul3A_1110 = arith.muli %scan3A_860, %mul3A_1109 : i32
      %swap3A_1111 = arith.constant 30 : i32
      %swap3A_1112 = arith.index_cast %swap3A_1111 : i32 to index
      %swap3A_1113 = arith.index_cast %mul3A_1110 : i32 to index
      %swap3A_1114 = tpu.vector_load %arg14[%swap3A_1112, %swap3A_1113] {strides = array<i32>} : memref<32x512xf32, #tpu.memory_space<vmem>>, vector<16xf32>,
      tpu.vector_store %arg14[%swap3A_1112, %swap3A_1113], %add3A_1108 {strides = array<i32>} : memref<32x512xf32, #tpu.memory_space<vmem>>, vector<16xf32>,
      %mul3A_1115 = arith.mulf %div3A_867, %gather3A_435 : vector<16xf32>
      %add3A_1116 = arith.addf %mul3A_1115, %gather3A_819 : vector<16xf32>
      %mul3A_1117 = arith.constant 16 : i32
      %mul3A_1118 = arith.muli %scan3A_860, %mul3A_1117 : i32
      %swap3A_1119 = arith.constant 31 : i32
      %swap3A_1120 = arith.index_cast %swap3A_1119 : i32 to index
      %swap3A_1121 = arith.index_cast %mul3A_1118 : i32 to index
      %swap3A_1122 = tpu.vector_load %arg14[%swap3A_1120, %swap3A_1121] {strides = array<i32>} : memref<32x512xf32, #tpu.memory_space<vmem>>, vector<16xf32>,
      tpu.vector_store %arg14[%swap3A_1120, %swap3A_1121], %add3A_1116 {strides = array<i32>} : memref<32x512xf32, #tpu.memory_space<vmem>>, vector<16xf32>,
      %scan3A_1123 = arith.constant 0 : i32
      scf.yield %scan3A_1123 : i32
    }
    %scan3A_826 = arith.constant 32 : i32
    %dma_start3A_827 = arith.constant 3456 : i32
    %dma_start3A_828 = tpu.memref_slice %arg7[%dma_start3A_827, %mul3A_2] : memref<3488x16384xf32, #tpu.memory_space<hbm>> -> memref<32x512xf32, #tpu.memory_space<hbm>>
    %dma_start3A_829 = arith.constant 3456 : i32
    %dma_start3A_830 = tpu.memref_slice %arg7[%dma_start3A_829, %mul3A_2] : memref<3488x16384xf32, #tpu.memory_space<hbm>> -> memref<32x512xf32, #tpu.memory_space<hbm>>
    tpu.enqueue_dma source(%arg14 : memref<32x512xf32, #tpu.memory_space<vmem>>) target(%dma_start3A_830 : memref<32x512xf32, #tpu.memory_space<hbm>>) target_semaphore(%arg17 : memref<!tpu.dma_semaphore, #tpu.memory_space<semaphore_mem>>)
    %dma_wait3A = arith.constant 0 : i32
    %dma_wait3A_831 = arith.constant 0 : i32
    %dma_wait3A_832 = arith.constant 0 : i32
    %dma_wait3A_833 = tpu.memref_slice %arg13[%dma_wait3A, %dma_wait3A_831, %dma_wait3A_832] : memref<2x64x512xf32, #tpu.memory_space<vmem>> -> memref<1x64x512xf32, #tpu.memory_space<vmem>>
    %dma_wait3A_834 = tpu.memref_squeeze %dma_wait3A_833 : memref<1x64x512xf32, #tpu.memory_space<vmem>> -> memref<64x512xf32, #tpu.memory_space<vmem>>
    %dma_wait3A_835 = arith.constant 0 : i32
    %dma_wait3A_836 = tpu.memref_slice %arg7[%dma_wait3A_835, %mul3A_2] : memref<3488x16384xf32, #tpu.memory_space<hbm>> -> memref<64x512xf32, #tpu.memory_space<hbm>>
    %dma_wait3A_837 = arith.constant 0 : i32
    %dma_wait3A_838 = tpu.memref_slice %arg7[%dma_wait3A_837, %mul3A_2] : memref<3488x16384xf32, #tpu.memory_space<hbm>> -> memref<64x512xf32, #tpu.memory_space<hbm>>
    %dma_wait3A_839 = arith.constant 0 : i32
    %dma_wait3A_840 = arith.constant 0 : i32
    %dma_wait3A_841 = tpu.memref_slice %arg13[%dma_wait3A, %dma_wait3A_839, %dma_wait3A_840] : memref<2x64x512xf32, #tpu.memory_space<vmem>> -> memref<1x64x512xf32, #tpu.memory_space<vmem>>
    %dma_wait3A_842 = tpu.memref_squeeze %dma_wait3A_841 : memref<1x64x512xf32, #tpu.memory_space<vmem>> -> memref<64x512xf32, #tpu.memory_space<vmem>>
    tpu.wait_dma2 semaphore(%arg15 : memref<!tpu.dma_semaphore, #tpu.memory_space<semaphore_mem>>) src(%dma_wait3A_842 : memref<64x512xf32, #tpu.memory_space<vmem>>) dst(%dma_wait3A_838 : memref<64x512xf32, #tpu.memory_space<hbm>>)
    %dma_wait3A_843 = arith.constant 1 : i32
    %dma_wait3A_844 = arith.constant 0 : i32
    %dma_wait3A_845 = arith.constant 0 : i32
    %dma_wait3A_846 = tpu.memref_slice %arg13[%dma_wait3A_843, %dma_wait3A_844, %dma_wait3A_845] : memref<2x64x512xf32, #tpu.memory_space<vmem>> -> memref<1x64x512xf32, #tpu.memory_space<vmem>>
    %dma_wait3A_847 = tpu.memref_squeeze %dma_wait3A_846 : memref<1x64x512xf32, #tpu.memory_space<vmem>> -> memref<64x512xf32, #tpu.memory_space<vmem>>
    %dma_wait3A_848 = arith.constant 0 : i32
    %dma_wait3A_849 = tpu.memref_slice %arg7[%dma_wait3A_848, %mul3A_2] : memref<3488x16384xf32, #tpu.memory_space<hbm>> -> memref<64x512xf32, #tpu.memory_space<hbm>>
    %dma_wait3A_850 = arith.constant 0 : i32
    %dma_wait3A_851 = tpu.memref_slice %arg7[%dma_wait3A_850, %mul3A_2] : memref<3488x16384xf32, #tpu.memory_space<hbm>> -> memref<64x512xf32, #tpu.memory_space<hbm>>
    %dma_wait3A_852 = arith.constant 0 : i32
    %dma_wait3A_853 = arith.constant 0 : i32
    %dma_wait3A_854 = tpu.memref_slice %arg13[%dma_wait3A_843, %dma_wait3A_852, %dma_wait3A_853] : memref<2x64x512xf32, #tpu.memory_space<vmem>> -> memref<1x64x512xf32, #tpu.memory_space<vmem>>
    %dma_wait3A_855 = tpu.memref_squeeze %dma_wait3A_854 : memref<1x64x512xf32, #tpu.memory_space<vmem>> -> memref<64x512xf32, #tpu.memory_space<vmem>>
    tpu.wait_dma2 semaphore(%arg16 : memref<!tpu.dma_semaphore, #tpu.memory_space<semaphore_mem>>) src(%dma_wait3A_855 : memref<64x512xf32, #tpu.memory_space<vmem>>) dst(%dma_wait3A_851 : memref<64x512xf32, #tpu.memory_space<hbm>>)
    %dma_wait3A_856 = arith.constant 3456 : i32
    %dma_wait3A_857 = tpu.memref_slice %arg7[%dma_wait3A_856, %mul3A_2] : memref<3488x16384xf32, #tpu.memory_space<hbm>> -> memref<32x512xf32, #tpu.memory_space<hbm>>
    %dma_wait3A_858 = arith.constant 3456 : i32
    %dma_wait3A_859 = tpu.memref_slice %arg7[%dma_wait3A_858, %mul3A_2] : memref<3488x16384xf32, #tpu.memory_space<hbm>> -> memref<32x512xf32, #tpu.memory_space<hbm>>
    tpu.wait_dma2 semaphore(%arg17 : memref<!tpu.dma_semaphore, #tpu.memory_space<semaphore_mem>>) src(%arg14 : memref<32x512xf32, #tpu.memory_space<vmem>>) dst(%dma_wait3A_859 : memref<32x512xf32, #tpu.memory_space<hbm>>)
    return
  }
}

</mosaic_0001>

<sc_bundles>
// kernel: kernel.3.cloned.1.call-start
scs
__scs_entry_jumppad:
0x0: {  	(pc) =	sbr.rel $0x88, $3  }
0x1: {  	(tag) =	ssettag $0x0;
	lr =	simm.s32 $0x1  }
0x2: {  	[smem:$0x3F9C] =	sst lr;
	_ =	strace $0xD0000000  }
0x3: {  	_ = 	snop  }
0x4: {  	_ = 	snop  }
0x5: {  	_ = 	snop  }
0x6: {  	_ = 	snop  }
0x7: {  	_ = 	snop  }
__scs_overlays_trampoline_lowered:
0x8: {  	[smem:$0x3FAB] =	sst s0  }
0x9: {  	[smem:$0x3FAC] =	sst s1  }
0xa: {  	[smem:$0x3FAD] =	sst s2  }
0xb: {  	[smem:$0x3FAE] =	sst s3  }
0xc: {  	[smem:$0x3FAF] =	sst s4  }
0xd: {  	[smem:$0x3FB0] =	sst s5  }
0xe: {  	[smem:$0x3FB1] =	sst s6  }
0xf: {  	[smem:$0x3FB2] =	sst s7  }
0x10: {  	[smem:$0x3FB3] =	sst s8  }
0x11: {  	[smem:$0x3FB4] =	sst s9;
	s0 =	simm.s32 @!p0 $0x0  }
0x12: {  	s1 =	sld [smem:$0x3F9A];
	s0 =	simm.s32 @p0 $0x1  }
0x13: {  	[smem:$0x3FB5] =	sst s0;
	s0 =	simm.s32 @!p1 $0x0  }
0x14: {  	s2 =	sld [smem:$0x3F99];
	s0 =	simm.s32 @p1 $0x1  }
0x15: {  	[smem:$0x3FB6] =	sst s0;
	s0 =	simm.s32 @!p2 $0x0  }
0x16: {  	s3 =	sld [smem:$0x3FDB];
	s0 =	simm.s32 @p2 $0x1  }
0x17: {  	s4 =	simm.s32 $0x1BF5;
	[smem:$0x3FB8] =	sst s0  }
0x18: {  	s0 =	sld [smem:$0x3F9B];
	_ =	swait.ge [sflag:s4], $0x0  }
0x19: {  	s7 =	sld [smem:$0x3F9C]  }
0x1a: {  	s8 =	sadd.s32 $0xFFFFE003, lr  }
0x1b: {  	s9 =	sadd.s32 $0xFFFFFEF7, lr;
	s5 =	simm.s32 $0xFFFFFFFF;
	p2 =	slt.u32 s8, $0xFFFFF086  }
0x1c: {  	p1 =	slt.u32 s9, $0xF7A;
	s5 =	simm.s32 @!p2 $0x0  }
0x1d: {  	s5 =	simm.s32 @p1 $0x1;
	p0 =	seq.s32 s7, s2  }
0x1e: {  	s7 =	smul.u32 @!p0 $0xF7A, s2;
	p2 =	seq.s32 @!p0 s5, $0x0  }
0x1f: {  	s9 =	smul.u32 $0xF7A, s1;
	s8 =	simm.s32 @!p0 $0x1BF5;
	p2 =	por !p2, p0  }
0x20: {  	[sflag:s8] =	ssyncset.s32 @!p0 $0xFFFFF086;
	s6 =	sadd.s32 @!p0 s3, s7;
	s7 =	simm.s32 @!p0 $0x108  }
0x21: {  	s3 =	sadd.s32 s3, s9;
	s6 =	sadd.s32 @!p0 $0x88, s6;
	s7 =	simm.s32 @p2 $0x1082  }
0x22: {  	[simem:s7], [sflag:s8] =	dma.local @!p0 [hbm:s6], $0xF7A  }
0x23: {  	s9 =	sor.u32 $0xD0000000, s2;
	s6 =	simm.s32 $0x108;
	_ =	swait.ge @!p0 [sflag:s8], $0x0  }
0x24: {  	s3 =	sadd.s32 $0x88, s3;
	s6 =	simm.s32 @!p1 $0x1082;
	[sflag:s4] =	ssyncset.s32 $0xFFFFF086  }
0x25: {  	[simem:s6], [sflag:s4] =	dma.local [hbm:s3], $0xF7A  }
0x26: {  	[smem:$0x3F9C] =	sst s1;
	(tag) =	ssettag s2;
	_ =	strace s9  }
0x27: {  	s1 =	sld [smem:$0x3FAC]  }
0x28: {  	s2 =	sld [smem:$0x3FAD]  }
0x29: {  	s4 =	sld [smem:$0x3FAF]  }
0x2a: {  	p0 =	seq.s32 s5, $0x0;
	s5 =	sld [smem:$0x3FB0]  }
0x2b: {  	s6 =	sld [smem:$0x3FB1]  }
0x2c: {  	s7 =	sld [smem:$0x3FB2]  }
0x2d: {  	s3 =	simm.s32 $0x108;
	s8 =	sld [smem:$0x3FB3]  }
0x2e: {  	s3 =	simm.s32 @!p0 $0x1082;
	s9 =	sld [smem:$0x3FB4]  }
0x2f: {  	lr =	sadd.s32 s0, s3;
	s0 =	sld [smem:$0x3FAB]  }
0x30: {  	s3 =	sld [smem:$0x3FAE]  }
0x31: {  	[smem:$0x3FB7] =	sst s10  }
0x32: {  	s10 =	sld [smem:$0x3FB5];
	_ =	sdelay $0x3  }
0x33: {  	p0 =	seq.s32 s10, $0x1;
	s10 =	sld [smem:$0x3FB7];
	_ =	sdelay $0x3  }
0x34: {  	[smem:$0x3FB7] =	sst s10  }
0x35: {  	s10 =	sld [smem:$0x3FB6];
	_ =	sdelay $0x3  }
0x36: {  	p1 =	seq.s32 s10, $0x1;
	s10 =	sld [smem:$0x3FB7];
	_ =	sdelay $0x3  }
0x37: {  	[smem:$0x3FB7] =	sst s10  }
0x38: {  	s10 =	sld [smem:$0x3FB8]  }
0x39: {  	_ = 	snop;
	(pc) =	sbr.ind lr, $3  }
0x3a: {  	_ = 	snop  }
0x3b: {  	_ = 	snop  }
0x3c: {  	p2 =	seq.s32 s10, $0x1;
	s10 =	sld [smem:$0x3FB7]  }
0x3d: {  	_ =	shalt  }
0x3e: {  	_ =	shalt  }
0x3f: {  	_ =	shalt  }
0x40: {  	_ =	shalt  }
0x41: {  	_ =	shalt  }
0x42: {  	_ =	shalt  }
0x43: {  	_ =	shalt  }
0x44: {  	_ =	shalt  }
0x45: {  	_ =	shalt  }
0x46: {  	_ =	shalt  }
0x47: {  	_ =	shalt  }
0x48: {  	_ =	shalt  }
0x49: {  	_ =	shalt  }
0x4a: {  	_ =	shalt  }
0x4b: {  	_ =	shalt  }
0x4c: {  	_ =	shalt  }
0x4d: {  	_ =	shalt  }
0x4e: {  	_ =	shalt  }
0x4f: {  	_ =	shalt  }
0x50: {  	_ =	shalt  }
0x51: {  	_ =	shalt  }
0x52: {  	_ =	shalt  }
0x53: {  	_ =	shalt  }
0x54: {  	_ =	shalt  }
0x55: {  	_ =	shalt  }
0x56: {  	_ =	shalt  }
0x57: {  	_ =	shalt  }
0x58: {  	_ =	shalt  }
0x59: {  	_ =	shalt  }
0x5a: {  	_ =	shalt  }
0x5b: {  	_ =	shalt  }
0x5c: {  	_ =	shalt  }
0x5d: {  	_ =	shalt  }
0x5e: {  	_ =	shalt  }
0x5f: {  	_ =	shalt  }
0x60: {  	_ =	shalt  }
0x61: {  	_ =	shalt  }
0x62: {  	_ =	shalt  }
0x63: {  	_ =	shalt  }
0x64: {  	_ =	shalt  }
0x65: {  	_ =	shalt  }
0x66: {  	_ =	shalt  }
0x67: {  	_ =	shalt  }
0x68: {  	_ =	shalt  }
0x69: {  	_ =	shalt  }
0x6a: {  	_ =	shalt  }
0x6b: {  	_ =	shalt  }
0x6c: {  	_ =	shalt  }
0x6d: {  	_ =	shalt  }
0x6e: {  	_ =	shalt  }
0x6f: {  	_ =	shalt  }
0x70: {  	_ =	shalt  }
0x71: {  	_ =	shalt  }
0x72: {  	_ =	shalt  }
0x73: {  	_ =	shalt  }
0x74: {  	_ =	shalt  }
0x75: {  	_ =	shalt  }
0x76: {  	_ =	shalt  }
0x77: {  	_ =	shalt  }
0x78: {  	_ =	shalt  }
0x79: {  	_ =	shalt  }
0x7a: {  	_ =	shalt  }
0x7b: {  	_ =	shalt  }
0x7c: {  	_ =	shalt  }
0x7d: {  	_ =	shalt  }
0x7e: {  	_ =	shalt  }
0x7f: {  	_ =	shalt  }
0x80: {  	_ =	shalt  }
0x81: {  	_ =	shalt  }
0x82: {  	_ =	shalt  }
0x83: {  	_ =	shalt  }
0x84: {  	_ =	shalt  }
0x85: {  	_ =	shalt  }
0x86: {  	_ =	shalt  }
0x87: {  	_ =	shalt  }
.Lfunc_end0:
.L_simem_size_0:
called_computation_lowered:
.L_overlay_start_0:
0x88: {  	s2 =	sld [smem:$0x3FD9]  }
0x89: {  	s3 =	sld [smem:$0x3FFE];
	_ =	sdelay $0x1  }
0x8a: {  	s1 =	srdreg.scid  }
0x8b: {  	s0 =	sand.u32 $0x1, s1  }
0x8c: {  	s17 =	sshll.u32 s0, $0xA;
	s2 =	sadd.s32 s3, s2  }
0x8d: {  	s2 =	sadd.s32 s2, s17  }
0x8e: {  	[smem:$0x3FC3] =	sst s2  }
0x8f: {  	_ = 	snop  }
0x90: {  	s2 =	sld [smem:$0x3FC8]  }
0x91: {  	s18 =	sld [smem:$0x3FC6]  }
0x92: {  	s4 =	sld [smem:$0x3FC5]  }
0x93: {  	s5 =	sld [smem:$0x3FD0];
	(tm) =	ssettm $0x1  }
0x94: {  	s6 =	sld [smem:$0x3FFB];
	_ =	sdelay $0x3  }
0x95: {  	_ =	strace s6  }
0x96: {  	s6 =	sld [smem:$0x3FFC];
	_ =	sdelay $0x3  }
0x97: {  	_ =	strace s6  }
0x98: {  	s6 =	sld [smem:$0x3FFD];
	_ =	sdelay $0x3  }
0x99: {  	_ =	strace s6  }
0x9a: {  	_ =	strace $0x8FFFFFFF  }
0x9b: {  	s19 =	sld [smem:$0x3FDB];
	_ =	sdelay $0x1  }
0x9c: {  	s7 =	simm.s32 $_scs_section_size  }
0x9d: {  	s8 =	simm.s32 $_size__tile_overlayer_lowered;
	s9 =	simm.s32 $_tile_overlayer_lowered  }
0x9e: {  	s22 =	simm.s32 $0x1BFF;
	s21 =	sshll.u32 s9, $0x1;
	s6 =	sadd.s32 s7, s19  }
0x9f: {  	s10 =	simm.s32 $0x0;
	s20 =	sshll.u32 s8, $0x1;
	s8 =	sadd.s32 s21, s6  }
0xa0: {  	[timem:s10], [sflag:s22] =	dma.local [hbm:s8], s20  }
0xa1: {  	_ =	swait.ge [sflag:s22], s20  }
0xa2: {  	s7 =	ssub.s32 $0x0, s20;
	[sflag:s22] =	ssyncset.done $0x0  }
0xa3: {  	[sflag:s22] =	ssyncadd.s32 s7;
	_ =	sdelay $0x1  }
0xa4: {  	s23 =	simm.s32 $0x1B8B  }
0xa5: {  	_ =	swait.ge [sflag:s23], $0x1  }
0xa6: {  	[sflag:s23] =	ssyncset.done $0x0  }
0xa7: {  	s25 =	simm.s32 $0x1B8E;
	s24 =	sld [smem:$0x3FFE];
	[sflag:s23] =	ssyncadd.s32 $0xFFFFFFFF  }
0xa8: {  	s26 =	simm.s32 $execute0_lowered;
	[smem:$0x3FD2] =	sst s25  }
0xa9: {  	s8 =	sshll.u32 s26, $0x1;
	_ =	strace $0x80000046;
	[dreg:$0x1] =	wrdreg $0xFFFFFFFF  }
0xaa: {  	s28 =	simm.s32 $_size_execute0_lowered;
	s6 =	sadd.s32 s6, s8;
	[dreg:$0x0] =	wrdreg $0x0  }
0xab: {  	s8 =	sshll.u32 s28, $0x1;
	[dreg:$0x2] =	wrdreg s6  }
0xac: {  	[dreg:$0x3] =	wrdreg s8  }
0xad: {  	[dreg:$0x4] =	wrdreg $0xC0  }
0xae: {  	_ =	task [dreg:s10], $0x5FFFF  }
0xaf: {  	[dreg:$0x1] =	wrdreg $0xFFFFFFFF  }
0xb0: {  	[dreg:$0x0] =	wrdreg $0x60  }
0xb1: {  	[dreg:$0x2] =	wrdreg s24  }
0xb2: {  	[dreg:$0x3] =	wrdreg s2  }
0xb3: {  	[dreg:$0x4] =	wrdreg s18  }
0xb4: {  	[dreg:$0x5] =	wrdreg s4  }
0xb5: {  	[dreg:$0x6] =	wrdreg s5  }
0xb6: {  	[dreg:$0x7] =	wrdreg $0x9  }
0xb7: {  	_ =	task.clear_ibuf [dreg:s10], $0x8FFFF;
	_ =	strace $0x90000046  }
0xb8: {  	s29 =	simm.s32 $0x9;
	_ =	strace $0x80000048  }
0xb9: {  	_ =	swait.ge [sflag:s29], $0x1  }
0xba: {  	[sflag:s29] =	ssyncadd.s32 $0xFFFFFFFF  }
0xbb: {  	_ =	strace $0x90000048  }
0xbc: {  	_ =	sfence  }
0xbd: {  	s30 =	sld [smem:$0x0];
	_ =	sdelay $0x2  }
0xbe: {  	s31 =	sshll.u32 s1, $0xD;
	s1 =	sshrl.u32 s1, $0x2  }
0xbf: {  	s3 =	sand.u32 $0x4000, s31;
	s1 =	sadd.s32 s1, s30  }
0xc0: {  	s0 =	sor.u32 s3, s0;
	s1 =	sshll.u32 s1, $0x11  }
0xc1: {  	s0 =	sor.u32 s1, s0  }
0xc2: {  	s0 =	sadd.s32 $0x8F2B, s0  }
0xc3: {  	[sflag:s0] =	ssyncadd.remote.s32 $0x1  }
0xc4: {  	_ =	sfence.sel $0xFFFF  }
0xc5: {  	[dreg:$0x0] =	wrdreg $0xFFFFFFFF;
	(pc) =	sbr.abs _section_cstart, $3  }
0xc6: {  	[dreg:$0x1] =	wrdreg $0xFFFFFFFF  }
0xc7: {  	_ =	task.clear_ibuf [dreg:s10], $0x2FFFF;
	_ =	strace $0x9FFFFFFF  }
0xc8: {  	(tm) =	ssettm $0x7FFFFFFF  }
0xc9: {  	_ =	shalt  }
tec
execute0_lowered:
.L_overlay_start_1:
0x0: {  	(tag) =	ssettag $0x1  }
0x1: {  	s5 =	rddreg [dreg:$0x0]  }
0x2: {  	s0 =	rddreg [dreg:$0x1];
	s3 =	simm.s32 $0x0;
	v1 =	vlaneseq.u32  }
0x3: {  	[smem:$0x7FF] =	sst s3;
	v37 =	vor.u32 $0x140, v1  }
0x4: {  	s4 =	rddreg [dreg:$0x4];
	v39 =	vor.u32 $0x160, v1;
	_ =	strace $0x80000047;
	[tilespmem:$0x1FE00] =	vst v37  }
0x5: {  	v41 =	vor.u32 $0x170, v1;
	[tilespmem:$0x1FE10] =	vst v39  }
0x6: {  	v43 =	vor.u32 $0x190, v1;
	[tilespmem:$0x1FE20] =	vst v41  }
0x7: {  	v45 =	vor.u32 $0x1B0, v1;
	[tilespmem:$0x1FE30] =	vst v43  }
0x8: {  	v47 =	vor.u32 $0x1D0, v1;
	[tilespmem:$0x1FE40] =	vst v45  }
0x9: {  	v49 =	vor.u32 $0x1F0, v1;
	[tilespmem:$0x1FE50] =	vst v47  }
0xa: {  	v51 =	vor.u32 $0x210, v1;
	[tilespmem:$0x1FE60] =	vst v49  }
0xb: {  	v53 =	vor.u32 $0x230, v1;
	[tilespmem:$0x1FE70] =	vst v51  }
0xc: {  	v55 =	vor.u32 $0x250, v1;
	[tilespmem:$0x1FE80] =	vst v53  }
0xd: {  	v57 =	vor.u32 $0x270, v1;
	[tilespmem:$0x1FE90] =	vst v55  }
0xe: {  	v59 =	vor.u32 $0x290, v1;
	[tilespmem:$0x1FEA0] =	vst v57  }
0xf: {  	v61 =	vor.u32 $0x2B0, v1;
	[tilespmem:$0x1FEB0] =	vst v59  }
0x10: {  	v19 =	vor.u32 $0x2D0, v1;
	[tilespmem:$0x1FEC0] =	vst v61  }
0x11: {  	v13 =	vor.u32 $0x2E0, v1;
	[tilespmem:$0x1FED0] =	vst v19  }
0x12: {  	v6 =	vor.u32 $0x2F0, v1;
	[tilespmem:$0x1FEE0] =	vst v13  }
0x13: {  	v7 =	vor.u32 $0x300, v1;
	[tilespmem:$0x1FEF0] =	vst v6  }
0x14: {  	v12 =	vor.u32 $0x310, v1;
	[tilespmem:$0x1FF00] =	vst v7  }
0x15: {  	v11 =	vor.u32 $0x320, v1;
	[tilespmem:$0x1FF10] =	vst v12  }
0x16: {  	v15 =	vor.u32 $0x330, v1;
	[tilespmem:$0x1FF20] =	vst v11  }
0x17: {  	v8 =	vor.u32 $0x340, v1;
	[tilespmem:$0x1FF30] =	vst v15  }
0x18: {  	v14 =	vor.u32 $0x360, v1;
	[tilespmem:$0x1FF40] =	vst v8  }
0x19: {  	v10 =	vor.u32 $0x370, v1;
	[tilespmem:$0x1FF50] =	vst v14  }
0x1a: {  	v16 =	vor.u32 $0x380, v1;
	[tilespmem:$0x1FF60] =	vst v10  }
0x1b: {  	v2 =	vor.u32 $0x390, v1;
	[tilespmem:$0x1FF70] =	vst v16  }
0x1c: {  	v5 =	vor.u32 $0x3A0, v1;
	[tilespmem:$0x1FF80] =	vst v2  }
0x1d: {  	v3 =	vor.u32 $0x3B0, v1;
	[tilespmem:$0x1FF90] =	vst v5  }
0x1e: {  	v63 =	vor.u32 $0x3C0, v1;
	[tilespmem:$0x1FFA0] =	vst v3  }
0x1f: {  	v4 =	vor.u32 $0x3D0, v1;
	[tilespmem:$0x1FFB0] =	vst v63  }
0x20: {  	v0 =	vimm.f32 $2.000000000e+02;
	v9 =	vor.u32 $0x350, v1;
	[tilespmem:$0x1FFC0] =	vst v4  }
0x21: {  	[tilespmem:$0x1FFF0] =	vst v9;
	(erf) = vrcp.f32 v0;
	v0 =	vor.u32 $0x10, v1  }
0x22: {  	[tilespmem:$0x1FC10] =	vst v0;
	v0 =	vor.u32 $0x20, v1  }
0x23: {  	[tilespmem:$0x1FC20] =	vst v0;
	v0 =	vor.u32 $0x30, v1  }
0x24: {  	[tilespmem:$0x1FC30] =	vst v0;
	v0 =	vor.u32 $0x40, v1  }
0x25: {  	[tilespmem:$0x1FC40] =	vst v0;
	v0 =	vor.u32 $0x50, v1  }
0x26: {  	[tilespmem:$0x1FC50] =	vst v0;
	v0 =	vor.u32 $0x60, v1  }
0x27: {  	[tilespmem:$0x1FC60] =	vst v0;
	v0 =	vor.u32 $0x70, v1  }
0x28: {  	[tilespmem:$0x1FC70] =	vst v0;
	v0 =	vor.u32 $0x80, v1  }
0x29: {  	[tilespmem:$0x1FC80] =	vst v0;
	v0 =	vor.u32 $0x90, v1  }
0x2a: {  	[tilespmem:$0x1FC90] =	vst v0;
	v0 =	vor.u32 $0xA0, v1  }
0x2b: {  	v17 =	vpop (erf);
	[tilespmem:$0x1FCA0] =	vst v0  }
0x2c: {  	v0 =	vor.u32 $0xB0, v1;
	[tilespmem:$0x1FFE0] =	vst v17  }
0x2d: {  	[tilespmem:$0x1FCB0] =	vst v0;
	v0 =	vor.u32 $0xC0, v1  }
0x2e: {  	[tilespmem:$0x1FCC0] =	vst v0;
	v0 =	vor.u32 $0xD0, v1  }
0x2f: {  	[tilespmem:$0x1FCD0] =	vst v0;
	v0 =	vor.u32 $0xE0, v1  }
0x30: {  	[tilespmem:$0x1FCE0] =	vst v0;
	v0 =	vor.u32 $0xF0, v1  }
0x31: {  	[tilespmem:$0x1FCF0] =	vst v0;
	v0 =	vor.u32 $0x100, v1  }
0x32: {  	[tilespmem:$0x1FD00] =	vst v0;
	v0 =	vor.u32 $0x110, v1  }
0x33: {  	[tilespmem:$0x1FD10] =	vst v0;
	v0 =	vor.u32 $0x120, v1  }
0x34: {  	[tilespmem:$0x1FD20] =	vst v0;
	v0 =	vor.u32 $0x130, v1  }
0x35: {  	[tilespmem:$0x1FD30] =	vst v0;
	v0 =	vor.u32 $0x150, v1  }
0x36: {  	[tilespmem:$0x1FD40] =	vst v0;
	v0 =	vor.u32 $0x180, v1  }
0x37: {  	[tilespmem:$0x1FD50] =	vst v0;
	v0 =	vor.u32 $0x1A0, v1  }
0x38: {  	s6 =	srdreg.scid;
	s1 =	stileid.u32;
	[tilespmem:$0x1FD60] =	vst v0;
	v0 =	vor.u32 $0x1C0, v1  }
0x39: {  	s12 =	simm.s32 $0x1000;
	s13 =	simm.s32 $0x20000;
	s14 =	simm.s32 $0x4;
	[tilespmem:$0x1FD70] =	vst v0;
	v0 =	vor.u32 $0x1E0, v1  }
0x3a: {  	s15 =	simm.s32 $0x7000;
	s16 =	simm.s32 $0x7200;
	s17 =	simm.s32 $0x8A00;
	[tilespmem:$0x1FD80] =	vst v0;
	v0 =	vor.u32 $0x200, v1  }
0x3b: {  	s18 =	simm.s32 $0x8A80;
	s19 =	simm.s32 $0x8B00;
	s20 =	simm.s32 $0x10B00;
	[tilespmem:$0x1FD90] =	vst v0;
	v0 =	vor.u32 $0x220, v1  }
0x3c: {  	s21 =	simm.s32 $0x1;
	s22 =	simm.s32 $0x2;
	s6 =	sand.u32 $0x1, s6;
	[tilespmem:$0x1FDA0] =	vst v0;
	v0 =	vor.u32 $0x240, v1  }
0x3d: {  	s23 =	simm.s32 $0x18B00;
	s7 =	sshll.u32 s1, $0xA;
	s8 =	sshll.u32 s6, $0x9;
	[tilespmem:$0x1FDB0] =	vst v0;
	v0 =	vor.u32 $0x260, v1  }
0x3e: {  	s24 =	simm.s32 $0x3;
	s6 =	ssub.s32 $0x2, s6;
	s7 =	sor.u32 s8, s7;
	[tilespmem:$0x1FDC0] =	vst v0;
	v0 =	vor.u32 $0x280, v1  }
0x3f: {  	s25 =	simm.s32 $0x0;
	s30 =	sshrl.u32 s6, $0x1;
	s9 =	sadd.s32 s7, s5;
	[tilespmem:$0x1FDD0] =	vst v0;
	v0 =	vor.u32 $0x2A0, v1  }
0x40: {  	s5 =	sadd.s32 $0x400, s5;
	s11 =	ssub.s32 s6, s30;
	s31 =	sshrl.u32 s7, $0x3;
	[tilespmem:$0x1FDE0] =	vst v0;
	v0 =	vor.u32 $0x2C0, v1  }
0x41: {  	s7 =	sadd.s32 s4, s7;
	s6 =	sadd.s32 $0x800, s9;
	s8 =	sadd.s32 s0, s31;
	v1 =	vor.u32 $0x3E0, v1;
	[tilespmem:$0x1FDF0] =	vst v0  }
0x42: {  	s9 =	sadd.s32 $0x20000, s7;
	s10 =	sadd.s32 $0x6C0000, s7;
	s11 =	smax.u32 s11, $0x1;
	[tilespmem:$0x1FFD0] =	vst v1  }
.LBB2_1:
0x43: {  	[tilespmem:s3], [sflag:$0x4] =	stream.strided.gather [hbm4b:s6+s12], $0x7000, s13, s12, $0x38;
	[tilespmem:$0x1CB00] =	vst v63  }
0x44: {  	_ =	swait.ge [sflag:s14], $0x7000  }
0x45: {  	[sflag:s14] =	ssyncset.done $0x0  }
0x46: {  	[sflag:s14] =	ssyncadd.s32 $0xFFFF9000  }
0x47: {  	[tilespmem:s15], [sflag:$0x4] =	stream.linear.gather [hbm4b:s8+s3], $0x200, $0x38;
	[tilespmem:$0x1CB00] =	vst v63  }
0x48: {  	_ =	swait.ge [sflag:s14], $0x200  }
0x49: {  	[sflag:s14] =	ssyncset.done $0x0  }
0x4a: {  	[sflag:s14] =	ssyncadd.s32 $0xFFFFFE00  }
0x4b: {  	[tilespmem:s16], [sflag:$0x4] =	stream.linear.gather [hbm4b:s5+s3], $0x1800, $0x38;
	[tilespmem:$0x1CB00] =	vst v63  }
0x4c: {  	_ =	swait.ge [sflag:s14], $0x1800  }
0x4d: {  	[sflag:s14] =	ssyncset.done $0x0  }
0x4e: {  	[sflag:s14] =	ssyncadd.s32 $0xFFFFE800  }
0x4f: {  	s0 =	rddreg [dreg:$0x2]  }
0x50: {  	[tilespmem:s17], [sflag:$0x4] =	stream.linear.gather [hbm4b:s0+s3], $0x80, $0x38;
	[tilespmem:$0x1CB00] =	vst v63  }
0x51: {  	_ =	swait.ge [sflag:s14], $0x80  }
0x52: {  	[sflag:s14] =	ssyncset.done $0x0  }
0x53: {  	[sflag:s14] =	ssyncadd.s32 $0xFFFFFF80  }
0x54: {  	s31 =	rddreg [dreg:$0x3]  }
0x55: {  	[tilespmem:s18], [sflag:$0x4] =	stream.linear.gather [hbm4b:s31+s3], $0x80, $0x38;
	[tilespmem:$0x1CB00] =	vst v63  }
0x56: {  	_ =	swait.ge [sflag:s14], $0x80  }
0x57: {  	v18 =	vld [tilespmem:$0x1FC20]  }
0x58: {  	v11 =	vld [tilespmem:$0x1FC10]  }
0x59: {  	v20 =	vld [tilespmem:$0x1FC30]  }
0x5a: {  	v21 =	vld [tilespmem:$0x1FC80]  }
0x5b: {  	v22 =	vld [tilespmem:$0x1FC40]  }
0x5c: {  	v23 =	vld [tilespmem:$0x1FC90]  }
0x5d: {  	v24 =	vld [tilespmem:$0x1FC50]  }
0x5e: {  	v25 =	vld [tilespmem:$0x1FCA0]  }
0x5f: {  	v26 =	vld [tilespmem:$0x1FC60]  }
0x60: {  	v27 =	vld [tilespmem:$0x1FCB0]  }
0x61: {  	v28 =	vld [tilespmem:$0x1FC70]  }
0x62: {  	v29 =	vld [tilespmem:$0x1FCC0]  }
0x63: {  	v30 =	vld [tilespmem:$0x1FCD0]  }
0x64: {  	v31 =	vld [tilespmem:$0x1FCE0]  }
0x65: {  	v32 =	vld [tilespmem:$0x1FCF0]  }
0x66: {  	v33 =	vld [tilespmem:$0x1FD00]  }
0x67: {  	v34 =	vld [tilespmem:$0x1FD10]  }
0x68: {  	v35 =	vld [tilespmem:$0x1FD20]  }
0x69: {  	v36 =	vld [tilespmem:$0x1FD30]  }
0x6a: {  	v38 =	vld [tilespmem:$0x1FD40]  }
0x6b: {  	v42 =	vld [tilespmem:$0x1FD50]  }
0x6c: {  	v44 =	vld [tilespmem:$0x1FD60]  }
0x6d: {  	v46 =	vld [tilespmem:$0x1FD70]  }
0x6e: {  	v48 =	vld [tilespmem:$0x1FD80]  }
0x6f: {  	v50 =	vld [tilespmem:$0x1FD90]  }
0x70: {  	v52 =	vld [tilespmem:$0x1FDA0]  }
0x71: {  	v54 =	vld [tilespmem:$0x1FDB0]  }
0x72: {  	v56 =	vld [tilespmem:$0x1FDC0]  }
0x73: {  	v58 =	vld [tilespmem:$0x1FDD0]  }
0x74: {  	[sflag:s14] =	ssyncset.done $0x0;
	v60 =	vld [tilespmem:$0x1FDE0]  }
0x75: {  	s26 =	simm.s32 $0x0;
	v40 =	vlaneseq.u32;
	v8 =	vmovc v63;
	v13 =	vmov v1;
	v15 =	vmov v4;
	s0 =	simm.s32 $0x0;
	v62 =	vld [tilespmem:$0x1FDF0];
	[sflag:s14] =	ssyncadd.s32 $0xFFFFFF80  }
.LBB2_2:
0x76: {  	s4 =	sand.u32 $0x70, s0;
	s28 =	sand.u32 $0xC00, s26  }
0x77: {  	s28 =	sor.u32 s4, s28  }
0x78: {  	v0 =	vld [tilespmem:s28+$0x0];
	_ =	sdelay $0x4  }
0x79: {  	v0 =	vshll.u32 v0, $0xA  }
0x7a: {  	v1 =	vor.u32 v40, v0  }
0x7b: {  	v2 =	vor.u32 v11, v0;
	_ =	sdelay $0x2  }
0x7c: {  	v3 =	vor.u32 v18, v0  }
0x7d: {  	v4 =	vor.u32 v20, v0;
	v1 =	vld.idx.msk [tilespmem:v1+s16+$0x0], $0xffff  }
0x7e: {  	v5 =	vor.u32 v22, v0;
	v2 =	vld.idx.msk [tilespmem:v2+s16+$0x0], $0xffff;
	_ =	sdelay $0x2  }
0x7f: {  	v6 =	vor.u32 v24, v0;
	v3 =	vld.idx.msk [tilespmem:v3+s16+$0x0], $0xffff  }
0x80: {  	v4 =	vld.idx.msk [tilespmem:v4+s16+$0x0], $0xffff;
	[tilespmem:s28+$0x8B00] =	vst v1;
	v1 =	vor.u32 v26, v0  }
0x81: {  	v5 =	vld.idx.msk [tilespmem:v5+s16+$0x0], $0xffff;
	[tilespmem:s28+$0x8B80] =	vst v2;
	v2 =	vor.u32 v28, v0;
	_ =	sdelay $0x2  }
0x82: {  	v6 =	vld.idx.msk [tilespmem:v6+s16+$0x0], $0xffff;
	[tilespmem:s28+$0x8C00] =	vst v3;
	v3 =	vor.u32 v21, v0  }
0x83: {  	v1 =	vld.idx.msk [tilespmem:v1+s16+$0x0], $0xffff;
	[tilespmem:s28+$0x8C80] =	vst v4;
	v4 =	vor.u32 v23, v0  }
0x84: {  	v2 =	vld.idx.msk [tilespmem:v2+s16+$0x0], $0xffff;
	[tilespmem:s28+$0x8D00] =	vst v5;
	v5 =	vor.u32 v25, v0;
	_ =	sdelay $0x2  }
0x85: {  	s31 =	sor.u32 s26, s0;
	v3 =	vld.idx.msk [tilespmem:v3+s16+$0x0], $0xffff;
	[tilespmem:s28+$0x8D80] =	vst v6;
	v6 =	vor.u32 v27, v0  }
0x86: {  	s4 =	sor.u32 $0x380, s31;
	v4 =	vld.idx.msk [tilespmem:v4+s16+$0x0], $0xffff;
	[tilespmem:s28+$0x8E00] =	vst v1;
	v1 =	vor.u32 v29, v0  }
0x87: {  	v5 =	vld.idx.msk [tilespmem:v5+s16+$0x0], $0xffff;
	[tilespmem:s4+$0x8B00] =	vst v2;
	v2 =	vor.u32 v30, v0;
	_ =	sdelay $0x2  }
0x88: {  	v6 =	vld.idx.msk [tilespmem:v6+s16+$0x0], $0xffff;
	[tilespmem:s28+$0x9B00] =	vst v3;
	v3 =	vor.u32 v31, v0  }
0x89: {  	v1 =	vld.idx.msk [tilespmem:v1+s16+$0x0], $0xffff;
	[tilespmem:s28+$0x9B80] =	vst v4;
	v4 =	vor.u32 v32, v0  }
0x8a: {  	v2 =	vld.idx.msk [tilespmem:v2+s16+$0x0], $0xffff;
	[tilespmem:s28+$0x9C00] =	vst v5;
	v5 =	vor.u32 v33, v0;
	_ =	sdelay $0x2  }
0x8b: {  	v3 =	vld.idx.msk [tilespmem:v3+s16+$0x0], $0xffff;
	[tilespmem:s28+$0x9C80] =	vst v6;
	v6 =	vor.u32 v34, v0  }
0x8c: {  	v4 =	vld.idx.msk [tilespmem:v4+s16+$0x0], $0xffff;
	[tilespmem:s28+$0x9D00] =	vst v1;
	v1 =	vor.u32 v35, v0  }
0x8d: {  	v5 =	vld.idx.msk [tilespmem:v5+s16+$0x0], $0xffff;
	[tilespmem:s28+$0x9D80] =	vst v2;
	v2 =	vor.u32 v36, v0;
	_ =	sdelay $0x2  }
0x8e: {  	v6 =	vld.idx.msk [tilespmem:v6+s16+$0x0], $0xffff;
	[tilespmem:s28+$0x9E00] =	vst v3;
	v3 =	vor.u32 v37, v0  }
0x8f: {  	v1 =	vld.idx.msk [tilespmem:v1+s16+$0x0], $0xffff;
	[tilespmem:s28+$0x9E80] =	vst v4;
	v4 =	vor.u32 v38, v0  }
0x90: {  	v2 =	vld.idx.msk [tilespmem:v2+s16+$0x0], $0xffff;
	[tilespmem:s28+$0xAB00] =	vst v5;
	v5 =	vor.u32 v39, v0;
	_ =	sdelay $0x2  }
0x91: {  	v3 =	vld.idx.msk [tilespmem:v3+s16+$0x0], $0xffff;
	[tilespmem:s28+$0xAB80] =	vst v6;
	v6 =	vor.u32 v41, v0  }
0x92: {  	v4 =	vld.idx.msk [tilespmem:v4+s16+$0x0], $0xffff;
	[tilespmem:s28+$0xAC00] =	vst v1;
	v1 =	vor.u32 v42, v0  }
0x93: {  	v5 =	vld.idx.msk [tilespmem:v5+s16+$0x0], $0xffff;
	[tilespmem:s28+$0xAC80] =	vst v2;
	v2 =	vor.u32 v43, v0;
	_ =	sdelay $0x2  }
0x94: {  	v6 =	vld.idx.msk [tilespmem:v6+s16+$0x0], $0xffff;
	[tilespmem:s28+$0xAD00] =	vst v3;
	v3 =	vor.u32 v44, v0  }
0x95: {  	v1 =	vld.idx.msk [tilespmem:v1+s16+$0x0], $0xffff;
	[tilespmem:s28+$0xAD80] =	vst v4;
	v4 =	vor.u32 v45, v0  }
0x96: {  	v2 =	vld.idx.msk [tilespmem:v2+s16+$0x0], $0xffff;
	[tilespmem:s28+$0xAE00] =	vst v5;
	v5 =	vor.u32 v46, v0;
	_ =	sdelay $0x2  }
0x97: {  	v3 =	vld.idx.msk [tilespmem:v3+s16+$0x0], $0xffff;
	[tilespmem:s28+$0xAE80] =	vst v6;
	v6 =	vor.u32 v47, v0  }
0x98: {  	v4 =	vld.idx.msk [tilespmem:v4+s16+$0x0], $0xffff;
	[tilespmem:s28+$0xBB00] =	vst v1;
	v1 =	vor.u32 v48, v0  }
0x99: {  	v5 =	vld.idx.msk [tilespmem:v5+s16+$0x0], $0xffff;
	[tilespmem:s28+$0xBB80] =	vst v2;
	v2 =	vor.u32 v49, v0;
	_ =	sdelay $0x2  }
0x9a: {  	v6 =	vld.idx.msk [tilespmem:v6+s16+$0x0], $0xffff;
	[tilespmem:s28+$0xBC00] =	vst v3;
	v3 =	vor.u32 v50, v0  }
0x9b: {  	v1 =	vld.idx.msk [tilespmem:v1+s16+$0x0], $0xffff;
	[tilespmem:s28+$0xBC80] =	vst v4;
	v4 =	vor.u32 v51, v0  }
0x9c: {  	v2 =	vld.idx.msk [tilespmem:v2+s16+$0x0], $0xffff;
	[tilespmem:s28+$0xBD00] =	vst v5;
	v5 =	vor.u32 v52, v0;
	_ =	sdelay $0x2  }
0x9d: {  	v3 =	vld.idx.msk [tilespmem:v3+s16+$0x0], $0xffff;
	[tilespmem:s28+$0xBD80] =	vst v6;
	v6 =	vor.u32 v53, v0  }
0x9e: {  	v4 =	vld.idx.msk [tilespmem:v4+s16+$0x0], $0xffff;
	[tilespmem:s28+$0xBE00] =	vst v1;
	v1 =	vor.u32 v54, v0  }
0x9f: {  	v5 =	vld.idx.msk [tilespmem:v5+s16+$0x0], $0xffff;
	[tilespmem:s28+$0xBE80] =	vst v2;
	v2 =	vor.u32 v55, v0;
	_ =	sdelay $0x2  }
0xa0: {  	v6 =	vld.idx.msk [tilespmem:v6+s16+$0x0], $0xffff;
	[tilespmem:s28+$0xCB00] =	vst v3;
	v3 =	vor.u32 v56, v0  }
0xa1: {  	v1 =	vld.idx.msk [tilespmem:v1+s16+$0x0], $0xffff;
	[tilespmem:s28+$0xCB80] =	vst v4;
	v4 =	vor.u32 v57, v0  }
0xa2: {  	v2 =	vld.idx.msk [tilespmem:v2+s16+$0x0], $0xffff;
	[tilespmem:s28+$0xCC00] =	vst v5;
	v5 =	vor.u32 v58, v0;
	_ =	sdelay $0x2  }
0xa3: {  	v3 =	vld.idx.msk [tilespmem:v3+s16+$0x0], $0xffff;
	[tilespmem:s28+$0xCC80] =	vst v6;
	v6 =	vor.u32 v59, v0  }
0xa4: {  	v4 =	vld.idx.msk [tilespmem:v4+s16+$0x0], $0xffff;
	[tilespmem:s28+$0xCD00] =	vst v1;
	v1 =	vor.u32 v60, v0  }
0xa5: {  	v5 =	vld.idx.msk [tilespmem:v5+s16+$0x0], $0xffff;
	[tilespmem:s28+$0xCD80] =	vst v2;
	v2 =	vor.u32 v61, v0;
	_ =	sdelay $0x2  }
0xa6: {  	v6 =	vld.idx.msk [tilespmem:v6+s16+$0x0], $0xffff;
	[tilespmem:s28+$0xCE00] =	vst v3  }
0xa7: {  	v1 =	vld.idx.msk [tilespmem:v1+s16+$0x0], $0xffff;
	[tilespmem:s28+$0xCE80] =	vst v4  }
0xa8: {  	v2 =	vld.idx.msk [tilespmem:v2+s16+$0x0], $0xffff  }
0xa9: {  	[tilespmem:s28+$0xDB00] =	vst v5;
	v5 =	vld [tilespmem:$0x1FEE0]  }
0xaa: {  	v3 =	vor.u32 v62, v0;
	_ =	sdelay $0x2  }
0xab: {  	v4 =	vor.u32 v19, v0  }
0xac: {  	v5 =	vor.u32 v5, v0  }
0xad: {  	v3 =	vld.idx.msk [tilespmem:v3+s16+$0x0], $0xffff  }
0xae: {  	[tilespmem:s28+$0xDB80] =	vst v6;
	v6 =	vld [tilespmem:$0x1FEF0];
	_ =	sdelay $0x1  }
0xaf: {  	v4 =	vld.idx.msk [tilespmem:v4+s16+$0x0], $0xffff;
	[tilespmem:s28+$0xDC00] =	vst v1  }
0xb0: {  	v5 =	vld.idx.msk [tilespmem:v5+s16+$0x0], $0xffff  }
0xb1: {  	[tilespmem:s28+$0xDC80] =	vst v2;
	v2 =	vld [tilespmem:$0x1FF10]  }
0xb2: {  	v6 =	vor.u32 v6, v0;
	_ =	sdelay $0x1  }
0xb3: {  	v1 =	vor.u32 v7, v0;
	_ =	sdelay $0x1  }
0xb4: {  	v2 =	vor.u32 v2, v0  }
0xb5: {  	v6 =	vld.idx.msk [tilespmem:v6+s16+$0x0], $0xffff  }
0xb6: {  	[tilespmem:s28+$0xDD00] =	vst v3;
	v3 =	vld [tilespmem:$0x1FF20]  }
0xb7: {  	v1 =	vld.idx.msk [tilespmem:v1+s16+$0x0], $0xffff  }
0xb8: {  	[tilespmem:s28+$0xDD80] =	vst v4;
	v4 =	vld [tilespmem:$0x1FF30]  }
0xb9: {  	v2 =	vld.idx.msk [tilespmem:v2+s16+$0x0], $0xffff  }
0xba: {  	[tilespmem:s28+$0xDE00] =	vst v5;
	v5 =	vld [tilespmem:$0x1FF40];
	_ =	sdelay $0x1  }
0xbb: {  	v3 =	vor.u32 v3, v0  }
0xbc: {  	v4 =	vor.u32 v4, v0;
	_ =	sdelay $0x1  }
0xbd: {  	v5 =	vor.u32 v5, v0;
	_ =	sdelay $0x1  }
0xbe: {  	v3 =	vld.idx.msk [tilespmem:v3+s16+$0x0], $0xffff;
	[tilespmem:s28+$0xDE80] =	vst v6;
	v6 =	vor.u32 v9, v0  }
0xbf: {  	v4 =	vld.idx.msk [tilespmem:v4+s16+$0x0], $0xffff;
	[tilespmem:s28+$0xEB00] =	vst v1;
	v1 =	vor.u32 v14, v0;
	_ =	sdelay $0x1  }
0xc0: {  	v5 =	vld.idx.msk [tilespmem:v5+s16+$0x0], $0xffff;
	[tilespmem:s28+$0xEB80] =	vst v2;
	v2 =	vor.u32 v10, v0;
	_ =	sdelay $0x1  }
0xc1: {  	v6 =	vld.idx.msk [tilespmem:v6+s16+$0x0], $0xffff;
	[tilespmem:s28+$0xEC00] =	vst v3;
	v3 =	vor.u32 v16, v0  }
0xc2: {  	v1 =	vld.idx.msk [tilespmem:v1+s16+$0x0], $0xffff  }
0xc3: {  	[tilespmem:s28+$0xEC80] =	vst v4;
	v4 =	vld [tilespmem:$0x1FF80]  }
0xc4: {  	v2 =	vld.idx.msk [tilespmem:v2+s16+$0x0], $0xffff  }
0xc5: {  	[tilespmem:s28+$0xED00] =	vst v5;
	v5 =	vld [tilespmem:$0x1FF90]  }
0xc6: {  	v3 =	vld.idx.msk [tilespmem:v3+s16+$0x0], $0xffff  }
0xc7: {  	[tilespmem:s28+$0xED80] =	vst v6;
	v6 =	vld [tilespmem:$0x1FFA0];
	_ =	sdelay $0x2  }
0xc8: {  	v4 =	vor.u32 v4, v0  }
0xc9: {  	v5 =	vor.u32 v5, v0  }
0xca: {  	v6 =	vor.u32 v6, v0;
	_ =	sdelay $0x2  }
0xcb: {  	v4 =	vld.idx.msk [tilespmem:v4+s16+$0x0], $0xffff;
	[tilespmem:s28+$0xEE00] =	vst v1;
	v1 =	vor.u32 v8, v0  }
0xcc: {  	v5 =	vld.idx.msk [tilespmem:v5+s16+$0x0], $0xffff;
	[tilespmem:s28+$0xEE80] =	vst v2;
	v2 =	vor.u32 v15, v0  }
0xcd: {  	v12 =	vor.u32 $0x3F0, v40;
	v6 =	vld.idx.msk [tilespmem:v6+s16+$0x0], $0xffff;
	[tilespmem:s28+$0xFB00] =	vst v3;
	v3 =	vor.u32 v13, v0  }
0xce: {  	v0 =	vor.u32 v12, v0;
	_ =	sdelay $0x1  }
0xcf: {  	v1 =	vld.idx.msk [tilespmem:v1+s16+$0x0], $0xffff;
	[tilespmem:s28+$0xFB80] =	vst v4  }
0xd0: {  	v2 =	vld.idx.msk [tilespmem:v2+s16+$0x0], $0xffff;
	[tilespmem:s28+$0xFC00] =	vst v5  }
0xd1: {  	v3 =	vld.idx.msk [tilespmem:v3+s16+$0x0], $0xffff;
	[tilespmem:s28+$0xFC80] =	vst v6  }
0xd2: {  	p0 =	sne.s32 s0, $0x1F0;
	v0 =	vld.idx.msk [tilespmem:v0+s16+$0x0], $0xffff  }
.Ltmp0:
0xd3: {  	_ = 	snop;
	(pc) =	sbr.rel @p0 .LBB2_2-.Ltmp0, $4  }
0xd4: {  	[tilespmem:s28+$0xFD00] =	vst v1  }
0xd5: {  	[tilespmem:s28+$0xFD80] =	vst v2  }
0xd6: {  	[tilespmem:s28+$0xFE00] =	vst v3  }
0xd7: {  	s26 =	sadd.s32 $0x80, s26;
	s0 =	sadd.s32 $0x10, s0;
	[tilespmem:s28+$0xFE80] =	vst v0  }
0xd8: {  	[hbm4b:s7+s12] =	stream.strided.scatter [tilespmem:s19], [sflag:$0x1], $0x8000, s13, s12, $0x38;
	[tilespmem:$0x1CB00] =	vst v63  }
0xd9: {  	s28 =	simm.s32 $0x0  }
0xda: {  	s0 =	sand.u32 $0x70, s28;
	s4 =	sand.u32 $0xC00, s28  }
0xdb: {  	s26 =	sor.u32 s0, s4  }
0xdc: {  	v0 =	vld [tilespmem:s26+$0x80];
	_ =	sdelay $0x4  }
0xdd: {  	v0 =	vshll.u32 v0, $0xA  }
0xde: {  	v1 =	vor.u32 v40, v0  }
0xdf: {  	v2 =	vor.u32 v11, v0;
	_ =	sdelay $0x2  }
0xe0: {  	v3 =	vor.u32 v18, v0  }
0xe1: {  	v4 =	vor.u32 v20, v0;
	v1 =	vld.idx.msk [tilespmem:v1+s16+$0x0], $0xffff  }
0xe2: {  	v5 =	vor.u32 v22, v0;
	v2 =	vld.idx.msk [tilespmem:v2+s16+$0x0], $0xffff;
	_ =	sdelay $0x2  }
0xe3: {  	v6 =	vor.u32 v24, v0;
	v3 =	vld.idx.msk [tilespmem:v3+s16+$0x0], $0xffff  }
0xe4: {  	v4 =	vld.idx.msk [tilespmem:v4+s16+$0x0], $0xffff;
	[tilespmem:s26+$0x10B00] =	vst v1;
	v1 =	vor.u32 v26, v0  }
0xe5: {  	v5 =	vld.idx.msk [tilespmem:v5+s16+$0x0], $0xffff;
	[tilespmem:s26+$0x10B80] =	vst v2;
	v2 =	vor.u32 v28, v0;
	_ =	sdelay $0x2  }
0xe6: {  	v6 =	vld.idx.msk [tilespmem:v6+s16+$0x0], $0xffff;
	[tilespmem:s26+$0x10C00] =	vst v3;
	v3 =	vor.u32 v21, v0  }
0xe7: {  	v1 =	vld.idx.msk [tilespmem:v1+s16+$0x0], $0xffff;
	[tilespmem:s26+$0x10C80] =	vst v4;
	v4 =	vor.u32 v23, v0  }
0xe8: {  	v2 =	vld.idx.msk [tilespmem:v2+s16+$0x0], $0xffff;
	[tilespmem:s26+$0x10D00] =	vst v5;
	v5 =	vor.u32 v25, v0;
	_ =	sdelay $0x2  }
0xe9: {  	v3 =	vld.idx.msk [tilespmem:v3+s16+$0x0], $0xffff;
	[tilespmem:s26+$0x10D80] =	vst v6;
	v6 =	vor.u32 v27, v0  }
0xea: {  	v4 =	vld.idx.msk [tilespmem:v4+s16+$0x0], $0xffff;
	[tilespmem:s26+$0x10E00] =	vst v1;
	v1 =	vor.u32 v29, v0  }
0xeb: {  	v5 =	vld.idx.msk [tilespmem:v5+s16+$0x0], $0xffff;
	[tilespmem:s26+$0x10E80] =	vst v2;
	v2 =	vor.u32 v30, v0;
	_ =	sdelay $0x2  }
0xec: {  	v6 =	vld.idx.msk [tilespmem:v6+s16+$0x0], $0xffff;
	[tilespmem:s26+$0x11B00] =	vst v3;
	v3 =	vor.u32 v31, v0  }
0xed: {  	v1 =	vld.idx.msk [tilespmem:v1+s16+$0x0], $0xffff;
	[tilespmem:s26+$0x11B80] =	vst v4;
	v4 =	vor.u32 v32, v0  }
0xee: {  	v2 =	vld.idx.msk [tilespmem:v2+s16+$0x0], $0xffff;
	[tilespmem:s26+$0x11C00] =	vst v5;
	v5 =	vor.u32 v33, v0;
	_ =	sdelay $0x2  }
0xef: {  	v3 =	vld.idx.msk [tilespmem:v3+s16+$0x0], $0xffff;
	[tilespmem:s26+$0x11C80] =	vst v6;
	v6 =	vor.u32 v34, v0  }
0xf0: {  	v4 =	vld.idx.msk [tilespmem:v4+s16+$0x0], $0xffff;
	[tilespmem:s26+$0x11D00] =	vst v1;
	v1 =	vor.u32 v35, v0  }
0xf1: {  	v5 =	vld.idx.msk [tilespmem:v5+s16+$0x0], $0xffff;
	[tilespmem:s26+$0x11D80] =	vst v2;
	v2 =	vor.u32 v36, v0;
	_ =	sdelay $0x2  }
0xf2: {  	v6 =	vld.idx.msk [tilespmem:v6+s16+$0x0], $0xffff;
	[tilespmem:s26+$0x11E00] =	vst v3;
	v3 =	vor.u32 v37, v0  }
0xf3: {  	v1 =	vld.idx.msk [tilespmem:v1+s16+$0x0], $0xffff;
	[tilespmem:s26+$0x11E80] =	vst v4;
	v4 =	vor.u32 v38, v0  }
0xf4: {  	v2 =	vld.idx.msk [tilespmem:v2+s16+$0x0], $0xffff;
	[tilespmem:s26+$0x12B00] =	vst v5;
	v5 =	vor.u32 v39, v0;
	_ =	sdelay $0x2  }
0xf5: {  	v3 =	vld.idx.msk [tilespmem:v3+s16+$0x0], $0xffff;
	[tilespmem:s26+$0x12B80] =	vst v6;
	v6 =	vor.u32 v41, v0  }
0xf6: {  	v4 =	vld.idx.msk [tilespmem:v4+s16+$0x0], $0xffff;
	[tilespmem:s26+$0x12C00] =	vst v1;
	v1 =	vor.u32 v42, v0  }
0xf7: {  	v5 =	vld.idx.msk [tilespmem:v5+s16+$0x0], $0xffff;
	[tilespmem:s26+$0x12C80] =	vst v2;
	v2 =	vor.u32 v43, v0;
	_ =	sdelay $0x2  }
0xf8: {  	v6 =	vld.idx.msk [tilespmem:v6+s16+$0x0], $0xffff;
	[tilespmem:s26+$0x12D00] =	vst v3;
	v3 =	vor.u32 v44, v0  }
0xf9: {  	v1 =	vld.idx.msk [tilespmem:v1+s16+$0x0], $0xffff;
	[tilespmem:s26+$0x12D80] =	vst v4;
	v4 =	vor.u32 v45, v0  }
0xfa: {  	v2 =	vld.idx.msk [tilespmem:v2+s16+$0x0], $0xffff;
	[tilespmem:s26+$0x12E00] =	vst v5;
	v5 =	vor.u32 v46, v0;
	_ =	sdelay $0x2  }
0xfb: {  	v3 =	vld.idx.msk [tilespmem:v3+s16+$0x0], $0xffff;
	[tilespmem:s26+$0x12E80] =	vst v6;
	v6 =	vor.u32 v47, v0  }
0xfc: {  	v4 =	vld.idx.msk [tilespmem:v4+s16+$0x0], $0xffff;
	[tilespmem:s26+$0x13B00] =	vst v1;
	v1 =	vor.u32 v48, v0  }
0xfd: {  	v5 =	vld.idx.msk [tilespmem:v5+s16+$0x0], $0xffff;
	[tilespmem:s26+$0x13B80] =	vst v2;
	v2 =	vor.u32 v49, v0;
	_ =	sdelay $0x2  }
0xfe: {  	v6 =	vld.idx.msk [tilespmem:v6+s16+$0x0], $0xffff;
	[tilespmem:s26+$0x13C00] =	vst v3;
	v3 =	vor.u32 v50, v0  }
0xff: {  	v1 =	vld.idx.msk [tilespmem:v1+s16+$0x0], $0xffff;
	[tilespmem:s26+$0x13C80] =	vst v4;
	v4 =	vor.u32 v51, v0  }
0x100: {  	v2 =	vld.idx.msk [tilespmem:v2+s16+$0x0], $0xffff;
	[tilespmem:s26+$0x13D00] =	vst v5;
	v5 =	vor.u32 v52, v0;
	_ =	sdelay $0x2  }
0x101: {  	v3 =	vld.idx.msk [tilespmem:v3+s16+$0x0], $0xffff;
	[tilespmem:s26+$0x13D80] =	vst v6;
	v6 =	vor.u32 v53, v0  }
0x102: {  	v4 =	vld.idx.msk [tilespmem:v4+s16+$0x0], $0xffff;
	[tilespmem:s26+$0x13E00] =	vst v1;
	v1 =	vor.u32 v54, v0  }
0x103: {  	v5 =	vld.idx.msk [tilespmem:v5+s16+$0x0], $0xffff;
	[tilespmem:s26+$0x13E80] =	vst v2;
	v2 =	vor.u32 v55, v0;
	_ =	sdelay $0x2  }
0x104: {  	v6 =	vld.idx.msk [tilespmem:v6+s16+$0x0], $0xffff;
	[tilespmem:s26+$0x14B00] =	vst v3;
	v3 =	vor.u32 v56, v0  }
0x105: {  	v1 =	vld.idx.msk [tilespmem:v1+s16+$0x0], $0xffff;
	[tilespmem:s26+$0x14B80] =	vst v4;
	v4 =	vor.u32 v57, v0  }
0x106: {  	v2 =	vld.idx.msk [tilespmem:v2+s16+$0x0], $0xffff;
	[tilespmem:s26+$0x14C00] =	vst v5;
	v5 =	vor.u32 v58, v0;
	_ =	sdelay $0x2  }
0x107: {  	v3 =	vld.idx.msk [tilespmem:v3+s16+$0x0], $0xffff;
	[tilespmem:s26+$0x14C80] =	vst v6;
	v6 =	vor.u32 v59, v0  }
0x108: {  	v4 =	vld.idx.msk [tilespmem:v4+s16+$0x0], $0xffff;
	[tilespmem:s26+$0x14D00] =	vst v1;
	v1 =	vor.u32 v60, v0  }
0x109: {  	v5 =	vld.idx.msk [tilespmem:v5+s16+$0x0], $0xffff;
	[tilespmem:s26+$0x14D80] =	vst v2;
	v2 =	vor.u32 v61, v0;
	_ =	sdelay $0x2  }
0x10a: {  	v6 =	vld.idx.msk [tilespmem:v6+s16+$0x0], $0xffff;
	[tilespmem:s26+$0x14E00] =	vst v3  }
0x10b: {  	v1 =	vld.idx.msk [tilespmem:v1+s16+$0x0], $0xffff;
	[tilespmem:s26+$0x14E80] =	vst v4  }
0x10c: {  	v2 =	vld.idx.msk [tilespmem:v2+s16+$0x0], $0xffff  }
0x10d: {  	v3 =	vor.u32 v62, v0;
	[tilespmem:s26+$0x15B00] =	vst v5;
	v5 =	vld [tilespmem:$0x1FEE0];
	_ =	sdelay $0x3  }
0x10e: {  	v4 =	vor.u32 v19, v0  }
0x10f: {  	v3 =	vld.idx.msk [tilespmem:v3+s16+$0x0], $0xffff;
	v5 =	vor.u32 v5, v0  }
0x110: {  	[tilespmem:s26+$0x15B80] =	vst v6;
	v6 =	vld [tilespmem:$0x1FEF0];
	_ =	sdelay $0x2  }
0x111: {  	v4 =	vld.idx.msk [tilespmem:v4+s16+$0x0], $0xffff;
	[tilespmem:s26+$0x15C00] =	vst v1  }
0x112: {  	v5 =	vld.idx.msk [tilespmem:v5+s16+$0x0], $0xffff  }
0x113: {  	v6 =	vor.u32 v6, v0;
	[tilespmem:s26+$0x15C80] =	vst v2;
	v2 =	vld [tilespmem:$0x1FF10];
	_ =	sdelay $0x1  }
0x114: {  	v1 =	vor.u32 v7, v0;
	_ =	sdelay $0x2  }
0x115: {  	v6 =	vld.idx.msk [tilespmem:v6+s16+$0x0], $0xffff;
	v2 =	vor.u32 v2, v0  }
0x116: {  	[tilespmem:s26+$0x15D00] =	vst v3;
	v3 =	vld [tilespmem:$0x1FF20]  }
0x117: {  	v1 =	vld.idx.msk [tilespmem:v1+s16+$0x0], $0xffff  }
0x118: {  	[tilespmem:s26+$0x15D80] =	vst v4;
	v4 =	vld [tilespmem:$0x1FF30];
	_ =	sdelay $0x1  }
0x119: {  	v2 =	vld.idx.msk [tilespmem:v2+s16+$0x0], $0xffff  }
0x11a: {  	[tilespmem:s26+$0x15E00] =	vst v5;
	v5 =	vld [tilespmem:$0x1FF40]  }
0x11b: {  	v3 =	vor.u32 v3, v0  }
0x11c: {  	v4 =	vor.u32 v4, v0;
	_ =	sdelay $0x2  }
0x11d: {  	v5 =	vor.u32 v5, v0  }
0x11e: {  	v3 =	vld.idx.msk [tilespmem:v3+s16+$0x0], $0xffff;
	[tilespmem:s26+$0x15E80] =	vst v6;
	v6 =	vor.u32 v9, v0  }
0x11f: {  	v4 =	vld.idx.msk [tilespmem:v4+s16+$0x0], $0xffff;
	[tilespmem:s26+$0x16B00] =	vst v1;
	v1 =	vor.u32 v14, v0;
	_ =	sdelay $0x2  }
0x120: {  	v5 =	vld.idx.msk [tilespmem:v5+s16+$0x0], $0xffff;
	[tilespmem:s26+$0x16B80] =	vst v2  }
0x121: {  	v6 =	vld.idx.msk [tilespmem:v6+s16+$0x0], $0xffff;
	[tilespmem:s26+$0x16C00] =	vst v3  }
0x122: {  	v2 =	vor.u32 v10, v0;
	v40 =	vld.idx.msk [tilespmem:v1+s16+$0x0], $0xffff  }
0x123: {  	v17 =	vor.u32 v16, v0;
	v1 =	vld [tilespmem:$0x1FF80]  }
0x124: {  	[tilespmem:s26+$0x16C80] =	vst v4;
	v4 =	vld [tilespmem:$0x1FF90];
	_ =	sdelay $0x1  }
0x125: {  	v3 =	vmov v10  }
0x126: {  	v10 =	vmov v16;
	v16 =	vmov v3;
	v3 =	vld.idx.msk [tilespmem:v2+s16+$0x0], $0xffff;
	[tilespmem:s26+$0x16D00] =	vst v5  }
0x127: {  	v2 =	vld.idx.msk [tilespmem:v17+s16+$0x0], $0xffff  }
0x128: {  	[tilespmem:s26+$0x16D80] =	vst v6;
	v1 =	vor.u32 v1, v0;
	v6 =	vor.u32 v4, v0;
	v4 =	vld [tilespmem:$0x1FFA0];
	_ =	sdelay $0x3  }
0x129: {  	v17 =	vmov v36  }
0x12a: {  	v36 =	vmovc v37;
	v37 =	vmovc v38;
	v38 =	vmov v39;
	v39 =	vlaneseq.u32;
	v1 =	vld.idx.msk [tilespmem:v1+s16+$0x0], $0xffff;
	v5 =	vor.u32 v4, v0  }
0x12b: {  	[tilespmem:s26+$0x16E00] =	vst v40;
	v4 =	vor.u32 v8, v0;
	v40 =	vmovc v41;
	v41 =	vmovc v42;
	v42 =	vmov v43;
	v43 =	vmov v44  }
0x12c: {  	v44 =	vmovc v45;
	v45 =	vmovc v46;
	v46 =	vmov v47;
	v47 =	vmov v48;
	v48 =	vmov v49  }
0x12d: {  	v49 =	vmovc v50;
	v50 =	vmovc v51;
	v51 =	vmov v52;
	v52 =	vmov v53;
	v53 =	vmov v54  }
0x12e: {  	v54 =	vmovc v55;
	v55 =	vmovc v56;
	v56 =	vmov v57;
	v57 =	vmov v58;
	v58 =	vmov v59  }
0x12f: {  	s29 =	simm.s32 $0x10;
	s30 =	simm.s32 $0x20;
	v59 =	vmovc v60;
	v60 =	vmovc v61;
	v61 =	vmov v62;
	v62 =	vmov v19;
	v19 =	vmov v7  }
.LBB2_4:
0x130: {  	_ =	sdelay $0x2  }
0x131: {  	v6 =	vld.idx.msk [tilespmem:v6+s16+$0x0], $0xffff;
	[tilespmem:s26+$0x16E80] =	vst v3;
	s28 =	sadd.s32 $0x80, s28  }
0x132: {  	s0 =	sand.u32 $0x70, s29;
	v3 =	vld.idx.msk [tilespmem:v5+s16+$0x0], $0xffff;
	s4 =	sand.u32 $0xC00, s28;
	[tilespmem:s26+$0x17B00] =	vst v2;
	v2 =	vor.u32 v15, v0  }
0x133: {  	v5 =	vor.u32 v13, v0;
	s0 =	sor.u32 s0, s4  }
0x134: {  	v0 =	vor.u32 v12, v0;
	v7 =	vld [tilespmem:s0+$0x80]  }
0x135: {  	v4 =	vld.idx.msk [tilespmem:v4+s16+$0x0], $0xffff  }
0x136: {  	[tilespmem:s26+$0x17B80] =	vst v1  }
0x137: {  	v1 =	vld.idx.msk [tilespmem:v2+s16+$0x0], $0xffff;
	[tilespmem:s26+$0x17C00] =	vst v6  }
0x138: {  	v2 =	vld.idx.msk [tilespmem:v5+s16+$0x0], $0xffff;
	[tilespmem:s26+$0x17C80] =	vst v3  }
0x139: {  	v3 =	vld.idx.msk [tilespmem:v0+s16+$0x0], $0xffff;
	v0 =	vshll.u32 v7, $0xA  }
0x13a: {  	[tilespmem:s26+$0x17D00] =	vst v4;
	v4 =	vor.u32 v39, v0;
	_ =	sdelay $0x1  }
0x13b: {  	[tilespmem:s26+$0x17D80] =	vst v1  }
0x13c: {  	v5 =	vor.u32 v18, v0;
	[tilespmem:s26+$0x17E00] =	vst v2  }
0x13d: {  	v6 =	vor.u32 v11, v0;
	[tilespmem:s26+$0x17E80] =	vst v3  }
0x13e: {  	v3 =	vor.u32 v20, v0;
	v1 =	vld.idx.msk [tilespmem:v4+s16+$0x0], $0xffff;
	_ =	sdelay $0x2  }
0x13f: {  	v2 =	vld.idx.msk [tilespmem:v5+s16+$0x0], $0xffff  }
0x140: {  	s26 =	smov.u32 s0;
	v4 =	vld.idx.msk [tilespmem:v6+s16+$0x0], $0xffff;
	v5 =	vor.u32 v22, v0  }
0x141: {  	v3 =	vld.idx.msk [tilespmem:v3+s16+$0x0], $0xffff;
	[tilespmem:s26+$0x10B00] =	vst v1;
	v1 =	vor.u32 v24, v0  }
0x142: {  	v6 =	vor.u32 v26, v0;
	_ =	sdelay $0x1  }
0x143: {  	v7 =	vor.u32 v28, v0  }
0x144: {  	v5 =	vld.idx.msk [tilespmem:v5+s16+$0x0], $0xffff;
	[tilespmem:s26+$0x10B80] =	vst v4  }
0x145: {  	v8 =	vor.u32 v21, v0;
	v1 =	vld.idx.msk [tilespmem:v1+s16+$0x0], $0xffff;
	[tilespmem:s26+$0x10C00] =	vst v2  }
0x146: {  	v4 =	vor.u32 v23, v0;
	v2 =	vld.idx.msk [tilespmem:v6+s16+$0x0], $0xffff  }
0x147: {  	[tilespmem:s26+$0x10C80] =	vst v3;
	v6 =	vor.u32 v25, v0  }
0x148: {  	v3 =	vld.idx.msk [tilespmem:v7+s16+$0x0], $0xffff  }
0x149: {  	[tilespmem:s26+$0x10D00] =	vst v5;
	v7 =	vor.u32 v27, v0  }
0x14a: {  	v5 =	vld.idx.msk [tilespmem:v8+s16+$0x0], $0xffff;
	[tilespmem:s26+$0x10D80] =	vst v1  }
0x14b: {  	v8 =	vor.u32 v29, v0;
	v1 =	vld.idx.msk [tilespmem:v4+s16+$0x0], $0xffff;
	[tilespmem:s26+$0x10E00] =	vst v2  }
0x14c: {  	v4 =	vor.u32 v30, v0;
	v2 =	vld.idx.msk [tilespmem:v6+s16+$0x0], $0xffff  }
0x14d: {  	[tilespmem:s26+$0x10E80] =	vst v3;
	v6 =	vor.u32 v31, v0  }
0x14e: {  	v3 =	vld.idx.msk [tilespmem:v7+s16+$0x0], $0xffff  }
0x14f: {  	[tilespmem:s26+$0x11B00] =	vst v5;
	v7 =	vor.u32 v32, v0  }
0x150: {  	v5 =	vld.idx.msk [tilespmem:v8+s16+$0x0], $0xffff;
	[tilespmem:s26+$0x11B80] =	vst v1  }
0x151: {  	v8 =	vor.u32 v33, v0;
	v1 =	vld.idx.msk [tilespmem:v4+s16+$0x0], $0xffff;
	[tilespmem:s26+$0x11C00] =	vst v2  }
0x152: {  	v4 =	vor.u32 v34, v0;
	v2 =	vld.idx.msk [tilespmem:v6+s16+$0x0], $0xffff  }
0x153: {  	[tilespmem:s26+$0x11C80] =	vst v3;
	v6 =	vor.u32 v35, v0  }
0x154: {  	v3 =	vld.idx.msk [tilespmem:v7+s16+$0x0], $0xffff  }
0x155: {  	[tilespmem:s26+$0x11D00] =	vst v5;
	v7 =	vor.u32 v17, v0  }
0x156: {  	v5 =	vld.idx.msk [tilespmem:v8+s16+$0x0], $0xffff;
	[tilespmem:s26+$0x11D80] =	vst v1  }
0x157: {  	v8 =	vor.u32 v36, v0;
	v1 =	vld.idx.msk [tilespmem:v4+s16+$0x0], $0xffff;
	[tilespmem:s26+$0x11E00] =	vst v2  }
0x158: {  	v4 =	vor.u32 v37, v0;
	v2 =	vld.idx.msk [tilespmem:v6+s16+$0x0], $0xffff  }
0x159: {  	[tilespmem:s26+$0x11E80] =	vst v3;
	v6 =	vor.u32 v38, v0  }
0x15a: {  	v3 =	vld.idx.msk [tilespmem:v7+s16+$0x0], $0xffff  }
0x15b: {  	[tilespmem:s26+$0x12B00] =	vst v5;
	v7 =	vor.u32 v40, v0  }
0x15c: {  	v5 =	vld.idx.msk [tilespmem:v8+s16+$0x0], $0xffff;
	[tilespmem:s26+$0x12B80] =	vst v1  }
0x15d: {  	v8 =	vor.u32 v41, v0;
	v1 =	vld.idx.msk [tilespmem:v4+s16+$0x0], $0xffff;
	[tilespmem:s26+$0x12C00] =	vst v2  }
0x15e: {  	v4 =	vor.u32 v42, v0;
	v2 =	vld.idx.msk [tilespmem:v6+s16+$0x0], $0xffff  }
0x15f: {  	[tilespmem:s26+$0x12C80] =	vst v3;
	v6 =	vor.u32 v43, v0  }
0x160: {  	v3 =	vld.idx.msk [tilespmem:v7+s16+$0x0], $0xffff  }
0x161: {  	[tilespmem:s26+$0x12D00] =	vst v5;
	v7 =	vor.u32 v44, v0  }
0x162: {  	v5 =	vld.idx.msk [tilespmem:v8+s16+$0x0], $0xffff;
	[tilespmem:s26+$0x12D80] =	vst v1  }
0x163: {  	v8 =	vor.u32 v45, v0;
	v1 =	vld.idx.msk [tilespmem:v4+s16+$0x0], $0xffff;
	[tilespmem:s26+$0x12E00] =	vst v2  }
0x164: {  	v4 =	vor.u32 v46, v0;
	v2 =	vld.idx.msk [tilespmem:v6+s16+$0x0], $0xffff  }
0x165: {  	[tilespmem:s26+$0x12E80] =	vst v3;
	v6 =	vor.u32 v47, v0  }
0x166: {  	v3 =	vld.idx.msk [tilespmem:v7+s16+$0x0], $0xffff  }
0x167: {  	[tilespmem:s26+$0x13B00] =	vst v5;
	v7 =	vor.u32 v48, v0  }
0x168: {  	v5 =	vld.idx.msk [tilespmem:v8+s16+$0x0], $0xffff;
	[tilespmem:s26+$0x13B80] =	vst v1  }
0x169: {  	v8 =	vor.u32 v49, v0;
	v1 =	vld.idx.msk [tilespmem:v4+s16+$0x0], $0xffff;
	[tilespmem:s26+$0x13C00] =	vst v2  }
0x16a: {  	v4 =	vor.u32 v50, v0;
	v2 =	vld.idx.msk [tilespmem:v6+s16+$0x0], $0xffff  }
0x16b: {  	[tilespmem:s26+$0x13C80] =	vst v3;
	v6 =	vor.u32 v51, v0  }
0x16c: {  	v3 =	vld.idx.msk [tilespmem:v7+s16+$0x0], $0xffff  }
0x16d: {  	[tilespmem:s26+$0x13D00] =	vst v5;
	v7 =	vor.u32 v52, v0  }
0x16e: {  	v5 =	vld.idx.msk [tilespmem:v8+s16+$0x0], $0xffff;
	[tilespmem:s26+$0x13D80] =	vst v1  }
0x16f: {  	v8 =	vor.u32 v53, v0;
	v1 =	vld.idx.msk [tilespmem:v4+s16+$0x0], $0xffff;
	[tilespmem:s26+$0x13E00] =	vst v2  }
0x170: {  	v4 =	vor.u32 v54, v0;
	v2 =	vld.idx.msk [tilespmem:v6+s16+$0x0], $0xffff  }
0x171: {  	[tilespmem:s26+$0x13E80] =	vst v3;
	v6 =	vor.u32 v55, v0  }
0x172: {  	v3 =	vld.idx.msk [tilespmem:v7+s16+$0x0], $0xffff  }
0x173: {  	[tilespmem:s26+$0x14B00] =	vst v5;
	v7 =	vor.u32 v56, v0  }
0x174: {  	v5 =	vld.idx.msk [tilespmem:v8+s16+$0x0], $0xffff;
	[tilespmem:s26+$0x14B80] =	vst v1  }
0x175: {  	v8 =	vor.u32 v57, v0;
	v1 =	vld.idx.msk [tilespmem:v4+s16+$0x0], $0xffff;
	[tilespmem:s26+$0x14C00] =	vst v2  }
0x176: {  	v4 =	vor.u32 v58, v0;
	v2 =	vld.idx.msk [tilespmem:v6+s16+$0x0], $0xffff  }
0x177: {  	[tilespmem:s26+$0x14C80] =	vst v3;
	v6 =	vor.u32 v59, v0  }
0x178: {  	v3 =	vld.idx.msk [tilespmem:v7+s16+$0x0], $0xffff  }
0x179: {  	[tilespmem:s26+$0x14D00] =	vst v5;
	v7 =	vor.u32 v60, v0  }
0x17a: {  	v5 =	vld.idx.msk [tilespmem:v8+s16+$0x0], $0xffff;
	[tilespmem:s26+$0x14D80] =	vst v1  }
0x17b: {  	v1 =	vld.idx.msk [tilespmem:v4+s16+$0x0], $0xffff;
	[tilespmem:s26+$0x14E00] =	vst v2  }
0x17c: {  	v2 =	vld.idx.msk [tilespmem:v6+s16+$0x0], $0xffff  }
0x17d: {  	[tilespmem:s26+$0x14E80] =	vst v3;
	v6 =	vld [tilespmem:$0x1FEE0]  }
0x17e: {  	v3 =	vld.idx.msk [tilespmem:v7+s16+$0x0], $0xffff  }
0x17f: {  	v8 =	vor.u32 v61, v0;
	v7 =	vld [tilespmem:$0x1FEF0]  }
0x180: {  	v4 =	vor.u32 v62, v0;
	_ =	sdelay $0x1  }
0x181: {  	v6 =	vor.u32 v6, v0  }
0x182: {  	[tilespmem:s26+$0x15B00] =	vst v5  }
0x183: {  	v5 =	vld.idx.msk [tilespmem:v8+s16+$0x0], $0xffff;
	[tilespmem:s26+$0x15B80] =	vst v1;
	v7 =	vor.u32 v7, v0  }
0x184: {  	v1 =	vld.idx.msk [tilespmem:v4+s16+$0x0], $0xffff  }
0x185: {  	v8 =	vor.u32 v19, v0;
	[tilespmem:s26+$0x15C00] =	vst v2;
	v4 =	vld [tilespmem:$0x1FF10]  }
0x186: {  	v2 =	vld.idx.msk [tilespmem:v6+s16+$0x0], $0xffff  }
0x187: {  	[tilespmem:s26+$0x15C80] =	vst v3;
	v6 =	vld [tilespmem:$0x1FF20]  }
0x188: {  	v3 =	vld.idx.msk [tilespmem:v7+s16+$0x0], $0xffff  }
0x189: {  	[tilespmem:s26+$0x15D00] =	vst v5;
	v7 =	vld [tilespmem:$0x1FF30]  }
0x18a: {  	v5 =	vld.idx.msk [tilespmem:v8+s16+$0x0], $0xffff  }
0x18b: {  	v4 =	vor.u32 v4, v0;
	v8 =	vld [tilespmem:$0x1FF40];
	_ =	sdelay $0x1  }
0x18c: {  	v6 =	vor.u32 v6, v0;
	_ =	sdelay $0x1  }
0x18d: {  	[tilespmem:s26+$0x15D80] =	vst v1;
	v7 =	vor.u32 v7, v0  }
0x18e: {  	v1 =	vld.idx.msk [tilespmem:v4+s16+$0x0], $0xffff;
	v8 =	vor.u32 v8, v0  }
0x18f: {  	[tilespmem:s26+$0x15E00] =	vst v2;
	v4 =	vor.u32 v9, v0  }
0x190: {  	v2 =	vld.idx.msk [tilespmem:v6+s16+$0x0], $0xffff  }
0x191: {  	[tilespmem:s26+$0x15E80] =	vst v3  }
0x192: {  	v3 =	vld.idx.msk [tilespmem:v7+s16+$0x0], $0xffff;
	[tilespmem:s26+$0x16B00] =	vst v5  }
0x193: {  	v5 =	vld.idx.msk [tilespmem:v8+s16+$0x0], $0xffff;
	[tilespmem:s26+$0x16B80] =	vst v1  }
0x194: {  	v6 =	vor.u32 v14, v0;
	v1 =	vld.idx.msk [tilespmem:v4+s16+$0x0], $0xffff  }
0x195: {  	v7 =	vor.u32 v16, v0;
	[tilespmem:s26+$0x16C00] =	vst v2;
	v2 =	vld [tilespmem:$0x1FF80]  }
0x196: {  	v4 =	vld [tilespmem:$0x1FF90];
	_ =	sdelay $0x2  }
0x197: {  	v8 =	vor.u32 v10, v0;
	v9 =	vld.idx.msk [tilespmem:v6+s16+$0x0], $0xffff;
	[tilespmem:s26+$0x16C80] =	vst v3  }
0x198: {  	v3 =	vld.idx.msk [tilespmem:v7+s16+$0x0], $0xffff;
	v7 =	vor.u32 v2, v0  }
0x199: {  	p0 =	sne.s32 s30, $0x1F0;
	v6 =	vor.u32 v4, v0;
	v4 =	vld [tilespmem:$0x1FFA0]  }
.Ltmp1:
0x19a: {  	_ = 	snop;
	(pc) =	sbr.rel @p0 .LBB2_4-.Ltmp1, $4  }
0x19b: {  	[tilespmem:s26+$0x16D00] =	vst v5  }
0x19c: {  	v2 =	vld.idx.msk [tilespmem:v8+s16+$0x0], $0xffff;
	[tilespmem:s26+$0x16D80] =	vst v1  }
0x19d: {  	v1 =	vld.idx.msk [tilespmem:v7+s16+$0x0], $0xffff  }
0x19e: {  	s29 =	smov.u32 s30;
	s30 =	sadd.s32 $0x10, s30;
	v5 =	vor.u32 v4, v0;
	v4 =	vor.u32 v63, v0;
	[tilespmem:s26+$0x16E00] =	vst v9;
	v9 =	vld [tilespmem:$0x1FFF0]  }
0x19f: {  	_ =	sdelay $0x3  }
0x1a0: {  	v6 =	vld.idx.msk [tilespmem:v6+s16+$0x0], $0xffff;
	[tilespmem:s26+$0x16E80] =	vst v3;
	s0 =	sadd.s32 $0x80, s28  }
0x1a1: {  	s4 =	sand.u32 $0x70, s29;
	v3 =	vld.idx.msk [tilespmem:v5+s16+$0x0], $0xffff;
	v5 =	vor.u32 v15, v0;
	s0 =	sand.u32 $0xC00, s0;
	[tilespmem:s26+$0x17B00] =	vst v2  }
0x1a2: {  	s0 =	sor.u32 s4, s0;
	v2 =	vld.idx.msk [tilespmem:v4+s16+$0x0], $0xffff;
	v4 =	vor.u32 v13, v0  }
0x1a3: {  	v7 =	vld [tilespmem:s0+$0x80];
	v0 =	vor.u32 v12, v0;
	_ =	sdelay $0x1  }
0x1a4: {  	[tilespmem:s26+$0x17B80] =	vst v1  }
0x1a5: {  	v1 =	vld.idx.msk [tilespmem:v5+s16+$0x0], $0xffff;
	[tilespmem:s26+$0x17C00] =	vst v6  }
0x1a6: {  	v4 =	vld.idx.msk [tilespmem:v4+s16+$0x0], $0xffff;
	[tilespmem:s26+$0x17C80] =	vst v3  }
0x1a7: {  	v3 =	vld.idx.msk [tilespmem:v0+s16+$0x0], $0xffff;
	v0 =	vshll.u32 v7, $0xA  }
0x1a8: {  	v5 =	vor.u32 v39, v0  }
0x1a9: {  	[tilespmem:s26+$0x17D00] =	vst v2  }
0x1aa: {  	[tilespmem:s26+$0x17D80] =	vst v1  }
0x1ab: {  	v39 =	vor.u32 v11, v0;
	[tilespmem:s26+$0x17E00] =	vst v4  }
0x1ac: {  	v18 =	vor.u32 v18, v0;
	[tilespmem:s26+$0x17E80] =	vst v3  }
0x1ad: {  	v20 =	vor.u32 v20, v0;
	v4 =	vld.idx.msk [tilespmem:v5+s16+$0x0], $0xffff  }
0x1ae: {  	v22 =	vor.u32 v22, v0;
	_ =	sdelay $0x1  }
0x1af: {  	v2 =	vld.idx.msk [tilespmem:v39+s16+$0x0], $0xffff  }
0x1b0: {  	v1 =	vld.idx.msk [tilespmem:v18+s16+$0x0], $0xffff;
	v39 =	vor.u32 v24, v0  }
0x1b1: {  	v3 =	vld.idx.msk [tilespmem:v20+s16+$0x0], $0xffff;
	v18 =	vor.u32 v26, v0;
	[tilespmem:s0+$0x10B00] =	vst v4  }
0x1b2: {  	v20 =	vor.u32 v28, v0;
	v5 =	vld.idx.msk [tilespmem:v22+s16+$0x0], $0xffff  }
0x1b3: {  	v22 =	vor.u32 v21, v0  }
0x1b4: {  	[tilespmem:s0+$0x10B80] =	vst v2  }
0x1b5: {  	v6 =	vld.idx.msk [tilespmem:v39+s16+$0x0], $0xffff;
	[tilespmem:s0+$0x10C00] =	vst v1  }
0x1b6: {  	v24 =	vor.u32 v23, v0;
	v4 =	vld.idx.msk [tilespmem:v18+s16+$0x0], $0xffff;
	[tilespmem:s0+$0x10C80] =	vst v3  }
0x1b7: {  	v26 =	vor.u32 v25, v0;
	v2 =	vld.idx.msk [tilespmem:v20+s16+$0x0], $0xffff;
	[tilespmem:s0+$0x10D00] =	vst v5  }
0x1b8: {  	v28 =	vor.u32 v27, v0;
	v1 =	vld.idx.msk [tilespmem:v22+s16+$0x0], $0xffff  }
0x1b9: {  	v29 =	vor.u32 v29, v0  }
0x1ba: {  	[tilespmem:s0+$0x10D80] =	vst v6  }
0x1bb: {  	v3 =	vld.idx.msk [tilespmem:v24+s16+$0x0], $0xffff;
	[tilespmem:s0+$0x10E00] =	vst v4  }
0x1bc: {  	v30 =	vor.u32 v30, v0;
	v5 =	vld.idx.msk [tilespmem:v26+s16+$0x0], $0xffff;
	[tilespmem:s0+$0x10E80] =	vst v2  }
0x1bd: {  	v31 =	vor.u32 v31, v0;
	v6 =	vld.idx.msk [tilespmem:v28+s16+$0x0], $0xffff;
	[tilespmem:s0+$0x11B00] =	vst v1  }
0x1be: {  	v32 =	vor.u32 v32, v0;
	v4 =	vld.idx.msk [tilespmem:v29+s16+$0x0], $0xffff  }
0x1bf: {  	v33 =	vor.u32 v33, v0  }
0x1c0: {  	[tilespmem:s0+$0x11B80] =	vst v3  }
0x1c1: {  	v2 =	vld.idx.msk [tilespmem:v30+s16+$0x0], $0xffff;
	[tilespmem:s0+$0x11C00] =	vst v5  }
0x1c2: {  	v39 =	vor.u32 v34, v0;
	v1 =	vld.idx.msk [tilespmem:v31+s16+$0x0], $0xffff;
	[tilespmem:s0+$0x11C80] =	vst v6  }
0x1c3: {  	v18 =	vor.u32 v35, v0;
	v3 =	vld.idx.msk [tilespmem:v32+s16+$0x0], $0xffff;
	[tilespmem:s0+$0x11D00] =	vst v4  }
0x1c4: {  	v20 =	vor.u32 v17, v0;
	v5 =	vld.idx.msk [tilespmem:v33+s16+$0x0], $0xffff  }
0x1c5: {  	v21 =	vor.u32 v36, v0  }
0x1c6: {  	[tilespmem:s0+$0x11D80] =	vst v2  }
0x1c7: {  	v6 =	vld.idx.msk [tilespmem:v39+s16+$0x0], $0xffff;
	[tilespmem:s0+$0x11E00] =	vst v1  }
0x1c8: {  	v22 =	vor.u32 v37, v0;
	v4 =	vld.idx.msk [tilespmem:v18+s16+$0x0], $0xffff;
	[tilespmem:s0+$0x11E80] =	vst v3  }
0x1c9: {  	v23 =	vor.u32 v38, v0;
	v2 =	vld.idx.msk [tilespmem:v20+s16+$0x0], $0xffff;
	[tilespmem:s0+$0x12B00] =	vst v5  }
0x1ca: {  	v24 =	vor.u32 v40, v0;
	v1 =	vld.idx.msk [tilespmem:v21+s16+$0x0], $0xffff  }
0x1cb: {  	v25 =	vor.u32 v41, v0  }
0x1cc: {  	[tilespmem:s0+$0x12B80] =	vst v6  }
0x1cd: {  	v3 =	vld.idx.msk [tilespmem:v22+s16+$0x0], $0xffff;
	[tilespmem:s0+$0x12C00] =	vst v4  }
0x1ce: {  	v26 =	vor.u32 v42, v0;
	v5 =	vld.idx.msk [tilespmem:v23+s16+$0x0], $0xffff;
	[tilespmem:s0+$0x12C80] =	vst v2  }
0x1cf: {  	v27 =	vor.u32 v43, v0;
	v6 =	vld.idx.msk [tilespmem:v24+s16+$0x0], $0xffff;
	[tilespmem:s0+$0x12D00] =	vst v1  }
0x1d0: {  	v28 =	vor.u32 v44, v0;
	v4 =	vld.idx.msk [tilespmem:v25+s16+$0x0], $0xffff  }
0x1d1: {  	v29 =	vor.u32 v45, v0  }
0x1d2: {  	[tilespmem:s0+$0x12D80] =	vst v3  }
0x1d3: {  	v2 =	vld.idx.msk [tilespmem:v26+s16+$0x0], $0xffff;
	[tilespmem:s0+$0x12E00] =	vst v5  }
0x1d4: {  	v30 =	vor.u32 v46, v0;
	v1 =	vld.idx.msk [tilespmem:v27+s16+$0x0], $0xffff;
	[tilespmem:s0+$0x12E80] =	vst v6  }
0x1d5: {  	v31 =	vor.u32 v47, v0;
	v3 =	vld.idx.msk [tilespmem:v28+s16+$0x0], $0xffff;
	[tilespmem:s0+$0x13B00] =	vst v4  }
0x1d6: {  	v32 =	vor.u32 v48, v0;
	v5 =	vld.idx.msk [tilespmem:v29+s16+$0x0], $0xffff  }
0x1d7: {  	v33 =	vor.u32 v49, v0  }
0x1d8: {  	[tilespmem:s0+$0x13B80] =	vst v2  }
0x1d9: {  	v6 =	vld.idx.msk [tilespmem:v30+s16+$0x0], $0xffff;
	[tilespmem:s0+$0x13C00] =	vst v1  }
0x1da: {  	v34 =	vor.u32 v50, v0;
	v4 =	vld.idx.msk [tilespmem:v31+s16+$0x0], $0xffff;
	[tilespmem:s0+$0x13C80] =	vst v3  }
0x1db: {  	v35 =	vor.u32 v51, v0;
	v2 =	vld.idx.msk [tilespmem:v32+s16+$0x0], $0xffff;
	[tilespmem:s0+$0x13D00] =	vst v5  }
0x1dc: {  	v36 =	vor.u32 v52, v0;
	v1 =	vld.idx.msk [tilespmem:v33+s16+$0x0], $0xffff  }
0x1dd: {  	v37 =	vor.u32 v53, v0  }
0x1de: {  	[tilespmem:s0+$0x13D80] =	vst v6  }
0x1df: {  	v3 =	vld.idx.msk [tilespmem:v34+s16+$0x0], $0xffff;
	[tilespmem:s0+$0x13E00] =	vst v4  }
0x1e0: {  	v38 =	vor.u32 v54, v0;
	v5 =	vld.idx.msk [tilespmem:v35+s16+$0x0], $0xffff;
	[tilespmem:s0+$0x13E80] =	vst v2  }
0x1e1: {  	v39 =	vor.u32 v55, v0;
	v6 =	vld.idx.msk [tilespmem:v36+s16+$0x0], $0xffff;
	[tilespmem:s0+$0x14B00] =	vst v1  }
0x1e2: {  	v40 =	vor.u32 v56, v0;
	v4 =	vld.idx.msk [tilespmem:v37+s16+$0x0], $0xffff  }
0x1e3: {  	v41 =	vor.u32 v57, v0;
	v52 =	vld [tilespmem:$0x1FF30]  }
0x1e4: {  	v47 =	vld [tilespmem:$0x1FEE0];
	[tilespmem:s0+$0x14B80] =	vst v3  }
0x1e5: {  	v2 =	vld.idx.msk [tilespmem:v38+s16+$0x0], $0xffff;
	[tilespmem:s0+$0x14C00] =	vst v5  }
0x1e6: {  	v42 =	vor.u32 v58, v0;
	v1 =	vld.idx.msk [tilespmem:v39+s16+$0x0], $0xffff;
	[tilespmem:s0+$0x14C80] =	vst v6  }
0x1e7: {  	v43 =	vor.u32 v59, v0;
	v3 =	vld.idx.msk [tilespmem:v40+s16+$0x0], $0xffff;
	[tilespmem:s0+$0x14D00] =	vst v4  }
0x1e8: {  	v44 =	vor.u32 v60, v0;
	v5 =	vld.idx.msk [tilespmem:v41+s16+$0x0], $0xffff  }
0x1e9: {  	v50 =	vld [tilespmem:$0x1FF10]  }
0x1ea: {  	v48 =	vld [tilespmem:$0x1FEF0];
	[tilespmem:s0+$0x14D80] =	vst v2  }
0x1eb: {  	v45 =	vor.u32 v61, v0;
	v6 =	vld.idx.msk [tilespmem:v42+s16+$0x0], $0xffff;
	[tilespmem:s0+$0x14E00] =	vst v1  }
0x1ec: {  	v46 =	vor.u32 v62, v0;
	v4 =	vld.idx.msk [tilespmem:v43+s16+$0x0], $0xffff;
	[tilespmem:s0+$0x14E80] =	vst v3  }
0x1ed: {  	v2 =	vld.idx.msk [tilespmem:v44+s16+$0x0], $0xffff;
	[tilespmem:s0+$0x15B00] =	vst v5;
	v5 =	vor.u32 v47, v0  }
0x1ee: {  	v51 =	vld [tilespmem:$0x1FF20]  }
0x1ef: {  	v53 =	vld [tilespmem:$0x1FF40]  }
0x1f0: {  	v1 =	vld.idx.msk [tilespmem:v45+s16+$0x0], $0xffff;
	[tilespmem:s0+$0x15B80] =	vst v6;
	v6 =	vor.u32 v48, v0  }
0x1f1: {  	v49 =	vor.u32 v19, v0;
	v3 =	vld.idx.msk [tilespmem:v46+s16+$0x0], $0xffff;
	[tilespmem:s0+$0x15C00] =	vst v4  }
0x1f2: {  	v5 =	vld.idx.msk [tilespmem:v5+s16+$0x0], $0xffff;
	[tilespmem:s0+$0x15C80] =	vst v2;
	v2 =	vor.u32 v50, v0;
	_ =	sdelay $0x1  }
0x1f3: {  	v59 =	vld [tilespmem:$0x1FF90]  }
0x1f4: {  	v6 =	vld.idx.msk [tilespmem:v6+s16+$0x0], $0xffff;
	[tilespmem:s0+$0x15D00] =	vst v1;
	v1 =	vor.u32 v51, v0  }
0x1f5: {  	v4 =	vld.idx.msk [tilespmem:v49+s16+$0x0], $0xffff;
	[tilespmem:s0+$0x15D80] =	vst v3;
	v3 =	vor.u32 v52, v0  }
0x1f6: {  	v2 =	vld.idx.msk [tilespmem:v2+s16+$0x0], $0xffff;
	[tilespmem:s0+$0x15E00] =	vst v5;
	v5 =	vor.u32 v53, v0  }
0x1f7: {  	v54 =	vor.u32 v9, v0;
	v58 =	vld [tilespmem:$0x1FF80]  }
0x1f8: {  	v60 =	vld [tilespmem:$0x1FFA0]  }
0x1f9: {  	v1 =	vld.idx.msk [tilespmem:v1+s16+$0x0], $0xffff;
	[tilespmem:s0+$0x15E80] =	vst v6  }
0x1fa: {  	v55 =	vor.u32 v14, v0;
	v3 =	vld.idx.msk [tilespmem:v3+s16+$0x0], $0xffff;
	[tilespmem:s0+$0x16B00] =	vst v4  }
0x1fb: {  	v56 =	vor.u32 v16, v0;
	v5 =	vld.idx.msk [tilespmem:v5+s16+$0x0], $0xffff;
	[tilespmem:s0+$0x16B80] =	vst v2  }
0x1fc: {  	v57 =	vor.u32 v10, v0;
	v6 =	vld.idx.msk [tilespmem:v54+s16+$0x0], $0xffff;
	_ =	sdelay $0x1  }
0x1fd: {  	[tilespmem:s0+$0x16C00] =	vst v1  }
0x1fe: {  	v4 =	vld.idx.msk [tilespmem:v55+s16+$0x0], $0xffff;
	[tilespmem:s0+$0x16C80] =	vst v3;
	v3 =	vor.u32 v58, v0  }
0x1ff: {  	v2 =	vld.idx.msk [tilespmem:v56+s16+$0x0], $0xffff;
	[tilespmem:s0+$0x16D00] =	vst v5;
	v5 =	vor.u32 v59, v0  }
0x200: {  	v1 =	vld.idx.msk [tilespmem:v57+s16+$0x0], $0xffff;
	[tilespmem:s0+$0x16D80] =	vst v6;
	v6 =	vor.u32 v60, v0;
	_ =	sdelay $0x2  }
0x201: {  	v61 =	vor.u32 v63, v0;
	v3 =	vld.idx.msk [tilespmem:v3+s16+$0x0], $0xffff;
	[tilespmem:s0+$0x16E00] =	vst v4  }
0x202: {  	v62 =	vor.u32 v15, v0;
	v5 =	vld.idx.msk [tilespmem:v5+s16+$0x0], $0xffff;
	[tilespmem:s0+$0x16E80] =	vst v2  }
0x203: {  	v63 =	vor.u32 v13, v0;
	v6 =	vld.idx.msk [tilespmem:v6+s16+$0x0], $0xffff  }
0x204: {  	v0 =	vor.u32 v12, v0  }
0x205: {  	[tilespmem:s0+$0x17B00] =	vst v1  }
0x206: {  	v4 =	vld.idx.msk [tilespmem:v61+s16+$0x0], $0xffff;
	[tilespmem:s0+$0x17B80] =	vst v3  }
0x207: {  	v2 =	vld.idx.msk [tilespmem:v62+s16+$0x0], $0xffff;
	[tilespmem:s0+$0x17C00] =	vst v5  }
0x208: {  	v1 =	vld.idx.msk [tilespmem:v63+s16+$0x0], $0xffff;
	[tilespmem:s0+$0x17C80] =	vst v6  }
0x209: {  	v0 =	vld.idx.msk [tilespmem:v0+s16+$0x0], $0xffff  }
0x20a: {  	[tilespmem:$0x1FC00] =	vst v12  }
0x20b: {  	[tilespmem:s0+$0x17D00] =	vst v4  }
0x20c: {  	[tilespmem:s0+$0x17D80] =	vst v2  }
0x20d: {  	[tilespmem:s0+$0x17E00] =	vst v1  }
0x20e: {  	s26 =	simm.s32 $0x0;
	[tilespmem:s0+$0x17E80] =	vst v0  }
0x20f: {  	[hbm4b:s9+s12] =	stream.strided.scatter [tilespmem:s20], [sflag:$0x2], $0x8000, s13, s12, $0x38;
	[tilespmem:$0x1CB00] =	vst v63  }
.LBB2_6:
0x210: {  	_ =	swait.ge [sflag:s21], $0x8000  }
0x211: {  	v17 =	vld [tilespmem:$0x1FFD0]  }
0x212: {  	v18 =	vld [tilespmem:$0x1FC20]  }
0x213: {  	v11 =	vld [tilespmem:$0x1FC10]  }
0x214: {  	v20 =	vld [tilespmem:$0x1FC30]  }
0x215: {  	v21 =	vld [tilespmem:$0x1FC80]  }
0x216: {  	v22 =	vld [tilespmem:$0x1FC40]  }
0x217: {  	v23 =	vld [tilespmem:$0x1FC90]  }
0x218: {  	v24 =	vld [tilespmem:$0x1FC50]  }
0x219: {  	v25 =	vld [tilespmem:$0x1FCA0]  }
0x21a: {  	v26 =	vld [tilespmem:$0x1FC60]  }
0x21b: {  	v27 =	vld [tilespmem:$0x1FCB0]  }
0x21c: {  	v28 =	vld [tilespmem:$0x1FC70]  }
0x21d: {  	v29 =	vld [tilespmem:$0x1FCC0]  }
0x21e: {  	v30 =	vld [tilespmem:$0x1FCD0]  }
0x21f: {  	v31 =	vld [tilespmem:$0x1FCE0]  }
0x220: {  	v32 =	vld [tilespmem:$0x1FCF0]  }
0x221: {  	v33 =	vld [tilespmem:$0x1FD00]  }
0x222: {  	v34 =	vld [tilespmem:$0x1FD10]  }
0x223: {  	v35 =	vld [tilespmem:$0x1FD20]  }
0x224: {  	v36 =	vld [tilespmem:$0x1FD30]  }
0x225: {  	v37 =	vld [tilespmem:$0x1FE00]  }
0x226: {  	v38 =	vld [tilespmem:$0x1FD40]  }
0x227: {  	v39 =	vld [tilespmem:$0x1FE10]  }
0x228: {  	v41 =	vld [tilespmem:$0x1FE20]  }
0x229: {  	v42 =	vld [tilespmem:$0x1FD50]  }
0x22a: {  	v43 =	vld [tilespmem:$0x1FE30]  }
0x22b: {  	v44 =	vld [tilespmem:$0x1FD60]  }
0x22c: {  	v45 =	vld [tilespmem:$0x1FE40]  }
0x22d: {  	v46 =	vld [tilespmem:$0x1FD70]  }
0x22e: {  	v47 =	vld [tilespmem:$0x1FE50]  }
0x22f: {  	v48 =	vld [tilespmem:$0x1FD80]  }
0x230: {  	v49 =	vld [tilespmem:$0x1FE60]  }
0x231: {  	v50 =	vld [tilespmem:$0x1FD90]  }
0x232: {  	v51 =	vld [tilespmem:$0x1FE70]  }
0x233: {  	v52 =	vld [tilespmem:$0x1FDA0]  }
0x234: {  	v53 =	vld [tilespmem:$0x1FE80]  }
0x235: {  	v54 =	vld [tilespmem:$0x1FDB0]  }
0x236: {  	v55 =	vld [tilespmem:$0x1FE90]  }
0x237: {  	v56 =	vld [tilespmem:$0x1FDC0]  }
0x238: {  	v57 =	vld [tilespmem:$0x1FEA0]  }
0x239: {  	v58 =	vld [tilespmem:$0x1FDD0]  }
0x23a: {  	v59 =	vld [tilespmem:$0x1FEB0]  }
0x23b: {  	v60 =	vld [tilespmem:$0x1FDE0]  }
0x23c: {  	v61 =	vld [tilespmem:$0x1FEC0]  }
0x23d: {  	v62 =	vld [tilespmem:$0x1FDF0]  }
0x23e: {  	v40 =	vld [tilespmem:$0x1FED0]  }
0x23f: {  	v63 =	vld [tilespmem:$0x1FEE0]  }
0x240: {  	v19 =	vld [tilespmem:$0x1FEF0]  }
0x241: {  	v7 =	vld [tilespmem:$0x1FF00]  }
0x242: {  	v8 =	vld [tilespmem:$0x1FF10]  }
0x243: {  	v10 =	vld [tilespmem:$0x1FF20]  }
0x244: {  	s28 =	sshll.u32 s26, $0x1;
	v12 =	vld [tilespmem:$0x1FF30]  }
0x245: {  	s29 =	sadd.s32 $0x2, s28;
	v13 =	vld [tilespmem:$0x1FF40]  }
0x246: {  	s31 =	simm.s32 $0x0;
	v14 =	vld [tilespmem:$0x1FC00];
	s0 =	sshll.u32 s29, $0x9;
	s4 =	sshll.u32 s29, $0x7  }
0x247: {  	[sflag:s21] =	ssyncset.done $0x0;
	v15 =	vld [tilespmem:$0x1FF60];
	s0 =	sand.u32 $0xF000, s0;
	s4 =	sand.u32 $0x300, s4  }
0x248: {  	v16 =	vld [tilespmem:$0x1FF50];
	[sflag:s21] =	ssyncadd.s32 $0xFFFF8000;
	s30 =	sor.u32 s4, s0;
	s0 =	simm.s32 $0x0  }
.LBB2_7:
0x249: {  	s4 =	sand.u32 $0xC00, s31  }
0x24a: {  	s1 =	sand.u32 $0x70, s0;
	s2 =	sadd.s32 s4, s30  }
0x24b: {  	s2 =	sadd.s32 s1, s2  }
0x24c: {  	v0 =	vld [tilespmem:s2+$0x0];
	_ =	sdelay $0x4  }
0x24d: {  	v1 =	vlaneseq.u32;
	v0 =	vshll.u32 v0, $0xA  }
0x24e: {  	v1 =	vor.u32 v1, v0;
	_ =	sdelay $0x1  }
0x24f: {  	v2 =	vor.u32 v11, v0  }
0x250: {  	v3 =	vor.u32 v18, v0;
	_ =	sdelay $0x1  }
0x251: {  	v4 =	vor.u32 v20, v0;
	v1 =	vld.idx.msk [tilespmem:v1+s16+$0x0], $0xffff;
	_ =	sdelay $0x1  }
0x252: {  	v5 =	vor.u32 v22, v0;
	v2 =	vld.idx.msk [tilespmem:v2+s16+$0x0], $0xffff  }
0x253: {  	v6 =	vor.u32 v24, v0;
	v3 =	vld.idx.msk [tilespmem:v3+s16+$0x0], $0xffff  }
0x254: {  	s4 =	sor.u32 s1, s4  }
0x255: {  	v4 =	vld.idx.msk [tilespmem:v4+s16+$0x0], $0xffff;
	[tilespmem:s4+$0x8B00] =	vst v1;
	v1 =	vor.u32 v26, v0;
	_ =	sdelay $0x1  }
0x256: {  	v5 =	vld.idx.msk [tilespmem:v5+s16+$0x0], $0xffff;
	[tilespmem:s4+$0x8B80] =	vst v2;
	v2 =	vor.u32 v28, v0  }
0x257: {  	v6 =	vld.idx.msk [tilespmem:v6+s16+$0x0], $0xffff;
	[tilespmem:s4+$0x8C00] =	vst v3;
	v3 =	vor.u32 v21, v0;
	_ =	sdelay $0x1  }
0x258: {  	v1 =	vld.idx.msk [tilespmem:v1+s16+$0x0], $0xffff;
	[tilespmem:s4+$0x8C80] =	vst v4;
	v4 =	vor.u32 v23, v0;
	_ =	sdelay $0x1  }
0x259: {  	v2 =	vld.idx.msk [tilespmem:v2+s16+$0x0], $0xffff;
	[tilespmem:s4+$0x8D00] =	vst v5;
	v5 =	vor.u32 v25, v0  }
0x25a: {  	v3 =	vld.idx.msk [tilespmem:v3+s16+$0x0], $0xffff;
	[tilespmem:s4+$0x8D80] =	vst v6;
	v6 =	vor.u32 v27, v0;
	_ =	sdelay $0x1  }
0x25b: {  	s2 =	sor.u32 s31, s0;
	v4 =	vld.idx.msk [tilespmem:v4+s16+$0x0], $0xffff;
	[tilespmem:s4+$0x8E00] =	vst v1;
	v1 =	vor.u32 v29, v0  }
0x25c: {  	s1 =	sor.u32 $0x380, s2  }
0x25d: {  	v5 =	vld.idx.msk [tilespmem:v5+s16+$0x0], $0xffff;
	[tilespmem:s1+$0x8B00] =	vst v2;
	v2 =	vor.u32 v30, v0  }
0x25e: {  	v6 =	vld.idx.msk [tilespmem:v6+s16+$0x0], $0xffff;
	[tilespmem:s4+$0x9B00] =	vst v3;
	v3 =	vor.u32 v31, v0;
	_ =	sdelay $0x1  }
0x25f: {  	v1 =	vld.idx.msk [tilespmem:v1+s16+$0x0], $0xffff;
	[tilespmem:s4+$0x9B80] =	vst v4;
	v4 =	vor.u32 v32, v0;
	_ =	sdelay $0x1  }
0x260: {  	v2 =	vld.idx.msk [tilespmem:v2+s16+$0x0], $0xffff;
	[tilespmem:s4+$0x9C00] =	vst v5;
	v5 =	vor.u32 v33, v0  }
0x261: {  	v3 =	vld.idx.msk [tilespmem:v3+s16+$0x0], $0xffff;
	[tilespmem:s4+$0x9C80] =	vst v6;
	v6 =	vor.u32 v34, v0;
	_ =	sdelay $0x1  }
0x262: {  	v4 =	vld.idx.msk [tilespmem:v4+s16+$0x0], $0xffff;
	[tilespmem:s4+$0x9D00] =	vst v1;
	v1 =	vor.u32 v35, v0;
	_ =	sdelay $0x1  }
0x263: {  	v5 =	vld.idx.msk [tilespmem:v5+s16+$0x0], $0xffff;
	[tilespmem:s4+$0x9D80] =	vst v2;
	v2 =	vor.u32 v36, v0  }
0x264: {  	v6 =	vld.idx.msk [tilespmem:v6+s16+$0x0], $0xffff;
	[tilespmem:s4+$0x9E00] =	vst v3;
	v3 =	vor.u32 v37, v0;
	_ =	sdelay $0x1  }
0x265: {  	v1 =	vld.idx.msk [tilespmem:v1+s16+$0x0], $0xffff;
	[tilespmem:s4+$0x9E80] =	vst v4;
	v4 =	vor.u32 v38, v0;
	_ =	sdelay $0x1  }
0x266: {  	v2 =	vld.idx.msk [tilespmem:v2+s16+$0x0], $0xffff;
	[tilespmem:s4+$0xAB00] =	vst v5;
	v5 =	vor.u32 v39, v0  }
0x267: {  	v3 =	vld.idx.msk [tilespmem:v3+s16+$0x0], $0xffff;
	[tilespmem:s4+$0xAB80] =	vst v6;
	v6 =	vor.u32 v41, v0;
	_ =	sdelay $0x1  }
0x268: {  	v4 =	vld.idx.msk [tilespmem:v4+s16+$0x0], $0xffff;
	[tilespmem:s4+$0xAC00] =	vst v1;
	v1 =	vor.u32 v42, v0;
	_ =	sdelay $0x1  }
0x269: {  	v5 =	vld.idx.msk [tilespmem:v5+s16+$0x0], $0xffff;
	[tilespmem:s4+$0xAC80] =	vst v2;
	v2 =	vor.u32 v43, v0  }
0x26a: {  	v6 =	vld.idx.msk [tilespmem:v6+s16+$0x0], $0xffff;
	[tilespmem:s4+$0xAD00] =	vst v3;
	v3 =	vor.u32 v44, v0;
	_ =	sdelay $0x1  }
0x26b: {  	v1 =	vld.idx.msk [tilespmem:v1+s16+$0x0], $0xffff;
	[tilespmem:s4+$0xAD80] =	vst v4;
	v4 =	vor.u32 v45, v0;
	_ =	sdelay $0x1  }
0x26c: {  	v2 =	vld.idx.msk [tilespmem:v2+s16+$0x0], $0xffff;
	[tilespmem:s4+$0xAE00] =	vst v5;
	v5 =	vor.u32 v46, v0  }
0x26d: {  	v3 =	vld.idx.msk [tilespmem:v3+s16+$0x0], $0xffff;
	[tilespmem:s4+$0xAE80] =	vst v6;
	v6 =	vor.u32 v47, v0;
	_ =	sdelay $0x1  }
0x26e: {  	v4 =	vld.idx.msk [tilespmem:v4+s16+$0x0], $0xffff;
	[tilespmem:s4+$0xBB00] =	vst v1;
	v1 =	vor.u32 v48, v0;
	_ =	sdelay $0x1  }
0x26f: {  	v5 =	vld.idx.msk [tilespmem:v5+s16+$0x0], $0xffff;
	[tilespmem:s4+$0xBB80] =	vst v2;
	v2 =	vor.u32 v49, v0  }
0x270: {  	v6 =	vld.idx.msk [tilespmem:v6+s16+$0x0], $0xffff;
	[tilespmem:s4+$0xBC00] =	vst v3;
	v3 =	vor.u32 v50, v0;
	_ =	sdelay $0x1  }
0x271: {  	v1 =	vld.idx.msk [tilespmem:v1+s16+$0x0], $0xffff;
	[tilespmem:s4+$0xBC80] =	vst v4;
	v4 =	vor.u32 v51, v0;
	_ =	sdelay $0x1  }
0x272: {  	v2 =	vld.idx.msk [tilespmem:v2+s16+$0x0], $0xffff;
	[tilespmem:s4+$0xBD00] =	vst v5;
	v5 =	vor.u32 v52, v0  }
0x273: {  	v3 =	vld.idx.msk [tilespmem:v3+s16+$0x0], $0xffff;
	[tilespmem:s4+$0xBD80] =	vst v6;
	v6 =	vor.u32 v53, v0;
	_ =	sdelay $0x1  }
0x274: {  	v4 =	vld.idx.msk [tilespmem:v4+s16+$0x0], $0xffff;
	[tilespmem:s4+$0xBE00] =	vst v1;
	v1 =	vor.u32 v54, v0;
	_ =	sdelay $0x1  }
0x275: {  	v5 =	vld.idx.msk [tilespmem:v5+s16+$0x0], $0xffff;
	[tilespmem:s4+$0xBE80] =	vst v2;
	v2 =	vor.u32 v55, v0  }
0x276: {  	v6 =	vld.idx.msk [tilespmem:v6+s16+$0x0], $0xffff;
	[tilespmem:s4+$0xCB00] =	vst v3;
	v3 =	vor.u32 v56, v0;
	_ =	sdelay $0x1  }
0x277: {  	v1 =	vld.idx.msk [tilespmem:v1+s16+$0x0], $0xffff;
	[tilespmem:s4+$0xCB80] =	vst v4;
	v4 =	vor.u32 v57, v0;
	_ =	sdelay $0x1  }
0x278: {  	v2 =	vld.idx.msk [tilespmem:v2+s16+$0x0], $0xffff;
	[tilespmem:s4+$0xCC00] =	vst v5;
	v5 =	vor.u32 v58, v0  }
0x279: {  	v3 =	vld.idx.msk [tilespmem:v3+s16+$0x0], $0xffff;
	[tilespmem:s4+$0xCC80] =	vst v6;
	v6 =	vor.u32 v59, v0;
	_ =	sdelay $0x1  }
0x27a: {  	v4 =	vld.idx.msk [tilespmem:v4+s16+$0x0], $0xffff;
	[tilespmem:s4+$0xCD00] =	vst v1;
	v1 =	vor.u32 v60, v0;
	_ =	sdelay $0x1  }
0x27b: {  	v5 =	vld.idx.msk [tilespmem:v5+s16+$0x0], $0xffff;
	[tilespmem:s4+$0xCD80] =	vst v2;
	v2 =	vor.u32 v61, v0  }
0x27c: {  	v6 =	vld.idx.msk [tilespmem:v6+s16+$0x0], $0xffff;
	[tilespmem:s4+$0xCE00] =	vst v3;
	v3 =	vor.u32 v62, v0;
	_ =	sdelay $0x1  }
0x27d: {  	v1 =	vld.idx.msk [tilespmem:v1+s16+$0x0], $0xffff;
	[tilespmem:s4+$0xCE80] =	vst v4;
	v4 =	vor.u32 v40, v0;
	_ =	sdelay $0x1  }
0x27e: {  	v2 =	vld.idx.msk [tilespmem:v2+s16+$0x0], $0xffff;
	[tilespmem:s4+$0xDB00] =	vst v5;
	v5 =	vor.u32 v63, v0  }
0x27f: {  	v3 =	vld.idx.msk [tilespmem:v3+s16+$0x0], $0xffff;
	[tilespmem:s4+$0xDB80] =	vst v6;
	v6 =	vor.u32 v19, v0;
	_ =	sdelay $0x1  }
0x280: {  	v4 =	vld.idx.msk [tilespmem:v4+s16+$0x0], $0xffff;
	[tilespmem:s4+$0xDC00] =	vst v1;
	v1 =	vor.u32 v7, v0;
	_ =	sdelay $0x1  }
0x281: {  	v5 =	vld.idx.msk [tilespmem:v5+s16+$0x0], $0xffff;
	[tilespmem:s4+$0xDC80] =	vst v2;
	v2 =	vor.u32 v8, v0  }
0x282: {  	v6 =	vld.idx.msk [tilespmem:v6+s16+$0x0], $0xffff;
	[tilespmem:s4+$0xDD00] =	vst v3;
	v3 =	vor.u32 v10, v0;
	_ =	sdelay $0x1  }
0x283: {  	v1 =	vld.idx.msk [tilespmem:v1+s16+$0x0], $0xffff;
	[tilespmem:s4+$0xDD80] =	vst v4;
	v4 =	vor.u32 v12, v0;
	_ =	sdelay $0x1  }
0x284: {  	v2 =	vld.idx.msk [tilespmem:v2+s16+$0x0], $0xffff;
	[tilespmem:s4+$0xDE00] =	vst v5;
	v5 =	vor.u32 v13, v0  }
0x285: {  	v3 =	vld.idx.msk [tilespmem:v3+s16+$0x0], $0xffff;
	[tilespmem:s4+$0xDE80] =	vst v6;
	v6 =	vor.u32 v9, v0;
	_ =	sdelay $0x1  }
0x286: {  	v4 =	vld.idx.msk [tilespmem:v4+s16+$0x0], $0xffff;
	[tilespmem:s4+$0xEB00] =	vst v1;
	v1 =	vor.u32 v16, v0;
	_ =	sdelay $0x1  }
0x287: {  	v5 =	vld.idx.msk [tilespmem:v5+s16+$0x0], $0xffff;
	[tilespmem:s4+$0xEB80] =	vst v2;
	v2 =	vor.u32 v15, v0  }
0x288: {  	v6 =	vld.idx.msk [tilespmem:v6+s16+$0x0], $0xffff  }
0x289: {  	[tilespmem:s4+$0xEC00] =	vst v3;
	v3 =	vld [tilespmem:$0x1FF70]  }
0x28a: {  	v1 =	vld.idx.msk [tilespmem:v1+s16+$0x0], $0xffff  }
0x28b: {  	[tilespmem:s4+$0xEC80] =	vst v4;
	v4 =	vld [tilespmem:$0x1FF80]  }
0x28c: {  	v2 =	vld.idx.msk [tilespmem:v2+s16+$0x0], $0xffff  }
0x28d: {  	[tilespmem:s4+$0xED00] =	vst v5;
	v5 =	vld [tilespmem:$0x1FF90]  }
0x28e: {  	v3 =	vor.u32 v3, v0;
	_ =	sdelay $0x1  }
0x28f: {  	v4 =	vor.u32 v4, v0;
	_ =	sdelay $0x1  }
0x290: {  	v5 =	vor.u32 v5, v0  }
0x291: {  	v3 =	vld.idx.msk [tilespmem:v3+s16+$0x0], $0xffff  }
0x292: {  	[tilespmem:s4+$0xED80] =	vst v6;
	v6 =	vld [tilespmem:$0x1FFA0]  }
0x293: {  	v4 =	vld.idx.msk [tilespmem:v4+s16+$0x0], $0xffff  }
0x294: {  	[tilespmem:s4+$0xEE00] =	vst v1;
	v1 =	vld [tilespmem:$0x1FFB0]  }
0x295: {  	v5 =	vld.idx.msk [tilespmem:v5+s16+$0x0], $0xffff  }
0x296: {  	[tilespmem:s4+$0xEE80] =	vst v2;
	v2 =	vld [tilespmem:$0x1FFC0]  }
0x297: {  	v6 =	vor.u32 v6, v0;
	_ =	sdelay $0x2  }
0x298: {  	v1 =	vor.u32 v1, v0  }
0x299: {  	v2 =	vor.u32 v2, v0  }
0x29a: {  	v6 =	vld.idx.msk [tilespmem:v6+s16+$0x0], $0xffff;
	[tilespmem:s4+$0xFB00] =	vst v3;
	v3 =	vor.u32 v17, v0  }
0x29b: {  	v0 =	vor.u32 v14, v0;
	_ =	sdelay $0x1  }
0x29c: {  	v1 =	vld.idx.msk [tilespmem:v1+s16+$0x0], $0xffff;
	[tilespmem:s4+$0xFB80] =	vst v4  }
0x29d: {  	v2 =	vld.idx.msk [tilespmem:v2+s16+$0x0], $0xffff;
	[tilespmem:s4+$0xFC00] =	vst v5  }
0x29e: {  	v3 =	vld.idx.msk [tilespmem:v3+s16+$0x0], $0xffff;
	[tilespmem:s4+$0xFC80] =	vst v6  }
0x29f: {  	p0 =	sne.s32 s0, $0x1F0;
	v0 =	vld.idx.msk [tilespmem:v0+s16+$0x0], $0xffff  }
.Ltmp2:
0x2a0: {  	_ = 	snop;
	(pc) =	sbr.rel @p0 .LBB2_7-.Ltmp2, $4  }
0x2a1: {  	[tilespmem:s4+$0xFD00] =	vst v1  }
0x2a2: {  	[tilespmem:s4+$0xFD80] =	vst v2  }
0x2a3: {  	[tilespmem:s4+$0xFE00] =	vst v3  }
0x2a4: {  	s31 =	sadd.s32 $0x80, s31;
	s0 =	sadd.s32 $0x10, s0;
	[tilespmem:s4+$0xFE80] =	vst v0  }
0x2a5: {  	s0 =	sshll.u32 s29, $0x11  }
0x2a6: {  	s28 =	sadd.s32 $0x3, s28;
	s30 =	simm.s32 $0x0;
	s0 =	sadd.s32 s0, s7  }
0x2a7: {  	[hbm4b:s0+s12] =	stream.strided.scatter [tilespmem:s19], [sflag:$0x1], $0x8000, s13, s12, $0x38;
	[tilespmem:$0x1CB00] =	vst v63  }
0x2a8: {  	s31 =	sshll.u32 s28, $0x9;
	s1 =	sshll.u32 s28, $0x7;
	_ =	swait.ge [sflag:s22], $0x8000  }
0x2a9: {  	s0 =	sand.u32 $0xF000, s31;
	s1 =	sand.u32 $0x380, s1;
	[sflag:s22] =	ssyncset.done $0x0  }
0x2aa: {  	s29 =	sor.u32 s1, s0;
	s0 =	simm.s32 $0x0;
	[sflag:s22] =	ssyncadd.s32 $0xFFFF8000  }
.LBB2_9:
0x2ab: {  	s1 =	sand.u32 $0xC00, s0  }
0x2ac: {  	s2 =	sand.u32 $0x70, s30;
	s4 =	sadd.s32 s1, s29  }
0x2ad: {  	s4 =	sadd.s32 s2, s4  }
0x2ae: {  	v0 =	vld [tilespmem:s4+$0x0];
	_ =	sdelay $0x4  }
0x2af: {  	v1 =	vlaneseq.u32;
	v0 =	vshll.u32 v0, $0xA  }
0x2b0: {  	v1 =	vor.u32 v1, v0;
	_ =	sdelay $0x1  }
0x2b1: {  	v2 =	vor.u32 v11, v0  }
0x2b2: {  	v3 =	vor.u32 v18, v0;
	_ =	sdelay $0x1  }
0x2b3: {  	v4 =	vor.u32 v20, v0;
	v1 =	vld.idx.msk [tilespmem:v1+s16+$0x0], $0xffff;
	_ =	sdelay $0x1  }
0x2b4: {  	v5 =	vor.u32 v22, v0;
	v2 =	vld.idx.msk [tilespmem:v2+s16+$0x0], $0xffff  }
0x2b5: {  	v6 =	vor.u32 v24, v0;
	v3 =	vld.idx.msk [tilespmem:v3+s16+$0x0], $0xffff  }
0x2b6: {  	s31 =	sor.u32 s2, s1  }
0x2b7: {  	v4 =	vld.idx.msk [tilespmem:v4+s16+$0x0], $0xffff;
	[tilespmem:s31+$0x10B00] =	vst v1;
	v1 =	vor.u32 v26, v0;
	_ =	sdelay $0x1  }
0x2b8: {  	v5 =	vld.idx.msk [tilespmem:v5+s16+$0x0], $0xffff;
	[tilespmem:s31+$0x10B80] =	vst v2;
	v2 =	vor.u32 v28, v0  }
0x2b9: {  	v6 =	vld.idx.msk [tilespmem:v6+s16+$0x0], $0xffff;
	[tilespmem:s31+$0x10C00] =	vst v3;
	v3 =	vor.u32 v21, v0;
	_ =	sdelay $0x1  }
0x2ba: {  	v1 =	vld.idx.msk [tilespmem:v1+s16+$0x0], $0xffff;
	[tilespmem:s31+$0x10C80] =	vst v4;
	v4 =	vor.u32 v23, v0;
	_ =	sdelay $0x1  }
0x2bb: {  	v2 =	vld.idx.msk [tilespmem:v2+s16+$0x0], $0xffff;
	[tilespmem:s31+$0x10D00] =	vst v5;
	v5 =	vor.u32 v25, v0  }
0x2bc: {  	v3 =	vld.idx.msk [tilespmem:v3+s16+$0x0], $0xffff;
	[tilespmem:s31+$0x10D80] =	vst v6;
	v6 =	vor.u32 v27, v0;
	_ =	sdelay $0x1  }
0x2bd: {  	v4 =	vld.idx.msk [tilespmem:v4+s16+$0x0], $0xffff;
	[tilespmem:s31+$0x10E00] =	vst v1;
	v1 =	vor.u32 v29, v0;
	_ =	sdelay $0x1  }
0x2be: {  	v5 =	vld.idx.msk [tilespmem:v5+s16+$0x0], $0xffff;
	[tilespmem:s31+$0x10E80] =	vst v2;
	v2 =	vor.u32 v30, v0  }
0x2bf: {  	v6 =	vld.idx.msk [tilespmem:v6+s16+$0x0], $0xffff;
	[tilespmem:s31+$0x11B00] =	vst v3;
	v3 =	vor.u32 v31, v0;
	_ =	sdelay $0x1  }
0x2c0: {  	v1 =	vld.idx.msk [tilespmem:v1+s16+$0x0], $0xffff;
	[tilespmem:s31+$0x11B80] =	vst v4;
	v4 =	vor.u32 v32, v0;
	_ =	sdelay $0x1  }
0x2c1: {  	v2 =	vld.idx.msk [tilespmem:v2+s16+$0x0], $0xffff;
	[tilespmem:s31+$0x11C00] =	vst v5;
	v5 =	vor.u32 v33, v0  }
0x2c2: {  	v3 =	vld.idx.msk [tilespmem:v3+s16+$0x0], $0xffff;
	[tilespmem:s31+$0x11C80] =	vst v6;
	v6 =	vor.u32 v34, v0;
	_ =	sdelay $0x1  }
0x2c3: {  	v4 =	vld.idx.msk [tilespmem:v4+s16+$0x0], $0xffff;
	[tilespmem:s31+$0x11D00] =	vst v1;
	v1 =	vor.u32 v35, v0;
	_ =	sdelay $0x1  }
0x2c4: {  	v5 =	vld.idx.msk [tilespmem:v5+s16+$0x0], $0xffff;
	[tilespmem:s31+$0x11D80] =	vst v2;
	v2 =	vor.u32 v36, v0  }
0x2c5: {  	v6 =	vld.idx.msk [tilespmem:v6+s16+$0x0], $0xffff;
	[tilespmem:s31+$0x11E00] =	vst v3;
	v3 =	vor.u32 v37, v0;
	_ =	sdelay $0x1  }
0x2c6: {  	v1 =	vld.idx.msk [tilespmem:v1+s16+$0x0], $0xffff;
	[tilespmem:s31+$0x11E80] =	vst v4;
	v4 =	vor.u32 v38, v0;
	_ =	sdelay $0x1  }
0x2c7: {  	v2 =	vld.idx.msk [tilespmem:v2+s16+$0x0], $0xffff;
	[tilespmem:s31+$0x12B00] =	vst v5;
	v5 =	vor.u32 v39, v0  }
0x2c8: {  	v3 =	vld.idx.msk [tilespmem:v3+s16+$0x0], $0xffff;
	[tilespmem:s31+$0x12B80] =	vst v6;
	v6 =	vor.u32 v41, v0;
	_ =	sdelay $0x1  }
0x2c9: {  	v4 =	vld.idx.msk [tilespmem:v4+s16+$0x0], $0xffff;
	[tilespmem:s31+$0x12C00] =	vst v1;
	v1 =	vor.u32 v42, v0;
	_ =	sdelay $0x1  }
0x2ca: {  	v5 =	vld.idx.msk [tilespmem:v5+s16+$0x0], $0xffff;
	[tilespmem:s31+$0x12C80] =	vst v2;
	v2 =	vor.u32 v43, v0  }
0x2cb: {  	v6 =	vld.idx.msk [tilespmem:v6+s16+$0x0], $0xffff;
	[tilespmem:s31+$0x12D00] =	vst v3;
	v3 =	vor.u32 v44, v0;
	_ =	sdelay $0x1  }
0x2cc: {  	v1 =	vld.idx.msk [tilespmem:v1+s16+$0x0], $0xffff;
	[tilespmem:s31+$0x12D80] =	vst v4;
	v4 =	vor.u32 v45, v0;
	_ =	sdelay $0x1  }
0x2cd: {  	v2 =	vld.idx.msk [tilespmem:v2+s16+$0x0], $0xffff;
	[tilespmem:s31+$0x12E00] =	vst v5;
	v5 =	vor.u32 v46, v0  }
0x2ce: {  	v3 =	vld.idx.msk [tilespmem:v3+s16+$0x0], $0xffff;
	[tilespmem:s31+$0x12E80] =	vst v6;
	v6 =	vor.u32 v47, v0;
	_ =	sdelay $0x1  }
0x2cf: {  	v4 =	vld.idx.msk [tilespmem:v4+s16+$0x0], $0xffff;
	[tilespmem:s31+$0x13B00] =	vst v1;
	v1 =	vor.u32 v48, v0;
	_ =	sdelay $0x1  }
0x2d0: {  	v5 =	vld.idx.msk [tilespmem:v5+s16+$0x0], $0xffff;
	[tilespmem:s31+$0x13B80] =	vst v2;
	v2 =	vor.u32 v49, v0  }
0x2d1: {  	v6 =	vld.idx.msk [tilespmem:v6+s16+$0x0], $0xffff;
	[tilespmem:s31+$0x13C00] =	vst v3;
	v3 =	vor.u32 v50, v0;
	_ =	sdelay $0x1  }
0x2d2: {  	v1 =	vld.idx.msk [tilespmem:v1+s16+$0x0], $0xffff;
	[tilespmem:s31+$0x13C80] =	vst v4;
	v4 =	vor.u32 v51, v0;
	_ =	sdelay $0x1  }
0x2d3: {  	v2 =	vld.idx.msk [tilespmem:v2+s16+$0x0], $0xffff;
	[tilespmem:s31+$0x13D00] =	vst v5;
	v5 =	vor.u32 v52, v0  }
0x2d4: {  	v3 =	vld.idx.msk [tilespmem:v3+s16+$0x0], $0xffff;
	[tilespmem:s31+$0x13D80] =	vst v6;
	v6 =	vor.u32 v53, v0;
	_ =	sdelay $0x1  }
0x2d5: {  	v4 =	vld.idx.msk [tilespmem:v4+s16+$0x0], $0xffff;
	[tilespmem:s31+$0x13E00] =	vst v1;
	v1 =	vor.u32 v54, v0;
	_ =	sdelay $0x1  }
0x2d6: {  	v5 =	vld.idx.msk [tilespmem:v5+s16+$0x0], $0xffff;
	[tilespmem:s31+$0x13E80] =	vst v2;
	v2 =	vor.u32 v55, v0  }
0x2d7: {  	v6 =	vld.idx.msk [tilespmem:v6+s16+$0x0], $0xffff;
	[tilespmem:s31+$0x14B00] =	vst v3;
	v3 =	vor.u32 v56, v0;
	_ =	sdelay $0x1  }
0x2d8: {  	v1 =	vld.idx.msk [tilespmem:v1+s16+$0x0], $0xffff;
	[tilespmem:s31+$0x14B80] =	vst v4;
	v4 =	vor.u32 v57, v0;
	_ =	sdelay $0x1  }
0x2d9: {  	v2 =	vld.idx.msk [tilespmem:v2+s16+$0x0], $0xffff;
	[tilespmem:s31+$0x14C00] =	vst v5;
	v5 =	vor.u32 v58, v0  }
0x2da: {  	v3 =	vld.idx.msk [tilespmem:v3+s16+$0x0], $0xffff;
	[tilespmem:s31+$0x14C80] =	vst v6;
	v6 =	vor.u32 v59, v0;
	_ =	sdelay $0x1  }
0x2db: {  	v4 =	vld.idx.msk [tilespmem:v4+s16+$0x0], $0xffff;
	[tilespmem:s31+$0x14D00] =	vst v1;
	v1 =	vor.u32 v60, v0;
	_ =	sdelay $0x1  }
0x2dc: {  	v5 =	vld.idx.msk [tilespmem:v5+s16+$0x0], $0xffff;
	[tilespmem:s31+$0x14D80] =	vst v2;
	v2 =	vor.u32 v61, v0  }
0x2dd: {  	v6 =	vld.idx.msk [tilespmem:v6+s16+$0x0], $0xffff;
	[tilespmem:s31+$0x14E00] =	vst v3;
	v3 =	vor.u32 v62, v0;
	_ =	sdelay $0x1  }
0x2de: {  	v1 =	vld.idx.msk [tilespmem:v1+s16+$0x0], $0xffff;
	[tilespmem:s31+$0x14E80] =	vst v4;
	v4 =	vor.u32 v40, v0;
	_ =	sdelay $0x1  }
0x2df: {  	v2 =	vld.idx.msk [tilespmem:v2+s16+$0x0], $0xffff;
	[tilespmem:s31+$0x15B00] =	vst v5;
	v5 =	vor.u32 v63, v0  }
0x2e0: {  	v3 =	vld.idx.msk [tilespmem:v3+s16+$0x0], $0xffff;
	[tilespmem:s31+$0x15B80] =	vst v6;
	v6 =	vor.u32 v19, v0;
	_ =	sdelay $0x1  }
0x2e1: {  	v4 =	vld.idx.msk [tilespmem:v4+s16+$0x0], $0xffff;
	[tilespmem:s31+$0x15C00] =	vst v1;
	v1 =	vor.u32 v7, v0;
	_ =	sdelay $0x1  }
0x2e2: {  	v5 =	vld.idx.msk [tilespmem:v5+s16+$0x0], $0xffff;
	[tilespmem:s31+$0x15C80] =	vst v2;
	v2 =	vor.u32 v8, v0  }
0x2e3: {  	v6 =	vld.idx.msk [tilespmem:v6+s16+$0x0], $0xffff;
	[tilespmem:s31+$0x15D00] =	vst v3;
	v3 =	vor.u32 v10, v0;
	_ =	sdelay $0x1  }
0x2e4: {  	v1 =	vld.idx.msk [tilespmem:v1+s16+$0x0], $0xffff;
	[tilespmem:s31+$0x15D80] =	vst v4;
	v4 =	vor.u32 v12, v0;
	_ =	sdelay $0x1  }
0x2e5: {  	v2 =	vld.idx.msk [tilespmem:v2+s16+$0x0], $0xffff;
	[tilespmem:s31+$0x15E00] =	vst v5;
	v5 =	vor.u32 v13, v0  }
0x2e6: {  	v3 =	vld.idx.msk [tilespmem:v3+s16+$0x0], $0xffff;
	[tilespmem:s31+$0x15E80] =	vst v6;
	v6 =	vor.u32 v9, v0;
	_ =	sdelay $0x1  }
0x2e7: {  	v4 =	vld.idx.msk [tilespmem:v4+s16+$0x0], $0xffff;
	[tilespmem:s31+$0x16B00] =	vst v1;
	v1 =	vor.u32 v16, v0;
	_ =	sdelay $0x1  }
0x2e8: {  	v5 =	vld.idx.msk [tilespmem:v5+s16+$0x0], $0xffff;
	[tilespmem:s31+$0x16B80] =	vst v2;
	v2 =	vor.u32 v15, v0  }
0x2e9: {  	v6 =	vld.idx.msk [tilespmem:v6+s16+$0x0], $0xffff  }
0x2ea: {  	[tilespmem:s31+$0x16C00] =	vst v3;
	v3 =	vld [tilespmem:$0x1FF70]  }
0x2eb: {  	v1 =	vld.idx.msk [tilespmem:v1+s16+$0x0], $0xffff  }
0x2ec: {  	[tilespmem:s31+$0x16C80] =	vst v4;
	v4 =	vld [tilespmem:$0x1FF80]  }
0x2ed: {  	v2 =	vld.idx.msk [tilespmem:v2+s16+$0x0], $0xffff  }
0x2ee: {  	[tilespmem:s31+$0x16D00] =	vst v5;
	v5 =	vld [tilespmem:$0x1FF90]  }
0x2ef: {  	v3 =	vor.u32 v3, v0;
	_ =	sdelay $0x1  }
0x2f0: {  	v4 =	vor.u32 v4, v0;
	_ =	sdelay $0x1  }
0x2f1: {  	v5 =	vor.u32 v5, v0  }
0x2f2: {  	v3 =	vld.idx.msk [tilespmem:v3+s16+$0x0], $0xffff  }
0x2f3: {  	[tilespmem:s31+$0x16D80] =	vst v6;
	v6 =	vld [tilespmem:$0x1FFA0]  }
0x2f4: {  	v4 =	vld.idx.msk [tilespmem:v4+s16+$0x0], $0xffff  }
0x2f5: {  	[tilespmem:s31+$0x16E00] =	vst v1;
	v1 =	vld [tilespmem:$0x1FFB0]  }
0x2f6: {  	v5 =	vld.idx.msk [tilespmem:v5+s16+$0x0], $0xffff  }
0x2f7: {  	[tilespmem:s31+$0x16E80] =	vst v2;
	v2 =	vld [tilespmem:$0x1FFC0]  }
0x2f8: {  	v6 =	vor.u32 v6, v0;
	_ =	sdelay $0x2  }
0x2f9: {  	v1 =	vor.u32 v1, v0  }
0x2fa: {  	v2 =	vor.u32 v2, v0  }
0x2fb: {  	v6 =	vld.idx.msk [tilespmem:v6+s16+$0x0], $0xffff;
	[tilespmem:s31+$0x17B00] =	vst v3;
	v3 =	vor.u32 v17, v0  }
0x2fc: {  	v0 =	vor.u32 v14, v0;
	_ =	sdelay $0x1  }
0x2fd: {  	v1 =	vld.idx.msk [tilespmem:v1+s16+$0x0], $0xffff;
	[tilespmem:s31+$0x17B80] =	vst v4  }
0x2fe: {  	v2 =	vld.idx.msk [tilespmem:v2+s16+$0x0], $0xffff;
	[tilespmem:s31+$0x17C00] =	vst v5  }
0x2ff: {  	v3 =	vld.idx.msk [tilespmem:v3+s16+$0x0], $0xffff;
	[tilespmem:s31+$0x17C80] =	vst v6  }
0x300: {  	p0 =	sne.s32 s30, $0x1F0;
	v0 =	vld.idx.msk [tilespmem:v0+s16+$0x0], $0xffff  }
.Ltmp3:
0x301: {  	_ = 	snop;
	(pc) =	sbr.rel @p0 .LBB2_9-.Ltmp3, $4  }
0x302: {  	[tilespmem:s31+$0x17D00] =	vst v1  }
0x303: {  	[tilespmem:s31+$0x17D80] =	vst v2  }
0x304: {  	[tilespmem:s31+$0x17E00] =	vst v3  }
0x305: {  	s0 =	sadd.s32 $0x80, s0;
	s30 =	sadd.s32 $0x10, s30;
	[tilespmem:s31+$0x17E80] =	vst v0  }
0x306: {  	s26 =	sadd.s32 $0x1, s26  }
0x307: {  	p0 =	sne.s32 s26, $0x1A  }
.Ltmp4:
0x308: {  	_ = 	snop;
	(pc) =	sbr.rel @p0 .LBB2_6-.Ltmp4, $4  }
0x309: {  	_ = 	snop  }
0x30a: {  	s0 =	sshll.u32 s28, $0x11  }
0x30b: {  	s0 =	sadd.s32 s0, s7  }
0x30c: {  	[hbm4b:s0+s12] =	stream.strided.scatter [tilespmem:s20], [sflag:$0x2], $0x8000, s13, s12, $0x38;
	[tilespmem:$0x1CB00] =	vst v63  }
0x30d: {  	v0 =	vld [tilespmem:$0x8A00];
	_ =	sdelay $0x1  }
0x30e: {  	v2 =	vimm.s32 $0x0;
	v3 =	vimm.s32 $0x1;
	v4 =	vimm.s32 $0x2  }
0x30f: {  	v5 =	vimm.s32 $0x3;
	v6 =	vimm.s32 $0x4;
	v7 =	vimm.s32 $0x5  }
0x310: {  	v8 =	vimm.s32 $0x6;
	v9 =	vimm.s32 $0x7;
	v10 =	vimm.s32 $0x8  }
0x311: {  	v63 =	vimm.s32 $0xD;
	v23 =	vperm.xlane v0, v2;
	v24 =	vperm.xlane v0, v3  }
0x312: {  	v11 =	vimm.s32 $0x9;
	v27 =	vperm.xlane v0, v4;
	v16 =	vperm.xlane v0, v63  }
0x313: {  	v12 =	vimm.s32 $0xA;
	v28 =	vperm.xlane v0, v5;
	v30 =	vperm.xlane v0, v6  }
0x314: {  	v31 =	vperm.xlane v0, v7;
	v34 =	vperm.xlane v0, v8;
	[tilespmem:$0x1FAD0] =	vst v16;
	v16 =	vimm.s32 $0xE  }
0x315: {  	v1 =	vld [tilespmem:$0x8A10];
	v13 =	vimm.s32 $0xB;
	v35 =	vperm.xlane v0, v9;
	v17 =	vperm.xlane v0, v16  }
0x316: {  	v14 =	vimm.s32 $0xC;
	v36 =	vperm.xlane v0, v10;
	v20 =	vperm.xlane v0, v11  }
0x317: {  	v29 =	vperm.xlane v0, v12;
	v19 =	vperm.xlane v0, v13;
	[tilespmem:$0x1FAE0] =	vst v17;
	v17 =	vimm.s32 $0xF  }
0x318: {  	v15 =	vperm.xlane v0, v14;
	v0 =	vperm.xlane v0, v17;
	_ =	sdelay $0x1  }
0x319: {  	[tilespmem:$0x1FAF0] =	vst v0;
	v0 =	vperm.xlane v1, v2;
	_ =	sdelay $0x1  }
0x31a: {  	[tilespmem:$0x1FB00] =	vst v0;
	v0 =	vperm.xlane v1, v3;
	_ =	sdelay $0x1  }
0x31b: {  	[tilespmem:$0x1FB10] =	vst v0;
	v0 =	vperm.xlane v1, v4;
	_ =	sdelay $0x1  }
0x31c: {  	[tilespmem:$0x1FB20] =	vst v0;
	v0 =	vperm.xlane v1, v5;
	_ =	sdelay $0x1  }
0x31d: {  	[tilespmem:$0x1FB30] =	vst v0;
	v0 =	vperm.xlane v1, v6;
	_ =	sdelay $0x1  }
0x31e: {  	[tilespmem:$0x1FB40] =	vst v0;
	v0 =	vperm.xlane v1, v7;
	_ =	sdelay $0x1  }
0x31f: {  	v18 =	vperm.xlane v1, v8;
	v21 =	vperm.xlane v1, v11;
	[tilespmem:$0x1FB50] =	vst v0;
	v0 =	vld [tilespmem:$0x8A80]  }
0x320: {  	v25 =	vperm.xlane v1, v12;
	v32 =	vperm.xlane v1, v13  }
0x321: {  	v37 =	vperm.xlane v1, v14;
	[tilespmem:$0x1FB60] =	vst v18;
	v18 =	vperm.xlane v1, v9  }
0x322: {  	v39 =	vperm.xlane v1, v63;
	v42 =	vperm.xlane v1, v16  }
0x323: {  	[tilespmem:$0x1FB70] =	vst v18;
	v18 =	vperm.xlane v1, v10;
	v49 =	vperm.xlane v1, v17  }
0x324: {  	v50 =	vperm.xlane v0, v2;
	v52 =	vperm.xlane v0, v3  }
0x325: {  	[tilespmem:$0x1FB80] =	vst v18;
	v55 =	vperm.xlane v0, v4;
	v18 =	vperm.xlane v0, v13  }
0x326: {  	v56 =	vperm.xlane v0, v5;
	v58 =	vperm.xlane v0, v6  }
0x327: {  	v53 =	vperm.xlane v0, v7;
	[tilespmem:$0x1FB90] =	vst v18;
	v18 =	vperm.xlane v0, v14  }
0x328: {  	v1 =	vld [tilespmem:$0x8A90];
	v59 =	vperm.xlane v0, v8;
	v54 =	vperm.xlane v0, v9  }
0x329: {  	v48 =	vperm.xlane v0, v10;
	[tilespmem:$0x1FBA0] =	vst v18;
	v18 =	vperm.xlane v0, v63  }
0x32a: {  	v44 =	vperm.xlane v0, v11;
	v46 =	vperm.xlane v0, v12  }
0x32b: {  	[tilespmem:$0x1FBB0] =	vst v18;
	v18 =	vperm.xlane v0, v16;
	v0 =	vperm.xlane v0, v17;
	_ =	sdelay $0x1  }
0x32c: {  	[tilespmem:$0x1FBD0] =	vst v0;
	v0 =	vperm.xlane v1, v2;
	_ =	sdelay $0x1  }
0x32d: {  	[tilespmem:$0x1FBE0] =	vst v0;
	v0 =	vperm.xlane v1, v3  }
0x32e: {  	s0 =	simm.s32 $0x7000  }
0x32f: {  	[tilespmem:$0x1FBF0] =	vst v0;
	v0 =	vld [tilespmem:s0+$0x0]  }
0x330: {  	v22 =	vperm.xlane v1, v4;
	v26 =	vperm.xlane v1, v5  }
0x331: {  	v33 =	vperm.xlane v1, v6;
	v38 =	vperm.xlane v1, v7;
	v2 =	vld [tilespmem:$0x1FFE0]  }
0x332: {  	v40 =	vperm.xlane v1, v8;
	v41 =	vperm.xlane v1, v9  }
0x333: {  	v43 =	vperm.xlane v1, v10;
	v45 =	vperm.xlane v1, v11  }
0x334: {  	v47 =	vperm.xlane v1, v12;
	v0 =	vcvt.s32.f32 v0  }
0x335: {  	v51 =	vperm.xlane v1, v13;
	v57 =	vperm.xlane v1, v14  }
0x336: {  	v60 =	vperm.xlane v1, v63;
	v0 =	vmul.f32 v0, v2  }
0x337: {  	v61 =	vperm.xlane v1, v16;
	v62 =	vperm.xlane v1, v17  }
0x338: {  	v1 =	vmul.f32 v0, v23;
	v2 =	vmul.f32 v0, v27  }
0x339: {  	s4 =	simm.s32 $0x0;
	v3 =	vmul.f32 v0, v34;
	v4 =	vmul.f32 v0, v24  }
0x33a: {  	s1 =	sand.u32 $0x70, s4;
	s2 =	sand.u32 $0xC00, s4;
	[tilespmem:$0x1FAC0] =	vst v15;
	v5 =	vmul.f32 v0, v28;
	v63 =	vmul.f32 v0, v35;
	v1 =	vadd.f32 v1, v50  }
0x33b: {  	s26 =	sor.u32 s1, s2;
	[tilespmem:$0x1FBC0] =	vst v18;
	v3 =	vadd.f32 v3, v59;
	v7 =	vadd.f32 v4, v52;
	v4 =	vmul.f32 v0, v30  }
0x33c: {  	s31 =	sadd.s32 $0x18B00, s26;
	v6 =	vmul.f32 v0, v31;
	v2 =	vadd.f32 v2, v55;
	v5 =	vadd.f32 v5, v56;
	[tilespmem:s26+$0x18B00] =	vst v1  }
0x33d: {  	s29 =	simm.s32 $0x10;
	s28 =	sor.u32 s4, s4;
	[tilespmem:s31+$0x300] =	vst v3;
	v4 =	vadd.f32 v4, v58;
	v3 =	vmul.f32 v0, v36;
	v1 =	vmul.f32 v0, v49  }
.LBB2_12:
0x33e: {  	[tilespmem:s31+$0x80] =	vst v7  }
0x33f: {  	[tilespmem:s31+$0x100] =	vst v2;
	v2 =	vadd.f32 v6, v53  }
0x340: {  	[tilespmem:s31+$0x180] =	vst v5  }
0x341: {  	[tilespmem:s31+$0x280] =	vst v2;
	v2 =	vadd.f32 v63, v54  }
0x342: {  	s2 =	sor.u32 $0x380, s28;
	[tilespmem:s31+$0x200] =	vst v4  }
0x343: {  	[tilespmem:s2+$0x18B00] =	vst v2;
	v2 =	vld [tilespmem:$0x1FB50]  }
0x344: {  	v4 =	vld [tilespmem:$0x1FB70]  }
0x345: {  	v16 =	vld [tilespmem:$0x1FB20]  }
0x346: {  	v12 =	vld [tilespmem:$0x1FB80]  }
0x347: {  	v14 =	vld [tilespmem:$0x1FB40];
	v7 =	vmul.f32 v0, v29;
	v3 =	vadd.f32 v3, v48  }
0x348: {  	v13 =	vld [tilespmem:$0x1FB60];
	v2 =	vmul.f32 v0, v2  }
0x349: {  	v15 =	vld [tilespmem:$0x1FB10];
	v4 =	vmul.f32 v0, v4;
	[tilespmem:s26+$0x19B00] =	vst v3;
	v3 =	vadd.f32 v7, v46  }
0x34a: {  	v17 =	vld [tilespmem:$0x1FAD0];
	v16 =	vmul.f32 v0, v16;
	v2 =	vadd.f32 v2, v38  }
0x34b: {  	v18 =	vld [tilespmem:$0x1FAE0];
	[tilespmem:s26+$0x19C00] =	vst v3;
	v4 =	vadd.f32 v4, v41  }
0x34c: {  	v14 =	vmul.f32 v0, v14;
	v3 =	vld [tilespmem:$0x1FAF0];
	[tilespmem:s26+$0x1AD80] =	vst v2;
	v2 =	vadd.f32 v16, v22  }
0x34d: {  	v8 =	vmul.f32 v0, v42;
	v6 =	vmul.f32 v0, v20;
	v1 =	vadd.f32 v1, v62;
	v7 =	vld [tilespmem:$0x1FB30];
	[tilespmem:s26+$0x1AE80] =	vst v4  }
0x34e: {  	v5 =	vmul.f32 v0, v32;
	v4 =	vadd.f32 v14, v33;
	[tilespmem:s26+$0x1AC00] =	vst v2;
	v2 =	vld [tilespmem:$0x1FBD0]  }
0x34f: {  	v8 =	vadd.f32 v8, v61;
	[tilespmem:s26+$0x1BE80] =	vst v1;
	v1 =	vadd.f32 v6, v44;
	v6 =	vld [tilespmem:$0x1FB00]  }
0x350: {  	v9 =	vmul.f32 v0, v39;
	v5 =	vadd.f32 v5, v51;
	v12 =	vmul.f32 v0, v12;
	[tilespmem:s26+$0x1AD00] =	vst v4;
	v4 =	vld [tilespmem:$0x1FBF0]  }
0x351: {  	v10 =	vmul.f32 v0, v37;
	[tilespmem:s26+$0x1BE00] =	vst v8;
	v8 =	vld [tilespmem:$0x1FAC0];
	v3 =	vmul.f32 v0, v3  }
0x352: {  	v11 =	vmul.f32 v0, v25;
	[tilespmem:s26+$0x1BC80] =	vst v5;
	v5 =	vadd.f32 v12, v43;
	v7 =	vmul.f32 v0, v7  }
0x353: {  	v63 =	vmul.f32 v0, v21;
	v15 =	vmul.f32 v0, v15;
	[tilespmem:s26+$0x19B80] =	vst v1;
	v2 =	vadd.f32 v3, v2  }
0x354: {  	v13 =	vmul.f32 v0, v13;
	v17 =	vmul.f32 v0, v17;
	[tilespmem:s26+$0x1BB00] =	vst v5;
	v5 =	vadd.f32 v7, v26  }
0x355: {  	v18 =	vmul.f32 v0, v18;
	v1 =	vmul.f32 v0, v19;
	v4 =	vadd.f32 v15, v4;
	[tilespmem:s26+$0x19E80] =	vst v2;
	v2 =	vld [tilespmem:$0x1FB90]  }
0x356: {  	v6 =	vmul.f32 v0, v6;
	v0 =	vmul.f32 v0, v8;
	v8 =	vadd.f32 v10, v57;
	[tilespmem:s26+$0x1AC80] =	vst v5;
	v5 =	vld [tilespmem:$0x1FBE0]  }
0x357: {  	v9 =	vadd.f32 v9, v60;
	[tilespmem:s26+$0x1AB80] =	vst v4;
	v4 =	vld [tilespmem:$0x1FBB0]  }
0x358: {  	[tilespmem:s26+$0x1BD00] =	vst v8;
	v8 =	vadd.f32 v63, v45;
	v3 =	vld [tilespmem:$0x1FBC0]  }
0x359: {  	[tilespmem:s26+$0x1BD80] =	vst v9;
	v9 =	vadd.f32 v11, v47  }
0x35a: {  	[tilespmem:s26+$0x1BB80] =	vst v8;
	v8 =	vadd.f32 v13, v40;
	v1 =	vadd.f32 v1, v2;
	v2 =	vld [tilespmem:$0x1FBA0]  }
0x35b: {  	[tilespmem:s26+$0x1BC00] =	vst v9;
	v5 =	vadd.f32 v6, v5  }
0x35c: {  	[tilespmem:s26+$0x1AE00] =	vst v8;
	v4 =	vadd.f32 v17, v4  }
0x35d: {  	[tilespmem:s26+$0x1AB00] =	vst v5;
	v3 =	vadd.f32 v18, v3  }
0x35e: {  	[tilespmem:s26+$0x19D80] =	vst v4  }
0x35f: {  	[tilespmem:s26+$0x19E00] =	vst v3;
	v0 =	vadd.f32 v0, v2  }
0x360: {  	[tilespmem:s26+$0x19C80] =	vst v1  }
0x361: {  	s0 =	sadd.s32 $0x10, s0;
	[tilespmem:s26+$0x19D00] =	vst v0  }
0x362: {  	v0 =	vld [tilespmem:s0+$0x0];
	_ =	sdelay $0x1  }
0x363: {  	v17 =	vld [tilespmem:$0x1FFE0];
	_ =	sdelay $0x2  }
0x364: {  	v0 =	vcvt.s32.f32 v0;
	_ =	sdelay $0x1  }
0x365: {  	v0 =	vmul.f32 v0, v17;
	_ =	sdelay $0x1  }
0x366: {  	p0 =	sne.s32 s29, $0x1F0;
	v1 =	vmul.f32 v0, v23;
	v63 =	vmul.f32 v0, v35  }
.Ltmp5:
0x367: {  	s4 =	sadd.s32 $0x80, s4;
	s30 =	smov.u32 s29;
	v2 =	vmul.f32 v0, v27;
	v3 =	vmul.f32 v0, v34;
	(pc) =	sbr.rel @p0 .LBB2_12-.Ltmp5, $4  }
0x368: {  	s26 =	sand.u32 $0x70, s30;
	s30 =	sand.u32 $0xC00, s4;
	v4 =	vmul.f32 v0, v24;
	v5 =	vmul.f32 v0, v28;
	v1 =	vadd.f32 v1, v50  }
0x369: {  	s26 =	sor.u32 s26, s30;
	v8 =	vmul.f32 v0, v30;
	v2 =	vadd.f32 v2, v55;
	v3 =	vadd.f32 v3, v59  }
0x36a: {  	s1 =	sor.u32 s4, s29;
	s31 =	sadd.s32 $0x18B00, s26;
	v6 =	vmul.f32 v0, v31;
	v7 =	vadd.f32 v4, v52;
	v5 =	vadd.f32 v5, v56;
	[tilespmem:s26+$0x18B00] =	vst v1  }
0x36b: {  	s29 =	sadd.s32 $0x10, s29;
	s28 =	smov.u32 s1;
	v4 =	vadd.f32 v8, v58;
	[tilespmem:s31+$0x300] =	vst v3;
	v3 =	vmul.f32 v0, v36;
	v1 =	vmul.f32 v0, v49  }
0x36c: {  	[tilespmem:s31+$0x80] =	vst v7  }
0x36d: {  	[tilespmem:s31+$0x100] =	vst v2;
	v2 =	vadd.f32 v6, v53  }
0x36e: {  	[tilespmem:s31+$0x180] =	vst v5  }
0x36f: {  	[tilespmem:s31+$0x280] =	vst v2;
	v2 =	vadd.f32 v63, v54  }
0x370: {  	v5 =	vmul.f32 v0, v29;
	s0 =	sor.u32 $0x380, s28;
	[tilespmem:s31+$0x200] =	vst v4;
	v3 =	vadd.f32 v3, v48  }
0x371: {  	[tilespmem:s0+$0x18B00] =	vst v2  }
0x372: {  	[tilespmem:s26+$0x19B00] =	vst v3;
	v3 =	vadd.f32 v5, v46;
	_ =	sdelay $0x1  }
0x373: {  	[tilespmem:s26+$0x19C00] =	vst v3;
	v3 =	vmul.f32 v0, v32  }
0x374: {  	v4 =	vmul.f32 v0, v42  }
0x375: {  	v3 =	vadd.f32 v3, v51  }
0x376: {  	v4 =	vadd.f32 v4, v61  }
0x377: {  	[tilespmem:s26+$0x1BC80] =	vst v3;
	v3 =	vld [tilespmem:$0x1FB60]  }
0x378: {  	[tilespmem:s26+$0x1BE00] =	vst v4;
	v4 =	vmul.f32 v0, v25  }
0x379: {  	v1 =	vadd.f32 v1, v62;
	v2 =	vmul.f32 v0, v20  }
0x37a: {  	v4 =	vadd.f32 v4, v47  }
0x37b: {  	[tilespmem:s26+$0x1BE80] =	vst v1;
	v1 =	vmul.f32 v0, v37;
	v2 =	vadd.f32 v2, v44  }
0x37c: {  	[tilespmem:s26+$0x1BC00] =	vst v4;
	v4 =	vld [tilespmem:$0x1FB50];
	v3 =	vmul.f32 v0, v3  }
0x37d: {  	v1 =	vadd.f32 v1, v57;
	[tilespmem:s26+$0x19B80] =	vst v2;
	v2 =	vmul.f32 v0, v21  }
0x37e: {  	v6 =	vld [tilespmem:$0x1FBF0];
	v5 =	vmul.f32 v0, v39;
	v3 =	vadd.f32 v3, v40  }
0x37f: {  	[tilespmem:s26+$0x1BD00] =	vst v1;
	v1 =	vld [tilespmem:$0x1FB70];
	v2 =	vadd.f32 v2, v45  }
0x380: {  	v5 =	vadd.f32 v5, v60;
	[tilespmem:s26+$0x1AE00] =	vst v3;
	v3 =	vld [tilespmem:$0x1FB10]  }
0x381: {  	[tilespmem:s26+$0x1BB80] =	vst v2;
	v2 =	vld [tilespmem:$0x1FB40];
	v4 =	vmul.f32 v0, v4  }
0x382: {  	[tilespmem:s26+$0x1BD80] =	vst v5;
	v5 =	vld [tilespmem:$0x1FB80]  }
0x383: {  	v4 =	vadd.f32 v4, v38;
	_ =	sdelay $0x1  }
0x384: {  	v1 =	vmul.f32 v0, v1;
	[tilespmem:s26+$0x1AD80] =	vst v4;
	v4 =	vld [tilespmem:$0x1FB00];
	v3 =	vmul.f32 v0, v3  }
0x385: {  	v2 =	vmul.f32 v0, v2  }
0x386: {  	v5 =	vmul.f32 v0, v5;
	v1 =	vadd.f32 v1, v41;
	v3 =	vadd.f32 v3, v6;
	v6 =	vld [tilespmem:$0x1FBE0]  }
0x387: {  	v2 =	vadd.f32 v2, v33  }
0x388: {  	v5 =	vadd.f32 v5, v43;
	[tilespmem:s26+$0x1AE80] =	vst v1;
	v1 =	vld [tilespmem:$0x1FB20]  }
0x389: {  	[tilespmem:s26+$0x1AD00] =	vst v2;
	v2 =	vld [tilespmem:$0x1FAF0];
	v4 =	vmul.f32 v0, v4  }
0x38a: {  	[tilespmem:s26+$0x1BB00] =	vst v5;
	v5 =	vld [tilespmem:$0x1FB30]  }
0x38b: {  	v4 =	vadd.f32 v4, v6;
	v6 =	vld [tilespmem:$0x1FBD0];
	_ =	sdelay $0x1  }
0x38c: {  	v1 =	vmul.f32 v0, v1  }
0x38d: {  	v2 =	vmul.f32 v0, v2  }
0x38e: {  	v5 =	vmul.f32 v0, v5;
	v1 =	vadd.f32 v1, v22  }
0x38f: {  	[tilespmem:s26+$0x1AB80] =	vst v3;
	v3 =	vld [tilespmem:$0x1FAC0];
	v2 =	vadd.f32 v2, v6  }
0x390: {  	v5 =	vadd.f32 v5, v26;
	[tilespmem:s26+$0x1AC00] =	vst v1;
	v1 =	vld [tilespmem:$0x1FAD0]  }
0x391: {  	[tilespmem:s26+$0x19E80] =	vst v2;
	v2 =	vld [tilespmem:$0x1FBA0]  }
0x392: {  	[tilespmem:s26+$0x1AC80] =	vst v5;
	v5 =	vld [tilespmem:$0x1FAE0]  }
0x393: {  	[tilespmem:s26+$0x1AB00] =	vst v4;
	v4 =	vld [tilespmem:$0x1FBB0]  }
0x394: {  	v3 =	vmul.f32 v0, v3;
	v6 =	vld [tilespmem:$0x1FBC0];
	_ =	sdelay $0x1  }
0x395: {  	v1 =	vmul.f32 v0, v1;
	v2 =	vadd.f32 v3, v2;
	v3 =	vld [tilespmem:$0x1FB90]  }
0x396: {  	v5 =	vmul.f32 v0, v5  }
0x397: {  	v1 =	vadd.f32 v1, v4  }
0x398: {  	v0 =	vmul.f32 v0, v19;
	v5 =	vadd.f32 v5, v6  }
0x399: {  	[tilespmem:s26+$0x19D80] =	vst v1  }
0x39a: {  	[tilespmem:s26+$0x19E00] =	vst v5;
	v0 =	vadd.f32 v0, v3  }
0x39b: {  	[tilespmem:s26+$0x19D00] =	vst v2  }
0x39c: {  	[tilespmem:s26+$0x19C80] =	vst v0  }
0x39d: {  	[hbm4b:s10+s12] =	stream.strided.scatter [tilespmem:s23], [sflag:$0x3], $0x4000, s13, s12, $0x38;
	[tilespmem:$0x1CB00] =	vst v63  }
0x39e: {  	_ =	swait.ge [sflag:s21], $0x8000  }
0x39f: {  	[sflag:s21] =	ssyncset.done $0x0  }
0x3a0: {  	[sflag:s21] =	ssyncadd.s32 $0xFFFF8000  }
0x3a1: {  	_ =	swait.ge [sflag:s22], $0x8000  }
0x3a2: {  	[sflag:s22] =	ssyncset.done $0x0  }
0x3a3: {  	[sflag:s22] =	ssyncadd.s32 $0xFFFF8000  }
0x3a4: {  	_ =	swait.ge [sflag:s24], $0x4000  }
0x3a5: {  	v37 =	vld [tilespmem:$0x1FE00]  }
0x3a6: {  	v39 =	vld [tilespmem:$0x1FE10]  }
0x3a7: {  	v41 =	vld [tilespmem:$0x1FE20]  }
0x3a8: {  	v43 =	vld [tilespmem:$0x1FE30]  }
0x3a9: {  	v45 =	vld [tilespmem:$0x1FE40]  }
0x3aa: {  	v47 =	vld [tilespmem:$0x1FE50]  }
0x3ab: {  	v49 =	vld [tilespmem:$0x1FE60]  }
0x3ac: {  	v51 =	vld [tilespmem:$0x1FE70]  }
0x3ad: {  	v53 =	vld [tilespmem:$0x1FE80]  }
0x3ae: {  	v55 =	vld [tilespmem:$0x1FE90]  }
0x3af: {  	v57 =	vld [tilespmem:$0x1FEA0]  }
0x3b0: {  	v59 =	vld [tilespmem:$0x1FEB0]  }
0x3b1: {  	v61 =	vld [tilespmem:$0x1FEC0]  }
0x3b2: {  	v19 =	vld [tilespmem:$0x1FED0]  }
0x3b3: {  	v7 =	vld [tilespmem:$0x1FF00]  }
0x3b4: {  	s25 =	sadd.s32 $0x1, s25;
	v9 =	vld [tilespmem:$0x1FFF0]  }
0x3b5: {  	p0 =	sne.s32 s25, s11;
	v14 =	vld [tilespmem:$0x1FF50]  }
.Ltmp6:
0x3b6: {  	v10 =	vld [tilespmem:$0x1FF60];
	(pc) =	sbr.rel @p0 .LBB2_1-.Ltmp6, $4  }
0x3b7: {  	v16 =	vld [tilespmem:$0x1FF70]  }
0x3b8: {  	v63 =	vld [tilespmem:$0x1FFB0]  }
0x3b9: {  	[sflag:s24] =	ssyncset.done $0x0;
	v4 =	vld [tilespmem:$0x1FFC0]  }
0x3ba: {  	v1 =	vld [tilespmem:$0x1FFD0];
	[sflag:s24] =	ssyncadd.s32 $0xFFFFC000  }
0x3bb: {  	_ =	sfence.sel $0x180000  }
0x3bc: {  	[bflag:$0x0] =	sbarrier.arrive $0xFFFF  }
0x3bd: {  	_ =	strace $0x90000047  }
0x3be: {  	s0 =	stileid.u32;
	[bflag:$0x2] =	sbarrier.arrive $0xFFFF  }
0x3bf: {  	p0 =	sne.s32 s0, $0x0;
	s0 =	rddreg [dreg:$0x5]  }
0x3c0: {  	s0 =	sadd.s32 @!p0 $0x100000, s0  }
0x3c1: {  	[sflag:s0] =	ssyncadd.tile.s32 @!p0 $0x1;
	_ =	shalt  }
.Lfunc_end2:
_tile_overlayer_lowered:
.L_overlay_start_2:
0x3c2: {  	(tag) =	ssettag $0x2  }
0x3c3: {  	s0 =	rddreg [dreg:$0x0];
	s2 =	stileid.u32  }
0x3c4: {  	s1 =	rddreg [dreg:$0x1];
	p0 =	sne.s32 s2, $0x0  }
0x3c5: {  	s3 =	rddreg [dreg:$0x2];
	[bflag:$0x3] =	sbarrier.arrive $0xFFFF;
	s2 =	simm.s32 @!p0 $0x1C04  }
0x3c6: {  	[timem:s3], [sflag:s2] =	dma.local @!p0 [hbm:s0], s1  }
0x3c7: {  	s0 =	simm.s32 @!p0 $0x4  }
0x3c8: {  	_ =	swait.ge @!p0 [sflag:s0], s1  }
0x3c9: {  	s1 =	ssub.s32 @!p0 $0x0, s1;
	[sflag:s0] =	ssyncset.done @!p0 $0x0  }
0x3ca: {  	[sflag:s0] =	ssyncadd.s32 @!p0 s1  }
0x3cb: {  	[bflag:$0x3] =	sbarrier.arrive $0xFFFF  }
0x3cc: {  	_ =	shalt  }

</sc_bundles>
